<compile_context>
chip_gen: v7x
topology: tpu7x:2x2x1
jax: 0.10.2.dev20260603
libtpu: 0.0.44.dev20260713+nightly
codegen_flags: <defaults>
</compile_context>

<pallas_src>
import functools

import jax
import jax.numpy as jnp
from jax import lax
from jax.experimental import pallas as pl
from jax.experimental.pallas import tpu as pltpu
from jax.experimental.pallas import tpu_sc as plsc

_D = 4096
_B = 8192
_NC, _NS = 2, 16
_NW = _NC * _NS
_B_PER_W = _B // _NW
_R = 8
_NCHUNK = _B_PER_W // _R
_NBUF = 3

_mesh = plsc.VectorSubcoreMesh(core_axis_name="c", subcore_axis_name="s")


@functools.partial(
    pl.kernel,
    mesh=_mesh,
    out_type=jax.ShapeDtypeStruct((_B, _D), jnp.float32),
    scratch_types=[
        pltpu.VMEM((_B_PER_W,), jnp.int32),
        pltpu.VMEM((_NBUF, _R, _D), jnp.float32),
    ]
    + [pltpu.SemaphoreType.DMA] * (2 * _NBUF),
)
def _gather_kernel(ids_hbm, table_hbm, out_hbm, idx_v, rows_v, *sems):
    gsems = sems[:_NBUF]
    ssems = sems[_NBUF:]
    wid = lax.axis_index("s") * _NC + lax.axis_index("c")
    base = wid * _B_PER_W
    pltpu.sync_copy(ids_hbm.at[pl.ds(base, _B_PER_W)], idx_v)

    def start_gather(chunk, b):
        pltpu.async_copy(
            table_hbm.at[idx_v.at[pl.ds(chunk * _R, _R)]], rows_v.at[b], gsems[b]
        )

    def gather_wait(b):
        pltpu.make_async_copy(
            table_hbm.at[pl.ds(0, _R)], rows_v.at[b], gsems[b]
        ).wait()

    def start_scatter(chunk, b):
        pltpu.async_copy(
            rows_v.at[b], out_hbm.at[pl.ds(base + chunk * _R, _R)], ssems[b]
        )

    def scatter_wait(b):
        pltpu.make_async_copy(
            rows_v.at[b], out_hbm.at[pl.ds(base, _R)], ssems[b]
        ).wait()

    for b in range(_NBUF):
        start_gather(b, b)

    for chunk in range(_NCHUNK):
        b = chunk % _NBUF
        gather_wait(b)
        start_scatter(chunk, b)
        nxt = chunk + _NBUF
        if nxt < _NCHUNK:
            scatter_wait(b)
            start_gather(nxt, b)

    for b in range(_NBUF):
        scatter_wait(b)


def kernel(input_ids, word_embeddings):
    ids_flat = input_ids.reshape(-1).astype(jnp.int32)
    out = _gather_kernel(ids_flat, word_embeddings)
    return out.reshape(input_ids.shape + (word_embeddings.shape[1],))

# --- scband reference (transcript-rebuilt; emitter-appended) ---
"""Pipeline reference for scband-glmembedding-73409581023714 (READ-ONLY COPY).

The authoritative reference and input builder live on the scoring server;
editing this copy changes nothing except your own understanding.
"""

import jax, jax.numpy as jnp
import numpy as np

VOCAB = 65024
D_MODEL = 4096
BATCH = 4
SEQ = 2048
FP32_RESIDUAL_CONNECTION = False


def setup_inputs(seed: int = 0) -> dict:
    key = jax.random.key(seed)
    k1, k2 = jax.random.split(key)
    input_ids = jax.random.randint(k1, (BATCH, SEQ), 0, VOCAB, dtype=jnp.int64 if jax.config.jax_enable_x64 else jnp.int32)
    word_embeddings = jax.random.normal(k2, (VOCAB, D_MODEL), dtype=jnp.float32) * 0.02
    return {"input_ids": input_ids, "word_embeddings": word_embeddings}


def reference(input_ids, word_embeddings):
    # GLMEmbedding.forward: embedding lookup, optional cast to float32
    embeddings = jnp.take(word_embeddings, input_ids, axis=0)
    if FP32_RESIDUAL_CONNECTION:
        embeddings = embeddings.astype(jnp.float32)
    return embeddings

if __name__ == "__main__":
    import jax
    _d = setup_inputs()
    print(jax.jit(kernel)(*tuple(_d.values())))

</pallas_src>

<mosaic_0001>
#map = affine_map<(d0, d1) -> (0)>
#map1 = affine_map<(d0, d1) -> (0, 0)>
module attributes {stable_mosaic.version = 14 : i64} {
  func.func @_gather_kernel(%arg0: i32, %arg1: i32, %arg2: memref<8192xi32, #tpu.memory_space<hbm>>, %arg3: memref<65024x4096xf32, #tpu.memory_space<hbm>>, %arg4: memref<8192x4096xf32, #tpu.memory_space<hbm>>, %arg5: memref<256xi32, #tpu.memory_space<vmem>>, %arg6: memref<3x8x4096xf32, #tpu.memory_space<vmem>>, %arg7: memref<!tpu.dma_semaphore, #tpu.memory_space<semaphore_mem>>, %arg8: memref<!tpu.dma_semaphore, #tpu.memory_space<semaphore_mem>>, %arg9: memref<!tpu.dma_semaphore, #tpu.memory_space<semaphore_mem>>, %arg10: memref<!tpu.dma_semaphore, #tpu.memory_space<semaphore_mem>>, %arg11: memref<!tpu.dma_semaphore, #tpu.memory_space<semaphore_mem>>, %arg12: memref<!tpu.dma_semaphore, #tpu.memory_space<semaphore_mem>>) attributes {dimension_semantics = [#tpu.dimension_semantics<core_parallel>, #tpu.dimension_semantics<subcore_parallel>], iteration_bounds = array<i64: 2, 16>, scalar_prefetch = 0 : i64, scratch_operands = 8 : i64, tpu.core_type = #tpu.core_type<sc_vector_subcore>, window_params = [{transform_indices = #map}, {transform_indices = #map1}, {transform_indices = #map1}]} {
    %mul3A = arith.constant 2 : i32
    %mul3A_0 = arith.muli %arg1, %mul3A : i32
    %add3A = arith.addi %mul3A_0, %arg0 : i32
    %mul3A_1 = arith.constant 256 : i32
    %mul3A_2 = arith.muli %add3A, %mul3A_1 : i32
    "tpu.region"() ({
      %run_scoped3A = tpu.sem_alloc : memref<!tpu.dma_semaphore, #tpu.memory_space<semaphore_mem>>
      %dma_start3A_1697 = tpu.memref_slice %arg2[%mul3A_2] : memref<8192xi32, #tpu.memory_space<hbm>> -> memref<256xi32, #tpu.memory_space<hbm>>
      %dma_start3A_1698 = tpu.memref_slice %arg2[%mul3A_2] : memref<8192xi32, #tpu.memory_space<hbm>> -> memref<256xi32, #tpu.memory_space<hbm>>
      tpu.enqueue_dma source(%dma_start3A_1698 : memref<256xi32, #tpu.memory_space<hbm>>) target(%arg5 : memref<256xi32, #tpu.memory_space<vmem>>) target_semaphore(%run_scoped3A : memref<!tpu.dma_semaphore, #tpu.memory_space<semaphore_mem>>)
      %dma_wait3A_1699 = tpu.memref_slice %arg2[%mul3A_2] : memref<8192xi32, #tpu.memory_space<hbm>> -> memref<256xi32, #tpu.memory_space<hbm>>
      %dma_wait3A_1700 = tpu.memref_slice %arg2[%mul3A_2] : memref<8192xi32, #tpu.memory_space<hbm>> -> memref<256xi32, #tpu.memory_space<hbm>>
      tpu.wait_dma2 semaphore(%run_scoped3A : memref<!tpu.dma_semaphore, #tpu.memory_space<semaphore_mem>>) src(%dma_wait3A_1700 : memref<256xi32, #tpu.memory_space<hbm>>) dst(%arg5 : memref<256xi32, #tpu.memory_space<vmem>>)
      tpu.yield
    }) : () -> ()
    %dma_start3A = arith.constant 0 : i32
    %dma_start3A_3 = arith.constant 0 : i32
    %dma_start3A_4 = arith.constant 0 : i32
    %dma_start3A_5 = tpu.memref_slice %arg6[%dma_start3A, %dma_start3A_3, %dma_start3A_4] : memref<3x8x4096xf32, #tpu.memory_space<vmem>> -> memref<1x8x4096xf32, #tpu.memory_space<vmem>>
    %dma_start3A_6 = tpu.memref_squeeze %dma_start3A_5 : memref<1x8x4096xf32, #tpu.memory_space<vmem>> -> memref<8x4096xf32, #tpu.memory_space<vmem>>
    %dma_start3A_7 = arith.constant 0 : i32
    %dma_start3A_8 = tpu.memref_slice %arg5[%dma_start3A_7] : memref<256xi32, #tpu.memory_space<vmem>> -> memref<8xi32, #tpu.memory_space<vmem>>
    %dma_start3A_9 = arith.constant 0 : i32
    %dma_start3A_10 = arith.constant 0 : i32
    %dma_start3A_11 = tpu.memref_slice %arg3[%dma_start3A_9, %dma_start3A_10] : memref<65024x4096xf32, #tpu.memory_space<hbm>> -> memref<65024x4096xf32, #tpu.memory_space<hbm>>
    tpu.enqueue_indirect_dma source(%dma_start3A_11 : memref<65024x4096xf32, #tpu.memory_space<hbm>>) target(%dma_start3A_6 : memref<8x4096xf32, #tpu.memory_space<vmem>>) offsets(%dma_start3A_8 : memref<8xi32, #tpu.memory_space<vmem>>) semaphore(%arg7 : memref<!tpu.dma_semaphore, #tpu.memory_space<semaphore_mem>>)
    %dma_start3A_12 = arith.constant 1 : i32
    %dma_start3A_13 = arith.constant 0 : i32
    %dma_start3A_14 = arith.constant 0 : i32
    %dma_start3A_15 = tpu.memref_slice %arg6[%dma_start3A_12, %dma_start3A_13, %dma_start3A_14] : memref<3x8x4096xf32, #tpu.memory_space<vmem>> -> memref<1x8x4096xf32, #tpu.memory_space<vmem>>
    %dma_start3A_16 = tpu.memref_squeeze %dma_start3A_15 : memref<1x8x4096xf32, #tpu.memory_space<vmem>> -> memref<8x4096xf32, #tpu.memory_space<vmem>>
    %dma_start3A_17 = arith.constant 8 : i32
    %dma_start3A_18 = tpu.memref_slice %arg5[%dma_start3A_17] : memref<256xi32, #tpu.memory_space<vmem>> -> memref<8xi32, #tpu.memory_space<vmem>>
    %dma_start3A_19 = arith.constant 0 : i32
    %dma_start3A_20 = arith.constant 0 : i32
    %dma_start3A_21 = tpu.memref_slice %arg3[%dma_start3A_19, %dma_start3A_20] : memref<65024x4096xf32, #tpu.memory_space<hbm>> -> memref<65024x4096xf32, #tpu.memory_space<hbm>>
    tpu.enqueue_indirect_dma source(%dma_start3A_21 : memref<65024x4096xf32, #tpu.memory_space<hbm>>) target(%dma_start3A_16 : memref<8x4096xf32, #tpu.memory_space<vmem>>) offsets(%dma_start3A_18 : memref<8xi32, #tpu.memory_space<vmem>>) semaphore(%arg8 : memref<!tpu.dma_semaphore, #tpu.memory_space<semaphore_mem>>)
    %dma_start3A_22 = arith.constant 2 : i32
    %dma_start3A_23 = arith.constant 0 : i32
    %dma_start3A_24 = arith.constant 0 : i32
    %dma_start3A_25 = tpu.memref_slice %arg6[%dma_start3A_22, %dma_start3A_23, %dma_start3A_24] : memref<3x8x4096xf32, #tpu.memory_space<vmem>> -> memref<1x8x4096xf32, #tpu.memory_space<vmem>>
    %dma_start3A_26 = tpu.memref_squeeze %dma_start3A_25 : memref<1x8x4096xf32, #tpu.memory_space<vmem>> -> memref<8x4096xf32, #tpu.memory_space<vmem>>
    %dma_start3A_27 = arith.constant 16 : i32
    %dma_start3A_28 = tpu.memref_slice %arg5[%dma_start3A_27] : memref<256xi32, #tpu.memory_space<vmem>> -> memref<8xi32, #tpu.memory_space<vmem>>
    %dma_start3A_29 = arith.constant 0 : i32
    %dma_start3A_30 = arith.constant 0 : i32
    %dma_start3A_31 = tpu.memref_slice %arg3[%dma_start3A_29, %dma_start3A_30] : memref<65024x4096xf32, #tpu.memory_space<hbm>> -> memref<65024x4096xf32, #tpu.memory_space<hbm>>
    tpu.enqueue_indirect_dma source(%dma_start3A_31 : memref<65024x4096xf32, #tpu.memory_space<hbm>>) target(%dma_start3A_26 : memref<8x4096xf32, #tpu.memory_space<vmem>>) offsets(%dma_start3A_28 : memref<8xi32, #tpu.memory_space<vmem>>) semaphore(%arg9 : memref<!tpu.dma_semaphore, #tpu.memory_space<semaphore_mem>>)
    %dma_wait3A = arith.constant 0 : i32
    %dma_wait3A_32 = arith.constant 0 : i32
    %dma_wait3A_33 = arith.constant 0 : i32
    %dma_wait3A_34 = tpu.memref_slice %arg6[%dma_wait3A, %dma_wait3A_32, %dma_wait3A_33] : memref<3x8x4096xf32, #tpu.memory_space<vmem>> -> memref<1x8x4096xf32, #tpu.memory_space<vmem>>
    %dma_wait3A_35 = tpu.memref_squeeze %dma_wait3A_34 : memref<1x8x4096xf32, #tpu.memory_space<vmem>> -> memref<8x4096xf32, #tpu.memory_space<vmem>>
    %dma_wait3A_36 = arith.constant 0 : i32
    %dma_wait3A_37 = arith.constant 0 : i32
    %dma_wait3A_38 = tpu.memref_slice %arg3[%dma_wait3A_36, %dma_wait3A_37] : memref<65024x4096xf32, #tpu.memory_space<hbm>> -> memref<8x4096xf32, #tpu.memory_space<hbm>>
    %dma_wait3A_39 = arith.constant 0 : i32
    %dma_wait3A_40 = arith.constant 0 : i32
    %dma_wait3A_41 = tpu.memref_slice %arg6[%dma_wait3A, %dma_wait3A_39, %dma_wait3A_40] : memref<3x8x4096xf32, #tpu.memory_space<vmem>> -> memref<1x8x4096xf32, #tpu.memory_space<vmem>>
    %dma_wait3A_42 = tpu.memref_squeeze %dma_wait3A_41 : memref<1x8x4096xf32, #tpu.memory_space<vmem>> -> memref<8x4096xf32, #tpu.memory_space<vmem>>
    %dma_wait3A_43 = arith.constant 0 : i32
    %dma_wait3A_44 = arith.constant 0 : i32
    %dma_wait3A_45 = tpu.memref_slice %arg3[%dma_wait3A_43, %dma_wait3A_44] : memref<65024x4096xf32, #tpu.memory_space<hbm>> -> memref<8x4096xf32, #tpu.memory_space<hbm>>
    tpu.wait_dma2 semaphore(%arg7 : memref<!tpu.dma_semaphore, #tpu.memory_space<semaphore_mem>>) src(%dma_wait3A_45 : memref<8x4096xf32, #tpu.memory_space<hbm>>) dst(%dma_wait3A_42 : memref<8x4096xf32, #tpu.memory_space<vmem>>)
    %add3A_46 = arith.constant 0 : i32
    %add3A_47 = arith.addi %mul3A_2, %add3A_46 : i32
    %dma_start3A_48 = arith.constant 0 : i32
    %dma_start3A_49 = arith.constant 0 : i32
    %dma_start3A_50 = arith.constant 0 : i32
    %dma_start3A_51 = tpu.memref_slice %arg6[%dma_start3A_48, %dma_start3A_49, %dma_start3A_50] : memref<3x8x4096xf32, #tpu.memory_space<vmem>> -> memref<1x8x4096xf32, #tpu.memory_space<vmem>>
    %dma_start3A_52 = tpu.memref_squeeze %dma_start3A_51 : memref<1x8x4096xf32, #tpu.memory_space<vmem>> -> memref<8x4096xf32, #tpu.memory_space<vmem>>
    %dma_start3A_53 = arith.constant 0 : i32
    %dma_start3A_54 = tpu.memref_slice %arg4[%add3A_47, %dma_start3A_53] : memref<8192x4096xf32, #tpu.memory_space<hbm>> -> memref<8x4096xf32, #tpu.memory_space<hbm>>
    %dma_start3A_55 = arith.constant 0 : i32
    %dma_start3A_56 = tpu.memref_slice %arg4[%add3A_47, %dma_start3A_55] : memref<8192x4096xf32, #tpu.memory_space<hbm>> -> memref<8x4096xf32, #tpu.memory_space<hbm>>
    %dma_start3A_57 = arith.constant 0 : i32
    %dma_start3A_58 = arith.constant 0 : i32
    %dma_start3A_59 = tpu.memref_slice %arg6[%dma_start3A_48, %dma_start3A_57, %dma_start3A_58] : memref<3x8x4096xf32, #tpu.memory_space<vmem>> -> memref<1x8x4096xf32, #tpu.memory_space<vmem>>
    %dma_start3A_60 = tpu.memref_squeeze %dma_start3A_59 : memref<1x8x4096xf32, #tpu.memory_space<vmem>> -> memref<8x4096xf32, #tpu.memory_space<vmem>>
    tpu.enqueue_dma source(%dma_start3A_60 : memref<8x4096xf32, #tpu.memory_space<vmem>>) target(%dma_start3A_56 : memref<8x4096xf32, #tpu.memory_space<hbm>>) target_semaphore(%arg10 : memref<!tpu.dma_semaphore, #tpu.memory_space<semaphore_mem>>)
    %dma_wait3A_61 = arith.constant 0 : i32
    %dma_wait3A_62 = arith.constant 0 : i32
    %dma_wait3A_63 = arith.constant 0 : i32
    %dma_wait3A_64 = tpu.memref_slice %arg6[%dma_wait3A_61, %dma_wait3A_62, %dma_wait3A_63] : memref<3x8x4096xf32, #tpu.memory_space<vmem>> -> memref<1x8x4096xf32, #tpu.memory_space<vmem>>
    %dma_wait3A_65 = tpu.memref_squeeze %dma_wait3A_64 : memref<1x8x4096xf32, #tpu.memory_space<vmem>> -> memref<8x4096xf32, #tpu.memory_space<vmem>>
    %dma_wait3A_66 = arith.constant 0 : i32
    %dma_wait3A_67 = tpu.memref_slice %arg4[%mul3A_2, %dma_wait3A_66] : memref<8192x4096xf32, #tpu.memory_space<hbm>> -> memref<8x4096xf32, #tpu.memory_space<hbm>>
    %dma_wait3A_68 = arith.constant 0 : i32
    %dma_wait3A_69 = tpu.memref_slice %arg4[%mul3A_2, %dma_wait3A_68] : memref<8192x4096xf32, #tpu.memory_space<hbm>> -> memref<8x4096xf32, #tpu.memory_space<hbm>>
    %dma_wait3A_70 = arith.constant 0 : i32
    %dma_wait3A_71 = arith.constant 0 : i32
    %dma_wait3A_72 = tpu.memref_slice %arg6[%dma_wait3A_61, %dma_wait3A_70, %dma_wait3A_71] : memref<3x8x4096xf32, #tpu.memory_space<vmem>> -> memref<1x8x4096xf32, #tpu.memory_space<vmem>>
    %dma_wait3A_73 = tpu.memref_squeeze %dma_wait3A_72 : memref<1x8x4096xf32, #tpu.memory_space<vmem>> -> memref<8x4096xf32, #tpu.memory_space<vmem>>
    tpu.wait_dma2 semaphore(%arg10 : memref<!tpu.dma_semaphore, #tpu.memory_space<semaphore_mem>>) src(%dma_wait3A_73 : memref<8x4096xf32, #tpu.memory_space<vmem>>) dst(%dma_wait3A_69 : memref<8x4096xf32, #tpu.memory_space<hbm>>)
    %dma_start3A_74 = arith.constant 0 : i32
    %dma_start3A_75 = arith.constant 0 : i32
    %dma_start3A_76 = arith.constant 0 : i32
    %dma_start3A_77 = tpu.memref_slice %arg6[%dma_start3A_74, %dma_start3A_75, %dma_start3A_76] : memref<3x8x4096xf32, #tpu.memory_space<vmem>> -> memref<1x8x4096xf32, #tpu.memory_space<vmem>>
    %dma_start3A_78 = tpu.memref_squeeze %dma_start3A_77 : memref<1x8x4096xf32, #tpu.memory_space<vmem>> -> memref<8x4096xf32, #tpu.memory_space<vmem>>
    %dma_start3A_79 = arith.constant 24 : i32
    %dma_start3A_80 = tpu.memref_slice %arg5[%dma_start3A_79] : memref<256xi32, #tpu.memory_space<vmem>> -> memref<8xi32, #tpu.memory_space<vmem>>
    %dma_start3A_81 = arith.constant 0 : i32
    %dma_start3A_82 = arith.constant 0 : i32
    %dma_start3A_83 = tpu.memref_slice %arg3[%dma_start3A_81, %dma_start3A_82] : memref<65024x4096xf32, #tpu.memory_space<hbm>> -> memref<65024x4096xf32, #tpu.memory_space<hbm>>
    tpu.enqueue_indirect_dma source(%dma_start3A_83 : memref<65024x4096xf32, #tpu.memory_space<hbm>>) target(%dma_start3A_78 : memref<8x4096xf32, #tpu.memory_space<vmem>>) offsets(%dma_start3A_80 : memref<8xi32, #tpu.memory_space<vmem>>) semaphore(%arg7 : memref<!tpu.dma_semaphore, #tpu.memory_space<semaphore_mem>>)
    %dma_wait3A_84 = arith.constant 1 : i32
    %dma_wait3A_85 = arith.constant 0 : i32
    %dma_wait3A_86 = arith.constant 0 : i32
    %dma_wait3A_87 = tpu.memref_slice %arg6[%dma_wait3A_84, %dma_wait3A_85, %dma_wait3A_86] : memref<3x8x4096xf32, #tpu.memory_space<vmem>> -> memref<1x8x4096xf32, #tpu.memory_space<vmem>>
    %dma_wait3A_88 = tpu.memref_squeeze %dma_wait3A_87 : memref<1x8x4096xf32, #tpu.memory_space<vmem>> -> memref<8x4096xf32, #tpu.memory_space<vmem>>
    %dma_wait3A_89 = arith.constant 0 : i32
    %dma_wait3A_90 = arith.constant 0 : i32
    %dma_wait3A_91 = tpu.memref_slice %arg3[%dma_wait3A_89, %dma_wait3A_90] : memref<65024x4096xf32, #tpu.memory_space<hbm>> -> memref<8x4096xf32, #tpu.memory_space<hbm>>
    %dma_wait3A_92 = arith.constant 0 : i32
    %dma_wait3A_93 = arith.constant 0 : i32
    %dma_wait3A_94 = tpu.memref_slice %arg6[%dma_wait3A_84, %dma_wait3A_92, %dma_wait3A_93] : memref<3x8x4096xf32, #tpu.memory_space<vmem>> -> memref<1x8x4096xf32, #tpu.memory_space<vmem>>
    %dma_wait3A_95 = tpu.memref_squeeze %dma_wait3A_94 : memref<1x8x4096xf32, #tpu.memory_space<vmem>> -> memref<8x4096xf32, #tpu.memory_space<vmem>>
    %dma_wait3A_96 = arith.constant 0 : i32
    %dma_wait3A_97 = arith.constant 0 : i32
    %dma_wait3A_98 = tpu.memref_slice %arg3[%dma_wait3A_96, %dma_wait3A_97] : memref<65024x4096xf32, #tpu.memory_space<hbm>> -> memref<8x4096xf32, #tpu.memory_space<hbm>>
    tpu.wait_dma2 semaphore(%arg8 : memref<!tpu.dma_semaphore, #tpu.memory_space<semaphore_mem>>) src(%dma_wait3A_98 : memref<8x4096xf32, #tpu.memory_space<hbm>>) dst(%dma_wait3A_95 : memref<8x4096xf32, #tpu.memory_space<vmem>>)
    %add3A_99 = arith.constant 8 : i32
    %add3A_100 = arith.addi %mul3A_2, %add3A_99 : i32
    %dma_start3A_101 = arith.constant 1 : i32
    %dma_start3A_102 = arith.constant 0 : i32
    %dma_start3A_103 = arith.constant 0 : i32
    %dma_start3A_104 = tpu.memref_slice %arg6[%dma_start3A_101, %dma_start3A_102, %dma_start3A_103] : memref<3x8x4096xf32, #tpu.memory_space<vmem>> -> memref<1x8x4096xf32, #tpu.memory_space<vmem>>
    %dma_start3A_105 = tpu.memref_squeeze %dma_start3A_104 : memref<1x8x4096xf32, #tpu.memory_space<vmem>> -> memref<8x4096xf32, #tpu.memory_space<vmem>>
    %dma_start3A_106 = arith.constant 0 : i32
    %dma_start3A_107 = tpu.memref_slice %arg4[%add3A_100, %dma_start3A_106] : memref<8192x4096xf32, #tpu.memory_space<hbm>> -> memref<8x4096xf32, #tpu.memory_space<hbm>>
    %dma_start3A_108 = arith.constant 0 : i32
    %dma_start3A_109 = tpu.memref_slice %arg4[%add3A_100, %dma_start3A_108] : memref<8192x4096xf32, #tpu.memory_space<hbm>> -> memref<8x4096xf32, #tpu.memory_space<hbm>>
    %dma_start3A_110 = arith.constant 0 : i32
    %dma_start3A_111 = arith.constant 0 : i32
    %dma_start3A_112 = tpu.memref_slice %arg6[%dma_start3A_101, %dma_start3A_110, %dma_start3A_111] : memref<3x8x4096xf32, #tpu.memory_space<vmem>> -> memref<1x8x4096xf32, #tpu.memory_space<vmem>>
    %dma_start3A_113 = tpu.memref_squeeze %dma_start3A_112 : memref<1x8x4096xf32, #tpu.memory_space<vmem>> -> memref<8x4096xf32, #tpu.memory_space<vmem>>
    tpu.enqueue_dma source(%dma_start3A_113 : memref<8x4096xf32, #tpu.memory_space<vmem>>) target(%dma_start3A_109 : memref<8x4096xf32, #tpu.memory_space<hbm>>) target_semaphore(%arg11 : memref<!tpu.dma_semaphore, #tpu.memory_space<semaphore_mem>>)
    %dma_wait3A_114 = arith.constant 1 : i32
    %dma_wait3A_115 = arith.constant 0 : i32
    %dma_wait3A_116 = arith.constant 0 : i32
    %dma_wait3A_117 = tpu.memref_slice %arg6[%dma_wait3A_114, %dma_wait3A_115, %dma_wait3A_116] : memref<3x8x4096xf32, #tpu.memory_space<vmem>> -> memref<1x8x4096xf32, #tpu.memory_space<vmem>>
    %dma_wait3A_118 = tpu.memref_squeeze %dma_wait3A_117 : memref<1x8x4096xf32, #tpu.memory_space<vmem>> -> memref<8x4096xf32, #tpu.memory_space<vmem>>
    %dma_wait3A_119 = arith.constant 0 : i32
    %dma_wait3A_120 = tpu.memref_slice %arg4[%mul3A_2, %dma_wait3A_119] : memref<8192x4096xf32, #tpu.memory_space<hbm>> -> memref<8x4096xf32, #tpu.memory_space<hbm>>
    %dma_wait3A_121 = arith.constant 0 : i32
    %dma_wait3A_122 = tpu.memref_slice %arg4[%mul3A_2, %dma_wait3A_121] : memref<8192x4096xf32, #tpu.memory_space<hbm>> -> memref<8x4096xf32, #tpu.memory_space<hbm>>
    %dma_wait3A_123 = arith.constant 0 : i32
    %dma_wait3A_124 = arith.constant 0 : i32
    %dma_wait3A_125 = tpu.memref_slice %arg6[%dma_wait3A_114, %dma_wait3A_123, %dma_wait3A_124] : memref<3x8x4096xf32, #tpu.memory_space<vmem>> -> memref<1x8x4096xf32, #tpu.memory_space<vmem>>
    %dma_wait3A_126 = tpu.memref_squeeze %dma_wait3A_125 : memref<1x8x4096xf32, #tpu.memory_space<vmem>> -> memref<8x4096xf32, #tpu.memory_space<vmem>>
    tpu.wait_dma2 semaphore(%arg11 : memref<!tpu.dma_semaphore, #tpu.memory_space<semaphore_mem>>) src(%dma_wait3A_126 : memref<8x4096xf32, #tpu.memory_space<vmem>>) dst(%dma_wait3A_122 : memref<8x4096xf32, #tpu.memory_space<hbm>>)
    %dma_start3A_127 = arith.constant 1 : i32
    %dma_start3A_128 = arith.constant 0 : i32
    %dma_start3A_129 = arith.constant 0 : i32
    %dma_start3A_130 = tpu.memref_slice %arg6[%dma_start3A_127, %dma_start3A_128, %dma_start3A_129] : memref<3x8x4096xf32, #tpu.memory_space<vmem>> -> memref<1x8x4096xf32, #tpu.memory_space<vmem>>
    %dma_start3A_131 = tpu.memref_squeeze %dma_start3A_130 : memref<1x8x4096xf32, #tpu.memory_space<vmem>> -> memref<8x4096xf32, #tpu.memory_space<vmem>>
    %dma_start3A_132 = arith.constant 32 : i32
    %dma_start3A_133 = tpu.memref_slice %arg5[%dma_start3A_132] : memref<256xi32, #tpu.memory_space<vmem>> -> memref<8xi32, #tpu.memory_space<vmem>>
    %dma_start3A_134 = arith.constant 0 : i32
    %dma_start3A_135 = arith.constant 0 : i32
    %dma_start3A_136 = tpu.memref_slice %arg3[%dma_start3A_134, %dma_start3A_135] : memref<65024x4096xf32, #tpu.memory_space<hbm>> -> memref<65024x4096xf32, #tpu.memory_space<hbm>>
    tpu.enqueue_indirect_dma source(%dma_start3A_136 : memref<65024x4096xf32, #tpu.memory_space<hbm>>) target(%dma_start3A_131 : memref<8x4096xf32, #tpu.memory_space<vmem>>) offsets(%dma_start3A_133 : memref<8xi32, #tpu.memory_space<vmem>>) semaphore(%arg8 : memref<!tpu.dma_semaphore, #tpu.memory_space<semaphore_mem>>)
    %dma_wait3A_137 = arith.constant 2 : i32
    %dma_wait3A_138 = arith.constant 0 : i32
    %dma_wait3A_139 = arith.constant 0 : i32
    %dma_wait3A_140 = tpu.memref_slice %arg6[%dma_wait3A_137, %dma_wait3A_138, %dma_wait3A_139] : memref<3x8x4096xf32, #tpu.memory_space<vmem>> -> memref<1x8x4096xf32, #tpu.memory_space<vmem>>
    %dma_wait3A_141 = tpu.memref_squeeze %dma_wait3A_140 : memref<1x8x4096xf32, #tpu.memory_space<vmem>> -> memref<8x4096xf32, #tpu.memory_space<vmem>>
    %dma_wait3A_142 = arith.constant 0 : i32
    %dma_wait3A_143 = arith.constant 0 : i32
    %dma_wait3A_144 = tpu.memref_slice %arg3[%dma_wait3A_142, %dma_wait3A_143] : memref<65024x4096xf32, #tpu.memory_space<hbm>> -> memref<8x4096xf32, #tpu.memory_space<hbm>>
    %dma_wait3A_145 = arith.constant 0 : i32
    %dma_wait3A_146 = arith.constant 0 : i32
    %dma_wait3A_147 = tpu.memref_slice %arg6[%dma_wait3A_137, %dma_wait3A_145, %dma_wait3A_146] : memref<3x8x4096xf32, #tpu.memory_space<vmem>> -> memref<1x8x4096xf32, #tpu.memory_space<vmem>>
    %dma_wait3A_148 = tpu.memref_squeeze %dma_wait3A_147 : memref<1x8x4096xf32, #tpu.memory_space<vmem>> -> memref<8x4096xf32, #tpu.memory_space<vmem>>
    %dma_wait3A_149 = arith.constant 0 : i32
    %dma_wait3A_150 = arith.constant 0 : i32
    %dma_wait3A_151 = tpu.memref_slice %arg3[%dma_wait3A_149, %dma_wait3A_150] : memref<65024x4096xf32, #tpu.memory_space<hbm>> -> memref<8x4096xf32, #tpu.memory_space<hbm>>
    tpu.wait_dma2 semaphore(%arg9 : memref<!tpu.dma_semaphore, #tpu.memory_space<semaphore_mem>>) src(%dma_wait3A_151 : memref<8x4096xf32, #tpu.memory_space<hbm>>) dst(%dma_wait3A_148 : memref<8x4096xf32, #tpu.memory_space<vmem>>)
    %add3A_152 = arith.constant 16 : i32
    %add3A_153 = arith.addi %mul3A_2, %add3A_152 : i32
    %dma_start3A_154 = arith.constant 2 : i32
    %dma_start3A_155 = arith.constant 0 : i32
    %dma_start3A_156 = arith.constant 0 : i32
    %dma_start3A_157 = tpu.memref_slice %arg6[%dma_start3A_154, %dma_start3A_155, %dma_start3A_156] : memref<3x8x4096xf32, #tpu.memory_space<vmem>> -> memref<1x8x4096xf32, #tpu.memory_space<vmem>>
    %dma_start3A_158 = tpu.memref_squeeze %dma_start3A_157 : memref<1x8x4096xf32, #tpu.memory_space<vmem>> -> memref<8x4096xf32, #tpu.memory_space<vmem>>
    %dma_start3A_159 = arith.constant 0 : i32
    %dma_start3A_160 = tpu.memref_slice %arg4[%add3A_153, %dma_start3A_159] : memref<8192x4096xf32, #tpu.memory_space<hbm>> -> memref<8x4096xf32, #tpu.memory_space<hbm>>
    %dma_start3A_161 = arith.constant 0 : i32
    %dma_start3A_162 = tpu.memref_slice %arg4[%add3A_153, %dma_start3A_161] : memref<8192x4096xf32, #tpu.memory_space<hbm>> -> memref<8x4096xf32, #tpu.memory_space<hbm>>
    %dma_start3A_163 = arith.constant 0 : i32
    %dma_start3A_164 = arith.constant 0 : i32
    %dma_start3A_165 = tpu.memref_slice %arg6[%dma_start3A_154, %dma_start3A_163, %dma_start3A_164] : memref<3x8x4096xf32, #tpu.memory_space<vmem>> -> memref<1x8x4096xf32, #tpu.memory_space<vmem>>
    %dma_start3A_166 = tpu.memref_squeeze %dma_start3A_165 : memref<1x8x4096xf32, #tpu.memory_space<vmem>> -> memref<8x4096xf32, #tpu.memory_space<vmem>>
    tpu.enqueue_dma source(%dma_start3A_166 : memref<8x4096xf32, #tpu.memory_space<vmem>>) target(%dma_start3A_162 : memref<8x4096xf32, #tpu.memory_space<hbm>>) target_semaphore(%arg12 : memref<!tpu.dma_semaphore, #tpu.memory_space<semaphore_mem>>)
    %dma_wait3A_167 = arith.constant 2 : i32
    %dma_wait3A_168 = arith.constant 0 : i32
    %dma_wait3A_169 = arith.constant 0 : i32
    %dma_wait3A_170 = tpu.memref_slice %arg6[%dma_wait3A_167, %dma_wait3A_168, %dma_wait3A_169] : memref<3x8x4096xf32, #tpu.memory_space<vmem>> -> memref<1x8x4096xf32, #tpu.memory_space<vmem>>
    %dma_wait3A_171 = tpu.memref_squeeze %dma_wait3A_170 : memref<1x8x4096xf32, #tpu.memory_space<vmem>> -> memref<8x4096xf32, #tpu.memory_space<vmem>>
    %dma_wait3A_172 = arith.constant 0 : i32
    %dma_wait3A_173 = tpu.memref_slice %arg4[%mul3A_2, %dma_wait3A_172] : memref<8192x4096xf32, #tpu.memory_space<hbm>> -> memref<8x4096xf32, #tpu.memory_space<hbm>>
    %dma_wait3A_174 = arith.constant 0 : i32
    %dma_wait3A_175 = tpu.memref_slice %arg4[%mul3A_2, %dma_wait3A_174] : memref<8192x4096xf32, #tpu.memory_space<hbm>> -> memref<8x4096xf32, #tpu.memory_space<hbm>>
    %dma_wait3A_176 = arith.constant 0 : i32
    %dma_wait3A_177 = arith.constant 0 : i32
    %dma_wait3A_178 = tpu.memref_slice %arg6[%dma_wait3A_167, %dma_wait3A_176, %dma_wait3A_177] : memref<3x8x4096xf32, #tpu.memory_space<vmem>> -> memref<1x8x4096xf32, #tpu.memory_space<vmem>>
    %dma_wait3A_179 = tpu.memref_squeeze %dma_wait3A_178 : memref<1x8x4096xf32, #tpu.memory_space<vmem>> -> memref<8x4096xf32, #tpu.memory_space<vmem>>
    tpu.wait_dma2 semaphore(%arg12 : memref<!tpu.dma_semaphore, #tpu.memory_space<semaphore_mem>>) src(%dma_wait3A_179 : memref<8x4096xf32, #tpu.memory_space<vmem>>) dst(%dma_wait3A_175 : memref<8x4096xf32, #tpu.memory_space<hbm>>)
    %dma_start3A_180 = arith.constant 2 : i32
    %dma_start3A_181 = arith.constant 0 : i32
    %dma_start3A_182 = arith.constant 0 : i32
    %dma_start3A_183 = tpu.memref_slice %arg6[%dma_start3A_180, %dma_start3A_181, %dma_start3A_182] : memref<3x8x4096xf32, #tpu.memory_space<vmem>> -> memref<1x8x4096xf32, #tpu.memory_space<vmem>>
    %dma_start3A_184 = tpu.memref_squeeze %dma_start3A_183 : memref<1x8x4096xf32, #tpu.memory_space<vmem>> -> memref<8x4096xf32, #tpu.memory_space<vmem>>
    %dma_start3A_185 = arith.constant 40 : i32
    %dma_start3A_186 = tpu.memref_slice %arg5[%dma_start3A_185] : memref<256xi32, #tpu.memory_space<vmem>> -> memref<8xi32, #tpu.memory_space<vmem>>
    %dma_start3A_187 = arith.constant 0 : i32
    %dma_start3A_188 = arith.constant 0 : i32
    %dma_start3A_189 = tpu.memref_slice %arg3[%dma_start3A_187, %dma_start3A_188] : memref<65024x4096xf32, #tpu.memory_space<hbm>> -> memref<65024x4096xf32, #tpu.memory_space<hbm>>
    tpu.enqueue_indirect_dma source(%dma_start3A_189 : memref<65024x4096xf32, #tpu.memory_space<hbm>>) target(%dma_start3A_184 : memref<8x4096xf32, #tpu.memory_space<vmem>>) offsets(%dma_start3A_186 : memref<8xi32, #tpu.memory_space<vmem>>) semaphore(%arg9 : memref<!tpu.dma_semaphore, #tpu.memory_space<semaphore_mem>>)
    %dma_wait3A_190 = arith.constant 0 : i32
    %dma_wait3A_191 = arith.constant 0 : i32
    %dma_wait3A_192 = arith.constant 0 : i32
    %dma_wait3A_193 = tpu.memref_slice %arg6[%dma_wait3A_190, %dma_wait3A_191, %dma_wait3A_192] : memref<3x8x4096xf32, #tpu.memory_space<vmem>> -> memref<1x8x4096xf32, #tpu.memory_space<vmem>>
    %dma_wait3A_194 = tpu.memref_squeeze %dma_wait3A_193 : memref<1x8x4096xf32, #tpu.memory_space<vmem>> -> memref<8x4096xf32, #tpu.memory_space<vmem>>
    %dma_wait3A_195 = arith.constant 0 : i32
    %dma_wait3A_196 = arith.constant 0 : i32
    %dma_wait3A_197 = tpu.memref_slice %arg3[%dma_wait3A_195, %dma_wait3A_196] : memref<65024x4096xf32, #tpu.memory_space<hbm>> -> memref<8x4096xf32, #tpu.memory_space<hbm>>
    %dma_wait3A_198 = arith.constant 0 : i32
    %dma_wait3A_199 = arith.constant 0 : i32
    %dma_wait3A_200 = tpu.memref_slice %arg6[%dma_wait3A_190, %dma_wait3A_198, %dma_wait3A_199] : memref<3x8x4096xf32, #tpu.memory_space<vmem>> -> memref<1x8x4096xf32, #tpu.memory_space<vmem>>
    %dma_wait3A_201 = tpu.memref_squeeze %dma_wait3A_200 : memref<1x8x4096xf32, #tpu.memory_space<vmem>> -> memref<8x4096xf32, #tpu.memory_space<vmem>>
    %dma_wait3A_202 = arith.constant 0 : i32
    %dma_wait3A_203 = arith.constant 0 : i32
    %dma_wait3A_204 = tpu.memref_slice %arg3[%dma_wait3A_202, %dma_wait3A_203] : memref<65024x4096xf32, #tpu.memory_space<hbm>> -> memref<8x4096xf32, #tpu.memory_space<hbm>>
    tpu.wait_dma2 semaphore(%arg7 : memref<!tpu.dma_semaphore, #tpu.memory_space<semaphore_mem>>) src(%dma_wait3A_204 : memref<8x4096xf32, #tpu.memory_space<hbm>>) dst(%dma_wait3A_201 : memref<8x4096xf32, #tpu.memory_space<vmem>>)
    %add3A_205 = arith.constant 24 : i32
    %add3A_206 = arith.addi %mul3A_2, %add3A_205 : i32
    %dma_start3A_207 = arith.constant 0 : i32
    %dma_start3A_208 = arith.constant 0 : i32
    %dma_start3A_209 = arith.constant 0 : i32
    %dma_start3A_210 = tpu.memref_slice %arg6[%dma_start3A_207, %dma_start3A_208, %dma_start3A_209] : memref<3x8x4096xf32, #tpu.memory_space<vmem>> -> memref<1x8x4096xf32, #tpu.memory_space<vmem>>
    %dma_start3A_211 = tpu.memref_squeeze %dma_start3A_210 : memref<1x8x4096xf32, #tpu.memory_space<vmem>> -> memref<8x4096xf32, #tpu.memory_space<vmem>>
    %dma_start3A_212 = arith.constant 0 : i32
    %dma_start3A_213 = tpu.memref_slice %arg4[%add3A_206, %dma_start3A_212] : memref<8192x4096xf32, #tpu.memory_space<hbm>> -> memref<8x4096xf32, #tpu.memory_space<hbm>>
    %dma_start3A_214 = arith.constant 0 : i32
    %dma_start3A_215 = tpu.memref_slice %arg4[%add3A_206, %dma_start3A_214] : memref<8192x4096xf32, #tpu.memory_space<hbm>> -> memref<8x4096xf32, #tpu.memory_space<hbm>>
    %dma_start3A_216 = arith.constant 0 : i32
    %dma_start3A_217 = arith.constant 0 : i32
    %dma_start3A_218 = tpu.memref_slice %arg6[%dma_start3A_207, %dma_start3A_216, %dma_start3A_217] : memref<3x8x4096xf32, #tpu.memory_space<vmem>> -> memref<1x8x4096xf32, #tpu.memory_space<vmem>>
    %dma_start3A_219 = tpu.memref_squeeze %dma_start3A_218 : memref<1x8x4096xf32, #tpu.memory_space<vmem>> -> memref<8x4096xf32, #tpu.memory_space<vmem>>
    tpu.enqueue_dma source(%dma_start3A_219 : memref<8x4096xf32, #tpu.memory_space<vmem>>) target(%dma_start3A_215 : memref<8x4096xf32, #tpu.memory_space<hbm>>) target_semaphore(%arg10 : memref<!tpu.dma_semaphore, #tpu.memory_space<semaphore_mem>>)
    %dma_wait3A_220 = arith.constant 0 : i32
    %dma_wait3A_221 = arith.constant 0 : i32
    %dma_wait3A_222 = arith.constant 0 : i32
    %dma_wait3A_223 = tpu.memref_slice %arg6[%dma_wait3A_220, %dma_wait3A_221, %dma_wait3A_222] : memref<3x8x4096xf32, #tpu.memory_space<vmem>> -> memref<1x8x4096xf32, #tpu.memory_space<vmem>>
    %dma_wait3A_224 = tpu.memref_squeeze %dma_wait3A_223 : memref<1x8x4096xf32, #tpu.memory_space<vmem>> -> memref<8x4096xf32, #tpu.memory_space<vmem>>
    %dma_wait3A_225 = arith.constant 0 : i32
    %dma_wait3A_226 = tpu.memref_slice %arg4[%mul3A_2, %dma_wait3A_225] : memref<8192x4096xf32, #tpu.memory_space<hbm>> -> memref<8x4096xf32, #tpu.memory_space<hbm>>
    %dma_wait3A_227 = arith.constant 0 : i32
    %dma_wait3A_228 = tpu.memref_slice %arg4[%mul3A_2, %dma_wait3A_227] : memref<8192x4096xf32, #tpu.memory_space<hbm>> -> memref<8x4096xf32, #tpu.memory_space<hbm>>
    %dma_wait3A_229 = arith.constant 0 : i32
    %dma_wait3A_230 = arith.constant 0 : i32
    %dma_wait3A_231 = tpu.memref_slice %arg6[%dma_wait3A_220, %dma_wait3A_229, %dma_wait3A_230] : memref<3x8x4096xf32, #tpu.memory_space<vmem>> -> memref<1x8x4096xf32, #tpu.memory_space<vmem>>
    %dma_wait3A_232 = tpu.memref_squeeze %dma_wait3A_231 : memref<1x8x4096xf32, #tpu.memory_space<vmem>> -> memref<8x4096xf32, #tpu.memory_space<vmem>>
    tpu.wait_dma2 semaphore(%arg10 : memref<!tpu.dma_semaphore, #tpu.memory_space<semaphore_mem>>) src(%dma_wait3A_232 : memref<8x4096xf32, #tpu.memory_space<vmem>>) dst(%dma_wait3A_228 : memref<8x4096xf32, #tpu.memory_space<hbm>>)
    %dma_start3A_233 = arith.constant 0 : i32
    %dma_start3A_234 = arith.constant 0 : i32
    %dma_start3A_235 = arith.constant 0 : i32
    %dma_start3A_236 = tpu.memref_slice %arg6[%dma_start3A_233, %dma_start3A_234, %dma_start3A_235] : memref<3x8x4096xf32, #tpu.memory_space<vmem>> -> memref<1x8x4096xf32, #tpu.memory_space<vmem>>
    %dma_start3A_237 = tpu.memref_squeeze %dma_start3A_236 : memref<1x8x4096xf32, #tpu.memory_space<vmem>> -> memref<8x4096xf32, #tpu.memory_space<vmem>>
    %dma_start3A_238 = arith.constant 48 : i32
    %dma_start3A_239 = tpu.memref_slice %arg5[%dma_start3A_238] : memref<256xi32, #tpu.memory_space<vmem>> -> memref<8xi32, #tpu.memory_space<vmem>>
    %dma_start3A_240 = arith.constant 0 : i32
    %dma_start3A_241 = arith.constant 0 : i32
    %dma_start3A_242 = tpu.memref_slice %arg3[%dma_start3A_240, %dma_start3A_241] : memref<65024x4096xf32, #tpu.memory_space<hbm>> -> memref<65024x4096xf32, #tpu.memory_space<hbm>>
    tpu.enqueue_indirect_dma source(%dma_start3A_242 : memref<65024x4096xf32, #tpu.memory_space<hbm>>) target(%dma_start3A_237 : memref<8x4096xf32, #tpu.memory_space<vmem>>) offsets(%dma_start3A_239 : memref<8xi32, #tpu.memory_space<vmem>>) semaphore(%arg7 : memref<!tpu.dma_semaphore, #tpu.memory_space<semaphore_mem>>)
    %dma_wait3A_243 = arith.constant 1 : i32
    %dma_wait3A_244 = arith.constant 0 : i32
    %dma_wait3A_245 = arith.constant 0 : i32
    %dma_wait3A_246 = tpu.memref_slice %arg6[%dma_wait3A_243, %dma_wait3A_244, %dma_wait3A_245] : memref<3x8x4096xf32, #tpu.memory_space<vmem>> -> memref<1x8x4096xf32, #tpu.memory_space<vmem>>
    %dma_wait3A_247 = tpu.memref_squeeze %dma_wait3A_246 : memref<1x8x4096xf32, #tpu.memory_space<vmem>> -> memref<8x4096xf32, #tpu.memory_space<vmem>>
    %dma_wait3A_248 = arith.constant 0 : i32
    %dma_wait3A_249 = arith.constant 0 : i32
    %dma_wait3A_250 = tpu.memref_slice %arg3[%dma_wait3A_248, %dma_wait3A_249] : memref<65024x4096xf32, #tpu.memory_space<hbm>> -> memref<8x4096xf32, #tpu.memory_space<hbm>>
    %dma_wait3A_251 = arith.constant 0 : i32
    %dma_wait3A_252 = arith.constant 0 : i32
    %dma_wait3A_253 = tpu.memref_slice %arg6[%dma_wait3A_243, %dma_wait3A_251, %dma_wait3A_252] : memref<3x8x4096xf32, #tpu.memory_space<vmem>> -> memref<1x8x4096xf32, #tpu.memory_space<vmem>>
    %dma_wait3A_254 = tpu.memref_squeeze %dma_wait3A_253 : memref<1x8x4096xf32, #tpu.memory_space<vmem>> -> memref<8x4096xf32, #tpu.memory_space<vmem>>
    %dma_wait3A_255 = arith.constant 0 : i32
    %dma_wait3A_256 = arith.constant 0 : i32
    %dma_wait3A_257 = tpu.memref_slice %arg3[%dma_wait3A_255, %dma_wait3A_256] : memref<65024x4096xf32, #tpu.memory_space<hbm>> -> memref<8x4096xf32, #tpu.memory_space<hbm>>
    tpu.wait_dma2 semaphore(%arg8 : memref<!tpu.dma_semaphore, #tpu.memory_space<semaphore_mem>>) src(%dma_wait3A_257 : memref<8x4096xf32, #tpu.memory_space<hbm>>) dst(%dma_wait3A_254 : memref<8x4096xf32, #tpu.memory_space<vmem>>)
    %add3A_258 = arith.constant 32 : i32
    %add3A_259 = arith.addi %mul3A_2, %add3A_258 : i32
    %dma_start3A_260 = arith.constant 1 : i32
    %dma_start3A_261 = arith.constant 0 : i32
    %dma_start3A_262 = arith.constant 0 : i32
    %dma_start3A_263 = tpu.memref_slice %arg6[%dma_start3A_260, %dma_start3A_261, %dma_start3A_262] : memref<3x8x4096xf32, #tpu.memory_space<vmem>> -> memref<1x8x4096xf32, #tpu.memory_space<vmem>>
    %dma_start3A_264 = tpu.memref_squeeze %dma_start3A_263 : memref<1x8x4096xf32, #tpu.memory_space<vmem>> -> memref<8x4096xf32, #tpu.memory_space<vmem>>
    %dma_start3A_265 = arith.constant 0 : i32
    %dma_start3A_266 = tpu.memref_slice %arg4[%add3A_259, %dma_start3A_265] : memref<8192x4096xf32, #tpu.memory_space<hbm>> -> memref<8x4096xf32, #tpu.memory_space<hbm>>
    %dma_start3A_267 = arith.constant 0 : i32
    %dma_start3A_268 = tpu.memref_slice %arg4[%add3A_259, %dma_start3A_267] : memref<8192x4096xf32, #tpu.memory_space<hbm>> -> memref<8x4096xf32, #tpu.memory_space<hbm>>
    %dma_start3A_269 = arith.constant 0 : i32
    %dma_start3A_270 = arith.constant 0 : i32
    %dma_start3A_271 = tpu.memref_slice %arg6[%dma_start3A_260, %dma_start3A_269, %dma_start3A_270] : memref<3x8x4096xf32, #tpu.memory_space<vmem>> -> memref<1x8x4096xf32, #tpu.memory_space<vmem>>
    %dma_start3A_272 = tpu.memref_squeeze %dma_start3A_271 : memref<1x8x4096xf32, #tpu.memory_space<vmem>> -> memref<8x4096xf32, #tpu.memory_space<vmem>>
    tpu.enqueue_dma source(%dma_start3A_272 : memref<8x4096xf32, #tpu.memory_space<vmem>>) target(%dma_start3A_268 : memref<8x4096xf32, #tpu.memory_space<hbm>>) target_semaphore(%arg11 : memref<!tpu.dma_semaphore, #tpu.memory_space<semaphore_mem>>)
    %dma_wait3A_273 = arith.constant 1 : i32
    %dma_wait3A_274 = arith.constant 0 : i32
    %dma_wait3A_275 = arith.constant 0 : i32
    %dma_wait3A_276 = tpu.memref_slice %arg6[%dma_wait3A_273, %dma_wait3A_274, %dma_wait3A_275] : memref<3x8x4096xf32, #tpu.memory_space<vmem>> -> memref<1x8x4096xf32, #tpu.memory_space<vmem>>
    %dma_wait3A_277 = tpu.memref_squeeze %dma_wait3A_276 : memref<1x8x4096xf32, #tpu.memory_space<vmem>> -> memref<8x4096xf32, #tpu.memory_space<vmem>>
    %dma_wait3A_278 = arith.constant 0 : i32
    %dma_wait3A_279 = tpu.memref_slice %arg4[%mul3A_2, %dma_wait3A_278] : memref<8192x4096xf32, #tpu.memory_space<hbm>> -> memref<8x4096xf32, #tpu.memory_space<hbm>>
    %dma_wait3A_280 = arith.constant 0 : i32
    %dma_wait3A_281 = tpu.memref_slice %arg4[%mul3A_2, %dma_wait3A_280] : memref<8192x4096xf32, #tpu.memory_space<hbm>> -> memref<8x4096xf32, #tpu.memory_space<hbm>>
    %dma_wait3A_282 = arith.constant 0 : i32
    %dma_wait3A_283 = arith.constant 0 : i32
    %dma_wait3A_284 = tpu.memref_slice %arg6[%dma_wait3A_273, %dma_wait3A_282, %dma_wait3A_283] : memref<3x8x4096xf32, #tpu.memory_space<vmem>> -> memref<1x8x4096xf32, #tpu.memory_space<vmem>>
    %dma_wait3A_285 = tpu.memref_squeeze %dma_wait3A_284 : memref<1x8x4096xf32, #tpu.memory_space<vmem>> -> memref<8x4096xf32, #tpu.memory_space<vmem>>
    tpu.wait_dma2 semaphore(%arg11 : memref<!tpu.dma_semaphore, #tpu.memory_space<semaphore_mem>>) src(%dma_wait3A_285 : memref<8x4096xf32, #tpu.memory_space<vmem>>) dst(%dma_wait3A_281 : memref<8x4096xf32, #tpu.memory_space<hbm>>)
    %dma_start3A_286 = arith.constant 1 : i32
    %dma_start3A_287 = arith.constant 0 : i32
    %dma_start3A_288 = arith.constant 0 : i32
    %dma_start3A_289 = tpu.memref_slice %arg6[%dma_start3A_286, %dma_start3A_287, %dma_start3A_288] : memref<3x8x4096xf32, #tpu.memory_space<vmem>> -> memref<1x8x4096xf32, #tpu.memory_space<vmem>>
    %dma_start3A_290 = tpu.memref_squeeze %dma_start3A_289 : memref<1x8x4096xf32, #tpu.memory_space<vmem>> -> memref<8x4096xf32, #tpu.memory_space<vmem>>
    %dma_start3A_291 = arith.constant 56 : i32
    %dma_start3A_292 = tpu.memref_slice %arg5[%dma_start3A_291] : memref<256xi32, #tpu.memory_space<vmem>> -> memref<8xi32, #tpu.memory_space<vmem>>
    %dma_start3A_293 = arith.constant 0 : i32
    %dma_start3A_294 = arith.constant 0 : i32
    %dma_start3A_295 = tpu.memref_slice %arg3[%dma_start3A_293, %dma_start3A_294] : memref<65024x4096xf32, #tpu.memory_space<hbm>> -> memref<65024x4096xf32, #tpu.memory_space<hbm>>
    tpu.enqueue_indirect_dma source(%dma_start3A_295 : memref<65024x4096xf32, #tpu.memory_space<hbm>>) target(%dma_start3A_290 : memref<8x4096xf32, #tpu.memory_space<vmem>>) offsets(%dma_start3A_292 : memref<8xi32, #tpu.memory_space<vmem>>) semaphore(%arg8 : memref<!tpu.dma_semaphore, #tpu.memory_space<semaphore_mem>>)
    %dma_wait3A_296 = arith.constant 2 : i32
    %dma_wait3A_297 = arith.constant 0 : i32
    %dma_wait3A_298 = arith.constant 0 : i32
    %dma_wait3A_299 = tpu.memref_slice %arg6[%dma_wait3A_296, %dma_wait3A_297, %dma_wait3A_298] : memref<3x8x4096xf32, #tpu.memory_space<vmem>> -> memref<1x8x4096xf32, #tpu.memory_space<vmem>>
    %dma_wait3A_300 = tpu.memref_squeeze %dma_wait3A_299 : memref<1x8x4096xf32, #tpu.memory_space<vmem>> -> memref<8x4096xf32, #tpu.memory_space<vmem>>
    %dma_wait3A_301 = arith.constant 0 : i32
    %dma_wait3A_302 = arith.constant 0 : i32
    %dma_wait3A_303 = tpu.memref_slice %arg3[%dma_wait3A_301, %dma_wait3A_302] : memref<65024x4096xf32, #tpu.memory_space<hbm>> -> memref<8x4096xf32, #tpu.memory_space<hbm>>
    %dma_wait3A_304 = arith.constant 0 : i32
    %dma_wait3A_305 = arith.constant 0 : i32
    %dma_wait3A_306 = tpu.memref_slice %arg6[%dma_wait3A_296, %dma_wait3A_304, %dma_wait3A_305] : memref<3x8x4096xf32, #tpu.memory_space<vmem>> -> memref<1x8x4096xf32, #tpu.memory_space<vmem>>
    %dma_wait3A_307 = tpu.memref_squeeze %dma_wait3A_306 : memref<1x8x4096xf32, #tpu.memory_space<vmem>> -> memref<8x4096xf32, #tpu.memory_space<vmem>>
    %dma_wait3A_308 = arith.constant 0 : i32
    %dma_wait3A_309 = arith.constant 0 : i32
    %dma_wait3A_310 = tpu.memref_slice %arg3[%dma_wait3A_308, %dma_wait3A_309] : memref<65024x4096xf32, #tpu.memory_space<hbm>> -> memref<8x4096xf32, #tpu.memory_space<hbm>>
    tpu.wait_dma2 semaphore(%arg9 : memref<!tpu.dma_semaphore, #tpu.memory_space<semaphore_mem>>) src(%dma_wait3A_310 : memref<8x4096xf32, #tpu.memory_space<hbm>>) dst(%dma_wait3A_307 : memref<8x4096xf32, #tpu.memory_space<vmem>>)
    %add3A_311 = arith.constant 40 : i32
    %add3A_312 = arith.addi %mul3A_2, %add3A_311 : i32
    %dma_start3A_313 = arith.constant 2 : i32
    %dma_start3A_314 = arith.constant 0 : i32
    %dma_start3A_315 = arith.constant 0 : i32
    %dma_start3A_316 = tpu.memref_slice %arg6[%dma_start3A_313, %dma_start3A_314, %dma_start3A_315] : memref<3x8x4096xf32, #tpu.memory_space<vmem>> -> memref<1x8x4096xf32, #tpu.memory_space<vmem>>
    %dma_start3A_317 = tpu.memref_squeeze %dma_start3A_316 : memref<1x8x4096xf32, #tpu.memory_space<vmem>> -> memref<8x4096xf32, #tpu.memory_space<vmem>>
    %dma_start3A_318 = arith.constant 0 : i32
    %dma_start3A_319 = tpu.memref_slice %arg4[%add3A_312, %dma_start3A_318] : memref<8192x4096xf32, #tpu.memory_space<hbm>> -> memref<8x4096xf32, #tpu.memory_space<hbm>>
    %dma_start3A_320 = arith.constant 0 : i32
    %dma_start3A_321 = tpu.memref_slice %arg4[%add3A_312, %dma_start3A_320] : memref<8192x4096xf32, #tpu.memory_space<hbm>> -> memref<8x4096xf32, #tpu.memory_space<hbm>>
    %dma_start3A_322 = arith.constant 0 : i32
    %dma_start3A_323 = arith.constant 0 : i32
    %dma_start3A_324 = tpu.memref_slice %arg6[%dma_start3A_313, %dma_start3A_322, %dma_start3A_323] : memref<3x8x4096xf32, #tpu.memory_space<vmem>> -> memref<1x8x4096xf32, #tpu.memory_space<vmem>>
    %dma_start3A_325 = tpu.memref_squeeze %dma_start3A_324 : memref<1x8x4096xf32, #tpu.memory_space<vmem>> -> memref<8x4096xf32, #tpu.memory_space<vmem>>
    tpu.enqueue_dma source(%dma_start3A_325 : memref<8x4096xf32, #tpu.memory_space<vmem>>) target(%dma_start3A_321 : memref<8x4096xf32, #tpu.memory_space<hbm>>) target_semaphore(%arg12 : memref<!tpu.dma_semaphore, #tpu.memory_space<semaphore_mem>>)
    %dma_wait3A_326 = arith.constant 2 : i32
    %dma_wait3A_327 = arith.constant 0 : i32
    %dma_wait3A_328 = arith.constant 0 : i32
    %dma_wait3A_329 = tpu.memref_slice %arg6[%dma_wait3A_326, %dma_wait3A_327, %dma_wait3A_328] : memref<3x8x4096xf32, #tpu.memory_space<vmem>> -> memref<1x8x4096xf32, #tpu.memory_space<vmem>>
    %dma_wait3A_330 = tpu.memref_squeeze %dma_wait3A_329 : memref<1x8x4096xf32, #tpu.memory_space<vmem>> -> memref<8x4096xf32, #tpu.memory_space<vmem>>
    %dma_wait3A_331 = arith.constant 0 : i32
    %dma_wait3A_332 = tpu.memref_slice %arg4[%mul3A_2, %dma_wait3A_331] : memref<8192x4096xf32, #tpu.memory_space<hbm>> -> memref<8x4096xf32, #tpu.memory_space<hbm>>
    %dma_wait3A_333 = arith.constant 0 : i32
    %dma_wait3A_334 = tpu.memref_slice %arg4[%mul3A_2, %dma_wait3A_333] : memref<8192x4096xf32, #tpu.memory_space<hbm>> -> memref<8x4096xf32, #tpu.memory_space<hbm>>
    %dma_wait3A_335 = arith.constant 0 : i32
    %dma_wait3A_336 = arith.constant 0 : i32
    %dma_wait3A_337 = tpu.memref_slice %arg6[%dma_wait3A_326, %dma_wait3A_335, %dma_wait3A_336] : memref<3x8x4096xf32, #tpu.memory_space<vmem>> -> memref<1x8x4096xf32, #tpu.memory_space<vmem>>
    %dma_wait3A_338 = tpu.memref_squeeze %dma_wait3A_337 : memref<1x8x4096xf32, #tpu.memory_space<vmem>> -> memref<8x4096xf32, #tpu.memory_space<vmem>>
    tpu.wait_dma2 semaphore(%arg12 : memref<!tpu.dma_semaphore, #tpu.memory_space<semaphore_mem>>) src(%dma_wait3A_338 : memref<8x4096xf32, #tpu.memory_space<vmem>>) dst(%dma_wait3A_334 : memref<8x4096xf32, #tpu.memory_space<hbm>>)
    %dma_start3A_339 = arith.constant 2 : i32
    %dma_start3A_340 = arith.constant 0 : i32
    %dma_start3A_341 = arith.constant 0 : i32
    %dma_start3A_342 = tpu.memref_slice %arg6[%dma_start3A_339, %dma_start3A_340, %dma_start3A_341] : memref<3x8x4096xf32, #tpu.memory_space<vmem>> -> memref<1x8x4096xf32, #tpu.memory_space<vmem>>
    %dma_start3A_343 = tpu.memref_squeeze %dma_start3A_342 : memref<1x8x4096xf32, #tpu.memory_space<vmem>> -> memref<8x4096xf32, #tpu.memory_space<vmem>>
    %dma_start3A_344 = arith.constant 64 : i32
    %dma_start3A_345 = tpu.memref_slice %arg5[%dma_start3A_344] : memref<256xi32, #tpu.memory_space<vmem>> -> memref<8xi32, #tpu.memory_space<vmem>>
    %dma_start3A_346 = arith.constant 0 : i32
    %dma_start3A_347 = arith.constant 0 : i32
    %dma_start3A_348 = tpu.memref_slice %arg3[%dma_start3A_346, %dma_start3A_347] : memref<65024x4096xf32, #tpu.memory_space<hbm>> -> memref<65024x4096xf32, #tpu.memory_space<hbm>>
    tpu.enqueue_indirect_dma source(%dma_start3A_348 : memref<65024x4096xf32, #tpu.memory_space<hbm>>) target(%dma_start3A_343 : memref<8x4096xf32, #tpu.memory_space<vmem>>) offsets(%dma_start3A_345 : memref<8xi32, #tpu.memory_space<vmem>>) semaphore(%arg9 : memref<!tpu.dma_semaphore, #tpu.memory_space<semaphore_mem>>)
    %dma_wait3A_349 = arith.constant 0 : i32
    %dma_wait3A_350 = arith.constant 0 : i32
    %dma_wait3A_351 = arith.constant 0 : i32
    %dma_wait3A_352 = tpu.memref_slice %arg6[%dma_wait3A_349, %dma_wait3A_350, %dma_wait3A_351] : memref<3x8x4096xf32, #tpu.memory_space<vmem>> -> memref<1x8x4096xf32, #tpu.memory_space<vmem>>
    %dma_wait3A_353 = tpu.memref_squeeze %dma_wait3A_352 : memref<1x8x4096xf32, #tpu.memory_space<vmem>> -> memref<8x4096xf32, #tpu.memory_space<vmem>>
    %dma_wait3A_354 = arith.constant 0 : i32
    %dma_wait3A_355 = arith.constant 0 : i32
    %dma_wait3A_356 = tpu.memref_slice %arg3[%dma_wait3A_354, %dma_wait3A_355] : memref<65024x4096xf32, #tpu.memory_space<hbm>> -> memref<8x4096xf32, #tpu.memory_space<hbm>>
    %dma_wait3A_357 = arith.constant 0 : i32
    %dma_wait3A_358 = arith.constant 0 : i32
    %dma_wait3A_359 = tpu.memref_slice %arg6[%dma_wait3A_349, %dma_wait3A_357, %dma_wait3A_358] : memref<3x8x4096xf32, #tpu.memory_space<vmem>> -> memref<1x8x4096xf32, #tpu.memory_space<vmem>>
    %dma_wait3A_360 = tpu.memref_squeeze %dma_wait3A_359 : memref<1x8x4096xf32, #tpu.memory_space<vmem>> -> memref<8x4096xf32, #tpu.memory_space<vmem>>
    %dma_wait3A_361 = arith.constant 0 : i32
    %dma_wait3A_362 = arith.constant 0 : i32
    %dma_wait3A_363 = tpu.memref_slice %arg3[%dma_wait3A_361, %dma_wait3A_362] : memref<65024x4096xf32, #tpu.memory_space<hbm>> -> memref<8x4096xf32, #tpu.memory_space<hbm>>
    tpu.wait_dma2 semaphore(%arg7 : memref<!tpu.dma_semaphore, #tpu.memory_space<semaphore_mem>>) src(%dma_wait3A_363 : memref<8x4096xf32, #tpu.memory_space<hbm>>) dst(%dma_wait3A_360 : memref<8x4096xf32, #tpu.memory_space<vmem>>)
    %add3A_364 = arith.constant 48 : i32
    %add3A_365 = arith.addi %mul3A_2, %add3A_364 : i32
    %dma_start3A_366 = arith.constant 0 : i32
    %dma_start3A_367 = arith.constant 0 : i32
    %dma_start3A_368 = arith.constant 0 : i32
    %dma_start3A_369 = tpu.memref_slice %arg6[%dma_start3A_366, %dma_start3A_367, %dma_start3A_368] : memref<3x8x4096xf32, #tpu.memory_space<vmem>> -> memref<1x8x4096xf32, #tpu.memory_space<vmem>>
    %dma_start3A_370 = tpu.memref_squeeze %dma_start3A_369 : memref<1x8x4096xf32, #tpu.memory_space<vmem>> -> memref<8x4096xf32, #tpu.memory_space<vmem>>
    %dma_start3A_371 = arith.constant 0 : i32
    %dma_start3A_372 = tpu.memref_slice %arg4[%add3A_365, %dma_start3A_371] : memref<8192x4096xf32, #tpu.memory_space<hbm>> -> memref<8x4096xf32, #tpu.memory_space<hbm>>
    %dma_start3A_373 = arith.constant 0 : i32
    %dma_start3A_374 = tpu.memref_slice %arg4[%add3A_365, %dma_start3A_373] : memref<8192x4096xf32, #tpu.memory_space<hbm>> -> memref<8x4096xf32, #tpu.memory_space<hbm>>
    %dma_start3A_375 = arith.constant 0 : i32
    %dma_start3A_376 = arith.constant 0 : i32
    %dma_start3A_377 = tpu.memref_slice %arg6[%dma_start3A_366, %dma_start3A_375, %dma_start3A_376] : memref<3x8x4096xf32, #tpu.memory_space<vmem>> -> memref<1x8x4096xf32, #tpu.memory_space<vmem>>
    %dma_start3A_378 = tpu.memref_squeeze %dma_start3A_377 : memref<1x8x4096xf32, #tpu.memory_space<vmem>> -> memref<8x4096xf32, #tpu.memory_space<vmem>>
    tpu.enqueue_dma source(%dma_start3A_378 : memref<8x4096xf32, #tpu.memory_space<vmem>>) target(%dma_start3A_374 : memref<8x4096xf32, #tpu.memory_space<hbm>>) target_semaphore(%arg10 : memref<!tpu.dma_semaphore, #tpu.memory_space<semaphore_mem>>)
    %dma_wait3A_379 = arith.constant 0 : i32
    %dma_wait3A_380 = arith.constant 0 : i32
    %dma_wait3A_381 = arith.constant 0 : i32
    %dma_wait3A_382 = tpu.memref_slice %arg6[%dma_wait3A_379, %dma_wait3A_380, %dma_wait3A_381] : memref<3x8x4096xf32, #tpu.memory_space<vmem>> -> memref<1x8x4096xf32, #tpu.memory_space<vmem>>
    %dma_wait3A_383 = tpu.memref_squeeze %dma_wait3A_382 : memref<1x8x4096xf32, #tpu.memory_space<vmem>> -> memref<8x4096xf32, #tpu.memory_space<vmem>>
    %dma_wait3A_384 = arith.constant 0 : i32
    %dma_wait3A_385 = tpu.memref_slice %arg4[%mul3A_2, %dma_wait3A_384] : memref<8192x4096xf32, #tpu.memory_space<hbm>> -> memref<8x4096xf32, #tpu.memory_space<hbm>>
    %dma_wait3A_386 = arith.constant 0 : i32
    %dma_wait3A_387 = tpu.memref_slice %arg4[%mul3A_2, %dma_wait3A_386] : memref<8192x4096xf32, #tpu.memory_space<hbm>> -> memref<8x4096xf32, #tpu.memory_space<hbm>>
    %dma_wait3A_388 = arith.constant 0 : i32
    %dma_wait3A_389 = arith.constant 0 : i32
    %dma_wait3A_390 = tpu.memref_slice %arg6[%dma_wait3A_379, %dma_wait3A_388, %dma_wait3A_389] : memref<3x8x4096xf32, #tpu.memory_space<vmem>> -> memref<1x8x4096xf32, #tpu.memory_space<vmem>>
    %dma_wait3A_391 = tpu.memref_squeeze %dma_wait3A_390 : memref<1x8x4096xf32, #tpu.memory_space<vmem>> -> memref<8x4096xf32, #tpu.memory_space<vmem>>
    tpu.wait_dma2 semaphore(%arg10 : memref<!tpu.dma_semaphore, #tpu.memory_space<semaphore_mem>>) src(%dma_wait3A_391 : memref<8x4096xf32, #tpu.memory_space<vmem>>) dst(%dma_wait3A_387 : memref<8x4096xf32, #tpu.memory_space<hbm>>)
    %dma_start3A_392 = arith.constant 0 : i32
    %dma_start3A_393 = arith.constant 0 : i32
    %dma_start3A_394 = arith.constant 0 : i32
    %dma_start3A_395 = tpu.memref_slice %arg6[%dma_start3A_392, %dma_start3A_393, %dma_start3A_394] : memref<3x8x4096xf32, #tpu.memory_space<vmem>> -> memref<1x8x4096xf32, #tpu.memory_space<vmem>>
    %dma_start3A_396 = tpu.memref_squeeze %dma_start3A_395 : memref<1x8x4096xf32, #tpu.memory_space<vmem>> -> memref<8x4096xf32, #tpu.memory_space<vmem>>
    %dma_start3A_397 = arith.constant 72 : i32
    %dma_start3A_398 = tpu.memref_slice %arg5[%dma_start3A_397] : memref<256xi32, #tpu.memory_space<vmem>> -> memref<8xi32, #tpu.memory_space<vmem>>
    %dma_start3A_399 = arith.constant 0 : i32
    %dma_start3A_400 = arith.constant 0 : i32
    %dma_start3A_401 = tpu.memref_slice %arg3[%dma_start3A_399, %dma_start3A_400] : memref<65024x4096xf32, #tpu.memory_space<hbm>> -> memref<65024x4096xf32, #tpu.memory_space<hbm>>
    tpu.enqueue_indirect_dma source(%dma_start3A_401 : memref<65024x4096xf32, #tpu.memory_space<hbm>>) target(%dma_start3A_396 : memref<8x4096xf32, #tpu.memory_space<vmem>>) offsets(%dma_start3A_398 : memref<8xi32, #tpu.memory_space<vmem>>) semaphore(%arg7 : memref<!tpu.dma_semaphore, #tpu.memory_space<semaphore_mem>>)
    %dma_wait3A_402 = arith.constant 1 : i32
    %dma_wait3A_403 = arith.constant 0 : i32
    %dma_wait3A_404 = arith.constant 0 : i32
    %dma_wait3A_405 = tpu.memref_slice %arg6[%dma_wait3A_402, %dma_wait3A_403, %dma_wait3A_404] : memref<3x8x4096xf32, #tpu.memory_space<vmem>> -> memref<1x8x4096xf32, #tpu.memory_space<vmem>>
    %dma_wait3A_406 = tpu.memref_squeeze %dma_wait3A_405 : memref<1x8x4096xf32, #tpu.memory_space<vmem>> -> memref<8x4096xf32, #tpu.memory_space<vmem>>
    %dma_wait3A_407 = arith.constant 0 : i32
    %dma_wait3A_408 = arith.constant 0 : i32
    %dma_wait3A_409 = tpu.memref_slice %arg3[%dma_wait3A_407, %dma_wait3A_408] : memref<65024x4096xf32, #tpu.memory_space<hbm>> -> memref<8x4096xf32, #tpu.memory_space<hbm>>
    %dma_wait3A_410 = arith.constant 0 : i32
    %dma_wait3A_411 = arith.constant 0 : i32
    %dma_wait3A_412 = tpu.memref_slice %arg6[%dma_wait3A_402, %dma_wait3A_410, %dma_wait3A_411] : memref<3x8x4096xf32, #tpu.memory_space<vmem>> -> memref<1x8x4096xf32, #tpu.memory_space<vmem>>
    %dma_wait3A_413 = tpu.memref_squeeze %dma_wait3A_412 : memref<1x8x4096xf32, #tpu.memory_space<vmem>> -> memref<8x4096xf32, #tpu.memory_space<vmem>>
    %dma_wait3A_414 = arith.constant 0 : i32
    %dma_wait3A_415 = arith.constant 0 : i32
    %dma_wait3A_416 = tpu.memref_slice %arg3[%dma_wait3A_414, %dma_wait3A_415] : memref<65024x4096xf32, #tpu.memory_space<hbm>> -> memref<8x4096xf32, #tpu.memory_space<hbm>>
    tpu.wait_dma2 semaphore(%arg8 : memref<!tpu.dma_semaphore, #tpu.memory_space<semaphore_mem>>) src(%dma_wait3A_416 : memref<8x4096xf32, #tpu.memory_space<hbm>>) dst(%dma_wait3A_413 : memref<8x4096xf32, #tpu.memory_space<vmem>>)
    %add3A_417 = arith.constant 56 : i32
    %add3A_418 = arith.addi %mul3A_2, %add3A_417 : i32
    %dma_start3A_419 = arith.constant 1 : i32
    %dma_start3A_420 = arith.constant 0 : i32
    %dma_start3A_421 = arith.constant 0 : i32
    %dma_start3A_422 = tpu.memref_slice %arg6[%dma_start3A_419, %dma_start3A_420, %dma_start3A_421] : memref<3x8x4096xf32, #tpu.memory_space<vmem>> -> memref<1x8x4096xf32, #tpu.memory_space<vmem>>
    %dma_start3A_423 = tpu.memref_squeeze %dma_start3A_422 : memref<1x8x4096xf32, #tpu.memory_space<vmem>> -> memref<8x4096xf32, #tpu.memory_space<vmem>>
    %dma_start3A_424 = arith.constant 0 : i32
    %dma_start3A_425 = tpu.memref_slice %arg4[%add3A_418, %dma_start3A_424] : memref<8192x4096xf32, #tpu.memory_space<hbm>> -> memref<8x4096xf32, #tpu.memory_space<hbm>>
    %dma_start3A_426 = arith.constant 0 : i32
    %dma_start3A_427 = tpu.memref_slice %arg4[%add3A_418, %dma_start3A_426] : memref<8192x4096xf32, #tpu.memory_space<hbm>> -> memref<8x4096xf32, #tpu.memory_space<hbm>>
    %dma_start3A_428 = arith.constant 0 : i32
    %dma_start3A_429 = arith.constant 0 : i32
    %dma_start3A_430 = tpu.memref_slice %arg6[%dma_start3A_419, %dma_start3A_428, %dma_start3A_429] : memref<3x8x4096xf32, #tpu.memory_space<vmem>> -> memref<1x8x4096xf32, #tpu.memory_space<vmem>>
    %dma_start3A_431 = tpu.memref_squeeze %dma_start3A_430 : memref<1x8x4096xf32, #tpu.memory_space<vmem>> -> memref<8x4096xf32, #tpu.memory_space<vmem>>
    tpu.enqueue_dma source(%dma_start3A_431 : memref<8x4096xf32, #tpu.memory_space<vmem>>) target(%dma_start3A_427 : memref<8x4096xf32, #tpu.memory_space<hbm>>) target_semaphore(%arg11 : memref<!tpu.dma_semaphore, #tpu.memory_space<semaphore_mem>>)
    %dma_wait3A_432 = arith.constant 1 : i32
    %dma_wait3A_433 = arith.constant 0 : i32
    %dma_wait3A_434 = arith.constant 0 : i32
    %dma_wait3A_435 = tpu.memref_slice %arg6[%dma_wait3A_432, %dma_wait3A_433, %dma_wait3A_434] : memref<3x8x4096xf32, #tpu.memory_space<vmem>> -> memref<1x8x4096xf32, #tpu.memory_space<vmem>>
    %dma_wait3A_436 = tpu.memref_squeeze %dma_wait3A_435 : memref<1x8x4096xf32, #tpu.memory_space<vmem>> -> memref<8x4096xf32, #tpu.memory_space<vmem>>
    %dma_wait3A_437 = arith.constant 0 : i32
    %dma_wait3A_438 = tpu.memref_slice %arg4[%mul3A_2, %dma_wait3A_437] : memref<8192x4096xf32, #tpu.memory_space<hbm>> -> memref<8x4096xf32, #tpu.memory_space<hbm>>
    %dma_wait3A_439 = arith.constant 0 : i32
    %dma_wait3A_440 = tpu.memref_slice %arg4[%mul3A_2, %dma_wait3A_439] : memref<8192x4096xf32, #tpu.memory_space<hbm>> -> memref<8x4096xf32, #tpu.memory_space<hbm>>
    %dma_wait3A_441 = arith.constant 0 : i32
    %dma_wait3A_442 = arith.constant 0 : i32
    %dma_wait3A_443 = tpu.memref_slice %arg6[%dma_wait3A_432, %dma_wait3A_441, %dma_wait3A_442] : memref<3x8x4096xf32, #tpu.memory_space<vmem>> -> memref<1x8x4096xf32, #tpu.memory_space<vmem>>
    %dma_wait3A_444 = tpu.memref_squeeze %dma_wait3A_443 : memref<1x8x4096xf32, #tpu.memory_space<vmem>> -> memref<8x4096xf32, #tpu.memory_space<vmem>>
    tpu.wait_dma2 semaphore(%arg11 : memref<!tpu.dma_semaphore, #tpu.memory_space<semaphore_mem>>) src(%dma_wait3A_444 : memref<8x4096xf32, #tpu.memory_space<vmem>>) dst(%dma_wait3A_440 : memref<8x4096xf32, #tpu.memory_space<hbm>>)
    %dma_start3A_445 = arith.constant 1 : i32
    %dma_start3A_446 = arith.constant 0 : i32
    %dma_start3A_447 = arith.constant 0 : i32
    %dma_start3A_448 = tpu.memref_slice %arg6[%dma_start3A_445, %dma_start3A_446, %dma_start3A_447] : memref<3x8x4096xf32, #tpu.memory_space<vmem>> -> memref<1x8x4096xf32, #tpu.memory_space<vmem>>
    %dma_start3A_449 = tpu.memref_squeeze %dma_start3A_448 : memref<1x8x4096xf32, #tpu.memory_space<vmem>> -> memref<8x4096xf32, #tpu.memory_space<vmem>>
    %dma_start3A_450 = arith.constant 80 : i32
    %dma_start3A_451 = tpu.memref_slice %arg5[%dma_start3A_450] : memref<256xi32, #tpu.memory_space<vmem>> -> memref<8xi32, #tpu.memory_space<vmem>>
    %dma_start3A_452 = arith.constant 0 : i32
    %dma_start3A_453 = arith.constant 0 : i32
    %dma_start3A_454 = tpu.memref_slice %arg3[%dma_start3A_452, %dma_start3A_453] : memref<65024x4096xf32, #tpu.memory_space<hbm>> -> memref<65024x4096xf32, #tpu.memory_space<hbm>>
    tpu.enqueue_indirect_dma source(%dma_start3A_454 : memref<65024x4096xf32, #tpu.memory_space<hbm>>) target(%dma_start3A_449 : memref<8x4096xf32, #tpu.memory_space<vmem>>) offsets(%dma_start3A_451 : memref<8xi32, #tpu.memory_space<vmem>>) semaphore(%arg8 : memref<!tpu.dma_semaphore, #tpu.memory_space<semaphore_mem>>)
    %dma_wait3A_455 = arith.constant 2 : i32
    %dma_wait3A_456 = arith.constant 0 : i32
    %dma_wait3A_457 = arith.constant 0 : i32
    %dma_wait3A_458 = tpu.memref_slice %arg6[%dma_wait3A_455, %dma_wait3A_456, %dma_wait3A_457] : memref<3x8x4096xf32, #tpu.memory_space<vmem>> -> memref<1x8x4096xf32, #tpu.memory_space<vmem>>
    %dma_wait3A_459 = tpu.memref_squeeze %dma_wait3A_458 : memref<1x8x4096xf32, #tpu.memory_space<vmem>> -> memref<8x4096xf32, #tpu.memory_space<vmem>>
    %dma_wait3A_460 = arith.constant 0 : i32
    %dma_wait3A_461 = arith.constant 0 : i32
    %dma_wait3A_462 = tpu.memref_slice %arg3[%dma_wait3A_460, %dma_wait3A_461] : memref<65024x4096xf32, #tpu.memory_space<hbm>> -> memref<8x4096xf32, #tpu.memory_space<hbm>>
    %dma_wait3A_463 = arith.constant 0 : i32
    %dma_wait3A_464 = arith.constant 0 : i32
    %dma_wait3A_465 = tpu.memref_slice %arg6[%dma_wait3A_455, %dma_wait3A_463, %dma_wait3A_464] : memref<3x8x4096xf32, #tpu.memory_space<vmem>> -> memref<1x8x4096xf32, #tpu.memory_space<vmem>>
    %dma_wait3A_466 = tpu.memref_squeeze %dma_wait3A_465 : memref<1x8x4096xf32, #tpu.memory_space<vmem>> -> memref<8x4096xf32, #tpu.memory_space<vmem>>
    %dma_wait3A_467 = arith.constant 0 : i32
    %dma_wait3A_468 = arith.constant 0 : i32
    %dma_wait3A_469 = tpu.memref_slice %arg3[%dma_wait3A_467, %dma_wait3A_468] : memref<65024x4096xf32, #tpu.memory_space<hbm>> -> memref<8x4096xf32, #tpu.memory_space<hbm>>
    tpu.wait_dma2 semaphore(%arg9 : memref<!tpu.dma_semaphore, #tpu.memory_space<semaphore_mem>>) src(%dma_wait3A_469 : memref<8x4096xf32, #tpu.memory_space<hbm>>) dst(%dma_wait3A_466 : memref<8x4096xf32, #tpu.memory_space<vmem>>)
    %add3A_470 = arith.constant 64 : i32
    %add3A_471 = arith.addi %mul3A_2, %add3A_470 : i32
    %dma_start3A_472 = arith.constant 2 : i32
    %dma_start3A_473 = arith.constant 0 : i32
    %dma_start3A_474 = arith.constant 0 : i32
    %dma_start3A_475 = tpu.memref_slice %arg6[%dma_start3A_472, %dma_start3A_473, %dma_start3A_474] : memref<3x8x4096xf32, #tpu.memory_space<vmem>> -> memref<1x8x4096xf32, #tpu.memory_space<vmem>>
    %dma_start3A_476 = tpu.memref_squeeze %dma_start3A_475 : memref<1x8x4096xf32, #tpu.memory_space<vmem>> -> memref<8x4096xf32, #tpu.memory_space<vmem>>
    %dma_start3A_477 = arith.constant 0 : i32
    %dma_start3A_478 = tpu.memref_slice %arg4[%add3A_471, %dma_start3A_477] : memref<8192x4096xf32, #tpu.memory_space<hbm>> -> memref<8x4096xf32, #tpu.memory_space<hbm>>
    %dma_start3A_479 = arith.constant 0 : i32
    %dma_start3A_480 = tpu.memref_slice %arg4[%add3A_471, %dma_start3A_479] : memref<8192x4096xf32, #tpu.memory_space<hbm>> -> memref<8x4096xf32, #tpu.memory_space<hbm>>
    %dma_start3A_481 = arith.constant 0 : i32
    %dma_start3A_482 = arith.constant 0 : i32
    %dma_start3A_483 = tpu.memref_slice %arg6[%dma_start3A_472, %dma_start3A_481, %dma_start3A_482] : memref<3x8x4096xf32, #tpu.memory_space<vmem>> -> memref<1x8x4096xf32, #tpu.memory_space<vmem>>
    %dma_start3A_484 = tpu.memref_squeeze %dma_start3A_483 : memref<1x8x4096xf32, #tpu.memory_space<vmem>> -> memref<8x4096xf32, #tpu.memory_space<vmem>>
    tpu.enqueue_dma source(%dma_start3A_484 : memref<8x4096xf32, #tpu.memory_space<vmem>>) target(%dma_start3A_480 : memref<8x4096xf32, #tpu.memory_space<hbm>>) target_semaphore(%arg12 : memref<!tpu.dma_semaphore, #tpu.memory_space<semaphore_mem>>)
    %dma_wait3A_485 = arith.constant 2 : i32
    %dma_wait3A_486 = arith.constant 0 : i32
    %dma_wait3A_487 = arith.constant 0 : i32
    %dma_wait3A_488 = tpu.memref_slice %arg6[%dma_wait3A_485, %dma_wait3A_486, %dma_wait3A_487] : memref<3x8x4096xf32, #tpu.memory_space<vmem>> -> memref<1x8x4096xf32, #tpu.memory_space<vmem>>
    %dma_wait3A_489 = tpu.memref_squeeze %dma_wait3A_488 : memref<1x8x4096xf32, #tpu.memory_space<vmem>> -> memref<8x4096xf32, #tpu.memory_space<vmem>>
    %dma_wait3A_490 = arith.constant 0 : i32
    %dma_wait3A_491 = tpu.memref_slice %arg4[%mul3A_2, %dma_wait3A_490] : memref<8192x4096xf32, #tpu.memory_space<hbm>> -> memref<8x4096xf32, #tpu.memory_space<hbm>>
    %dma_wait3A_492 = arith.constant 0 : i32
    %dma_wait3A_493 = tpu.memref_slice %arg4[%mul3A_2, %dma_wait3A_492] : memref<8192x4096xf32, #tpu.memory_space<hbm>> -> memref<8x4096xf32, #tpu.memory_space<hbm>>
    %dma_wait3A_494 = arith.constant 0 : i32
    %dma_wait3A_495 = arith.constant 0 : i32
    %dma_wait3A_496 = tpu.memref_slice %arg6[%dma_wait3A_485, %dma_wait3A_494, %dma_wait3A_495] : memref<3x8x4096xf32, #tpu.memory_space<vmem>> -> memref<1x8x4096xf32, #tpu.memory_space<vmem>>
    %dma_wait3A_497 = tpu.memref_squeeze %dma_wait3A_496 : memref<1x8x4096xf32, #tpu.memory_space<vmem>> -> memref<8x4096xf32, #tpu.memory_space<vmem>>
    tpu.wait_dma2 semaphore(%arg12 : memref<!tpu.dma_semaphore, #tpu.memory_space<semaphore_mem>>) src(%dma_wait3A_497 : memref<8x4096xf32, #tpu.memory_space<vmem>>) dst(%dma_wait3A_493 : memref<8x4096xf32, #tpu.memory_space<hbm>>)
    %dma_start3A_498 = arith.constant 2 : i32
    %dma_start3A_499 = arith.constant 0 : i32
    %dma_start3A_500 = arith.constant 0 : i32
    %dma_start3A_501 = tpu.memref_slice %arg6[%dma_start3A_498, %dma_start3A_499, %dma_start3A_500] : memref<3x8x4096xf32, #tpu.memory_space<vmem>> -> memref<1x8x4096xf32, #tpu.memory_space<vmem>>
    %dma_start3A_502 = tpu.memref_squeeze %dma_start3A_501 : memref<1x8x4096xf32, #tpu.memory_space<vmem>> -> memref<8x4096xf32, #tpu.memory_space<vmem>>
    %dma_start3A_503 = arith.constant 88 : i32
    %dma_start3A_504 = tpu.memref_slice %arg5[%dma_start3A_503] : memref<256xi32, #tpu.memory_space<vmem>> -> memref<8xi32, #tpu.memory_space<vmem>>
    %dma_start3A_505 = arith.constant 0 : i32
    %dma_start3A_506 = arith.constant 0 : i32
    %dma_start3A_507 = tpu.memref_slice %arg3[%dma_start3A_505, %dma_start3A_506] : memref<65024x4096xf32, #tpu.memory_space<hbm>> -> memref<65024x4096xf32, #tpu.memory_space<hbm>>
    tpu.enqueue_indirect_dma source(%dma_start3A_507 : memref<65024x4096xf32, #tpu.memory_space<hbm>>) target(%dma_start3A_502 : memref<8x4096xf32, #tpu.memory_space<vmem>>) offsets(%dma_start3A_504 : memref<8xi32, #tpu.memory_space<vmem>>) semaphore(%arg9 : memref<!tpu.dma_semaphore, #tpu.memory_space<semaphore_mem>>)
    %dma_wait3A_508 = arith.constant 0 : i32
    %dma_wait3A_509 = arith.constant 0 : i32
    %dma_wait3A_510 = arith.constant 0 : i32
    %dma_wait3A_511 = tpu.memref_slice %arg6[%dma_wait3A_508, %dma_wait3A_509, %dma_wait3A_510] : memref<3x8x4096xf32, #tpu.memory_space<vmem>> -> memref<1x8x4096xf32, #tpu.memory_space<vmem>>
    %dma_wait3A_512 = tpu.memref_squeeze %dma_wait3A_511 : memref<1x8x4096xf32, #tpu.memory_space<vmem>> -> memref<8x4096xf32, #tpu.memory_space<vmem>>
    %dma_wait3A_513 = arith.constant 0 : i32
    %dma_wait3A_514 = arith.constant 0 : i32
    %dma_wait3A_515 = tpu.memref_slice %arg3[%dma_wait3A_513, %dma_wait3A_514] : memref<65024x4096xf32, #tpu.memory_space<hbm>> -> memref<8x4096xf32, #tpu.memory_space<hbm>>
    %dma_wait3A_516 = arith.constant 0 : i32
    %dma_wait3A_517 = arith.constant 0 : i32
    %dma_wait3A_518 = tpu.memref_slice %arg6[%dma_wait3A_508, %dma_wait3A_516, %dma_wait3A_517] : memref<3x8x4096xf32, #tpu.memory_space<vmem>> -> memref<1x8x4096xf32, #tpu.memory_space<vmem>>
    %dma_wait3A_519 = tpu.memref_squeeze %dma_wait3A_518 : memref<1x8x4096xf32, #tpu.memory_space<vmem>> -> memref<8x4096xf32, #tpu.memory_space<vmem>>
    %dma_wait3A_520 = arith.constant 0 : i32
    %dma_wait3A_521 = arith.constant 0 : i32
    %dma_wait3A_522 = tpu.memref_slice %arg3[%dma_wait3A_520, %dma_wait3A_521] : memref<65024x4096xf32, #tpu.memory_space<hbm>> -> memref<8x4096xf32, #tpu.memory_space<hbm>>
    tpu.wait_dma2 semaphore(%arg7 : memref<!tpu.dma_semaphore, #tpu.memory_space<semaphore_mem>>) src(%dma_wait3A_522 : memref<8x4096xf32, #tpu.memory_space<hbm>>) dst(%dma_wait3A_519 : memref<8x4096xf32, #tpu.memory_space<vmem>>)
    %add3A_523 = arith.constant 72 : i32
    %add3A_524 = arith.addi %mul3A_2, %add3A_523 : i32
    %dma_start3A_525 = arith.constant 0 : i32
    %dma_start3A_526 = arith.constant 0 : i32
    %dma_start3A_527 = arith.constant 0 : i32
    %dma_start3A_528 = tpu.memref_slice %arg6[%dma_start3A_525, %dma_start3A_526, %dma_start3A_527] : memref<3x8x4096xf32, #tpu.memory_space<vmem>> -> memref<1x8x4096xf32, #tpu.memory_space<vmem>>
    %dma_start3A_529 = tpu.memref_squeeze %dma_start3A_528 : memref<1x8x4096xf32, #tpu.memory_space<vmem>> -> memref<8x4096xf32, #tpu.memory_space<vmem>>
    %dma_start3A_530 = arith.constant 0 : i32
    %dma_start3A_531 = tpu.memref_slice %arg4[%add3A_524, %dma_start3A_530] : memref<8192x4096xf32, #tpu.memory_space<hbm>> -> memref<8x4096xf32, #tpu.memory_space<hbm>>
    %dma_start3A_532 = arith.constant 0 : i32
    %dma_start3A_533 = tpu.memref_slice %arg4[%add3A_524, %dma_start3A_532] : memref<8192x4096xf32, #tpu.memory_space<hbm>> -> memref<8x4096xf32, #tpu.memory_space<hbm>>
    %dma_start3A_534 = arith.constant 0 : i32
    %dma_start3A_535 = arith.constant 0 : i32
    %dma_start3A_536 = tpu.memref_slice %arg6[%dma_start3A_525, %dma_start3A_534, %dma_start3A_535] : memref<3x8x4096xf32, #tpu.memory_space<vmem>> -> memref<1x8x4096xf32, #tpu.memory_space<vmem>>
    %dma_start3A_537 = tpu.memref_squeeze %dma_start3A_536 : memref<1x8x4096xf32, #tpu.memory_space<vmem>> -> memref<8x4096xf32, #tpu.memory_space<vmem>>
    tpu.enqueue_dma source(%dma_start3A_537 : memref<8x4096xf32, #tpu.memory_space<vmem>>) target(%dma_start3A_533 : memref<8x4096xf32, #tpu.memory_space<hbm>>) target_semaphore(%arg10 : memref<!tpu.dma_semaphore, #tpu.memory_space<semaphore_mem>>)
    %dma_wait3A_538 = arith.constant 0 : i32
    %dma_wait3A_539 = arith.constant 0 : i32
    %dma_wait3A_540 = arith.constant 0 : i32
    %dma_wait3A_541 = tpu.memref_slice %arg6[%dma_wait3A_538, %dma_wait3A_539, %dma_wait3A_540] : memref<3x8x4096xf32, #tpu.memory_space<vmem>> -> memref<1x8x4096xf32, #tpu.memory_space<vmem>>
    %dma_wait3A_542 = tpu.memref_squeeze %dma_wait3A_541 : memref<1x8x4096xf32, #tpu.memory_space<vmem>> -> memref<8x4096xf32, #tpu.memory_space<vmem>>
    %dma_wait3A_543 = arith.constant 0 : i32
    %dma_wait3A_544 = tpu.memref_slice %arg4[%mul3A_2, %dma_wait3A_543] : memref<8192x4096xf32, #tpu.memory_space<hbm>> -> memref<8x4096xf32, #tpu.memory_space<hbm>>
    %dma_wait3A_545 = arith.constant 0 : i32
    %dma_wait3A_546 = tpu.memref_slice %arg4[%mul3A_2, %dma_wait3A_545] : memref<8192x4096xf32, #tpu.memory_space<hbm>> -> memref<8x4096xf32, #tpu.memory_space<hbm>>
    %dma_wait3A_547 = arith.constant 0 : i32
    %dma_wait3A_548 = arith.constant 0 : i32
    %dma_wait3A_549 = tpu.memref_slice %arg6[%dma_wait3A_538, %dma_wait3A_547, %dma_wait3A_548] : memref<3x8x4096xf32, #tpu.memory_space<vmem>> -> memref<1x8x4096xf32, #tpu.memory_space<vmem>>
    %dma_wait3A_550 = tpu.memref_squeeze %dma_wait3A_549 : memref<1x8x4096xf32, #tpu.memory_space<vmem>> -> memref<8x4096xf32, #tpu.memory_space<vmem>>
    tpu.wait_dma2 semaphore(%arg10 : memref<!tpu.dma_semaphore, #tpu.memory_space<semaphore_mem>>) src(%dma_wait3A_550 : memref<8x4096xf32, #tpu.memory_space<vmem>>) dst(%dma_wait3A_546 : memref<8x4096xf32, #tpu.memory_space<hbm>>)
    %dma_start3A_551 = arith.constant 0 : i32
    %dma_start3A_552 = arith.constant 0 : i32
    %dma_start3A_553 = arith.constant 0 : i32
    %dma_start3A_554 = tpu.memref_slice %arg6[%dma_start3A_551, %dma_start3A_552, %dma_start3A_553] : memref<3x8x4096xf32, #tpu.memory_space<vmem>> -> memref<1x8x4096xf32, #tpu.memory_space<vmem>>
    %dma_start3A_555 = tpu.memref_squeeze %dma_start3A_554 : memref<1x8x4096xf32, #tpu.memory_space<vmem>> -> memref<8x4096xf32, #tpu.memory_space<vmem>>
    %dma_start3A_556 = arith.constant 96 : i32
    %dma_start3A_557 = tpu.memref_slice %arg5[%dma_start3A_556] : memref<256xi32, #tpu.memory_space<vmem>> -> memref<8xi32, #tpu.memory_space<vmem>>
    %dma_start3A_558 = arith.constant 0 : i32
    %dma_start3A_559 = arith.constant 0 : i32
    %dma_start3A_560 = tpu.memref_slice %arg3[%dma_start3A_558, %dma_start3A_559] : memref<65024x4096xf32, #tpu.memory_space<hbm>> -> memref<65024x4096xf32, #tpu.memory_space<hbm>>
    tpu.enqueue_indirect_dma source(%dma_start3A_560 : memref<65024x4096xf32, #tpu.memory_space<hbm>>) target(%dma_start3A_555 : memref<8x4096xf32, #tpu.memory_space<vmem>>) offsets(%dma_start3A_557 : memref<8xi32, #tpu.memory_space<vmem>>) semaphore(%arg7 : memref<!tpu.dma_semaphore, #tpu.memory_space<semaphore_mem>>)
    %dma_wait3A_561 = arith.constant 1 : i32
    %dma_wait3A_562 = arith.constant 0 : i32
    %dma_wait3A_563 = arith.constant 0 : i32
    %dma_wait3A_564 = tpu.memref_slice %arg6[%dma_wait3A_561, %dma_wait3A_562, %dma_wait3A_563] : memref<3x8x4096xf32, #tpu.memory_space<vmem>> -> memref<1x8x4096xf32, #tpu.memory_space<vmem>>
    %dma_wait3A_565 = tpu.memref_squeeze %dma_wait3A_564 : memref<1x8x4096xf32, #tpu.memory_space<vmem>> -> memref<8x4096xf32, #tpu.memory_space<vmem>>
    %dma_wait3A_566 = arith.constant 0 : i32
    %dma_wait3A_567 = arith.constant 0 : i32
    %dma_wait3A_568 = tpu.memref_slice %arg3[%dma_wait3A_566, %dma_wait3A_567] : memref<65024x4096xf32, #tpu.memory_space<hbm>> -> memref<8x4096xf32, #tpu.memory_space<hbm>>
    %dma_wait3A_569 = arith.constant 0 : i32
    %dma_wait3A_570 = arith.constant 0 : i32
    %dma_wait3A_571 = tpu.memref_slice %arg6[%dma_wait3A_561, %dma_wait3A_569, %dma_wait3A_570] : memref<3x8x4096xf32, #tpu.memory_space<vmem>> -> memref<1x8x4096xf32, #tpu.memory_space<vmem>>
    %dma_wait3A_572 = tpu.memref_squeeze %dma_wait3A_571 : memref<1x8x4096xf32, #tpu.memory_space<vmem>> -> memref<8x4096xf32, #tpu.memory_space<vmem>>
    %dma_wait3A_573 = arith.constant 0 : i32
    %dma_wait3A_574 = arith.constant 0 : i32
    %dma_wait3A_575 = tpu.memref_slice %arg3[%dma_wait3A_573, %dma_wait3A_574] : memref<65024x4096xf32, #tpu.memory_space<hbm>> -> memref<8x4096xf32, #tpu.memory_space<hbm>>
    tpu.wait_dma2 semaphore(%arg8 : memref<!tpu.dma_semaphore, #tpu.memory_space<semaphore_mem>>) src(%dma_wait3A_575 : memref<8x4096xf32, #tpu.memory_space<hbm>>) dst(%dma_wait3A_572 : memref<8x4096xf32, #tpu.memory_space<vmem>>)
    %add3A_576 = arith.constant 80 : i32
    %add3A_577 = arith.addi %mul3A_2, %add3A_576 : i32
    %dma_start3A_578 = arith.constant 1 : i32
    %dma_start3A_579 = arith.constant 0 : i32
    %dma_start3A_580 = arith.constant 0 : i32
    %dma_start3A_581 = tpu.memref_slice %arg6[%dma_start3A_578, %dma_start3A_579, %dma_start3A_580] : memref<3x8x4096xf32, #tpu.memory_space<vmem>> -> memref<1x8x4096xf32, #tpu.memory_space<vmem>>
    %dma_start3A_582 = tpu.memref_squeeze %dma_start3A_581 : memref<1x8x4096xf32, #tpu.memory_space<vmem>> -> memref<8x4096xf32, #tpu.memory_space<vmem>>
    %dma_start3A_583 = arith.constant 0 : i32
    %dma_start3A_584 = tpu.memref_slice %arg4[%add3A_577, %dma_start3A_583] : memref<8192x4096xf32, #tpu.memory_space<hbm>> -> memref<8x4096xf32, #tpu.memory_space<hbm>>
    %dma_start3A_585 = arith.constant 0 : i32
    %dma_start3A_586 = tpu.memref_slice %arg4[%add3A_577, %dma_start3A_585] : memref<8192x4096xf32, #tpu.memory_space<hbm>> -> memref<8x4096xf32, #tpu.memory_space<hbm>>
    %dma_start3A_587 = arith.constant 0 : i32
    %dma_start3A_588 = arith.constant 0 : i32
    %dma_start3A_589 = tpu.memref_slice %arg6[%dma_start3A_578, %dma_start3A_587, %dma_start3A_588] : memref<3x8x4096xf32, #tpu.memory_space<vmem>> -> memref<1x8x4096xf32, #tpu.memory_space<vmem>>
    %dma_start3A_590 = tpu.memref_squeeze %dma_start3A_589 : memref<1x8x4096xf32, #tpu.memory_space<vmem>> -> memref<8x4096xf32, #tpu.memory_space<vmem>>
    tpu.enqueue_dma source(%dma_start3A_590 : memref<8x4096xf32, #tpu.memory_space<vmem>>) target(%dma_start3A_586 : memref<8x4096xf32, #tpu.memory_space<hbm>>) target_semaphore(%arg11 : memref<!tpu.dma_semaphore, #tpu.memory_space<semaphore_mem>>)
    %dma_wait3A_591 = arith.constant 1 : i32
    %dma_wait3A_592 = arith.constant 0 : i32
    %dma_wait3A_593 = arith.constant 0 : i32
    %dma_wait3A_594 = tpu.memref_slice %arg6[%dma_wait3A_591, %dma_wait3A_592, %dma_wait3A_593] : memref<3x8x4096xf32, #tpu.memory_space<vmem>> -> memref<1x8x4096xf32, #tpu.memory_space<vmem>>
    %dma_wait3A_595 = tpu.memref_squeeze %dma_wait3A_594 : memref<1x8x4096xf32, #tpu.memory_space<vmem>> -> memref<8x4096xf32, #tpu.memory_space<vmem>>
    %dma_wait3A_596 = arith.constant 0 : i32
    %dma_wait3A_597 = tpu.memref_slice %arg4[%mul3A_2, %dma_wait3A_596] : memref<8192x4096xf32, #tpu.memory_space<hbm>> -> memref<8x4096xf32, #tpu.memory_space<hbm>>
    %dma_wait3A_598 = arith.constant 0 : i32
    %dma_wait3A_599 = tpu.memref_slice %arg4[%mul3A_2, %dma_wait3A_598] : memref<8192x4096xf32, #tpu.memory_space<hbm>> -> memref<8x4096xf32, #tpu.memory_space<hbm>>
    %dma_wait3A_600 = arith.constant 0 : i32
    %dma_wait3A_601 = arith.constant 0 : i32
    %dma_wait3A_602 = tpu.memref_slice %arg6[%dma_wait3A_591, %dma_wait3A_600, %dma_wait3A_601] : memref<3x8x4096xf32, #tpu.memory_space<vmem>> -> memref<1x8x4096xf32, #tpu.memory_space<vmem>>
    %dma_wait3A_603 = tpu.memref_squeeze %dma_wait3A_602 : memref<1x8x4096xf32, #tpu.memory_space<vmem>> -> memref<8x4096xf32, #tpu.memory_space<vmem>>
    tpu.wait_dma2 semaphore(%arg11 : memref<!tpu.dma_semaphore, #tpu.memory_space<semaphore_mem>>) src(%dma_wait3A_603 : memref<8x4096xf32, #tpu.memory_space<vmem>>) dst(%dma_wait3A_599 : memref<8x4096xf32, #tpu.memory_space<hbm>>)
    %dma_start3A_604 = arith.constant 1 : i32
    %dma_start3A_605 = arith.constant 0 : i32
    %dma_start3A_606 = arith.constant 0 : i32
    %dma_start3A_607 = tpu.memref_slice %arg6[%dma_start3A_604, %dma_start3A_605, %dma_start3A_606] : memref<3x8x4096xf32, #tpu.memory_space<vmem>> -> memref<1x8x4096xf32, #tpu.memory_space<vmem>>
    %dma_start3A_608 = tpu.memref_squeeze %dma_start3A_607 : memref<1x8x4096xf32, #tpu.memory_space<vmem>> -> memref<8x4096xf32, #tpu.memory_space<vmem>>
    %dma_start3A_609 = arith.constant 104 : i32
    %dma_start3A_610 = tpu.memref_slice %arg5[%dma_start3A_609] : memref<256xi32, #tpu.memory_space<vmem>> -> memref<8xi32, #tpu.memory_space<vmem>>
    %dma_start3A_611 = arith.constant 0 : i32
    %dma_start3A_612 = arith.constant 0 : i32
    %dma_start3A_613 = tpu.memref_slice %arg3[%dma_start3A_611, %dma_start3A_612] : memref<65024x4096xf32, #tpu.memory_space<hbm>> -> memref<65024x4096xf32, #tpu.memory_space<hbm>>
    tpu.enqueue_indirect_dma source(%dma_start3A_613 : memref<65024x4096xf32, #tpu.memory_space<hbm>>) target(%dma_start3A_608 : memref<8x4096xf32, #tpu.memory_space<vmem>>) offsets(%dma_start3A_610 : memref<8xi32, #tpu.memory_space<vmem>>) semaphore(%arg8 : memref<!tpu.dma_semaphore, #tpu.memory_space<semaphore_mem>>)
    %dma_wait3A_614 = arith.constant 2 : i32
    %dma_wait3A_615 = arith.constant 0 : i32
    %dma_wait3A_616 = arith.constant 0 : i32
    %dma_wait3A_617 = tpu.memref_slice %arg6[%dma_wait3A_614, %dma_wait3A_615, %dma_wait3A_616] : memref<3x8x4096xf32, #tpu.memory_space<vmem>> -> memref<1x8x4096xf32, #tpu.memory_space<vmem>>
    %dma_wait3A_618 = tpu.memref_squeeze %dma_wait3A_617 : memref<1x8x4096xf32, #tpu.memory_space<vmem>> -> memref<8x4096xf32, #tpu.memory_space<vmem>>
    %dma_wait3A_619 = arith.constant 0 : i32
    %dma_wait3A_620 = arith.constant 0 : i32
    %dma_wait3A_621 = tpu.memref_slice %arg3[%dma_wait3A_619, %dma_wait3A_620] : memref<65024x4096xf32, #tpu.memory_space<hbm>> -> memref<8x4096xf32, #tpu.memory_space<hbm>>
    %dma_wait3A_622 = arith.constant 0 : i32
    %dma_wait3A_623 = arith.constant 0 : i32
    %dma_wait3A_624 = tpu.memref_slice %arg6[%dma_wait3A_614, %dma_wait3A_622, %dma_wait3A_623] : memref<3x8x4096xf32, #tpu.memory_space<vmem>> -> memref<1x8x4096xf32, #tpu.memory_space<vmem>>
    %dma_wait3A_625 = tpu.memref_squeeze %dma_wait3A_624 : memref<1x8x4096xf32, #tpu.memory_space<vmem>> -> memref<8x4096xf32, #tpu.memory_space<vmem>>
    %dma_wait3A_626 = arith.constant 0 : i32
    %dma_wait3A_627 = arith.constant 0 : i32
    %dma_wait3A_628 = tpu.memref_slice %arg3[%dma_wait3A_626, %dma_wait3A_627] : memref<65024x4096xf32, #tpu.memory_space<hbm>> -> memref<8x4096xf32, #tpu.memory_space<hbm>>
    tpu.wait_dma2 semaphore(%arg9 : memref<!tpu.dma_semaphore, #tpu.memory_space<semaphore_mem>>) src(%dma_wait3A_628 : memref<8x4096xf32, #tpu.memory_space<hbm>>) dst(%dma_wait3A_625 : memref<8x4096xf32, #tpu.memory_space<vmem>>)
    %add3A_629 = arith.constant 88 : i32
    %add3A_630 = arith.addi %mul3A_2, %add3A_629 : i32
    %dma_start3A_631 = arith.constant 2 : i32
    %dma_start3A_632 = arith.constant 0 : i32
    %dma_start3A_633 = arith.constant 0 : i32
    %dma_start3A_634 = tpu.memref_slice %arg6[%dma_start3A_631, %dma_start3A_632, %dma_start3A_633] : memref<3x8x4096xf32, #tpu.memory_space<vmem>> -> memref<1x8x4096xf32, #tpu.memory_space<vmem>>
    %dma_start3A_635 = tpu.memref_squeeze %dma_start3A_634 : memref<1x8x4096xf32, #tpu.memory_space<vmem>> -> memref<8x4096xf32, #tpu.memory_space<vmem>>
    %dma_start3A_636 = arith.constant 0 : i32
    %dma_start3A_637 = tpu.memref_slice %arg4[%add3A_630, %dma_start3A_636] : memref<8192x4096xf32, #tpu.memory_space<hbm>> -> memref<8x4096xf32, #tpu.memory_space<hbm>>
    %dma_start3A_638 = arith.constant 0 : i32
    %dma_start3A_639 = tpu.memref_slice %arg4[%add3A_630, %dma_start3A_638] : memref<8192x4096xf32, #tpu.memory_space<hbm>> -> memref<8x4096xf32, #tpu.memory_space<hbm>>
    %dma_start3A_640 = arith.constant 0 : i32
    %dma_start3A_641 = arith.constant 0 : i32
    %dma_start3A_642 = tpu.memref_slice %arg6[%dma_start3A_631, %dma_start3A_640, %dma_start3A_641] : memref<3x8x4096xf32, #tpu.memory_space<vmem>> -> memref<1x8x4096xf32, #tpu.memory_space<vmem>>
    %dma_start3A_643 = tpu.memref_squeeze %dma_start3A_642 : memref<1x8x4096xf32, #tpu.memory_space<vmem>> -> memref<8x4096xf32, #tpu.memory_space<vmem>>
    tpu.enqueue_dma source(%dma_start3A_643 : memref<8x4096xf32, #tpu.memory_space<vmem>>) target(%dma_start3A_639 : memref<8x4096xf32, #tpu.memory_space<hbm>>) target_semaphore(%arg12 : memref<!tpu.dma_semaphore, #tpu.memory_space<semaphore_mem>>)
    %dma_wait3A_644 = arith.constant 2 : i32
    %dma_wait3A_645 = arith.constant 0 : i32
    %dma_wait3A_646 = arith.constant 0 : i32
    %dma_wait3A_647 = tpu.memref_slice %arg6[%dma_wait3A_644, %dma_wait3A_645, %dma_wait3A_646] : memref<3x8x4096xf32, #tpu.memory_space<vmem>> -> memref<1x8x4096xf32, #tpu.memory_space<vmem>>
    %dma_wait3A_648 = tpu.memref_squeeze %dma_wait3A_647 : memref<1x8x4096xf32, #tpu.memory_space<vmem>> -> memref<8x4096xf32, #tpu.memory_space<vmem>>
    %dma_wait3A_649 = arith.constant 0 : i32
    %dma_wait3A_650 = tpu.memref_slice %arg4[%mul3A_2, %dma_wait3A_649] : memref<8192x4096xf32, #tpu.memory_space<hbm>> -> memref<8x4096xf32, #tpu.memory_space<hbm>>
    %dma_wait3A_651 = arith.constant 0 : i32
    %dma_wait3A_652 = tpu.memref_slice %arg4[%mul3A_2, %dma_wait3A_651] : memref<8192x4096xf32, #tpu.memory_space<hbm>> -> memref<8x4096xf32, #tpu.memory_space<hbm>>
    %dma_wait3A_653 = arith.constant 0 : i32
    %dma_wait3A_654 = arith.constant 0 : i32
    %dma_wait3A_655 = tpu.memref_slice %arg6[%dma_wait3A_644, %dma_wait3A_653, %dma_wait3A_654] : memref<3x8x4096xf32, #tpu.memory_space<vmem>> -> memref<1x8x4096xf32, #tpu.memory_space<vmem>>
    %dma_wait3A_656 = tpu.memref_squeeze %dma_wait3A_655 : memref<1x8x4096xf32, #tpu.memory_space<vmem>> -> memref<8x4096xf32, #tpu.memory_space<vmem>>
    tpu.wait_dma2 semaphore(%arg12 : memref<!tpu.dma_semaphore, #tpu.memory_space<semaphore_mem>>) src(%dma_wait3A_656 : memref<8x4096xf32, #tpu.memory_space<vmem>>) dst(%dma_wait3A_652 : memref<8x4096xf32, #tpu.memory_space<hbm>>)
    %dma_start3A_657 = arith.constant 2 : i32
    %dma_start3A_658 = arith.constant 0 : i32
    %dma_start3A_659 = arith.constant 0 : i32
    %dma_start3A_660 = tpu.memref_slice %arg6[%dma_start3A_657, %dma_start3A_658, %dma_start3A_659] : memref<3x8x4096xf32, #tpu.memory_space<vmem>> -> memref<1x8x4096xf32, #tpu.memory_space<vmem>>
    %dma_start3A_661 = tpu.memref_squeeze %dma_start3A_660 : memref<1x8x4096xf32, #tpu.memory_space<vmem>> -> memref<8x4096xf32, #tpu.memory_space<vmem>>
    %dma_start3A_662 = arith.constant 112 : i32
    %dma_start3A_663 = tpu.memref_slice %arg5[%dma_start3A_662] : memref<256xi32, #tpu.memory_space<vmem>> -> memref<8xi32, #tpu.memory_space<vmem>>
    %dma_start3A_664 = arith.constant 0 : i32
    %dma_start3A_665 = arith.constant 0 : i32
    %dma_start3A_666 = tpu.memref_slice %arg3[%dma_start3A_664, %dma_start3A_665] : memref<65024x4096xf32, #tpu.memory_space<hbm>> -> memref<65024x4096xf32, #tpu.memory_space<hbm>>
    tpu.enqueue_indirect_dma source(%dma_start3A_666 : memref<65024x4096xf32, #tpu.memory_space<hbm>>) target(%dma_start3A_661 : memref<8x4096xf32, #tpu.memory_space<vmem>>) offsets(%dma_start3A_663 : memref<8xi32, #tpu.memory_space<vmem>>) semaphore(%arg9 : memref<!tpu.dma_semaphore, #tpu.memory_space<semaphore_mem>>)
    %dma_wait3A_667 = arith.constant 0 : i32
    %dma_wait3A_668 = arith.constant 0 : i32
    %dma_wait3A_669 = arith.constant 0 : i32
    %dma_wait3A_670 = tpu.memref_slice %arg6[%dma_wait3A_667, %dma_wait3A_668, %dma_wait3A_669] : memref<3x8x4096xf32, #tpu.memory_space<vmem>> -> memref<1x8x4096xf32, #tpu.memory_space<vmem>>
    %dma_wait3A_671 = tpu.memref_squeeze %dma_wait3A_670 : memref<1x8x4096xf32, #tpu.memory_space<vmem>> -> memref<8x4096xf32, #tpu.memory_space<vmem>>
    %dma_wait3A_672 = arith.constant 0 : i32
    %dma_wait3A_673 = arith.constant 0 : i32
    %dma_wait3A_674 = tpu.memref_slice %arg3[%dma_wait3A_672, %dma_wait3A_673] : memref<65024x4096xf32, #tpu.memory_space<hbm>> -> memref<8x4096xf32, #tpu.memory_space<hbm>>
    %dma_wait3A_675 = arith.constant 0 : i32
    %dma_wait3A_676 = arith.constant 0 : i32
    %dma_wait3A_677 = tpu.memref_slice %arg6[%dma_wait3A_667, %dma_wait3A_675, %dma_wait3A_676] : memref<3x8x4096xf32, #tpu.memory_space<vmem>> -> memref<1x8x4096xf32, #tpu.memory_space<vmem>>
    %dma_wait3A_678 = tpu.memref_squeeze %dma_wait3A_677 : memref<1x8x4096xf32, #tpu.memory_space<vmem>> -> memref<8x4096xf32, #tpu.memory_space<vmem>>
    %dma_wait3A_679 = arith.constant 0 : i32
    %dma_wait3A_680 = arith.constant 0 : i32
    %dma_wait3A_681 = tpu.memref_slice %arg3[%dma_wait3A_679, %dma_wait3A_680] : memref<65024x4096xf32, #tpu.memory_space<hbm>> -> memref<8x4096xf32, #tpu.memory_space<hbm>>
    tpu.wait_dma2 semaphore(%arg7 : memref<!tpu.dma_semaphore, #tpu.memory_space<semaphore_mem>>) src(%dma_wait3A_681 : memref<8x4096xf32, #tpu.memory_space<hbm>>) dst(%dma_wait3A_678 : memref<8x4096xf32, #tpu.memory_space<vmem>>)
    %add3A_682 = arith.constant 96 : i32
    %add3A_683 = arith.addi %mul3A_2, %add3A_682 : i32
    %dma_start3A_684 = arith.constant 0 : i32
    %dma_start3A_685 = arith.constant 0 : i32
    %dma_start3A_686 = arith.constant 0 : i32
    %dma_start3A_687 = tpu.memref_slice %arg6[%dma_start3A_684, %dma_start3A_685, %dma_start3A_686] : memref<3x8x4096xf32, #tpu.memory_space<vmem>> -> memref<1x8x4096xf32, #tpu.memory_space<vmem>>
    %dma_start3A_688 = tpu.memref_squeeze %dma_start3A_687 : memref<1x8x4096xf32, #tpu.memory_space<vmem>> -> memref<8x4096xf32, #tpu.memory_space<vmem>>
    %dma_start3A_689 = arith.constant 0 : i32
    %dma_start3A_690 = tpu.memref_slice %arg4[%add3A_683, %dma_start3A_689] : memref<8192x4096xf32, #tpu.memory_space<hbm>> -> memref<8x4096xf32, #tpu.memory_space<hbm>>
    %dma_start3A_691 = arith.constant 0 : i32
    %dma_start3A_692 = tpu.memref_slice %arg4[%add3A_683, %dma_start3A_691] : memref<8192x4096xf32, #tpu.memory_space<hbm>> -> memref<8x4096xf32, #tpu.memory_space<hbm>>
    %dma_start3A_693 = arith.constant 0 : i32
    %dma_start3A_694 = arith.constant 0 : i32
    %dma_start3A_695 = tpu.memref_slice %arg6[%dma_start3A_684, %dma_start3A_693, %dma_start3A_694] : memref<3x8x4096xf32, #tpu.memory_space<vmem>> -> memref<1x8x4096xf32, #tpu.memory_space<vmem>>
    %dma_start3A_696 = tpu.memref_squeeze %dma_start3A_695 : memref<1x8x4096xf32, #tpu.memory_space<vmem>> -> memref<8x4096xf32, #tpu.memory_space<vmem>>
    tpu.enqueue_dma source(%dma_start3A_696 : memref<8x4096xf32, #tpu.memory_space<vmem>>) target(%dma_start3A_692 : memref<8x4096xf32, #tpu.memory_space<hbm>>) target_semaphore(%arg10 : memref<!tpu.dma_semaphore, #tpu.memory_space<semaphore_mem>>)
    %dma_wait3A_697 = arith.constant 0 : i32
    %dma_wait3A_698 = arith.constant 0 : i32
    %dma_wait3A_699 = arith.constant 0 : i32
    %dma_wait3A_700 = tpu.memref_slice %arg6[%dma_wait3A_697, %dma_wait3A_698, %dma_wait3A_699] : memref<3x8x4096xf32, #tpu.memory_space<vmem>> -> memref<1x8x4096xf32, #tpu.memory_space<vmem>>
    %dma_wait3A_701 = tpu.memref_squeeze %dma_wait3A_700 : memref<1x8x4096xf32, #tpu.memory_space<vmem>> -> memref<8x4096xf32, #tpu.memory_space<vmem>>
    %dma_wait3A_702 = arith.constant 0 : i32
    %dma_wait3A_703 = tpu.memref_slice %arg4[%mul3A_2, %dma_wait3A_702] : memref<8192x4096xf32, #tpu.memory_space<hbm>> -> memref<8x4096xf32, #tpu.memory_space<hbm>>
    %dma_wait3A_704 = arith.constant 0 : i32
    %dma_wait3A_705 = tpu.memref_slice %arg4[%mul3A_2, %dma_wait3A_704] : memref<8192x4096xf32, #tpu.memory_space<hbm>> -> memref<8x4096xf32, #tpu.memory_space<hbm>>
    %dma_wait3A_706 = arith.constant 0 : i32
    %dma_wait3A_707 = arith.constant 0 : i32
    %dma_wait3A_708 = tpu.memref_slice %arg6[%dma_wait3A_697, %dma_wait3A_706, %dma_wait3A_707] : memref<3x8x4096xf32, #tpu.memory_space<vmem>> -> memref<1x8x4096xf32, #tpu.memory_space<vmem>>
    %dma_wait3A_709 = tpu.memref_squeeze %dma_wait3A_708 : memref<1x8x4096xf32, #tpu.memory_space<vmem>> -> memref<8x4096xf32, #tpu.memory_space<vmem>>
    tpu.wait_dma2 semaphore(%arg10 : memref<!tpu.dma_semaphore, #tpu.memory_space<semaphore_mem>>) src(%dma_wait3A_709 : memref<8x4096xf32, #tpu.memory_space<vmem>>) dst(%dma_wait3A_705 : memref<8x4096xf32, #tpu.memory_space<hbm>>)
    %dma_start3A_710 = arith.constant 0 : i32
    %dma_start3A_711 = arith.constant 0 : i32
    %dma_start3A_712 = arith.constant 0 : i32
    %dma_start3A_713 = tpu.memref_slice %arg6[%dma_start3A_710, %dma_start3A_711, %dma_start3A_712] : memref<3x8x4096xf32, #tpu.memory_space<vmem>> -> memref<1x8x4096xf32, #tpu.memory_space<vmem>>
    %dma_start3A_714 = tpu.memref_squeeze %dma_start3A_713 : memref<1x8x4096xf32, #tpu.memory_space<vmem>> -> memref<8x4096xf32, #tpu.memory_space<vmem>>
    %dma_start3A_715 = arith.constant 120 : i32
    %dma_start3A_716 = tpu.memref_slice %arg5[%dma_start3A_715] : memref<256xi32, #tpu.memory_space<vmem>> -> memref<8xi32, #tpu.memory_space<vmem>>
    %dma_start3A_717 = arith.constant 0 : i32
    %dma_start3A_718 = arith.constant 0 : i32
    %dma_start3A_719 = tpu.memref_slice %arg3[%dma_start3A_717, %dma_start3A_718] : memref<65024x4096xf32, #tpu.memory_space<hbm>> -> memref<65024x4096xf32, #tpu.memory_space<hbm>>
    tpu.enqueue_indirect_dma source(%dma_start3A_719 : memref<65024x4096xf32, #tpu.memory_space<hbm>>) target(%dma_start3A_714 : memref<8x4096xf32, #tpu.memory_space<vmem>>) offsets(%dma_start3A_716 : memref<8xi32, #tpu.memory_space<vmem>>) semaphore(%arg7 : memref<!tpu.dma_semaphore, #tpu.memory_space<semaphore_mem>>)
    %dma_wait3A_720 = arith.constant 1 : i32
    %dma_wait3A_721 = arith.constant 0 : i32
    %dma_wait3A_722 = arith.constant 0 : i32
    %dma_wait3A_723 = tpu.memref_slice %arg6[%dma_wait3A_720, %dma_wait3A_721, %dma_wait3A_722] : memref<3x8x4096xf32, #tpu.memory_space<vmem>> -> memref<1x8x4096xf32, #tpu.memory_space<vmem>>
    %dma_wait3A_724 = tpu.memref_squeeze %dma_wait3A_723 : memref<1x8x4096xf32, #tpu.memory_space<vmem>> -> memref<8x4096xf32, #tpu.memory_space<vmem>>
    %dma_wait3A_725 = arith.constant 0 : i32
    %dma_wait3A_726 = arith.constant 0 : i32
    %dma_wait3A_727 = tpu.memref_slice %arg3[%dma_wait3A_725, %dma_wait3A_726] : memref<65024x4096xf32, #tpu.memory_space<hbm>> -> memref<8x4096xf32, #tpu.memory_space<hbm>>
    %dma_wait3A_728 = arith.constant 0 : i32
    %dma_wait3A_729 = arith.constant 0 : i32
    %dma_wait3A_730 = tpu.memref_slice %arg6[%dma_wait3A_720, %dma_wait3A_728, %dma_wait3A_729] : memref<3x8x4096xf32, #tpu.memory_space<vmem>> -> memref<1x8x4096xf32, #tpu.memory_space<vmem>>
    %dma_wait3A_731 = tpu.memref_squeeze %dma_wait3A_730 : memref<1x8x4096xf32, #tpu.memory_space<vmem>> -> memref<8x4096xf32, #tpu.memory_space<vmem>>
    %dma_wait3A_732 = arith.constant 0 : i32
    %dma_wait3A_733 = arith.constant 0 : i32
    %dma_wait3A_734 = tpu.memref_slice %arg3[%dma_wait3A_732, %dma_wait3A_733] : memref<65024x4096xf32, #tpu.memory_space<hbm>> -> memref<8x4096xf32, #tpu.memory_space<hbm>>
    tpu.wait_dma2 semaphore(%arg8 : memref<!tpu.dma_semaphore, #tpu.memory_space<semaphore_mem>>) src(%dma_wait3A_734 : memref<8x4096xf32, #tpu.memory_space<hbm>>) dst(%dma_wait3A_731 : memref<8x4096xf32, #tpu.memory_space<vmem>>)
    %add3A_735 = arith.constant 104 : i32
    %add3A_736 = arith.addi %mul3A_2, %add3A_735 : i32
    %dma_start3A_737 = arith.constant 1 : i32
    %dma_start3A_738 = arith.constant 0 : i32
    %dma_start3A_739 = arith.constant 0 : i32
    %dma_start3A_740 = tpu.memref_slice %arg6[%dma_start3A_737, %dma_start3A_738, %dma_start3A_739] : memref<3x8x4096xf32, #tpu.memory_space<vmem>> -> memref<1x8x4096xf32, #tpu.memory_space<vmem>>
    %dma_start3A_741 = tpu.memref_squeeze %dma_start3A_740 : memref<1x8x4096xf32, #tpu.memory_space<vmem>> -> memref<8x4096xf32, #tpu.memory_space<vmem>>
    %dma_start3A_742 = arith.constant 0 : i32
    %dma_start3A_743 = tpu.memref_slice %arg4[%add3A_736, %dma_start3A_742] : memref<8192x4096xf32, #tpu.memory_space<hbm>> -> memref<8x4096xf32, #tpu.memory_space<hbm>>
    %dma_start3A_744 = arith.constant 0 : i32
    %dma_start3A_745 = tpu.memref_slice %arg4[%add3A_736, %dma_start3A_744] : memref<8192x4096xf32, #tpu.memory_space<hbm>> -> memref<8x4096xf32, #tpu.memory_space<hbm>>
    %dma_start3A_746 = arith.constant 0 : i32
    %dma_start3A_747 = arith.constant 0 : i32
    %dma_start3A_748 = tpu.memref_slice %arg6[%dma_start3A_737, %dma_start3A_746, %dma_start3A_747] : memref<3x8x4096xf32, #tpu.memory_space<vmem>> -> memref<1x8x4096xf32, #tpu.memory_space<vmem>>
    %dma_start3A_749 = tpu.memref_squeeze %dma_start3A_748 : memref<1x8x4096xf32, #tpu.memory_space<vmem>> -> memref<8x4096xf32, #tpu.memory_space<vmem>>
    tpu.enqueue_dma source(%dma_start3A_749 : memref<8x4096xf32, #tpu.memory_space<vmem>>) target(%dma_start3A_745 : memref<8x4096xf32, #tpu.memory_space<hbm>>) target_semaphore(%arg11 : memref<!tpu.dma_semaphore, #tpu.memory_space<semaphore_mem>>)
    %dma_wait3A_750 = arith.constant 1 : i32
    %dma_wait3A_751 = arith.constant 0 : i32
    %dma_wait3A_752 = arith.constant 0 : i32
    %dma_wait3A_753 = tpu.memref_slice %arg6[%dma_wait3A_750, %dma_wait3A_751, %dma_wait3A_752] : memref<3x8x4096xf32, #tpu.memory_space<vmem>> -> memref<1x8x4096xf32, #tpu.memory_space<vmem>>
    %dma_wait3A_754 = tpu.memref_squeeze %dma_wait3A_753 : memref<1x8x4096xf32, #tpu.memory_space<vmem>> -> memref<8x4096xf32, #tpu.memory_space<vmem>>
    %dma_wait3A_755 = arith.constant 0 : i32
    %dma_wait3A_756 = tpu.memref_slice %arg4[%mul3A_2, %dma_wait3A_755] : memref<8192x4096xf32, #tpu.memory_space<hbm>> -> memref<8x4096xf32, #tpu.memory_space<hbm>>
    %dma_wait3A_757 = arith.constant 0 : i32
    %dma_wait3A_758 = tpu.memref_slice %arg4[%mul3A_2, %dma_wait3A_757] : memref<8192x4096xf32, #tpu.memory_space<hbm>> -> memref<8x4096xf32, #tpu.memory_space<hbm>>
    %dma_wait3A_759 = arith.constant 0 : i32
    %dma_wait3A_760 = arith.constant 0 : i32
    %dma_wait3A_761 = tpu.memref_slice %arg6[%dma_wait3A_750, %dma_wait3A_759, %dma_wait3A_760] : memref<3x8x4096xf32, #tpu.memory_space<vmem>> -> memref<1x8x4096xf32, #tpu.memory_space<vmem>>
    %dma_wait3A_762 = tpu.memref_squeeze %dma_wait3A_761 : memref<1x8x4096xf32, #tpu.memory_space<vmem>> -> memref<8x4096xf32, #tpu.memory_space<vmem>>
    tpu.wait_dma2 semaphore(%arg11 : memref<!tpu.dma_semaphore, #tpu.memory_space<semaphore_mem>>) src(%dma_wait3A_762 : memref<8x4096xf32, #tpu.memory_space<vmem>>) dst(%dma_wait3A_758 : memref<8x4096xf32, #tpu.memory_space<hbm>>)
    %dma_start3A_763 = arith.constant 1 : i32
    %dma_start3A_764 = arith.constant 0 : i32
    %dma_start3A_765 = arith.constant 0 : i32
    %dma_start3A_766 = tpu.memref_slice %arg6[%dma_start3A_763, %dma_start3A_764, %dma_start3A_765] : memref<3x8x4096xf32, #tpu.memory_space<vmem>> -> memref<1x8x4096xf32, #tpu.memory_space<vmem>>
    %dma_start3A_767 = tpu.memref_squeeze %dma_start3A_766 : memref<1x8x4096xf32, #tpu.memory_space<vmem>> -> memref<8x4096xf32, #tpu.memory_space<vmem>>
    %dma_start3A_768 = arith.constant 128 : i32
    %dma_start3A_769 = tpu.memref_slice %arg5[%dma_start3A_768] : memref<256xi32, #tpu.memory_space<vmem>> -> memref<8xi32, #tpu.memory_space<vmem>>
    %dma_start3A_770 = arith.constant 0 : i32
    %dma_start3A_771 = arith.constant 0 : i32
    %dma_start3A_772 = tpu.memref_slice %arg3[%dma_start3A_770, %dma_start3A_771] : memref<65024x4096xf32, #tpu.memory_space<hbm>> -> memref<65024x4096xf32, #tpu.memory_space<hbm>>
    tpu.enqueue_indirect_dma source(%dma_start3A_772 : memref<65024x4096xf32, #tpu.memory_space<hbm>>) target(%dma_start3A_767 : memref<8x4096xf32, #tpu.memory_space<vmem>>) offsets(%dma_start3A_769 : memref<8xi32, #tpu.memory_space<vmem>>) semaphore(%arg8 : memref<!tpu.dma_semaphore, #tpu.memory_space<semaphore_mem>>)
    %dma_wait3A_773 = arith.constant 2 : i32
    %dma_wait3A_774 = arith.constant 0 : i32
    %dma_wait3A_775 = arith.constant 0 : i32
    %dma_wait3A_776 = tpu.memref_slice %arg6[%dma_wait3A_773, %dma_wait3A_774, %dma_wait3A_775] : memref<3x8x4096xf32, #tpu.memory_space<vmem>> -> memref<1x8x4096xf32, #tpu.memory_space<vmem>>
    %dma_wait3A_777 = tpu.memref_squeeze %dma_wait3A_776 : memref<1x8x4096xf32, #tpu.memory_space<vmem>> -> memref<8x4096xf32, #tpu.memory_space<vmem>>
    %dma_wait3A_778 = arith.constant 0 : i32
    %dma_wait3A_779 = arith.constant 0 : i32
    %dma_wait3A_780 = tpu.memref_slice %arg3[%dma_wait3A_778, %dma_wait3A_779] : memref<65024x4096xf32, #tpu.memory_space<hbm>> -> memref<8x4096xf32, #tpu.memory_space<hbm>>
    %dma_wait3A_781 = arith.constant 0 : i32
    %dma_wait3A_782 = arith.constant 0 : i32
    %dma_wait3A_783 = tpu.memref_slice %arg6[%dma_wait3A_773, %dma_wait3A_781, %dma_wait3A_782] : memref<3x8x4096xf32, #tpu.memory_space<vmem>> -> memref<1x8x4096xf32, #tpu.memory_space<vmem>>
    %dma_wait3A_784 = tpu.memref_squeeze %dma_wait3A_783 : memref<1x8x4096xf32, #tpu.memory_space<vmem>> -> memref<8x4096xf32, #tpu.memory_space<vmem>>
    %dma_wait3A_785 = arith.constant 0 : i32
    %dma_wait3A_786 = arith.constant 0 : i32
    %dma_wait3A_787 = tpu.memref_slice %arg3[%dma_wait3A_785, %dma_wait3A_786] : memref<65024x4096xf32, #tpu.memory_space<hbm>> -> memref<8x4096xf32, #tpu.memory_space<hbm>>
    tpu.wait_dma2 semaphore(%arg9 : memref<!tpu.dma_semaphore, #tpu.memory_space<semaphore_mem>>) src(%dma_wait3A_787 : memref<8x4096xf32, #tpu.memory_space<hbm>>) dst(%dma_wait3A_784 : memref<8x4096xf32, #tpu.memory_space<vmem>>)
    %add3A_788 = arith.constant 112 : i32
    %add3A_789 = arith.addi %mul3A_2, %add3A_788 : i32
    %dma_start3A_790 = arith.constant 2 : i32
    %dma_start3A_791 = arith.constant 0 : i32
    %dma_start3A_792 = arith.constant 0 : i32
    %dma_start3A_793 = tpu.memref_slice %arg6[%dma_start3A_790, %dma_start3A_791, %dma_start3A_792] : memref<3x8x4096xf32, #tpu.memory_space<vmem>> -> memref<1x8x4096xf32, #tpu.memory_space<vmem>>
    %dma_start3A_794 = tpu.memref_squeeze %dma_start3A_793 : memref<1x8x4096xf32, #tpu.memory_space<vmem>> -> memref<8x4096xf32, #tpu.memory_space<vmem>>
    %dma_start3A_795 = arith.constant 0 : i32
    %dma_start3A_796 = tpu.memref_slice %arg4[%add3A_789, %dma_start3A_795] : memref<8192x4096xf32, #tpu.memory_space<hbm>> -> memref<8x4096xf32, #tpu.memory_space<hbm>>
    %dma_start3A_797 = arith.constant 0 : i32
    %dma_start3A_798 = tpu.memref_slice %arg4[%add3A_789, %dma_start3A_797] : memref<8192x4096xf32, #tpu.memory_space<hbm>> -> memref<8x4096xf32, #tpu.memory_space<hbm>>
    %dma_start3A_799 = arith.constant 0 : i32
    %dma_start3A_800 = arith.constant 0 : i32
    %dma_start3A_801 = tpu.memref_slice %arg6[%dma_start3A_790, %dma_start3A_799, %dma_start3A_800] : memref<3x8x4096xf32, #tpu.memory_space<vmem>> -> memref<1x8x4096xf32, #tpu.memory_space<vmem>>
    %dma_start3A_802 = tpu.memref_squeeze %dma_start3A_801 : memref<1x8x4096xf32, #tpu.memory_space<vmem>> -> memref<8x4096xf32, #tpu.memory_space<vmem>>
    tpu.enqueue_dma source(%dma_start3A_802 : memref<8x4096xf32, #tpu.memory_space<vmem>>) target(%dma_start3A_798 : memref<8x4096xf32, #tpu.memory_space<hbm>>) target_semaphore(%arg12 : memref<!tpu.dma_semaphore, #tpu.memory_space<semaphore_mem>>)
    %dma_wait3A_803 = arith.constant 2 : i32
    %dma_wait3A_804 = arith.constant 0 : i32
    %dma_wait3A_805 = arith.constant 0 : i32
    %dma_wait3A_806 = tpu.memref_slice %arg6[%dma_wait3A_803, %dma_wait3A_804, %dma_wait3A_805] : memref<3x8x4096xf32, #tpu.memory_space<vmem>> -> memref<1x8x4096xf32, #tpu.memory_space<vmem>>
    %dma_wait3A_807 = tpu.memref_squeeze %dma_wait3A_806 : memref<1x8x4096xf32, #tpu.memory_space<vmem>> -> memref<8x4096xf32, #tpu.memory_space<vmem>>
    %dma_wait3A_808 = arith.constant 0 : i32
    %dma_wait3A_809 = tpu.memref_slice %arg4[%mul3A_2, %dma_wait3A_808] : memref<8192x4096xf32, #tpu.memory_space<hbm>> -> memref<8x4096xf32, #tpu.memory_space<hbm>>
    %dma_wait3A_810 = arith.constant 0 : i32
    %dma_wait3A_811 = tpu.memref_slice %arg4[%mul3A_2, %dma_wait3A_810] : memref<8192x4096xf32, #tpu.memory_space<hbm>> -> memref<8x4096xf32, #tpu.memory_space<hbm>>
    %dma_wait3A_812 = arith.constant 0 : i32
    %dma_wait3A_813 = arith.constant 0 : i32
    %dma_wait3A_814 = tpu.memref_slice %arg6[%dma_wait3A_803, %dma_wait3A_812, %dma_wait3A_813] : memref<3x8x4096xf32, #tpu.memory_space<vmem>> -> memref<1x8x4096xf32, #tpu.memory_space<vmem>>
    %dma_wait3A_815 = tpu.memref_squeeze %dma_wait3A_814 : memref<1x8x4096xf32, #tpu.memory_space<vmem>> -> memref<8x4096xf32, #tpu.memory_space<vmem>>
    tpu.wait_dma2 semaphore(%arg12 : memref<!tpu.dma_semaphore, #tpu.memory_space<semaphore_mem>>) src(%dma_wait3A_815 : memref<8x4096xf32, #tpu.memory_space<vmem>>) dst(%dma_wait3A_811 : memref<8x4096xf32, #tpu.memory_space<hbm>>)
    %dma_start3A_816 = arith.constant 2 : i32
    %dma_start3A_817 = arith.constant 0 : i32
    %dma_start3A_818 = arith.constant 0 : i32
    %dma_start3A_819 = tpu.memref_slice %arg6[%dma_start3A_816, %dma_start3A_817, %dma_start3A_818] : memref<3x8x4096xf32, #tpu.memory_space<vmem>> -> memref<1x8x4096xf32, #tpu.memory_space<vmem>>
    %dma_start3A_820 = tpu.memref_squeeze %dma_start3A_819 : memref<1x8x4096xf32, #tpu.memory_space<vmem>> -> memref<8x4096xf32, #tpu.memory_space<vmem>>
    %dma_start3A_821 = arith.constant 136 : i32
    %dma_start3A_822 = tpu.memref_slice %arg5[%dma_start3A_821] : memref<256xi32, #tpu.memory_space<vmem>> -> memref<8xi32, #tpu.memory_space<vmem>>
    %dma_start3A_823 = arith.constant 0 : i32
    %dma_start3A_824 = arith.constant 0 : i32
    %dma_start3A_825 = tpu.memref_slice %arg3[%dma_start3A_823, %dma_start3A_824] : memref<65024x4096xf32, #tpu.memory_space<hbm>> -> memref<65024x4096xf32, #tpu.memory_space<hbm>>
    tpu.enqueue_indirect_dma source(%dma_start3A_825 : memref<65024x4096xf32, #tpu.memory_space<hbm>>) target(%dma_start3A_820 : memref<8x4096xf32, #tpu.memory_space<vmem>>) offsets(%dma_start3A_822 : memref<8xi32, #tpu.memory_space<vmem>>) semaphore(%arg9 : memref<!tpu.dma_semaphore, #tpu.memory_space<semaphore_mem>>)
    %dma_wait3A_826 = arith.constant 0 : i32
    %dma_wait3A_827 = arith.constant 0 : i32
    %dma_wait3A_828 = arith.constant 0 : i32
    %dma_wait3A_829 = tpu.memref_slice %arg6[%dma_wait3A_826, %dma_wait3A_827, %dma_wait3A_828] : memref<3x8x4096xf32, #tpu.memory_space<vmem>> -> memref<1x8x4096xf32, #tpu.memory_space<vmem>>
    %dma_wait3A_830 = tpu.memref_squeeze %dma_wait3A_829 : memref<1x8x4096xf32, #tpu.memory_space<vmem>> -> memref<8x4096xf32, #tpu.memory_space<vmem>>
    %dma_wait3A_831 = arith.constant 0 : i32
    %dma_wait3A_832 = arith.constant 0 : i32
    %dma_wait3A_833 = tpu.memref_slice %arg3[%dma_wait3A_831, %dma_wait3A_832] : memref<65024x4096xf32, #tpu.memory_space<hbm>> -> memref<8x4096xf32, #tpu.memory_space<hbm>>
    %dma_wait3A_834 = arith.constant 0 : i32
    %dma_wait3A_835 = arith.constant 0 : i32
    %dma_wait3A_836 = tpu.memref_slice %arg6[%dma_wait3A_826, %dma_wait3A_834, %dma_wait3A_835] : memref<3x8x4096xf32, #tpu.memory_space<vmem>> -> memref<1x8x4096xf32, #tpu.memory_space<vmem>>
    %dma_wait3A_837 = tpu.memref_squeeze %dma_wait3A_836 : memref<1x8x4096xf32, #tpu.memory_space<vmem>> -> memref<8x4096xf32, #tpu.memory_space<vmem>>
    %dma_wait3A_838 = arith.constant 0 : i32
    %dma_wait3A_839 = arith.constant 0 : i32
    %dma_wait3A_840 = tpu.memref_slice %arg3[%dma_wait3A_838, %dma_wait3A_839] : memref<65024x4096xf32, #tpu.memory_space<hbm>> -> memref<8x4096xf32, #tpu.memory_space<hbm>>
    tpu.wait_dma2 semaphore(%arg7 : memref<!tpu.dma_semaphore, #tpu.memory_space<semaphore_mem>>) src(%dma_wait3A_840 : memref<8x4096xf32, #tpu.memory_space<hbm>>) dst(%dma_wait3A_837 : memref<8x4096xf32, #tpu.memory_space<vmem>>)
    %add3A_841 = arith.constant 120 : i32
    %add3A_842 = arith.addi %mul3A_2, %add3A_841 : i32
    %dma_start3A_843 = arith.constant 0 : i32
    %dma_start3A_844 = arith.constant 0 : i32
    %dma_start3A_845 = arith.constant 0 : i32
    %dma_start3A_846 = tpu.memref_slice %arg6[%dma_start3A_843, %dma_start3A_844, %dma_start3A_845] : memref<3x8x4096xf32, #tpu.memory_space<vmem>> -> memref<1x8x4096xf32, #tpu.memory_space<vmem>>
    %dma_start3A_847 = tpu.memref_squeeze %dma_start3A_846 : memref<1x8x4096xf32, #tpu.memory_space<vmem>> -> memref<8x4096xf32, #tpu.memory_space<vmem>>
    %dma_start3A_848 = arith.constant 0 : i32
    %dma_start3A_849 = tpu.memref_slice %arg4[%add3A_842, %dma_start3A_848] : memref<8192x4096xf32, #tpu.memory_space<hbm>> -> memref<8x4096xf32, #tpu.memory_space<hbm>>
    %dma_start3A_850 = arith.constant 0 : i32
    %dma_start3A_851 = tpu.memref_slice %arg4[%add3A_842, %dma_start3A_850] : memref<8192x4096xf32, #tpu.memory_space<hbm>> -> memref<8x4096xf32, #tpu.memory_space<hbm>>
    %dma_start3A_852 = arith.constant 0 : i32
    %dma_start3A_853 = arith.constant 0 : i32
    %dma_start3A_854 = tpu.memref_slice %arg6[%dma_start3A_843, %dma_start3A_852, %dma_start3A_853] : memref<3x8x4096xf32, #tpu.memory_space<vmem>> -> memref<1x8x4096xf32, #tpu.memory_space<vmem>>
    %dma_start3A_855 = tpu.memref_squeeze %dma_start3A_854 : memref<1x8x4096xf32, #tpu.memory_space<vmem>> -> memref<8x4096xf32, #tpu.memory_space<vmem>>
    tpu.enqueue_dma source(%dma_start3A_855 : memref<8x4096xf32, #tpu.memory_space<vmem>>) target(%dma_start3A_851 : memref<8x4096xf32, #tpu.memory_space<hbm>>) target_semaphore(%arg10 : memref<!tpu.dma_semaphore, #tpu.memory_space<semaphore_mem>>)
    %dma_wait3A_856 = arith.constant 0 : i32
    %dma_wait3A_857 = arith.constant 0 : i32
    %dma_wait3A_858 = arith.constant 0 : i32
    %dma_wait3A_859 = tpu.memref_slice %arg6[%dma_wait3A_856, %dma_wait3A_857, %dma_wait3A_858] : memref<3x8x4096xf32, #tpu.memory_space<vmem>> -> memref<1x8x4096xf32, #tpu.memory_space<vmem>>
    %dma_wait3A_860 = tpu.memref_squeeze %dma_wait3A_859 : memref<1x8x4096xf32, #tpu.memory_space<vmem>> -> memref<8x4096xf32, #tpu.memory_space<vmem>>
    %dma_wait3A_861 = arith.constant 0 : i32
    %dma_wait3A_862 = tpu.memref_slice %arg4[%mul3A_2, %dma_wait3A_861] : memref<8192x4096xf32, #tpu.memory_space<hbm>> -> memref<8x4096xf32, #tpu.memory_space<hbm>>
    %dma_wait3A_863 = arith.constant 0 : i32
    %dma_wait3A_864 = tpu.memref_slice %arg4[%mul3A_2, %dma_wait3A_863] : memref<8192x4096xf32, #tpu.memory_space<hbm>> -> memref<8x4096xf32, #tpu.memory_space<hbm>>
    %dma_wait3A_865 = arith.constant 0 : i32
    %dma_wait3A_866 = arith.constant 0 : i32
    %dma_wait3A_867 = tpu.memref_slice %arg6[%dma_wait3A_856, %dma_wait3A_865, %dma_wait3A_866] : memref<3x8x4096xf32, #tpu.memory_space<vmem>> -> memref<1x8x4096xf32, #tpu.memory_space<vmem>>
    %dma_wait3A_868 = tpu.memref_squeeze %dma_wait3A_867 : memref<1x8x4096xf32, #tpu.memory_space<vmem>> -> memref<8x4096xf32, #tpu.memory_space<vmem>>
    tpu.wait_dma2 semaphore(%arg10 : memref<!tpu.dma_semaphore, #tpu.memory_space<semaphore_mem>>) src(%dma_wait3A_868 : memref<8x4096xf32, #tpu.memory_space<vmem>>) dst(%dma_wait3A_864 : memref<8x4096xf32, #tpu.memory_space<hbm>>)
    %dma_start3A_869 = arith.constant 0 : i32
    %dma_start3A_870 = arith.constant 0 : i32
    %dma_start3A_871 = arith.constant 0 : i32
    %dma_start3A_872 = tpu.memref_slice %arg6[%dma_start3A_869, %dma_start3A_870, %dma_start3A_871] : memref<3x8x4096xf32, #tpu.memory_space<vmem>> -> memref<1x8x4096xf32, #tpu.memory_space<vmem>>
    %dma_start3A_873 = tpu.memref_squeeze %dma_start3A_872 : memref<1x8x4096xf32, #tpu.memory_space<vmem>> -> memref<8x4096xf32, #tpu.memory_space<vmem>>
    %dma_start3A_874 = arith.constant 144 : i32
    %dma_start3A_875 = tpu.memref_slice %arg5[%dma_start3A_874] : memref<256xi32, #tpu.memory_space<vmem>> -> memref<8xi32, #tpu.memory_space<vmem>>
    %dma_start3A_876 = arith.constant 0 : i32
    %dma_start3A_877 = arith.constant 0 : i32
    %dma_start3A_878 = tpu.memref_slice %arg3[%dma_start3A_876, %dma_start3A_877] : memref<65024x4096xf32, #tpu.memory_space<hbm>> -> memref<65024x4096xf32, #tpu.memory_space<hbm>>
    tpu.enqueue_indirect_dma source(%dma_start3A_878 : memref<65024x4096xf32, #tpu.memory_space<hbm>>) target(%dma_start3A_873 : memref<8x4096xf32, #tpu.memory_space<vmem>>) offsets(%dma_start3A_875 : memref<8xi32, #tpu.memory_space<vmem>>) semaphore(%arg7 : memref<!tpu.dma_semaphore, #tpu.memory_space<semaphore_mem>>)
    %dma_wait3A_879 = arith.constant 1 : i32
    %dma_wait3A_880 = arith.constant 0 : i32
    %dma_wait3A_881 = arith.constant 0 : i32
    %dma_wait3A_882 = tpu.memref_slice %arg6[%dma_wait3A_879, %dma_wait3A_880, %dma_wait3A_881] : memref<3x8x4096xf32, #tpu.memory_space<vmem>> -> memref<1x8x4096xf32, #tpu.memory_space<vmem>>
    %dma_wait3A_883 = tpu.memref_squeeze %dma_wait3A_882 : memref<1x8x4096xf32, #tpu.memory_space<vmem>> -> memref<8x4096xf32, #tpu.memory_space<vmem>>
    %dma_wait3A_884 = arith.constant 0 : i32
    %dma_wait3A_885 = arith.constant 0 : i32
    %dma_wait3A_886 = tpu.memref_slice %arg3[%dma_wait3A_884, %dma_wait3A_885] : memref<65024x4096xf32, #tpu.memory_space<hbm>> -> memref<8x4096xf32, #tpu.memory_space<hbm>>
    %dma_wait3A_887 = arith.constant 0 : i32
    %dma_wait3A_888 = arith.constant 0 : i32
    %dma_wait3A_889 = tpu.memref_slice %arg6[%dma_wait3A_879, %dma_wait3A_887, %dma_wait3A_888] : memref<3x8x4096xf32, #tpu.memory_space<vmem>> -> memref<1x8x4096xf32, #tpu.memory_space<vmem>>
    %dma_wait3A_890 = tpu.memref_squeeze %dma_wait3A_889 : memref<1x8x4096xf32, #tpu.memory_space<vmem>> -> memref<8x4096xf32, #tpu.memory_space<vmem>>
    %dma_wait3A_891 = arith.constant 0 : i32
    %dma_wait3A_892 = arith.constant 0 : i32
    %dma_wait3A_893 = tpu.memref_slice %arg3[%dma_wait3A_891, %dma_wait3A_892] : memref<65024x4096xf32, #tpu.memory_space<hbm>> -> memref<8x4096xf32, #tpu.memory_space<hbm>>
    tpu.wait_dma2 semaphore(%arg8 : memref<!tpu.dma_semaphore, #tpu.memory_space<semaphore_mem>>) src(%dma_wait3A_893 : memref<8x4096xf32, #tpu.memory_space<hbm>>) dst(%dma_wait3A_890 : memref<8x4096xf32, #tpu.memory_space<vmem>>)
    %add3A_894 = arith.constant 128 : i32
    %add3A_895 = arith.addi %mul3A_2, %add3A_894 : i32
    %dma_start3A_896 = arith.constant 1 : i32
    %dma_start3A_897 = arith.constant 0 : i32
    %dma_start3A_898 = arith.constant 0 : i32
    %dma_start3A_899 = tpu.memref_slice %arg6[%dma_start3A_896, %dma_start3A_897, %dma_start3A_898] : memref<3x8x4096xf32, #tpu.memory_space<vmem>> -> memref<1x8x4096xf32, #tpu.memory_space<vmem>>
    %dma_start3A_900 = tpu.memref_squeeze %dma_start3A_899 : memref<1x8x4096xf32, #tpu.memory_space<vmem>> -> memref<8x4096xf32, #tpu.memory_space<vmem>>
    %dma_start3A_901 = arith.constant 0 : i32
    %dma_start3A_902 = tpu.memref_slice %arg4[%add3A_895, %dma_start3A_901] : memref<8192x4096xf32, #tpu.memory_space<hbm>> -> memref<8x4096xf32, #tpu.memory_space<hbm>>
    %dma_start3A_903 = arith.constant 0 : i32
    %dma_start3A_904 = tpu.memref_slice %arg4[%add3A_895, %dma_start3A_903] : memref<8192x4096xf32, #tpu.memory_space<hbm>> -> memref<8x4096xf32, #tpu.memory_space<hbm>>
    %dma_start3A_905 = arith.constant 0 : i32
    %dma_start3A_906 = arith.constant 0 : i32
    %dma_start3A_907 = tpu.memref_slice %arg6[%dma_start3A_896, %dma_start3A_905, %dma_start3A_906] : memref<3x8x4096xf32, #tpu.memory_space<vmem>> -> memref<1x8x4096xf32, #tpu.memory_space<vmem>>
    %dma_start3A_908 = tpu.memref_squeeze %dma_start3A_907 : memref<1x8x4096xf32, #tpu.memory_space<vmem>> -> memref<8x4096xf32, #tpu.memory_space<vmem>>
    tpu.enqueue_dma source(%dma_start3A_908 : memref<8x4096xf32, #tpu.memory_space<vmem>>) target(%dma_start3A_904 : memref<8x4096xf32, #tpu.memory_space<hbm>>) target_semaphore(%arg11 : memref<!tpu.dma_semaphore, #tpu.memory_space<semaphore_mem>>)
    %dma_wait3A_909 = arith.constant 1 : i32
    %dma_wait3A_910 = arith.constant 0 : i32
    %dma_wait3A_911 = arith.constant 0 : i32
    %dma_wait3A_912 = tpu.memref_slice %arg6[%dma_wait3A_909, %dma_wait3A_910, %dma_wait3A_911] : memref<3x8x4096xf32, #tpu.memory_space<vmem>> -> memref<1x8x4096xf32, #tpu.memory_space<vmem>>
    %dma_wait3A_913 = tpu.memref_squeeze %dma_wait3A_912 : memref<1x8x4096xf32, #tpu.memory_space<vmem>> -> memref<8x4096xf32, #tpu.memory_space<vmem>>
    %dma_wait3A_914 = arith.constant 0 : i32
    %dma_wait3A_915 = tpu.memref_slice %arg4[%mul3A_2, %dma_wait3A_914] : memref<8192x4096xf32, #tpu.memory_space<hbm>> -> memref<8x4096xf32, #tpu.memory_space<hbm>>
    %dma_wait3A_916 = arith.constant 0 : i32
    %dma_wait3A_917 = tpu.memref_slice %arg4[%mul3A_2, %dma_wait3A_916] : memref<8192x4096xf32, #tpu.memory_space<hbm>> -> memref<8x4096xf32, #tpu.memory_space<hbm>>
    %dma_wait3A_918 = arith.constant 0 : i32
    %dma_wait3A_919 = arith.constant 0 : i32
    %dma_wait3A_920 = tpu.memref_slice %arg6[%dma_wait3A_909, %dma_wait3A_918, %dma_wait3A_919] : memref<3x8x4096xf32, #tpu.memory_space<vmem>> -> memref<1x8x4096xf32, #tpu.memory_space<vmem>>
    %dma_wait3A_921 = tpu.memref_squeeze %dma_wait3A_920 : memref<1x8x4096xf32, #tpu.memory_space<vmem>> -> memref<8x4096xf32, #tpu.memory_space<vmem>>
    tpu.wait_dma2 semaphore(%arg11 : memref<!tpu.dma_semaphore, #tpu.memory_space<semaphore_mem>>) src(%dma_wait3A_921 : memref<8x4096xf32, #tpu.memory_space<vmem>>) dst(%dma_wait3A_917 : memref<8x4096xf32, #tpu.memory_space<hbm>>)
    %dma_start3A_922 = arith.constant 1 : i32
    %dma_start3A_923 = arith.constant 0 : i32
    %dma_start3A_924 = arith.constant 0 : i32
    %dma_start3A_925 = tpu.memref_slice %arg6[%dma_start3A_922, %dma_start3A_923, %dma_start3A_924] : memref<3x8x4096xf32, #tpu.memory_space<vmem>> -> memref<1x8x4096xf32, #tpu.memory_space<vmem>>
    %dma_start3A_926 = tpu.memref_squeeze %dma_start3A_925 : memref<1x8x4096xf32, #tpu.memory_space<vmem>> -> memref<8x4096xf32, #tpu.memory_space<vmem>>
    %dma_start3A_927 = arith.constant 152 : i32
    %dma_start3A_928 = tpu.memref_slice %arg5[%dma_start3A_927] : memref<256xi32, #tpu.memory_space<vmem>> -> memref<8xi32, #tpu.memory_space<vmem>>
    %dma_start3A_929 = arith.constant 0 : i32
    %dma_start3A_930 = arith.constant 0 : i32
    %dma_start3A_931 = tpu.memref_slice %arg3[%dma_start3A_929, %dma_start3A_930] : memref<65024x4096xf32, #tpu.memory_space<hbm>> -> memref<65024x4096xf32, #tpu.memory_space<hbm>>
    tpu.enqueue_indirect_dma source(%dma_start3A_931 : memref<65024x4096xf32, #tpu.memory_space<hbm>>) target(%dma_start3A_926 : memref<8x4096xf32, #tpu.memory_space<vmem>>) offsets(%dma_start3A_928 : memref<8xi32, #tpu.memory_space<vmem>>) semaphore(%arg8 : memref<!tpu.dma_semaphore, #tpu.memory_space<semaphore_mem>>)
    %dma_wait3A_932 = arith.constant 2 : i32
    %dma_wait3A_933 = arith.constant 0 : i32
    %dma_wait3A_934 = arith.constant 0 : i32
    %dma_wait3A_935 = tpu.memref_slice %arg6[%dma_wait3A_932, %dma_wait3A_933, %dma_wait3A_934] : memref<3x8x4096xf32, #tpu.memory_space<vmem>> -> memref<1x8x4096xf32, #tpu.memory_space<vmem>>
    %dma_wait3A_936 = tpu.memref_squeeze %dma_wait3A_935 : memref<1x8x4096xf32, #tpu.memory_space<vmem>> -> memref<8x4096xf32, #tpu.memory_space<vmem>>
    %dma_wait3A_937 = arith.constant 0 : i32
    %dma_wait3A_938 = arith.constant 0 : i32
    %dma_wait3A_939 = tpu.memref_slice %arg3[%dma_wait3A_937, %dma_wait3A_938] : memref<65024x4096xf32, #tpu.memory_space<hbm>> -> memref<8x4096xf32, #tpu.memory_space<hbm>>
    %dma_wait3A_940 = arith.constant 0 : i32
    %dma_wait3A_941 = arith.constant 0 : i32
    %dma_wait3A_942 = tpu.memref_slice %arg6[%dma_wait3A_932, %dma_wait3A_940, %dma_wait3A_941] : memref<3x8x4096xf32, #tpu.memory_space<vmem>> -> memref<1x8x4096xf32, #tpu.memory_space<vmem>>
    %dma_wait3A_943 = tpu.memref_squeeze %dma_wait3A_942 : memref<1x8x4096xf32, #tpu.memory_space<vmem>> -> memref<8x4096xf32, #tpu.memory_space<vmem>>
    %dma_wait3A_944 = arith.constant 0 : i32
    %dma_wait3A_945 = arith.constant 0 : i32
    %dma_wait3A_946 = tpu.memref_slice %arg3[%dma_wait3A_944, %dma_wait3A_945] : memref<65024x4096xf32, #tpu.memory_space<hbm>> -> memref<8x4096xf32, #tpu.memory_space<hbm>>
    tpu.wait_dma2 semaphore(%arg9 : memref<!tpu.dma_semaphore, #tpu.memory_space<semaphore_mem>>) src(%dma_wait3A_946 : memref<8x4096xf32, #tpu.memory_space<hbm>>) dst(%dma_wait3A_943 : memref<8x4096xf32, #tpu.memory_space<vmem>>)
    %add3A_947 = arith.constant 136 : i32
    %add3A_948 = arith.addi %mul3A_2, %add3A_947 : i32
    %dma_start3A_949 = arith.constant 2 : i32
    %dma_start3A_950 = arith.constant 0 : i32
    %dma_start3A_951 = arith.constant 0 : i32
    %dma_start3A_952 = tpu.memref_slice %arg6[%dma_start3A_949, %dma_start3A_950, %dma_start3A_951] : memref<3x8x4096xf32, #tpu.memory_space<vmem>> -> memref<1x8x4096xf32, #tpu.memory_space<vmem>>
    %dma_start3A_953 = tpu.memref_squeeze %dma_start3A_952 : memref<1x8x4096xf32, #tpu.memory_space<vmem>> -> memref<8x4096xf32, #tpu.memory_space<vmem>>
    %dma_start3A_954 = arith.constant 0 : i32
    %dma_start3A_955 = tpu.memref_slice %arg4[%add3A_948, %dma_start3A_954] : memref<8192x4096xf32, #tpu.memory_space<hbm>> -> memref<8x4096xf32, #tpu.memory_space<hbm>>
    %dma_start3A_956 = arith.constant 0 : i32
    %dma_start3A_957 = tpu.memref_slice %arg4[%add3A_948, %dma_start3A_956] : memref<8192x4096xf32, #tpu.memory_space<hbm>> -> memref<8x4096xf32, #tpu.memory_space<hbm>>
    %dma_start3A_958 = arith.constant 0 : i32
    %dma_start3A_959 = arith.constant 0 : i32
    %dma_start3A_960 = tpu.memref_slice %arg6[%dma_start3A_949, %dma_start3A_958, %dma_start3A_959] : memref<3x8x4096xf32, #tpu.memory_space<vmem>> -> memref<1x8x4096xf32, #tpu.memory_space<vmem>>
    %dma_start3A_961 = tpu.memref_squeeze %dma_start3A_960 : memref<1x8x4096xf32, #tpu.memory_space<vmem>> -> memref<8x4096xf32, #tpu.memory_space<vmem>>
    tpu.enqueue_dma source(%dma_start3A_961 : memref<8x4096xf32, #tpu.memory_space<vmem>>) target(%dma_start3A_957 : memref<8x4096xf32, #tpu.memory_space<hbm>>) target_semaphore(%arg12 : memref<!tpu.dma_semaphore, #tpu.memory_space<semaphore_mem>>)
    %dma_wait3A_962 = arith.constant 2 : i32
    %dma_wait3A_963 = arith.constant 0 : i32
    %dma_wait3A_964 = arith.constant 0 : i32
    %dma_wait3A_965 = tpu.memref_slice %arg6[%dma_wait3A_962, %dma_wait3A_963, %dma_wait3A_964] : memref<3x8x4096xf32, #tpu.memory_space<vmem>> -> memref<1x8x4096xf32, #tpu.memory_space<vmem>>
    %dma_wait3A_966 = tpu.memref_squeeze %dma_wait3A_965 : memref<1x8x4096xf32, #tpu.memory_space<vmem>> -> memref<8x4096xf32, #tpu.memory_space<vmem>>
    %dma_wait3A_967 = arith.constant 0 : i32
    %dma_wait3A_968 = tpu.memref_slice %arg4[%mul3A_2, %dma_wait3A_967] : memref<8192x4096xf32, #tpu.memory_space<hbm>> -> memref<8x4096xf32, #tpu.memory_space<hbm>>
    %dma_wait3A_969 = arith.constant 0 : i32
    %dma_wait3A_970 = tpu.memref_slice %arg4[%mul3A_2, %dma_wait3A_969] : memref<8192x4096xf32, #tpu.memory_space<hbm>> -> memref<8x4096xf32, #tpu.memory_space<hbm>>
    %dma_wait3A_971 = arith.constant 0 : i32
    %dma_wait3A_972 = arith.constant 0 : i32
    %dma_wait3A_973 = tpu.memref_slice %arg6[%dma_wait3A_962, %dma_wait3A_971, %dma_wait3A_972] : memref<3x8x4096xf32, #tpu.memory_space<vmem>> -> memref<1x8x4096xf32, #tpu.memory_space<vmem>>
    %dma_wait3A_974 = tpu.memref_squeeze %dma_wait3A_973 : memref<1x8x4096xf32, #tpu.memory_space<vmem>> -> memref<8x4096xf32, #tpu.memory_space<vmem>>
    tpu.wait_dma2 semaphore(%arg12 : memref<!tpu.dma_semaphore, #tpu.memory_space<semaphore_mem>>) src(%dma_wait3A_974 : memref<8x4096xf32, #tpu.memory_space<vmem>>) dst(%dma_wait3A_970 : memref<8x4096xf32, #tpu.memory_space<hbm>>)
    %dma_start3A_975 = arith.constant 2 : i32
    %dma_start3A_976 = arith.constant 0 : i32
    %dma_start3A_977 = arith.constant 0 : i32
    %dma_start3A_978 = tpu.memref_slice %arg6[%dma_start3A_975, %dma_start3A_976, %dma_start3A_977] : memref<3x8x4096xf32, #tpu.memory_space<vmem>> -> memref<1x8x4096xf32, #tpu.memory_space<vmem>>
    %dma_start3A_979 = tpu.memref_squeeze %dma_start3A_978 : memref<1x8x4096xf32, #tpu.memory_space<vmem>> -> memref<8x4096xf32, #tpu.memory_space<vmem>>
    %dma_start3A_980 = arith.constant 160 : i32
    %dma_start3A_981 = tpu.memref_slice %arg5[%dma_start3A_980] : memref<256xi32, #tpu.memory_space<vmem>> -> memref<8xi32, #tpu.memory_space<vmem>>
    %dma_start3A_982 = arith.constant 0 : i32
    %dma_start3A_983 = arith.constant 0 : i32
    %dma_start3A_984 = tpu.memref_slice %arg3[%dma_start3A_982, %dma_start3A_983] : memref<65024x4096xf32, #tpu.memory_space<hbm>> -> memref<65024x4096xf32, #tpu.memory_space<hbm>>
    tpu.enqueue_indirect_dma source(%dma_start3A_984 : memref<65024x4096xf32, #tpu.memory_space<hbm>>) target(%dma_start3A_979 : memref<8x4096xf32, #tpu.memory_space<vmem>>) offsets(%dma_start3A_981 : memref<8xi32, #tpu.memory_space<vmem>>) semaphore(%arg9 : memref<!tpu.dma_semaphore, #tpu.memory_space<semaphore_mem>>)
    %dma_wait3A_985 = arith.constant 0 : i32
    %dma_wait3A_986 = arith.constant 0 : i32
    %dma_wait3A_987 = arith.constant 0 : i32
    %dma_wait3A_988 = tpu.memref_slice %arg6[%dma_wait3A_985, %dma_wait3A_986, %dma_wait3A_987] : memref<3x8x4096xf32, #tpu.memory_space<vmem>> -> memref<1x8x4096xf32, #tpu.memory_space<vmem>>
    %dma_wait3A_989 = tpu.memref_squeeze %dma_wait3A_988 : memref<1x8x4096xf32, #tpu.memory_space<vmem>> -> memref<8x4096xf32, #tpu.memory_space<vmem>>
    %dma_wait3A_990 = arith.constant 0 : i32
    %dma_wait3A_991 = arith.constant 0 : i32
    %dma_wait3A_992 = tpu.memref_slice %arg3[%dma_wait3A_990, %dma_wait3A_991] : memref<65024x4096xf32, #tpu.memory_space<hbm>> -> memref<8x4096xf32, #tpu.memory_space<hbm>>
    %dma_wait3A_993 = arith.constant 0 : i32
    %dma_wait3A_994 = arith.constant 0 : i32
    %dma_wait3A_995 = tpu.memref_slice %arg6[%dma_wait3A_985, %dma_wait3A_993, %dma_wait3A_994] : memref<3x8x4096xf32, #tpu.memory_space<vmem>> -> memref<1x8x4096xf32, #tpu.memory_space<vmem>>
    %dma_wait3A_996 = tpu.memref_squeeze %dma_wait3A_995 : memref<1x8x4096xf32, #tpu.memory_space<vmem>> -> memref<8x4096xf32, #tpu.memory_space<vmem>>
    %dma_wait3A_997 = arith.constant 0 : i32
    %dma_wait3A_998 = arith.constant 0 : i32
    %dma_wait3A_999 = tpu.memref_slice %arg3[%dma_wait3A_997, %dma_wait3A_998] : memref<65024x4096xf32, #tpu.memory_space<hbm>> -> memref<8x4096xf32, #tpu.memory_space<hbm>>
    tpu.wait_dma2 semaphore(%arg7 : memref<!tpu.dma_semaphore, #tpu.memory_space<semaphore_mem>>) src(%dma_wait3A_999 : memref<8x4096xf32, #tpu.memory_space<hbm>>) dst(%dma_wait3A_996 : memref<8x4096xf32, #tpu.memory_space<vmem>>)
    %add3A_1000 = arith.constant 144 : i32
    %add3A_1001 = arith.addi %mul3A_2, %add3A_1000 : i32
    %dma_start3A_1002 = arith.constant 0 : i32
    %dma_start3A_1003 = arith.constant 0 : i32
    %dma_start3A_1004 = arith.constant 0 : i32
    %dma_start3A_1005 = tpu.memref_slice %arg6[%dma_start3A_1002, %dma_start3A_1003, %dma_start3A_1004] : memref<3x8x4096xf32, #tpu.memory_space<vmem>> -> memref<1x8x4096xf32, #tpu.memory_space<vmem>>
    %dma_start3A_1006 = tpu.memref_squeeze %dma_start3A_1005 : memref<1x8x4096xf32, #tpu.memory_space<vmem>> -> memref<8x4096xf32, #tpu.memory_space<vmem>>
    %dma_start3A_1007 = arith.constant 0 : i32
    %dma_start3A_1008 = tpu.memref_slice %arg4[%add3A_1001, %dma_start3A_1007] : memref<8192x4096xf32, #tpu.memory_space<hbm>> -> memref<8x4096xf32, #tpu.memory_space<hbm>>
    %dma_start3A_1009 = arith.constant 0 : i32
    %dma_start3A_1010 = tpu.memref_slice %arg4[%add3A_1001, %dma_start3A_1009] : memref<8192x4096xf32, #tpu.memory_space<hbm>> -> memref<8x4096xf32, #tpu.memory_space<hbm>>
    %dma_start3A_1011 = arith.constant 0 : i32
    %dma_start3A_1012 = arith.constant 0 : i32
    %dma_start3A_1013 = tpu.memref_slice %arg6[%dma_start3A_1002, %dma_start3A_1011, %dma_start3A_1012] : memref<3x8x4096xf32, #tpu.memory_space<vmem>> -> memref<1x8x4096xf32, #tpu.memory_space<vmem>>
    %dma_start3A_1014 = tpu.memref_squeeze %dma_start3A_1013 : memref<1x8x4096xf32, #tpu.memory_space<vmem>> -> memref<8x4096xf32, #tpu.memory_space<vmem>>
    tpu.enqueue_dma source(%dma_start3A_1014 : memref<8x4096xf32, #tpu.memory_space<vmem>>) target(%dma_start3A_1010 : memref<8x4096xf32, #tpu.memory_space<hbm>>) target_semaphore(%arg10 : memref<!tpu.dma_semaphore, #tpu.memory_space<semaphore_mem>>)
    %dma_wait3A_1015 = arith.constant 0 : i32
    %dma_wait3A_1016 = arith.constant 0 : i32
    %dma_wait3A_1017 = arith.constant 0 : i32
    %dma_wait3A_1018 = tpu.memref_slice %arg6[%dma_wait3A_1015, %dma_wait3A_1016, %dma_wait3A_1017] : memref<3x8x4096xf32, #tpu.memory_space<vmem>> -> memref<1x8x4096xf32, #tpu.memory_space<vmem>>
    %dma_wait3A_1019 = tpu.memref_squeeze %dma_wait3A_1018 : memref<1x8x4096xf32, #tpu.memory_space<vmem>> -> memref<8x4096xf32, #tpu.memory_space<vmem>>
    %dma_wait3A_1020 = arith.constant 0 : i32
    %dma_wait3A_1021 = tpu.memref_slice %arg4[%mul3A_2, %dma_wait3A_1020] : memref<8192x4096xf32, #tpu.memory_space<hbm>> -> memref<8x4096xf32, #tpu.memory_space<hbm>>
    %dma_wait3A_1022 = arith.constant 0 : i32
    %dma_wait3A_1023 = tpu.memref_slice %arg4[%mul3A_2, %dma_wait3A_1022] : memref<8192x4096xf32, #tpu.memory_space<hbm>> -> memref<8x4096xf32, #tpu.memory_space<hbm>>
    %dma_wait3A_1024 = arith.constant 0 : i32
    %dma_wait3A_1025 = arith.constant 0 : i32
    %dma_wait3A_1026 = tpu.memref_slice %arg6[%dma_wait3A_1015, %dma_wait3A_1024, %dma_wait3A_1025] : memref<3x8x4096xf32, #tpu.memory_space<vmem>> -> memref<1x8x4096xf32, #tpu.memory_space<vmem>>
    %dma_wait3A_1027 = tpu.memref_squeeze %dma_wait3A_1026 : memref<1x8x4096xf32, #tpu.memory_space<vmem>> -> memref<8x4096xf32, #tpu.memory_space<vmem>>
    tpu.wait_dma2 semaphore(%arg10 : memref<!tpu.dma_semaphore, #tpu.memory_space<semaphore_mem>>) src(%dma_wait3A_1027 : memref<8x4096xf32, #tpu.memory_space<vmem>>) dst(%dma_wait3A_1023 : memref<8x4096xf32, #tpu.memory_space<hbm>>)
    %dma_start3A_1028 = arith.constant 0 : i32
    %dma_start3A_1029 = arith.constant 0 : i32
    %dma_start3A_1030 = arith.constant 0 : i32
    %dma_start3A_1031 = tpu.memref_slice %arg6[%dma_start3A_1028, %dma_start3A_1029, %dma_start3A_1030] : memref<3x8x4096xf32, #tpu.memory_space<vmem>> -> memref<1x8x4096xf32, #tpu.memory_space<vmem>>
    %dma_start3A_1032 = tpu.memref_squeeze %dma_start3A_1031 : memref<1x8x4096xf32, #tpu.memory_space<vmem>> -> memref<8x4096xf32, #tpu.memory_space<vmem>>
    %dma_start3A_1033 = arith.constant 168 : i32
    %dma_start3A_1034 = tpu.memref_slice %arg5[%dma_start3A_1033] : memref<256xi32, #tpu.memory_space<vmem>> -> memref<8xi32, #tpu.memory_space<vmem>>
    %dma_start3A_1035 = arith.constant 0 : i32
    %dma_start3A_1036 = arith.constant 0 : i32
    %dma_start3A_1037 = tpu.memref_slice %arg3[%dma_start3A_1035, %dma_start3A_1036] : memref<65024x4096xf32, #tpu.memory_space<hbm>> -> memref<65024x4096xf32, #tpu.memory_space<hbm>>
    tpu.enqueue_indirect_dma source(%dma_start3A_1037 : memref<65024x4096xf32, #tpu.memory_space<hbm>>) target(%dma_start3A_1032 : memref<8x4096xf32, #tpu.memory_space<vmem>>) offsets(%dma_start3A_1034 : memref<8xi32, #tpu.memory_space<vmem>>) semaphore(%arg7 : memref<!tpu.dma_semaphore, #tpu.memory_space<semaphore_mem>>)
    %dma_wait3A_1038 = arith.constant 1 : i32
    %dma_wait3A_1039 = arith.constant 0 : i32
    %dma_wait3A_1040 = arith.constant 0 : i32
    %dma_wait3A_1041 = tpu.memref_slice %arg6[%dma_wait3A_1038, %dma_wait3A_1039, %dma_wait3A_1040] : memref<3x8x4096xf32, #tpu.memory_space<vmem>> -> memref<1x8x4096xf32, #tpu.memory_space<vmem>>
    %dma_wait3A_1042 = tpu.memref_squeeze %dma_wait3A_1041 : memref<1x8x4096xf32, #tpu.memory_space<vmem>> -> memref<8x4096xf32, #tpu.memory_space<vmem>>
    %dma_wait3A_1043 = arith.constant 0 : i32
    %dma_wait3A_1044 = arith.constant 0 : i32
    %dma_wait3A_1045 = tpu.memref_slice %arg3[%dma_wait3A_1043, %dma_wait3A_1044] : memref<65024x4096xf32, #tpu.memory_space<hbm>> -> memref<8x4096xf32, #tpu.memory_space<hbm>>
    %dma_wait3A_1046 = arith.constant 0 : i32
    %dma_wait3A_1047 = arith.constant 0 : i32
    %dma_wait3A_1048 = tpu.memref_slice %arg6[%dma_wait3A_1038, %dma_wait3A_1046, %dma_wait3A_1047] : memref<3x8x4096xf32, #tpu.memory_space<vmem>> -> memref<1x8x4096xf32, #tpu.memory_space<vmem>>
    %dma_wait3A_1049 = tpu.memref_squeeze %dma_wait3A_1048 : memref<1x8x4096xf32, #tpu.memory_space<vmem>> -> memref<8x4096xf32, #tpu.memory_space<vmem>>
    %dma_wait3A_1050 = arith.constant 0 : i32
    %dma_wait3A_1051 = arith.constant 0 : i32
    %dma_wait3A_1052 = tpu.memref_slice %arg3[%dma_wait3A_1050, %dma_wait3A_1051] : memref<65024x4096xf32, #tpu.memory_space<hbm>> -> memref<8x4096xf32, #tpu.memory_space<hbm>>
    tpu.wait_dma2 semaphore(%arg8 : memref<!tpu.dma_semaphore, #tpu.memory_space<semaphore_mem>>) src(%dma_wait3A_1052 : memref<8x4096xf32, #tpu.memory_space<hbm>>) dst(%dma_wait3A_1049 : memref<8x4096xf32, #tpu.memory_space<vmem>>)
    %add3A_1053 = arith.constant 152 : i32
    %add3A_1054 = arith.addi %mul3A_2, %add3A_1053 : i32
    %dma_start3A_1055 = arith.constant 1 : i32
    %dma_start3A_1056 = arith.constant 0 : i32
    %dma_start3A_1057 = arith.constant 0 : i32
    %dma_start3A_1058 = tpu.memref_slice %arg6[%dma_start3A_1055, %dma_start3A_1056, %dma_start3A_1057] : memref<3x8x4096xf32, #tpu.memory_space<vmem>> -> memref<1x8x4096xf32, #tpu.memory_space<vmem>>
    %dma_start3A_1059 = tpu.memref_squeeze %dma_start3A_1058 : memref<1x8x4096xf32, #tpu.memory_space<vmem>> -> memref<8x4096xf32, #tpu.memory_space<vmem>>
    %dma_start3A_1060 = arith.constant 0 : i32
    %dma_start3A_1061 = tpu.memref_slice %arg4[%add3A_1054, %dma_start3A_1060] : memref<8192x4096xf32, #tpu.memory_space<hbm>> -> memref<8x4096xf32, #tpu.memory_space<hbm>>
    %dma_start3A_1062 = arith.constant 0 : i32
    %dma_start3A_1063 = tpu.memref_slice %arg4[%add3A_1054, %dma_start3A_1062] : memref<8192x4096xf32, #tpu.memory_space<hbm>> -> memref<8x4096xf32, #tpu.memory_space<hbm>>
    %dma_start3A_1064 = arith.constant 0 : i32
    %dma_start3A_1065 = arith.constant 0 : i32
    %dma_start3A_1066 = tpu.memref_slice %arg6[%dma_start3A_1055, %dma_start3A_1064, %dma_start3A_1065] : memref<3x8x4096xf32, #tpu.memory_space<vmem>> -> memref<1x8x4096xf32, #tpu.memory_space<vmem>>
    %dma_start3A_1067 = tpu.memref_squeeze %dma_start3A_1066 : memref<1x8x4096xf32, #tpu.memory_space<vmem>> -> memref<8x4096xf32, #tpu.memory_space<vmem>>
    tpu.enqueue_dma source(%dma_start3A_1067 : memref<8x4096xf32, #tpu.memory_space<vmem>>) target(%dma_start3A_1063 : memref<8x4096xf32, #tpu.memory_space<hbm>>) target_semaphore(%arg11 : memref<!tpu.dma_semaphore, #tpu.memory_space<semaphore_mem>>)
    %dma_wait3A_1068 = arith.constant 1 : i32
    %dma_wait3A_1069 = arith.constant 0 : i32
    %dma_wait3A_1070 = arith.constant 0 : i32
    %dma_wait3A_1071 = tpu.memref_slice %arg6[%dma_wait3A_1068, %dma_wait3A_1069, %dma_wait3A_1070] : memref<3x8x4096xf32, #tpu.memory_space<vmem>> -> memref<1x8x4096xf32, #tpu.memory_space<vmem>>
    %dma_wait3A_1072 = tpu.memref_squeeze %dma_wait3A_1071 : memref<1x8x4096xf32, #tpu.memory_space<vmem>> -> memref<8x4096xf32, #tpu.memory_space<vmem>>
    %dma_wait3A_1073 = arith.constant 0 : i32
    %dma_wait3A_1074 = tpu.memref_slice %arg4[%mul3A_2, %dma_wait3A_1073] : memref<8192x4096xf32, #tpu.memory_space<hbm>> -> memref<8x4096xf32, #tpu.memory_space<hbm>>
    %dma_wait3A_1075 = arith.constant 0 : i32
    %dma_wait3A_1076 = tpu.memref_slice %arg4[%mul3A_2, %dma_wait3A_1075] : memref<8192x4096xf32, #tpu.memory_space<hbm>> -> memref<8x4096xf32, #tpu.memory_space<hbm>>
    %dma_wait3A_1077 = arith.constant 0 : i32
    %dma_wait3A_1078 = arith.constant 0 : i32
    %dma_wait3A_1079 = tpu.memref_slice %arg6[%dma_wait3A_1068, %dma_wait3A_1077, %dma_wait3A_1078] : memref<3x8x4096xf32, #tpu.memory_space<vmem>> -> memref<1x8x4096xf32, #tpu.memory_space<vmem>>
    %dma_wait3A_1080 = tpu.memref_squeeze %dma_wait3A_1079 : memref<1x8x4096xf32, #tpu.memory_space<vmem>> -> memref<8x4096xf32, #tpu.memory_space<vmem>>
    tpu.wait_dma2 semaphore(%arg11 : memref<!tpu.dma_semaphore, #tpu.memory_space<semaphore_mem>>) src(%dma_wait3A_1080 : memref<8x4096xf32, #tpu.memory_space<vmem>>) dst(%dma_wait3A_1076 : memref<8x4096xf32, #tpu.memory_space<hbm>>)
    %dma_start3A_1081 = arith.constant 1 : i32
    %dma_start3A_1082 = arith.constant 0 : i32
    %dma_start3A_1083 = arith.constant 0 : i32
    %dma_start3A_1084 = tpu.memref_slice %arg6[%dma_start3A_1081, %dma_start3A_1082, %dma_start3A_1083] : memref<3x8x4096xf32, #tpu.memory_space<vmem>> -> memref<1x8x4096xf32, #tpu.memory_space<vmem>>
    %dma_start3A_1085 = tpu.memref_squeeze %dma_start3A_1084 : memref<1x8x4096xf32, #tpu.memory_space<vmem>> -> memref<8x4096xf32, #tpu.memory_space<vmem>>
    %dma_start3A_1086 = arith.constant 176 : i32
    %dma_start3A_1087 = tpu.memref_slice %arg5[%dma_start3A_1086] : memref<256xi32, #tpu.memory_space<vmem>> -> memref<8xi32, #tpu.memory_space<vmem>>
    %dma_start3A_1088 = arith.constant 0 : i32
    %dma_start3A_1089 = arith.constant 0 : i32
    %dma_start3A_1090 = tpu.memref_slice %arg3[%dma_start3A_1088, %dma_start3A_1089] : memref<65024x4096xf32, #tpu.memory_space<hbm>> -> memref<65024x4096xf32, #tpu.memory_space<hbm>>
    tpu.enqueue_indirect_dma source(%dma_start3A_1090 : memref<65024x4096xf32, #tpu.memory_space<hbm>>) target(%dma_start3A_1085 : memref<8x4096xf32, #tpu.memory_space<vmem>>) offsets(%dma_start3A_1087 : memref<8xi32, #tpu.memory_space<vmem>>) semaphore(%arg8 : memref<!tpu.dma_semaphore, #tpu.memory_space<semaphore_mem>>)
    %dma_wait3A_1091 = arith.constant 2 : i32
    %dma_wait3A_1092 = arith.constant 0 : i32
    %dma_wait3A_1093 = arith.constant 0 : i32
    %dma_wait3A_1094 = tpu.memref_slice %arg6[%dma_wait3A_1091, %dma_wait3A_1092, %dma_wait3A_1093] : memref<3x8x4096xf32, #tpu.memory_space<vmem>> -> memref<1x8x4096xf32, #tpu.memory_space<vmem>>
    %dma_wait3A_1095 = tpu.memref_squeeze %dma_wait3A_1094 : memref<1x8x4096xf32, #tpu.memory_space<vmem>> -> memref<8x4096xf32, #tpu.memory_space<vmem>>
    %dma_wait3A_1096 = arith.constant 0 : i32
    %dma_wait3A_1097 = arith.constant 0 : i32
    %dma_wait3A_1098 = tpu.memref_slice %arg3[%dma_wait3A_1096, %dma_wait3A_1097] : memref<65024x4096xf32, #tpu.memory_space<hbm>> -> memref<8x4096xf32, #tpu.memory_space<hbm>>
    %dma_wait3A_1099 = arith.constant 0 : i32
    %dma_wait3A_1100 = arith.constant 0 : i32
    %dma_wait3A_1101 = tpu.memref_slice %arg6[%dma_wait3A_1091, %dma_wait3A_1099, %dma_wait3A_1100] : memref<3x8x4096xf32, #tpu.memory_space<vmem>> -> memref<1x8x4096xf32, #tpu.memory_space<vmem>>
    %dma_wait3A_1102 = tpu.memref_squeeze %dma_wait3A_1101 : memref<1x8x4096xf32, #tpu.memory_space<vmem>> -> memref<8x4096xf32, #tpu.memory_space<vmem>>
    %dma_wait3A_1103 = arith.constant 0 : i32
    %dma_wait3A_1104 = arith.constant 0 : i32
    %dma_wait3A_1105 = tpu.memref_slice %arg3[%dma_wait3A_1103, %dma_wait3A_1104] : memref<65024x4096xf32, #tpu.memory_space<hbm>> -> memref<8x4096xf32, #tpu.memory_space<hbm>>
    tpu.wait_dma2 semaphore(%arg9 : memref<!tpu.dma_semaphore, #tpu.memory_space<semaphore_mem>>) src(%dma_wait3A_1105 : memref<8x4096xf32, #tpu.memory_space<hbm>>) dst(%dma_wait3A_1102 : memref<8x4096xf32, #tpu.memory_space<vmem>>)
    %add3A_1106 = arith.constant 160 : i32
    %add3A_1107 = arith.addi %mul3A_2, %add3A_1106 : i32
    %dma_start3A_1108 = arith.constant 2 : i32
    %dma_start3A_1109 = arith.constant 0 : i32
    %dma_start3A_1110 = arith.constant 0 : i32
    %dma_start3A_1111 = tpu.memref_slice %arg6[%dma_start3A_1108, %dma_start3A_1109, %dma_start3A_1110] : memref<3x8x4096xf32, #tpu.memory_space<vmem>> -> memref<1x8x4096xf32, #tpu.memory_space<vmem>>
    %dma_start3A_1112 = tpu.memref_squeeze %dma_start3A_1111 : memref<1x8x4096xf32, #tpu.memory_space<vmem>> -> memref<8x4096xf32, #tpu.memory_space<vmem>>
    %dma_start3A_1113 = arith.constant 0 : i32
    %dma_start3A_1114 = tpu.memref_slice %arg4[%add3A_1107, %dma_start3A_1113] : memref<8192x4096xf32, #tpu.memory_space<hbm>> -> memref<8x4096xf32, #tpu.memory_space<hbm>>
    %dma_start3A_1115 = arith.constant 0 : i32
    %dma_start3A_1116 = tpu.memref_slice %arg4[%add3A_1107, %dma_start3A_1115] : memref<8192x4096xf32, #tpu.memory_space<hbm>> -> memref<8x4096xf32, #tpu.memory_space<hbm>>
    %dma_start3A_1117 = arith.constant 0 : i32
    %dma_start3A_1118 = arith.constant 0 : i32
    %dma_start3A_1119 = tpu.memref_slice %arg6[%dma_start3A_1108, %dma_start3A_1117, %dma_start3A_1118] : memref<3x8x4096xf32, #tpu.memory_space<vmem>> -> memref<1x8x4096xf32, #tpu.memory_space<vmem>>
    %dma_start3A_1120 = tpu.memref_squeeze %dma_start3A_1119 : memref<1x8x4096xf32, #tpu.memory_space<vmem>> -> memref<8x4096xf32, #tpu.memory_space<vmem>>
    tpu.enqueue_dma source(%dma_start3A_1120 : memref<8x4096xf32, #tpu.memory_space<vmem>>) target(%dma_start3A_1116 : memref<8x4096xf32, #tpu.memory_space<hbm>>) target_semaphore(%arg12 : memref<!tpu.dma_semaphore, #tpu.memory_space<semaphore_mem>>)
    %dma_wait3A_1121 = arith.constant 2 : i32
    %dma_wait3A_1122 = arith.constant 0 : i32
    %dma_wait3A_1123 = arith.constant 0 : i32
    %dma_wait3A_1124 = tpu.memref_slice %arg6[%dma_wait3A_1121, %dma_wait3A_1122, %dma_wait3A_1123] : memref<3x8x4096xf32, #tpu.memory_space<vmem>> -> memref<1x8x4096xf32, #tpu.memory_space<vmem>>
    %dma_wait3A_1125 = tpu.memref_squeeze %dma_wait3A_1124 : memref<1x8x4096xf32, #tpu.memory_space<vmem>> -> memref<8x4096xf32, #tpu.memory_space<vmem>>
    %dma_wait3A_1126 = arith.constant 0 : i32
    %dma_wait3A_1127 = tpu.memref_slice %arg4[%mul3A_2, %dma_wait3A_1126] : memref<8192x4096xf32, #tpu.memory_space<hbm>> -> memref<8x4096xf32, #tpu.memory_space<hbm>>
    %dma_wait3A_1128 = arith.constant 0 : i32
    %dma_wait3A_1129 = tpu.memref_slice %arg4[%mul3A_2, %dma_wait3A_1128] : memref<8192x4096xf32, #tpu.memory_space<hbm>> -> memref<8x4096xf32, #tpu.memory_space<hbm>>
    %dma_wait3A_1130 = arith.constant 0 : i32
    %dma_wait3A_1131 = arith.constant 0 : i32
    %dma_wait3A_1132 = tpu.memref_slice %arg6[%dma_wait3A_1121, %dma_wait3A_1130, %dma_wait3A_1131] : memref<3x8x4096xf32, #tpu.memory_space<vmem>> -> memref<1x8x4096xf32, #tpu.memory_space<vmem>>
    %dma_wait3A_1133 = tpu.memref_squeeze %dma_wait3A_1132 : memref<1x8x4096xf32, #tpu.memory_space<vmem>> -> memref<8x4096xf32, #tpu.memory_space<vmem>>
    tpu.wait_dma2 semaphore(%arg12 : memref<!tpu.dma_semaphore, #tpu.memory_space<semaphore_mem>>) src(%dma_wait3A_1133 : memref<8x4096xf32, #tpu.memory_space<vmem>>) dst(%dma_wait3A_1129 : memref<8x4096xf32, #tpu.memory_space<hbm>>)
    %dma_start3A_1134 = arith.constant 2 : i32
    %dma_start3A_1135 = arith.constant 0 : i32
    %dma_start3A_1136 = arith.constant 0 : i32
    %dma_start3A_1137 = tpu.memref_slice %arg6[%dma_start3A_1134, %dma_start3A_1135, %dma_start3A_1136] : memref<3x8x4096xf32, #tpu.memory_space<vmem>> -> memref<1x8x4096xf32, #tpu.memory_space<vmem>>
    %dma_start3A_1138 = tpu.memref_squeeze %dma_start3A_1137 : memref<1x8x4096xf32, #tpu.memory_space<vmem>> -> memref<8x4096xf32, #tpu.memory_space<vmem>>
    %dma_start3A_1139 = arith.constant 184 : i32
    %dma_start3A_1140 = tpu.memref_slice %arg5[%dma_start3A_1139] : memref<256xi32, #tpu.memory_space<vmem>> -> memref<8xi32, #tpu.memory_space<vmem>>
    %dma_start3A_1141 = arith.constant 0 : i32
    %dma_start3A_1142 = arith.constant 0 : i32
    %dma_start3A_1143 = tpu.memref_slice %arg3[%dma_start3A_1141, %dma_start3A_1142] : memref<65024x4096xf32, #tpu.memory_space<hbm>> -> memref<65024x4096xf32, #tpu.memory_space<hbm>>
    tpu.enqueue_indirect_dma source(%dma_start3A_1143 : memref<65024x4096xf32, #tpu.memory_space<hbm>>) target(%dma_start3A_1138 : memref<8x4096xf32, #tpu.memory_space<vmem>>) offsets(%dma_start3A_1140 : memref<8xi32, #tpu.memory_space<vmem>>) semaphore(%arg9 : memref<!tpu.dma_semaphore, #tpu.memory_space<semaphore_mem>>)
    %dma_wait3A_1144 = arith.constant 0 : i32
    %dma_wait3A_1145 = arith.constant 0 : i32
    %dma_wait3A_1146 = arith.constant 0 : i32
    %dma_wait3A_1147 = tpu.memref_slice %arg6[%dma_wait3A_1144, %dma_wait3A_1145, %dma_wait3A_1146] : memref<3x8x4096xf32, #tpu.memory_space<vmem>> -> memref<1x8x4096xf32, #tpu.memory_space<vmem>>
    %dma_wait3A_1148 = tpu.memref_squeeze %dma_wait3A_1147 : memref<1x8x4096xf32, #tpu.memory_space<vmem>> -> memref<8x4096xf32, #tpu.memory_space<vmem>>
    %dma_wait3A_1149 = arith.constant 0 : i32
    %dma_wait3A_1150 = arith.constant 0 : i32
    %dma_wait3A_1151 = tpu.memref_slice %arg3[%dma_wait3A_1149, %dma_wait3A_1150] : memref<65024x4096xf32, #tpu.memory_space<hbm>> -> memref<8x4096xf32, #tpu.memory_space<hbm>>
    %dma_wait3A_1152 = arith.constant 0 : i32
    %dma_wait3A_1153 = arith.constant 0 : i32
    %dma_wait3A_1154 = tpu.memref_slice %arg6[%dma_wait3A_1144, %dma_wait3A_1152, %dma_wait3A_1153] : memref<3x8x4096xf32, #tpu.memory_space<vmem>> -> memref<1x8x4096xf32, #tpu.memory_space<vmem>>
    %dma_wait3A_1155 = tpu.memref_squeeze %dma_wait3A_1154 : memref<1x8x4096xf32, #tpu.memory_space<vmem>> -> memref<8x4096xf32, #tpu.memory_space<vmem>>
    %dma_wait3A_1156 = arith.constant 0 : i32
    %dma_wait3A_1157 = arith.constant 0 : i32
    %dma_wait3A_1158 = tpu.memref_slice %arg3[%dma_wait3A_1156, %dma_wait3A_1157] : memref<65024x4096xf32, #tpu.memory_space<hbm>> -> memref<8x4096xf32, #tpu.memory_space<hbm>>
    tpu.wait_dma2 semaphore(%arg7 : memref<!tpu.dma_semaphore, #tpu.memory_space<semaphore_mem>>) src(%dma_wait3A_1158 : memref<8x4096xf32, #tpu.memory_space<hbm>>) dst(%dma_wait3A_1155 : memref<8x4096xf32, #tpu.memory_space<vmem>>)
    %add3A_1159 = arith.constant 168 : i32
    %add3A_1160 = arith.addi %mul3A_2, %add3A_1159 : i32
    %dma_start3A_1161 = arith.constant 0 : i32
    %dma_start3A_1162 = arith.constant 0 : i32
    %dma_start3A_1163 = arith.constant 0 : i32
    %dma_start3A_1164 = tpu.memref_slice %arg6[%dma_start3A_1161, %dma_start3A_1162, %dma_start3A_1163] : memref<3x8x4096xf32, #tpu.memory_space<vmem>> -> memref<1x8x4096xf32, #tpu.memory_space<vmem>>
    %dma_start3A_1165 = tpu.memref_squeeze %dma_start3A_1164 : memref<1x8x4096xf32, #tpu.memory_space<vmem>> -> memref<8x4096xf32, #tpu.memory_space<vmem>>
    %dma_start3A_1166 = arith.constant 0 : i32
    %dma_start3A_1167 = tpu.memref_slice %arg4[%add3A_1160, %dma_start3A_1166] : memref<8192x4096xf32, #tpu.memory_space<hbm>> -> memref<8x4096xf32, #tpu.memory_space<hbm>>
    %dma_start3A_1168 = arith.constant 0 : i32
    %dma_start3A_1169 = tpu.memref_slice %arg4[%add3A_1160, %dma_start3A_1168] : memref<8192x4096xf32, #tpu.memory_space<hbm>> -> memref<8x4096xf32, #tpu.memory_space<hbm>>
    %dma_start3A_1170 = arith.constant 0 : i32
    %dma_start3A_1171 = arith.constant 0 : i32
    %dma_start3A_1172 = tpu.memref_slice %arg6[%dma_start3A_1161, %dma_start3A_1170, %dma_start3A_1171] : memref<3x8x4096xf32, #tpu.memory_space<vmem>> -> memref<1x8x4096xf32, #tpu.memory_space<vmem>>
    %dma_start3A_1173 = tpu.memref_squeeze %dma_start3A_1172 : memref<1x8x4096xf32, #tpu.memory_space<vmem>> -> memref<8x4096xf32, #tpu.memory_space<vmem>>
    tpu.enqueue_dma source(%dma_start3A_1173 : memref<8x4096xf32, #tpu.memory_space<vmem>>) target(%dma_start3A_1169 : memref<8x4096xf32, #tpu.memory_space<hbm>>) target_semaphore(%arg10 : memref<!tpu.dma_semaphore, #tpu.memory_space<semaphore_mem>>)
    %dma_wait3A_1174 = arith.constant 0 : i32
    %dma_wait3A_1175 = arith.constant 0 : i32
    %dma_wait3A_1176 = arith.constant 0 : i32
    %dma_wait3A_1177 = tpu.memref_slice %arg6[%dma_wait3A_1174, %dma_wait3A_1175, %dma_wait3A_1176] : memref<3x8x4096xf32, #tpu.memory_space<vmem>> -> memref<1x8x4096xf32, #tpu.memory_space<vmem>>
    %dma_wait3A_1178 = tpu.memref_squeeze %dma_wait3A_1177 : memref<1x8x4096xf32, #tpu.memory_space<vmem>> -> memref<8x4096xf32, #tpu.memory_space<vmem>>
    %dma_wait3A_1179 = arith.constant 0 : i32
    %dma_wait3A_1180 = tpu.memref_slice %arg4[%mul3A_2, %dma_wait3A_1179] : memref<8192x4096xf32, #tpu.memory_space<hbm>> -> memref<8x4096xf32, #tpu.memory_space<hbm>>
    %dma_wait3A_1181 = arith.constant 0 : i32
    %dma_wait3A_1182 = tpu.memref_slice %arg4[%mul3A_2, %dma_wait3A_1181] : memref<8192x4096xf32, #tpu.memory_space<hbm>> -> memref<8x4096xf32, #tpu.memory_space<hbm>>
    %dma_wait3A_1183 = arith.constant 0 : i32
    %dma_wait3A_1184 = arith.constant 0 : i32
    %dma_wait3A_1185 = tpu.memref_slice %arg6[%dma_wait3A_1174, %dma_wait3A_1183, %dma_wait3A_1184] : memref<3x8x4096xf32, #tpu.memory_space<vmem>> -> memref<1x8x4096xf32, #tpu.memory_space<vmem>>
    %dma_wait3A_1186 = tpu.memref_squeeze %dma_wait3A_1185 : memref<1x8x4096xf32, #tpu.memory_space<vmem>> -> memref<8x4096xf32, #tpu.memory_space<vmem>>
    tpu.wait_dma2 semaphore(%arg10 : memref<!tpu.dma_semaphore, #tpu.memory_space<semaphore_mem>>) src(%dma_wait3A_1186 : memref<8x4096xf32, #tpu.memory_space<vmem>>) dst(%dma_wait3A_1182 : memref<8x4096xf32, #tpu.memory_space<hbm>>)
    %dma_start3A_1187 = arith.constant 0 : i32
    %dma_start3A_1188 = arith.constant 0 : i32
    %dma_start3A_1189 = arith.constant 0 : i32
    %dma_start3A_1190 = tpu.memref_slice %arg6[%dma_start3A_1187, %dma_start3A_1188, %dma_start3A_1189] : memref<3x8x4096xf32, #tpu.memory_space<vmem>> -> memref<1x8x4096xf32, #tpu.memory_space<vmem>>
    %dma_start3A_1191 = tpu.memref_squeeze %dma_start3A_1190 : memref<1x8x4096xf32, #tpu.memory_space<vmem>> -> memref<8x4096xf32, #tpu.memory_space<vmem>>
    %dma_start3A_1192 = arith.constant 192 : i32
    %dma_start3A_1193 = tpu.memref_slice %arg5[%dma_start3A_1192] : memref<256xi32, #tpu.memory_space<vmem>> -> memref<8xi32, #tpu.memory_space<vmem>>
    %dma_start3A_1194 = arith.constant 0 : i32
    %dma_start3A_1195 = arith.constant 0 : i32
    %dma_start3A_1196 = tpu.memref_slice %arg3[%dma_start3A_1194, %dma_start3A_1195] : memref<65024x4096xf32, #tpu.memory_space<hbm>> -> memref<65024x4096xf32, #tpu.memory_space<hbm>>
    tpu.enqueue_indirect_dma source(%dma_start3A_1196 : memref<65024x4096xf32, #tpu.memory_space<hbm>>) target(%dma_start3A_1191 : memref<8x4096xf32, #tpu.memory_space<vmem>>) offsets(%dma_start3A_1193 : memref<8xi32, #tpu.memory_space<vmem>>) semaphore(%arg7 : memref<!tpu.dma_semaphore, #tpu.memory_space<semaphore_mem>>)
    %dma_wait3A_1197 = arith.constant 1 : i32
    %dma_wait3A_1198 = arith.constant 0 : i32
    %dma_wait3A_1199 = arith.constant 0 : i32
    %dma_wait3A_1200 = tpu.memref_slice %arg6[%dma_wait3A_1197, %dma_wait3A_1198, %dma_wait3A_1199] : memref<3x8x4096xf32, #tpu.memory_space<vmem>> -> memref<1x8x4096xf32, #tpu.memory_space<vmem>>
    %dma_wait3A_1201 = tpu.memref_squeeze %dma_wait3A_1200 : memref<1x8x4096xf32, #tpu.memory_space<vmem>> -> memref<8x4096xf32, #tpu.memory_space<vmem>>
    %dma_wait3A_1202 = arith.constant 0 : i32
    %dma_wait3A_1203 = arith.constant 0 : i32
    %dma_wait3A_1204 = tpu.memref_slice %arg3[%dma_wait3A_1202, %dma_wait3A_1203] : memref<65024x4096xf32, #tpu.memory_space<hbm>> -> memref<8x4096xf32, #tpu.memory_space<hbm>>
    %dma_wait3A_1205 = arith.constant 0 : i32
    %dma_wait3A_1206 = arith.constant 0 : i32
    %dma_wait3A_1207 = tpu.memref_slice %arg6[%dma_wait3A_1197, %dma_wait3A_1205, %dma_wait3A_1206] : memref<3x8x4096xf32, #tpu.memory_space<vmem>> -> memref<1x8x4096xf32, #tpu.memory_space<vmem>>
    %dma_wait3A_1208 = tpu.memref_squeeze %dma_wait3A_1207 : memref<1x8x4096xf32, #tpu.memory_space<vmem>> -> memref<8x4096xf32, #tpu.memory_space<vmem>>
    %dma_wait3A_1209 = arith.constant 0 : i32
    %dma_wait3A_1210 = arith.constant 0 : i32
    %dma_wait3A_1211 = tpu.memref_slice %arg3[%dma_wait3A_1209, %dma_wait3A_1210] : memref<65024x4096xf32, #tpu.memory_space<hbm>> -> memref<8x4096xf32, #tpu.memory_space<hbm>>
    tpu.wait_dma2 semaphore(%arg8 : memref<!tpu.dma_semaphore, #tpu.memory_space<semaphore_mem>>) src(%dma_wait3A_1211 : memref<8x4096xf32, #tpu.memory_space<hbm>>) dst(%dma_wait3A_1208 : memref<8x4096xf32, #tpu.memory_space<vmem>>)
    %add3A_1212 = arith.constant 176 : i32
    %add3A_1213 = arith.addi %mul3A_2, %add3A_1212 : i32
    %dma_start3A_1214 = arith.constant 1 : i32
    %dma_start3A_1215 = arith.constant 0 : i32
    %dma_start3A_1216 = arith.constant 0 : i32
    %dma_start3A_1217 = tpu.memref_slice %arg6[%dma_start3A_1214, %dma_start3A_1215, %dma_start3A_1216] : memref<3x8x4096xf32, #tpu.memory_space<vmem>> -> memref<1x8x4096xf32, #tpu.memory_space<vmem>>
    %dma_start3A_1218 = tpu.memref_squeeze %dma_start3A_1217 : memref<1x8x4096xf32, #tpu.memory_space<vmem>> -> memref<8x4096xf32, #tpu.memory_space<vmem>>
    %dma_start3A_1219 = arith.constant 0 : i32
    %dma_start3A_1220 = tpu.memref_slice %arg4[%add3A_1213, %dma_start3A_1219] : memref<8192x4096xf32, #tpu.memory_space<hbm>> -> memref<8x4096xf32, #tpu.memory_space<hbm>>
    %dma_start3A_1221 = arith.constant 0 : i32
    %dma_start3A_1222 = tpu.memref_slice %arg4[%add3A_1213, %dma_start3A_1221] : memref<8192x4096xf32, #tpu.memory_space<hbm>> -> memref<8x4096xf32, #tpu.memory_space<hbm>>
    %dma_start3A_1223 = arith.constant 0 : i32
    %dma_start3A_1224 = arith.constant 0 : i32
    %dma_start3A_1225 = tpu.memref_slice %arg6[%dma_start3A_1214, %dma_start3A_1223, %dma_start3A_1224] : memref<3x8x4096xf32, #tpu.memory_space<vmem>> -> memref<1x8x4096xf32, #tpu.memory_space<vmem>>
    %dma_start3A_1226 = tpu.memref_squeeze %dma_start3A_1225 : memref<1x8x4096xf32, #tpu.memory_space<vmem>> -> memref<8x4096xf32, #tpu.memory_space<vmem>>
    tpu.enqueue_dma source(%dma_start3A_1226 : memref<8x4096xf32, #tpu.memory_space<vmem>>) target(%dma_start3A_1222 : memref<8x4096xf32, #tpu.memory_space<hbm>>) target_semaphore(%arg11 : memref<!tpu.dma_semaphore, #tpu.memory_space<semaphore_mem>>)
    %dma_wait3A_1227 = arith.constant 1 : i32
    %dma_wait3A_1228 = arith.constant 0 : i32
    %dma_wait3A_1229 = arith.constant 0 : i32
    %dma_wait3A_1230 = tpu.memref_slice %arg6[%dma_wait3A_1227, %dma_wait3A_1228, %dma_wait3A_1229] : memref<3x8x4096xf32, #tpu.memory_space<vmem>> -> memref<1x8x4096xf32, #tpu.memory_space<vmem>>
    %dma_wait3A_1231 = tpu.memref_squeeze %dma_wait3A_1230 : memref<1x8x4096xf32, #tpu.memory_space<vmem>> -> memref<8x4096xf32, #tpu.memory_space<vmem>>
    %dma_wait3A_1232 = arith.constant 0 : i32
    %dma_wait3A_1233 = tpu.memref_slice %arg4[%mul3A_2, %dma_wait3A_1232] : memref<8192x4096xf32, #tpu.memory_space<hbm>> -> memref<8x4096xf32, #tpu.memory_space<hbm>>
    %dma_wait3A_1234 = arith.constant 0 : i32
    %dma_wait3A_1235 = tpu.memref_slice %arg4[%mul3A_2, %dma_wait3A_1234] : memref<8192x4096xf32, #tpu.memory_space<hbm>> -> memref<8x4096xf32, #tpu.memory_space<hbm>>
    %dma_wait3A_1236 = arith.constant 0 : i32
    %dma_wait3A_1237 = arith.constant 0 : i32
    %dma_wait3A_1238 = tpu.memref_slice %arg6[%dma_wait3A_1227, %dma_wait3A_1236, %dma_wait3A_1237] : memref<3x8x4096xf32, #tpu.memory_space<vmem>> -> memref<1x8x4096xf32, #tpu.memory_space<vmem>>
    %dma_wait3A_1239 = tpu.memref_squeeze %dma_wait3A_1238 : memref<1x8x4096xf32, #tpu.memory_space<vmem>> -> memref<8x4096xf32, #tpu.memory_space<vmem>>
    tpu.wait_dma2 semaphore(%arg11 : memref<!tpu.dma_semaphore, #tpu.memory_space<semaphore_mem>>) src(%dma_wait3A_1239 : memref<8x4096xf32, #tpu.memory_space<vmem>>) dst(%dma_wait3A_1235 : memref<8x4096xf32, #tpu.memory_space<hbm>>)
    %dma_start3A_1240 = arith.constant 1 : i32
    %dma_start3A_1241 = arith.constant 0 : i32
    %dma_start3A_1242 = arith.constant 0 : i32
    %dma_start3A_1243 = tpu.memref_slice %arg6[%dma_start3A_1240, %dma_start3A_1241, %dma_start3A_1242] : memref<3x8x4096xf32, #tpu.memory_space<vmem>> -> memref<1x8x4096xf32, #tpu.memory_space<vmem>>
    %dma_start3A_1244 = tpu.memref_squeeze %dma_start3A_1243 : memref<1x8x4096xf32, #tpu.memory_space<vmem>> -> memref<8x4096xf32, #tpu.memory_space<vmem>>
    %dma_start3A_1245 = arith.constant 200 : i32
    %dma_start3A_1246 = tpu.memref_slice %arg5[%dma_start3A_1245] : memref<256xi32, #tpu.memory_space<vmem>> -> memref<8xi32, #tpu.memory_space<vmem>>
    %dma_start3A_1247 = arith.constant 0 : i32
    %dma_start3A_1248 = arith.constant 0 : i32
    %dma_start3A_1249 = tpu.memref_slice %arg3[%dma_start3A_1247, %dma_start3A_1248] : memref<65024x4096xf32, #tpu.memory_space<hbm>> -> memref<65024x4096xf32, #tpu.memory_space<hbm>>
    tpu.enqueue_indirect_dma source(%dma_start3A_1249 : memref<65024x4096xf32, #tpu.memory_space<hbm>>) target(%dma_start3A_1244 : memref<8x4096xf32, #tpu.memory_space<vmem>>) offsets(%dma_start3A_1246 : memref<8xi32, #tpu.memory_space<vmem>>) semaphore(%arg8 : memref<!tpu.dma_semaphore, #tpu.memory_space<semaphore_mem>>)
    %dma_wait3A_1250 = arith.constant 2 : i32
    %dma_wait3A_1251 = arith.constant 0 : i32
    %dma_wait3A_1252 = arith.constant 0 : i32
    %dma_wait3A_1253 = tpu.memref_slice %arg6[%dma_wait3A_1250, %dma_wait3A_1251, %dma_wait3A_1252] : memref<3x8x4096xf32, #tpu.memory_space<vmem>> -> memref<1x8x4096xf32, #tpu.memory_space<vmem>>
    %dma_wait3A_1254 = tpu.memref_squeeze %dma_wait3A_1253 : memref<1x8x4096xf32, #tpu.memory_space<vmem>> -> memref<8x4096xf32, #tpu.memory_space<vmem>>
    %dma_wait3A_1255 = arith.constant 0 : i32
    %dma_wait3A_1256 = arith.constant 0 : i32
    %dma_wait3A_1257 = tpu.memref_slice %arg3[%dma_wait3A_1255, %dma_wait3A_1256] : memref<65024x4096xf32, #tpu.memory_space<hbm>> -> memref<8x4096xf32, #tpu.memory_space<hbm>>
    %dma_wait3A_1258 = arith.constant 0 : i32
    %dma_wait3A_1259 = arith.constant 0 : i32
    %dma_wait3A_1260 = tpu.memref_slice %arg6[%dma_wait3A_1250, %dma_wait3A_1258, %dma_wait3A_1259] : memref<3x8x4096xf32, #tpu.memory_space<vmem>> -> memref<1x8x4096xf32, #tpu.memory_space<vmem>>
    %dma_wait3A_1261 = tpu.memref_squeeze %dma_wait3A_1260 : memref<1x8x4096xf32, #tpu.memory_space<vmem>> -> memref<8x4096xf32, #tpu.memory_space<vmem>>
    %dma_wait3A_1262 = arith.constant 0 : i32
    %dma_wait3A_1263 = arith.constant 0 : i32
    %dma_wait3A_1264 = tpu.memref_slice %arg3[%dma_wait3A_1262, %dma_wait3A_1263] : memref<65024x4096xf32, #tpu.memory_space<hbm>> -> memref<8x4096xf32, #tpu.memory_space<hbm>>
    tpu.wait_dma2 semaphore(%arg9 : memref<!tpu.dma_semaphore, #tpu.memory_space<semaphore_mem>>) src(%dma_wait3A_1264 : memref<8x4096xf32, #tpu.memory_space<hbm>>) dst(%dma_wait3A_1261 : memref<8x4096xf32, #tpu.memory_space<vmem>>)
    %add3A_1265 = arith.constant 184 : i32
    %add3A_1266 = arith.addi %mul3A_2, %add3A_1265 : i32
    %dma_start3A_1267 = arith.constant 2 : i32
    %dma_start3A_1268 = arith.constant 0 : i32
    %dma_start3A_1269 = arith.constant 0 : i32
    %dma_start3A_1270 = tpu.memref_slice %arg6[%dma_start3A_1267, %dma_start3A_1268, %dma_start3A_1269] : memref<3x8x4096xf32, #tpu.memory_space<vmem>> -> memref<1x8x4096xf32, #tpu.memory_space<vmem>>
    %dma_start3A_1271 = tpu.memref_squeeze %dma_start3A_1270 : memref<1x8x4096xf32, #tpu.memory_space<vmem>> -> memref<8x4096xf32, #tpu.memory_space<vmem>>
    %dma_start3A_1272 = arith.constant 0 : i32
    %dma_start3A_1273 = tpu.memref_slice %arg4[%add3A_1266, %dma_start3A_1272] : memref<8192x4096xf32, #tpu.memory_space<hbm>> -> memref<8x4096xf32, #tpu.memory_space<hbm>>
    %dma_start3A_1274 = arith.constant 0 : i32
    %dma_start3A_1275 = tpu.memref_slice %arg4[%add3A_1266, %dma_start3A_1274] : memref<8192x4096xf32, #tpu.memory_space<hbm>> -> memref<8x4096xf32, #tpu.memory_space<hbm>>
    %dma_start3A_1276 = arith.constant 0 : i32
    %dma_start3A_1277 = arith.constant 0 : i32
    %dma_start3A_1278 = tpu.memref_slice %arg6[%dma_start3A_1267, %dma_start3A_1276, %dma_start3A_1277] : memref<3x8x4096xf32, #tpu.memory_space<vmem>> -> memref<1x8x4096xf32, #tpu.memory_space<vmem>>
    %dma_start3A_1279 = tpu.memref_squeeze %dma_start3A_1278 : memref<1x8x4096xf32, #tpu.memory_space<vmem>> -> memref<8x4096xf32, #tpu.memory_space<vmem>>
    tpu.enqueue_dma source(%dma_start3A_1279 : memref<8x4096xf32, #tpu.memory_space<vmem>>) target(%dma_start3A_1275 : memref<8x4096xf32, #tpu.memory_space<hbm>>) target_semaphore(%arg12 : memref<!tpu.dma_semaphore, #tpu.memory_space<semaphore_mem>>)
    %dma_wait3A_1280 = arith.constant 2 : i32
    %dma_wait3A_1281 = arith.constant 0 : i32
    %dma_wait3A_1282 = arith.constant 0 : i32
    %dma_wait3A_1283 = tpu.memref_slice %arg6[%dma_wait3A_1280, %dma_wait3A_1281, %dma_wait3A_1282] : memref<3x8x4096xf32, #tpu.memory_space<vmem>> -> memref<1x8x4096xf32, #tpu.memory_space<vmem>>
    %dma_wait3A_1284 = tpu.memref_squeeze %dma_wait3A_1283 : memref<1x8x4096xf32, #tpu.memory_space<vmem>> -> memref<8x4096xf32, #tpu.memory_space<vmem>>
    %dma_wait3A_1285 = arith.constant 0 : i32
    %dma_wait3A_1286 = tpu.memref_slice %arg4[%mul3A_2, %dma_wait3A_1285] : memref<8192x4096xf32, #tpu.memory_space<hbm>> -> memref<8x4096xf32, #tpu.memory_space<hbm>>
    %dma_wait3A_1287 = arith.constant 0 : i32
    %dma_wait3A_1288 = tpu.memref_slice %arg4[%mul3A_2, %dma_wait3A_1287] : memref<8192x4096xf32, #tpu.memory_space<hbm>> -> memref<8x4096xf32, #tpu.memory_space<hbm>>
    %dma_wait3A_1289 = arith.constant 0 : i32
    %dma_wait3A_1290 = arith.constant 0 : i32
    %dma_wait3A_1291 = tpu.memref_slice %arg6[%dma_wait3A_1280, %dma_wait3A_1289, %dma_wait3A_1290] : memref<3x8x4096xf32, #tpu.memory_space<vmem>> -> memref<1x8x4096xf32, #tpu.memory_space<vmem>>
    %dma_wait3A_1292 = tpu.memref_squeeze %dma_wait3A_1291 : memref<1x8x4096xf32, #tpu.memory_space<vmem>> -> memref<8x4096xf32, #tpu.memory_space<vmem>>
    tpu.wait_dma2 semaphore(%arg12 : memref<!tpu.dma_semaphore, #tpu.memory_space<semaphore_mem>>) src(%dma_wait3A_1292 : memref<8x4096xf32, #tpu.memory_space<vmem>>) dst(%dma_wait3A_1288 : memref<8x4096xf32, #tpu.memory_space<hbm>>)
    %dma_start3A_1293 = arith.constant 2 : i32
    %dma_start3A_1294 = arith.constant 0 : i32
    %dma_start3A_1295 = arith.constant 0 : i32
    %dma_start3A_1296 = tpu.memref_slice %arg6[%dma_start3A_1293, %dma_start3A_1294, %dma_start3A_1295] : memref<3x8x4096xf32, #tpu.memory_space<vmem>> -> memref<1x8x4096xf32, #tpu.memory_space<vmem>>
    %dma_start3A_1297 = tpu.memref_squeeze %dma_start3A_1296 : memref<1x8x4096xf32, #tpu.memory_space<vmem>> -> memref<8x4096xf32, #tpu.memory_space<vmem>>
    %dma_start3A_1298 = arith.constant 208 : i32
    %dma_start3A_1299 = tpu.memref_slice %arg5[%dma_start3A_1298] : memref<256xi32, #tpu.memory_space<vmem>> -> memref<8xi32, #tpu.memory_space<vmem>>
    %dma_start3A_1300 = arith.constant 0 : i32
    %dma_start3A_1301 = arith.constant 0 : i32
    %dma_start3A_1302 = tpu.memref_slice %arg3[%dma_start3A_1300, %dma_start3A_1301] : memref<65024x4096xf32, #tpu.memory_space<hbm>> -> memref<65024x4096xf32, #tpu.memory_space<hbm>>
    tpu.enqueue_indirect_dma source(%dma_start3A_1302 : memref<65024x4096xf32, #tpu.memory_space<hbm>>) target(%dma_start3A_1297 : memref<8x4096xf32, #tpu.memory_space<vmem>>) offsets(%dma_start3A_1299 : memref<8xi32, #tpu.memory_space<vmem>>) semaphore(%arg9 : memref<!tpu.dma_semaphore, #tpu.memory_space<semaphore_mem>>)
    %dma_wait3A_1303 = arith.constant 0 : i32
    %dma_wait3A_1304 = arith.constant 0 : i32
    %dma_wait3A_1305 = arith.constant 0 : i32
    %dma_wait3A_1306 = tpu.memref_slice %arg6[%dma_wait3A_1303, %dma_wait3A_1304, %dma_wait3A_1305] : memref<3x8x4096xf32, #tpu.memory_space<vmem>> -> memref<1x8x4096xf32, #tpu.memory_space<vmem>>
    %dma_wait3A_1307 = tpu.memref_squeeze %dma_wait3A_1306 : memref<1x8x4096xf32, #tpu.memory_space<vmem>> -> memref<8x4096xf32, #tpu.memory_space<vmem>>
    %dma_wait3A_1308 = arith.constant 0 : i32
    %dma_wait3A_1309 = arith.constant 0 : i32
    %dma_wait3A_1310 = tpu.memref_slice %arg3[%dma_wait3A_1308, %dma_wait3A_1309] : memref<65024x4096xf32, #tpu.memory_space<hbm>> -> memref<8x4096xf32, #tpu.memory_space<hbm>>
    %dma_wait3A_1311 = arith.constant 0 : i32
    %dma_wait3A_1312 = arith.constant 0 : i32
    %dma_wait3A_1313 = tpu.memref_slice %arg6[%dma_wait3A_1303, %dma_wait3A_1311, %dma_wait3A_1312] : memref<3x8x4096xf32, #tpu.memory_space<vmem>> -> memref<1x8x4096xf32, #tpu.memory_space<vmem>>
    %dma_wait3A_1314 = tpu.memref_squeeze %dma_wait3A_1313 : memref<1x8x4096xf32, #tpu.memory_space<vmem>> -> memref<8x4096xf32, #tpu.memory_space<vmem>>
    %dma_wait3A_1315 = arith.constant 0 : i32
    %dma_wait3A_1316 = arith.constant 0 : i32
    %dma_wait3A_1317 = tpu.memref_slice %arg3[%dma_wait3A_1315, %dma_wait3A_1316] : memref<65024x4096xf32, #tpu.memory_space<hbm>> -> memref<8x4096xf32, #tpu.memory_space<hbm>>
    tpu.wait_dma2 semaphore(%arg7 : memref<!tpu.dma_semaphore, #tpu.memory_space<semaphore_mem>>) src(%dma_wait3A_1317 : memref<8x4096xf32, #tpu.memory_space<hbm>>) dst(%dma_wait3A_1314 : memref<8x4096xf32, #tpu.memory_space<vmem>>)
    %add3A_1318 = arith.constant 192 : i32
    %add3A_1319 = arith.addi %mul3A_2, %add3A_1318 : i32
    %dma_start3A_1320 = arith.constant 0 : i32
    %dma_start3A_1321 = arith.constant 0 : i32
    %dma_start3A_1322 = arith.constant 0 : i32
    %dma_start3A_1323 = tpu.memref_slice %arg6[%dma_start3A_1320, %dma_start3A_1321, %dma_start3A_1322] : memref<3x8x4096xf32, #tpu.memory_space<vmem>> -> memref<1x8x4096xf32, #tpu.memory_space<vmem>>
    %dma_start3A_1324 = tpu.memref_squeeze %dma_start3A_1323 : memref<1x8x4096xf32, #tpu.memory_space<vmem>> -> memref<8x4096xf32, #tpu.memory_space<vmem>>
    %dma_start3A_1325 = arith.constant 0 : i32
    %dma_start3A_1326 = tpu.memref_slice %arg4[%add3A_1319, %dma_start3A_1325] : memref<8192x4096xf32, #tpu.memory_space<hbm>> -> memref<8x4096xf32, #tpu.memory_space<hbm>>
    %dma_start3A_1327 = arith.constant 0 : i32
    %dma_start3A_1328 = tpu.memref_slice %arg4[%add3A_1319, %dma_start3A_1327] : memref<8192x4096xf32, #tpu.memory_space<hbm>> -> memref<8x4096xf32, #tpu.memory_space<hbm>>
    %dma_start3A_1329 = arith.constant 0 : i32
    %dma_start3A_1330 = arith.constant 0 : i32
    %dma_start3A_1331 = tpu.memref_slice %arg6[%dma_start3A_1320, %dma_start3A_1329, %dma_start3A_1330] : memref<3x8x4096xf32, #tpu.memory_space<vmem>> -> memref<1x8x4096xf32, #tpu.memory_space<vmem>>
    %dma_start3A_1332 = tpu.memref_squeeze %dma_start3A_1331 : memref<1x8x4096xf32, #tpu.memory_space<vmem>> -> memref<8x4096xf32, #tpu.memory_space<vmem>>
    tpu.enqueue_dma source(%dma_start3A_1332 : memref<8x4096xf32, #tpu.memory_space<vmem>>) target(%dma_start3A_1328 : memref<8x4096xf32, #tpu.memory_space<hbm>>) target_semaphore(%arg10 : memref<!tpu.dma_semaphore, #tpu.memory_space<semaphore_mem>>)
    %dma_wait3A_1333 = arith.constant 0 : i32
    %dma_wait3A_1334 = arith.constant 0 : i32
    %dma_wait3A_1335 = arith.constant 0 : i32
    %dma_wait3A_1336 = tpu.memref_slice %arg6[%dma_wait3A_1333, %dma_wait3A_1334, %dma_wait3A_1335] : memref<3x8x4096xf32, #tpu.memory_space<vmem>> -> memref<1x8x4096xf32, #tpu.memory_space<vmem>>
    %dma_wait3A_1337 = tpu.memref_squeeze %dma_wait3A_1336 : memref<1x8x4096xf32, #tpu.memory_space<vmem>> -> memref<8x4096xf32, #tpu.memory_space<vmem>>
    %dma_wait3A_1338 = arith.constant 0 : i32
    %dma_wait3A_1339 = tpu.memref_slice %arg4[%mul3A_2, %dma_wait3A_1338] : memref<8192x4096xf32, #tpu.memory_space<hbm>> -> memref<8x4096xf32, #tpu.memory_space<hbm>>
    %dma_wait3A_1340 = arith.constant 0 : i32
    %dma_wait3A_1341 = tpu.memref_slice %arg4[%mul3A_2, %dma_wait3A_1340] : memref<8192x4096xf32, #tpu.memory_space<hbm>> -> memref<8x4096xf32, #tpu.memory_space<hbm>>
    %dma_wait3A_1342 = arith.constant 0 : i32
    %dma_wait3A_1343 = arith.constant 0 : i32
    %dma_wait3A_1344 = tpu.memref_slice %arg6[%dma_wait3A_1333, %dma_wait3A_1342, %dma_wait3A_1343] : memref<3x8x4096xf32, #tpu.memory_space<vmem>> -> memref<1x8x4096xf32, #tpu.memory_space<vmem>>
    %dma_wait3A_1345 = tpu.memref_squeeze %dma_wait3A_1344 : memref<1x8x4096xf32, #tpu.memory_space<vmem>> -> memref<8x4096xf32, #tpu.memory_space<vmem>>
    tpu.wait_dma2 semaphore(%arg10 : memref<!tpu.dma_semaphore, #tpu.memory_space<semaphore_mem>>) src(%dma_wait3A_1345 : memref<8x4096xf32, #tpu.memory_space<vmem>>) dst(%dma_wait3A_1341 : memref<8x4096xf32, #tpu.memory_space<hbm>>)
    %dma_start3A_1346 = arith.constant 0 : i32
    %dma_start3A_1347 = arith.constant 0 : i32
    %dma_start3A_1348 = arith.constant 0 : i32
    %dma_start3A_1349 = tpu.memref_slice %arg6[%dma_start3A_1346, %dma_start3A_1347, %dma_start3A_1348] : memref<3x8x4096xf32, #tpu.memory_space<vmem>> -> memref<1x8x4096xf32, #tpu.memory_space<vmem>>
    %dma_start3A_1350 = tpu.memref_squeeze %dma_start3A_1349 : memref<1x8x4096xf32, #tpu.memory_space<vmem>> -> memref<8x4096xf32, #tpu.memory_space<vmem>>
    %dma_start3A_1351 = arith.constant 216 : i32
    %dma_start3A_1352 = tpu.memref_slice %arg5[%dma_start3A_1351] : memref<256xi32, #tpu.memory_space<vmem>> -> memref<8xi32, #tpu.memory_space<vmem>>
    %dma_start3A_1353 = arith.constant 0 : i32
    %dma_start3A_1354 = arith.constant 0 : i32
    %dma_start3A_1355 = tpu.memref_slice %arg3[%dma_start3A_1353, %dma_start3A_1354] : memref<65024x4096xf32, #tpu.memory_space<hbm>> -> memref<65024x4096xf32, #tpu.memory_space<hbm>>
    tpu.enqueue_indirect_dma source(%dma_start3A_1355 : memref<65024x4096xf32, #tpu.memory_space<hbm>>) target(%dma_start3A_1350 : memref<8x4096xf32, #tpu.memory_space<vmem>>) offsets(%dma_start3A_1352 : memref<8xi32, #tpu.memory_space<vmem>>) semaphore(%arg7 : memref<!tpu.dma_semaphore, #tpu.memory_space<semaphore_mem>>)
    %dma_wait3A_1356 = arith.constant 1 : i32
    %dma_wait3A_1357 = arith.constant 0 : i32
    %dma_wait3A_1358 = arith.constant 0 : i32
    %dma_wait3A_1359 = tpu.memref_slice %arg6[%dma_wait3A_1356, %dma_wait3A_1357, %dma_wait3A_1358] : memref<3x8x4096xf32, #tpu.memory_space<vmem>> -> memref<1x8x4096xf32, #tpu.memory_space<vmem>>
    %dma_wait3A_1360 = tpu.memref_squeeze %dma_wait3A_1359 : memref<1x8x4096xf32, #tpu.memory_space<vmem>> -> memref<8x4096xf32, #tpu.memory_space<vmem>>
    %dma_wait3A_1361 = arith.constant 0 : i32
    %dma_wait3A_1362 = arith.constant 0 : i32
    %dma_wait3A_1363 = tpu.memref_slice %arg3[%dma_wait3A_1361, %dma_wait3A_1362] : memref<65024x4096xf32, #tpu.memory_space<hbm>> -> memref<8x4096xf32, #tpu.memory_space<hbm>>
    %dma_wait3A_1364 = arith.constant 0 : i32
    %dma_wait3A_1365 = arith.constant 0 : i32
    %dma_wait3A_1366 = tpu.memref_slice %arg6[%dma_wait3A_1356, %dma_wait3A_1364, %dma_wait3A_1365] : memref<3x8x4096xf32, #tpu.memory_space<vmem>> -> memref<1x8x4096xf32, #tpu.memory_space<vmem>>
    %dma_wait3A_1367 = tpu.memref_squeeze %dma_wait3A_1366 : memref<1x8x4096xf32, #tpu.memory_space<vmem>> -> memref<8x4096xf32, #tpu.memory_space<vmem>>
    %dma_wait3A_1368 = arith.constant 0 : i32
    %dma_wait3A_1369 = arith.constant 0 : i32
    %dma_wait3A_1370 = tpu.memref_slice %arg3[%dma_wait3A_1368, %dma_wait3A_1369] : memref<65024x4096xf32, #tpu.memory_space<hbm>> -> memref<8x4096xf32, #tpu.memory_space<hbm>>
    tpu.wait_dma2 semaphore(%arg8 : memref<!tpu.dma_semaphore, #tpu.memory_space<semaphore_mem>>) src(%dma_wait3A_1370 : memref<8x4096xf32, #tpu.memory_space<hbm>>) dst(%dma_wait3A_1367 : memref<8x4096xf32, #tpu.memory_space<vmem>>)
    %add3A_1371 = arith.constant 200 : i32
    %add3A_1372 = arith.addi %mul3A_2, %add3A_1371 : i32
    %dma_start3A_1373 = arith.constant 1 : i32
    %dma_start3A_1374 = arith.constant 0 : i32
    %dma_start3A_1375 = arith.constant 0 : i32
    %dma_start3A_1376 = tpu.memref_slice %arg6[%dma_start3A_1373, %dma_start3A_1374, %dma_start3A_1375] : memref<3x8x4096xf32, #tpu.memory_space<vmem>> -> memref<1x8x4096xf32, #tpu.memory_space<vmem>>
    %dma_start3A_1377 = tpu.memref_squeeze %dma_start3A_1376 : memref<1x8x4096xf32, #tpu.memory_space<vmem>> -> memref<8x4096xf32, #tpu.memory_space<vmem>>
    %dma_start3A_1378 = arith.constant 0 : i32
    %dma_start3A_1379 = tpu.memref_slice %arg4[%add3A_1372, %dma_start3A_1378] : memref<8192x4096xf32, #tpu.memory_space<hbm>> -> memref<8x4096xf32, #tpu.memory_space<hbm>>
    %dma_start3A_1380 = arith.constant 0 : i32
    %dma_start3A_1381 = tpu.memref_slice %arg4[%add3A_1372, %dma_start3A_1380] : memref<8192x4096xf32, #tpu.memory_space<hbm>> -> memref<8x4096xf32, #tpu.memory_space<hbm>>
    %dma_start3A_1382 = arith.constant 0 : i32
    %dma_start3A_1383 = arith.constant 0 : i32
    %dma_start3A_1384 = tpu.memref_slice %arg6[%dma_start3A_1373, %dma_start3A_1382, %dma_start3A_1383] : memref<3x8x4096xf32, #tpu.memory_space<vmem>> -> memref<1x8x4096xf32, #tpu.memory_space<vmem>>
    %dma_start3A_1385 = tpu.memref_squeeze %dma_start3A_1384 : memref<1x8x4096xf32, #tpu.memory_space<vmem>> -> memref<8x4096xf32, #tpu.memory_space<vmem>>
    tpu.enqueue_dma source(%dma_start3A_1385 : memref<8x4096xf32, #tpu.memory_space<vmem>>) target(%dma_start3A_1381 : memref<8x4096xf32, #tpu.memory_space<hbm>>) target_semaphore(%arg11 : memref<!tpu.dma_semaphore, #tpu.memory_space<semaphore_mem>>)
    %dma_wait3A_1386 = arith.constant 1 : i32
    %dma_wait3A_1387 = arith.constant 0 : i32
    %dma_wait3A_1388 = arith.constant 0 : i32
    %dma_wait3A_1389 = tpu.memref_slice %arg6[%dma_wait3A_1386, %dma_wait3A_1387, %dma_wait3A_1388] : memref<3x8x4096xf32, #tpu.memory_space<vmem>> -> memref<1x8x4096xf32, #tpu.memory_space<vmem>>
    %dma_wait3A_1390 = tpu.memref_squeeze %dma_wait3A_1389 : memref<1x8x4096xf32, #tpu.memory_space<vmem>> -> memref<8x4096xf32, #tpu.memory_space<vmem>>
    %dma_wait3A_1391 = arith.constant 0 : i32
    %dma_wait3A_1392 = tpu.memref_slice %arg4[%mul3A_2, %dma_wait3A_1391] : memref<8192x4096xf32, #tpu.memory_space<hbm>> -> memref<8x4096xf32, #tpu.memory_space<hbm>>
    %dma_wait3A_1393 = arith.constant 0 : i32
    %dma_wait3A_1394 = tpu.memref_slice %arg4[%mul3A_2, %dma_wait3A_1393] : memref<8192x4096xf32, #tpu.memory_space<hbm>> -> memref<8x4096xf32, #tpu.memory_space<hbm>>
    %dma_wait3A_1395 = arith.constant 0 : i32
    %dma_wait3A_1396 = arith.constant 0 : i32
    %dma_wait3A_1397 = tpu.memref_slice %arg6[%dma_wait3A_1386, %dma_wait3A_1395, %dma_wait3A_1396] : memref<3x8x4096xf32, #tpu.memory_space<vmem>> -> memref<1x8x4096xf32, #tpu.memory_space<vmem>>
    %dma_wait3A_1398 = tpu.memref_squeeze %dma_wait3A_1397 : memref<1x8x4096xf32, #tpu.memory_space<vmem>> -> memref<8x4096xf32, #tpu.memory_space<vmem>>
    tpu.wait_dma2 semaphore(%arg11 : memref<!tpu.dma_semaphore, #tpu.memory_space<semaphore_mem>>) src(%dma_wait3A_1398 : memref<8x4096xf32, #tpu.memory_space<vmem>>) dst(%dma_wait3A_1394 : memref<8x4096xf32, #tpu.memory_space<hbm>>)
    %dma_start3A_1399 = arith.constant 1 : i32
    %dma_start3A_1400 = arith.constant 0 : i32
    %dma_start3A_1401 = arith.constant 0 : i32
    %dma_start3A_1402 = tpu.memref_slice %arg6[%dma_start3A_1399, %dma_start3A_1400, %dma_start3A_1401] : memref<3x8x4096xf32, #tpu.memory_space<vmem>> -> memref<1x8x4096xf32, #tpu.memory_space<vmem>>
    %dma_start3A_1403 = tpu.memref_squeeze %dma_start3A_1402 : memref<1x8x4096xf32, #tpu.memory_space<vmem>> -> memref<8x4096xf32, #tpu.memory_space<vmem>>
    %dma_start3A_1404 = arith.constant 224 : i32
    %dma_start3A_1405 = tpu.memref_slice %arg5[%dma_start3A_1404] : memref<256xi32, #tpu.memory_space<vmem>> -> memref<8xi32, #tpu.memory_space<vmem>>
    %dma_start3A_1406 = arith.constant 0 : i32
    %dma_start3A_1407 = arith.constant 0 : i32
    %dma_start3A_1408 = tpu.memref_slice %arg3[%dma_start3A_1406, %dma_start3A_1407] : memref<65024x4096xf32, #tpu.memory_space<hbm>> -> memref<65024x4096xf32, #tpu.memory_space<hbm>>
    tpu.enqueue_indirect_dma source(%dma_start3A_1408 : memref<65024x4096xf32, #tpu.memory_space<hbm>>) target(%dma_start3A_1403 : memref<8x4096xf32, #tpu.memory_space<vmem>>) offsets(%dma_start3A_1405 : memref<8xi32, #tpu.memory_space<vmem>>) semaphore(%arg8 : memref<!tpu.dma_semaphore, #tpu.memory_space<semaphore_mem>>)
    %dma_wait3A_1409 = arith.constant 2 : i32
    %dma_wait3A_1410 = arith.constant 0 : i32
    %dma_wait3A_1411 = arith.constant 0 : i32
    %dma_wait3A_1412 = tpu.memref_slice %arg6[%dma_wait3A_1409, %dma_wait3A_1410, %dma_wait3A_1411] : memref<3x8x4096xf32, #tpu.memory_space<vmem>> -> memref<1x8x4096xf32, #tpu.memory_space<vmem>>
    %dma_wait3A_1413 = tpu.memref_squeeze %dma_wait3A_1412 : memref<1x8x4096xf32, #tpu.memory_space<vmem>> -> memref<8x4096xf32, #tpu.memory_space<vmem>>
    %dma_wait3A_1414 = arith.constant 0 : i32
    %dma_wait3A_1415 = arith.constant 0 : i32
    %dma_wait3A_1416 = tpu.memref_slice %arg3[%dma_wait3A_1414, %dma_wait3A_1415] : memref<65024x4096xf32, #tpu.memory_space<hbm>> -> memref<8x4096xf32, #tpu.memory_space<hbm>>
    %dma_wait3A_1417 = arith.constant 0 : i32
    %dma_wait3A_1418 = arith.constant 0 : i32
    %dma_wait3A_1419 = tpu.memref_slice %arg6[%dma_wait3A_1409, %dma_wait3A_1417, %dma_wait3A_1418] : memref<3x8x4096xf32, #tpu.memory_space<vmem>> -> memref<1x8x4096xf32, #tpu.memory_space<vmem>>
    %dma_wait3A_1420 = tpu.memref_squeeze %dma_wait3A_1419 : memref<1x8x4096xf32, #tpu.memory_space<vmem>> -> memref<8x4096xf32, #tpu.memory_space<vmem>>
    %dma_wait3A_1421 = arith.constant 0 : i32
    %dma_wait3A_1422 = arith.constant 0 : i32
    %dma_wait3A_1423 = tpu.memref_slice %arg3[%dma_wait3A_1421, %dma_wait3A_1422] : memref<65024x4096xf32, #tpu.memory_space<hbm>> -> memref<8x4096xf32, #tpu.memory_space<hbm>>
    tpu.wait_dma2 semaphore(%arg9 : memref<!tpu.dma_semaphore, #tpu.memory_space<semaphore_mem>>) src(%dma_wait3A_1423 : memref<8x4096xf32, #tpu.memory_space<hbm>>) dst(%dma_wait3A_1420 : memref<8x4096xf32, #tpu.memory_space<vmem>>)
    %add3A_1424 = arith.constant 208 : i32
    %add3A_1425 = arith.addi %mul3A_2, %add3A_1424 : i32
    %dma_start3A_1426 = arith.constant 2 : i32
    %dma_start3A_1427 = arith.constant 0 : i32
    %dma_start3A_1428 = arith.constant 0 : i32
    %dma_start3A_1429 = tpu.memref_slice %arg6[%dma_start3A_1426, %dma_start3A_1427, %dma_start3A_1428] : memref<3x8x4096xf32, #tpu.memory_space<vmem>> -> memref<1x8x4096xf32, #tpu.memory_space<vmem>>
    %dma_start3A_1430 = tpu.memref_squeeze %dma_start3A_1429 : memref<1x8x4096xf32, #tpu.memory_space<vmem>> -> memref<8x4096xf32, #tpu.memory_space<vmem>>
    %dma_start3A_1431 = arith.constant 0 : i32
    %dma_start3A_1432 = tpu.memref_slice %arg4[%add3A_1425, %dma_start3A_1431] : memref<8192x4096xf32, #tpu.memory_space<hbm>> -> memref<8x4096xf32, #tpu.memory_space<hbm>>
    %dma_start3A_1433 = arith.constant 0 : i32
    %dma_start3A_1434 = tpu.memref_slice %arg4[%add3A_1425, %dma_start3A_1433] : memref<8192x4096xf32, #tpu.memory_space<hbm>> -> memref<8x4096xf32, #tpu.memory_space<hbm>>
    %dma_start3A_1435 = arith.constant 0 : i32
    %dma_start3A_1436 = arith.constant 0 : i32
    %dma_start3A_1437 = tpu.memref_slice %arg6[%dma_start3A_1426, %dma_start3A_1435, %dma_start3A_1436] : memref<3x8x4096xf32, #tpu.memory_space<vmem>> -> memref<1x8x4096xf32, #tpu.memory_space<vmem>>
    %dma_start3A_1438 = tpu.memref_squeeze %dma_start3A_1437 : memref<1x8x4096xf32, #tpu.memory_space<vmem>> -> memref<8x4096xf32, #tpu.memory_space<vmem>>
    tpu.enqueue_dma source(%dma_start3A_1438 : memref<8x4096xf32, #tpu.memory_space<vmem>>) target(%dma_start3A_1434 : memref<8x4096xf32, #tpu.memory_space<hbm>>) target_semaphore(%arg12 : memref<!tpu.dma_semaphore, #tpu.memory_space<semaphore_mem>>)
    %dma_wait3A_1439 = arith.constant 2 : i32
    %dma_wait3A_1440 = arith.constant 0 : i32
    %dma_wait3A_1441 = arith.constant 0 : i32
    %dma_wait3A_1442 = tpu.memref_slice %arg6[%dma_wait3A_1439, %dma_wait3A_1440, %dma_wait3A_1441] : memref<3x8x4096xf32, #tpu.memory_space<vmem>> -> memref<1x8x4096xf32, #tpu.memory_space<vmem>>
    %dma_wait3A_1443 = tpu.memref_squeeze %dma_wait3A_1442 : memref<1x8x4096xf32, #tpu.memory_space<vmem>> -> memref<8x4096xf32, #tpu.memory_space<vmem>>
    %dma_wait3A_1444 = arith.constant 0 : i32
    %dma_wait3A_1445 = tpu.memref_slice %arg4[%mul3A_2, %dma_wait3A_1444] : memref<8192x4096xf32, #tpu.memory_space<hbm>> -> memref<8x4096xf32, #tpu.memory_space<hbm>>
    %dma_wait3A_1446 = arith.constant 0 : i32
    %dma_wait3A_1447 = tpu.memref_slice %arg4[%mul3A_2, %dma_wait3A_1446] : memref<8192x4096xf32, #tpu.memory_space<hbm>> -> memref<8x4096xf32, #tpu.memory_space<hbm>>
    %dma_wait3A_1448 = arith.constant 0 : i32
    %dma_wait3A_1449 = arith.constant 0 : i32
    %dma_wait3A_1450 = tpu.memref_slice %arg6[%dma_wait3A_1439, %dma_wait3A_1448, %dma_wait3A_1449] : memref<3x8x4096xf32, #tpu.memory_space<vmem>> -> memref<1x8x4096xf32, #tpu.memory_space<vmem>>
    %dma_wait3A_1451 = tpu.memref_squeeze %dma_wait3A_1450 : memref<1x8x4096xf32, #tpu.memory_space<vmem>> -> memref<8x4096xf32, #tpu.memory_space<vmem>>
    tpu.wait_dma2 semaphore(%arg12 : memref<!tpu.dma_semaphore, #tpu.memory_space<semaphore_mem>>) src(%dma_wait3A_1451 : memref<8x4096xf32, #tpu.memory_space<vmem>>) dst(%dma_wait3A_1447 : memref<8x4096xf32, #tpu.memory_space<hbm>>)
    %dma_start3A_1452 = arith.constant 2 : i32
    %dma_start3A_1453 = arith.constant 0 : i32
    %dma_start3A_1454 = arith.constant 0 : i32
    %dma_start3A_1455 = tpu.memref_slice %arg6[%dma_start3A_1452, %dma_start3A_1453, %dma_start3A_1454] : memref<3x8x4096xf32, #tpu.memory_space<vmem>> -> memref<1x8x4096xf32, #tpu.memory_space<vmem>>
    %dma_start3A_1456 = tpu.memref_squeeze %dma_start3A_1455 : memref<1x8x4096xf32, #tpu.memory_space<vmem>> -> memref<8x4096xf32, #tpu.memory_space<vmem>>
    %dma_start3A_1457 = arith.constant 232 : i32
    %dma_start3A_1458 = tpu.memref_slice %arg5[%dma_start3A_1457] : memref<256xi32, #tpu.memory_space<vmem>> -> memref<8xi32, #tpu.memory_space<vmem>>
    %dma_start3A_1459 = arith.constant 0 : i32
    %dma_start3A_1460 = arith.constant 0 : i32
    %dma_start3A_1461 = tpu.memref_slice %arg3[%dma_start3A_1459, %dma_start3A_1460] : memref<65024x4096xf32, #tpu.memory_space<hbm>> -> memref<65024x4096xf32, #tpu.memory_space<hbm>>
    tpu.enqueue_indirect_dma source(%dma_start3A_1461 : memref<65024x4096xf32, #tpu.memory_space<hbm>>) target(%dma_start3A_1456 : memref<8x4096xf32, #tpu.memory_space<vmem>>) offsets(%dma_start3A_1458 : memref<8xi32, #tpu.memory_space<vmem>>) semaphore(%arg9 : memref<!tpu.dma_semaphore, #tpu.memory_space<semaphore_mem>>)
    %dma_wait3A_1462 = arith.constant 0 : i32
    %dma_wait3A_1463 = arith.constant 0 : i32
    %dma_wait3A_1464 = arith.constant 0 : i32
    %dma_wait3A_1465 = tpu.memref_slice %arg6[%dma_wait3A_1462, %dma_wait3A_1463, %dma_wait3A_1464] : memref<3x8x4096xf32, #tpu.memory_space<vmem>> -> memref<1x8x4096xf32, #tpu.memory_space<vmem>>
    %dma_wait3A_1466 = tpu.memref_squeeze %dma_wait3A_1465 : memref<1x8x4096xf32, #tpu.memory_space<vmem>> -> memref<8x4096xf32, #tpu.memory_space<vmem>>
    %dma_wait3A_1467 = arith.constant 0 : i32
    %dma_wait3A_1468 = arith.constant 0 : i32
    %dma_wait3A_1469 = tpu.memref_slice %arg3[%dma_wait3A_1467, %dma_wait3A_1468] : memref<65024x4096xf32, #tpu.memory_space<hbm>> -> memref<8x4096xf32, #tpu.memory_space<hbm>>
    %dma_wait3A_1470 = arith.constant 0 : i32
    %dma_wait3A_1471 = arith.constant 0 : i32
    %dma_wait3A_1472 = tpu.memref_slice %arg6[%dma_wait3A_1462, %dma_wait3A_1470, %dma_wait3A_1471] : memref<3x8x4096xf32, #tpu.memory_space<vmem>> -> memref<1x8x4096xf32, #tpu.memory_space<vmem>>
    %dma_wait3A_1473 = tpu.memref_squeeze %dma_wait3A_1472 : memref<1x8x4096xf32, #tpu.memory_space<vmem>> -> memref<8x4096xf32, #tpu.memory_space<vmem>>
    %dma_wait3A_1474 = arith.constant 0 : i32
    %dma_wait3A_1475 = arith.constant 0 : i32
    %dma_wait3A_1476 = tpu.memref_slice %arg3[%dma_wait3A_1474, %dma_wait3A_1475] : memref<65024x4096xf32, #tpu.memory_space<hbm>> -> memref<8x4096xf32, #tpu.memory_space<hbm>>
    tpu.wait_dma2 semaphore(%arg7 : memref<!tpu.dma_semaphore, #tpu.memory_space<semaphore_mem>>) src(%dma_wait3A_1476 : memref<8x4096xf32, #tpu.memory_space<hbm>>) dst(%dma_wait3A_1473 : memref<8x4096xf32, #tpu.memory_space<vmem>>)
    %add3A_1477 = arith.constant 216 : i32
    %add3A_1478 = arith.addi %mul3A_2, %add3A_1477 : i32
    %dma_start3A_1479 = arith.constant 0 : i32
    %dma_start3A_1480 = arith.constant 0 : i32
    %dma_start3A_1481 = arith.constant 0 : i32
    %dma_start3A_1482 = tpu.memref_slice %arg6[%dma_start3A_1479, %dma_start3A_1480, %dma_start3A_1481] : memref<3x8x4096xf32, #tpu.memory_space<vmem>> -> memref<1x8x4096xf32, #tpu.memory_space<vmem>>
    %dma_start3A_1483 = tpu.memref_squeeze %dma_start3A_1482 : memref<1x8x4096xf32, #tpu.memory_space<vmem>> -> memref<8x4096xf32, #tpu.memory_space<vmem>>
    %dma_start3A_1484 = arith.constant 0 : i32
    %dma_start3A_1485 = tpu.memref_slice %arg4[%add3A_1478, %dma_start3A_1484] : memref<8192x4096xf32, #tpu.memory_space<hbm>> -> memref<8x4096xf32, #tpu.memory_space<hbm>>
    %dma_start3A_1486 = arith.constant 0 : i32
    %dma_start3A_1487 = tpu.memref_slice %arg4[%add3A_1478, %dma_start3A_1486] : memref<8192x4096xf32, #tpu.memory_space<hbm>> -> memref<8x4096xf32, #tpu.memory_space<hbm>>
    %dma_start3A_1488 = arith.constant 0 : i32
    %dma_start3A_1489 = arith.constant 0 : i32
    %dma_start3A_1490 = tpu.memref_slice %arg6[%dma_start3A_1479, %dma_start3A_1488, %dma_start3A_1489] : memref<3x8x4096xf32, #tpu.memory_space<vmem>> -> memref<1x8x4096xf32, #tpu.memory_space<vmem>>
    %dma_start3A_1491 = tpu.memref_squeeze %dma_start3A_1490 : memref<1x8x4096xf32, #tpu.memory_space<vmem>> -> memref<8x4096xf32, #tpu.memory_space<vmem>>
    tpu.enqueue_dma source(%dma_start3A_1491 : memref<8x4096xf32, #tpu.memory_space<vmem>>) target(%dma_start3A_1487 : memref<8x4096xf32, #tpu.memory_space<hbm>>) target_semaphore(%arg10 : memref<!tpu.dma_semaphore, #tpu.memory_space<semaphore_mem>>)
    %dma_wait3A_1492 = arith.constant 0 : i32
    %dma_wait3A_1493 = arith.constant 0 : i32
    %dma_wait3A_1494 = arith.constant 0 : i32
    %dma_wait3A_1495 = tpu.memref_slice %arg6[%dma_wait3A_1492, %dma_wait3A_1493, %dma_wait3A_1494] : memref<3x8x4096xf32, #tpu.memory_space<vmem>> -> memref<1x8x4096xf32, #tpu.memory_space<vmem>>
    %dma_wait3A_1496 = tpu.memref_squeeze %dma_wait3A_1495 : memref<1x8x4096xf32, #tpu.memory_space<vmem>> -> memref<8x4096xf32, #tpu.memory_space<vmem>>
    %dma_wait3A_1497 = arith.constant 0 : i32
    %dma_wait3A_1498 = tpu.memref_slice %arg4[%mul3A_2, %dma_wait3A_1497] : memref<8192x4096xf32, #tpu.memory_space<hbm>> -> memref<8x4096xf32, #tpu.memory_space<hbm>>
    %dma_wait3A_1499 = arith.constant 0 : i32
    %dma_wait3A_1500 = tpu.memref_slice %arg4[%mul3A_2, %dma_wait3A_1499] : memref<8192x4096xf32, #tpu.memory_space<hbm>> -> memref<8x4096xf32, #tpu.memory_space<hbm>>
    %dma_wait3A_1501 = arith.constant 0 : i32
    %dma_wait3A_1502 = arith.constant 0 : i32
    %dma_wait3A_1503 = tpu.memref_slice %arg6[%dma_wait3A_1492, %dma_wait3A_1501, %dma_wait3A_1502] : memref<3x8x4096xf32, #tpu.memory_space<vmem>> -> memref<1x8x4096xf32, #tpu.memory_space<vmem>>
    %dma_wait3A_1504 = tpu.memref_squeeze %dma_wait3A_1503 : memref<1x8x4096xf32, #tpu.memory_space<vmem>> -> memref<8x4096xf32, #tpu.memory_space<vmem>>
    tpu.wait_dma2 semaphore(%arg10 : memref<!tpu.dma_semaphore, #tpu.memory_space<semaphore_mem>>) src(%dma_wait3A_1504 : memref<8x4096xf32, #tpu.memory_space<vmem>>) dst(%dma_wait3A_1500 : memref<8x4096xf32, #tpu.memory_space<hbm>>)
    %dma_start3A_1505 = arith.constant 0 : i32
    %dma_start3A_1506 = arith.constant 0 : i32
    %dma_start3A_1507 = arith.constant 0 : i32
    %dma_start3A_1508 = tpu.memref_slice %arg6[%dma_start3A_1505, %dma_start3A_1506, %dma_start3A_1507] : memref<3x8x4096xf32, #tpu.memory_space<vmem>> -> memref<1x8x4096xf32, #tpu.memory_space<vmem>>
    %dma_start3A_1509 = tpu.memref_squeeze %dma_start3A_1508 : memref<1x8x4096xf32, #tpu.memory_space<vmem>> -> memref<8x4096xf32, #tpu.memory_space<vmem>>
    %dma_start3A_1510 = arith.constant 240 : i32
    %dma_start3A_1511 = tpu.memref_slice %arg5[%dma_start3A_1510] : memref<256xi32, #tpu.memory_space<vmem>> -> memref<8xi32, #tpu.memory_space<vmem>>
    %dma_start3A_1512 = arith.constant 0 : i32
    %dma_start3A_1513 = arith.constant 0 : i32
    %dma_start3A_1514 = tpu.memref_slice %arg3[%dma_start3A_1512, %dma_start3A_1513] : memref<65024x4096xf32, #tpu.memory_space<hbm>> -> memref<65024x4096xf32, #tpu.memory_space<hbm>>
    tpu.enqueue_indirect_dma source(%dma_start3A_1514 : memref<65024x4096xf32, #tpu.memory_space<hbm>>) target(%dma_start3A_1509 : memref<8x4096xf32, #tpu.memory_space<vmem>>) offsets(%dma_start3A_1511 : memref<8xi32, #tpu.memory_space<vmem>>) semaphore(%arg7 : memref<!tpu.dma_semaphore, #tpu.memory_space<semaphore_mem>>)
    %dma_wait3A_1515 = arith.constant 1 : i32
    %dma_wait3A_1516 = arith.constant 0 : i32
    %dma_wait3A_1517 = arith.constant 0 : i32
    %dma_wait3A_1518 = tpu.memref_slice %arg6[%dma_wait3A_1515, %dma_wait3A_1516, %dma_wait3A_1517] : memref<3x8x4096xf32, #tpu.memory_space<vmem>> -> memref<1x8x4096xf32, #tpu.memory_space<vmem>>
    %dma_wait3A_1519 = tpu.memref_squeeze %dma_wait3A_1518 : memref<1x8x4096xf32, #tpu.memory_space<vmem>> -> memref<8x4096xf32, #tpu.memory_space<vmem>>
    %dma_wait3A_1520 = arith.constant 0 : i32
    %dma_wait3A_1521 = arith.constant 0 : i32
    %dma_wait3A_1522 = tpu.memref_slice %arg3[%dma_wait3A_1520, %dma_wait3A_1521] : memref<65024x4096xf32, #tpu.memory_space<hbm>> -> memref<8x4096xf32, #tpu.memory_space<hbm>>
    %dma_wait3A_1523 = arith.constant 0 : i32
    %dma_wait3A_1524 = arith.constant 0 : i32
    %dma_wait3A_1525 = tpu.memref_slice %arg6[%dma_wait3A_1515, %dma_wait3A_1523, %dma_wait3A_1524] : memref<3x8x4096xf32, #tpu.memory_space<vmem>> -> memref<1x8x4096xf32, #tpu.memory_space<vmem>>
    %dma_wait3A_1526 = tpu.memref_squeeze %dma_wait3A_1525 : memref<1x8x4096xf32, #tpu.memory_space<vmem>> -> memref<8x4096xf32, #tpu.memory_space<vmem>>
    %dma_wait3A_1527 = arith.constant 0 : i32
    %dma_wait3A_1528 = arith.constant 0 : i32
    %dma_wait3A_1529 = tpu.memref_slice %arg3[%dma_wait3A_1527, %dma_wait3A_1528] : memref<65024x4096xf32, #tpu.memory_space<hbm>> -> memref<8x4096xf32, #tpu.memory_space<hbm>>
    tpu.wait_dma2 semaphore(%arg8 : memref<!tpu.dma_semaphore, #tpu.memory_space<semaphore_mem>>) src(%dma_wait3A_1529 : memref<8x4096xf32, #tpu.memory_space<hbm>>) dst(%dma_wait3A_1526 : memref<8x4096xf32, #tpu.memory_space<vmem>>)
    %add3A_1530 = arith.constant 224 : i32
    %add3A_1531 = arith.addi %mul3A_2, %add3A_1530 : i32
    %dma_start3A_1532 = arith.constant 1 : i32
    %dma_start3A_1533 = arith.constant 0 : i32
    %dma_start3A_1534 = arith.constant 0 : i32
    %dma_start3A_1535 = tpu.memref_slice %arg6[%dma_start3A_1532, %dma_start3A_1533, %dma_start3A_1534] : memref<3x8x4096xf32, #tpu.memory_space<vmem>> -> memref<1x8x4096xf32, #tpu.memory_space<vmem>>
    %dma_start3A_1536 = tpu.memref_squeeze %dma_start3A_1535 : memref<1x8x4096xf32, #tpu.memory_space<vmem>> -> memref<8x4096xf32, #tpu.memory_space<vmem>>
    %dma_start3A_1537 = arith.constant 0 : i32
    %dma_start3A_1538 = tpu.memref_slice %arg4[%add3A_1531, %dma_start3A_1537] : memref<8192x4096xf32, #tpu.memory_space<hbm>> -> memref<8x4096xf32, #tpu.memory_space<hbm>>
    %dma_start3A_1539 = arith.constant 0 : i32
    %dma_start3A_1540 = tpu.memref_slice %arg4[%add3A_1531, %dma_start3A_1539] : memref<8192x4096xf32, #tpu.memory_space<hbm>> -> memref<8x4096xf32, #tpu.memory_space<hbm>>
    %dma_start3A_1541 = arith.constant 0 : i32
    %dma_start3A_1542 = arith.constant 0 : i32
    %dma_start3A_1543 = tpu.memref_slice %arg6[%dma_start3A_1532, %dma_start3A_1541, %dma_start3A_1542] : memref<3x8x4096xf32, #tpu.memory_space<vmem>> -> memref<1x8x4096xf32, #tpu.memory_space<vmem>>
    %dma_start3A_1544 = tpu.memref_squeeze %dma_start3A_1543 : memref<1x8x4096xf32, #tpu.memory_space<vmem>> -> memref<8x4096xf32, #tpu.memory_space<vmem>>
    tpu.enqueue_dma source(%dma_start3A_1544 : memref<8x4096xf32, #tpu.memory_space<vmem>>) target(%dma_start3A_1540 : memref<8x4096xf32, #tpu.memory_space<hbm>>) target_semaphore(%arg11 : memref<!tpu.dma_semaphore, #tpu.memory_space<semaphore_mem>>)
    %dma_wait3A_1545 = arith.constant 1 : i32
    %dma_wait3A_1546 = arith.constant 0 : i32
    %dma_wait3A_1547 = arith.constant 0 : i32
    %dma_wait3A_1548 = tpu.memref_slice %arg6[%dma_wait3A_1545, %dma_wait3A_1546, %dma_wait3A_1547] : memref<3x8x4096xf32, #tpu.memory_space<vmem>> -> memref<1x8x4096xf32, #tpu.memory_space<vmem>>
    %dma_wait3A_1549 = tpu.memref_squeeze %dma_wait3A_1548 : memref<1x8x4096xf32, #tpu.memory_space<vmem>> -> memref<8x4096xf32, #tpu.memory_space<vmem>>
    %dma_wait3A_1550 = arith.constant 0 : i32
    %dma_wait3A_1551 = tpu.memref_slice %arg4[%mul3A_2, %dma_wait3A_1550] : memref<8192x4096xf32, #tpu.memory_space<hbm>> -> memref<8x4096xf32, #tpu.memory_space<hbm>>
    %dma_wait3A_1552 = arith.constant 0 : i32
    %dma_wait3A_1553 = tpu.memref_slice %arg4[%mul3A_2, %dma_wait3A_1552] : memref<8192x4096xf32, #tpu.memory_space<hbm>> -> memref<8x4096xf32, #tpu.memory_space<hbm>>
    %dma_wait3A_1554 = arith.constant 0 : i32
    %dma_wait3A_1555 = arith.constant 0 : i32
    %dma_wait3A_1556 = tpu.memref_slice %arg6[%dma_wait3A_1545, %dma_wait3A_1554, %dma_wait3A_1555] : memref<3x8x4096xf32, #tpu.memory_space<vmem>> -> memref<1x8x4096xf32, #tpu.memory_space<vmem>>
    %dma_wait3A_1557 = tpu.memref_squeeze %dma_wait3A_1556 : memref<1x8x4096xf32, #tpu.memory_space<vmem>> -> memref<8x4096xf32, #tpu.memory_space<vmem>>
    tpu.wait_dma2 semaphore(%arg11 : memref<!tpu.dma_semaphore, #tpu.memory_space<semaphore_mem>>) src(%dma_wait3A_1557 : memref<8x4096xf32, #tpu.memory_space<vmem>>) dst(%dma_wait3A_1553 : memref<8x4096xf32, #tpu.memory_space<hbm>>)
    %dma_start3A_1558 = arith.constant 1 : i32
    %dma_start3A_1559 = arith.constant 0 : i32
    %dma_start3A_1560 = arith.constant 0 : i32
    %dma_start3A_1561 = tpu.memref_slice %arg6[%dma_start3A_1558, %dma_start3A_1559, %dma_start3A_1560] : memref<3x8x4096xf32, #tpu.memory_space<vmem>> -> memref<1x8x4096xf32, #tpu.memory_space<vmem>>
    %dma_start3A_1562 = tpu.memref_squeeze %dma_start3A_1561 : memref<1x8x4096xf32, #tpu.memory_space<vmem>> -> memref<8x4096xf32, #tpu.memory_space<vmem>>
    %dma_start3A_1563 = arith.constant 248 : i32
    %dma_start3A_1564 = tpu.memref_slice %arg5[%dma_start3A_1563] : memref<256xi32, #tpu.memory_space<vmem>> -> memref<8xi32, #tpu.memory_space<vmem>>
    %dma_start3A_1565 = arith.constant 0 : i32
    %dma_start3A_1566 = arith.constant 0 : i32
    %dma_start3A_1567 = tpu.memref_slice %arg3[%dma_start3A_1565, %dma_start3A_1566] : memref<65024x4096xf32, #tpu.memory_space<hbm>> -> memref<65024x4096xf32, #tpu.memory_space<hbm>>
    tpu.enqueue_indirect_dma source(%dma_start3A_1567 : memref<65024x4096xf32, #tpu.memory_space<hbm>>) target(%dma_start3A_1562 : memref<8x4096xf32, #tpu.memory_space<vmem>>) offsets(%dma_start3A_1564 : memref<8xi32, #tpu.memory_space<vmem>>) semaphore(%arg8 : memref<!tpu.dma_semaphore, #tpu.memory_space<semaphore_mem>>)
    %dma_wait3A_1568 = arith.constant 2 : i32
    %dma_wait3A_1569 = arith.constant 0 : i32
    %dma_wait3A_1570 = arith.constant 0 : i32
    %dma_wait3A_1571 = tpu.memref_slice %arg6[%dma_wait3A_1568, %dma_wait3A_1569, %dma_wait3A_1570] : memref<3x8x4096xf32, #tpu.memory_space<vmem>> -> memref<1x8x4096xf32, #tpu.memory_space<vmem>>
    %dma_wait3A_1572 = tpu.memref_squeeze %dma_wait3A_1571 : memref<1x8x4096xf32, #tpu.memory_space<vmem>> -> memref<8x4096xf32, #tpu.memory_space<vmem>>
    %dma_wait3A_1573 = arith.constant 0 : i32
    %dma_wait3A_1574 = arith.constant 0 : i32
    %dma_wait3A_1575 = tpu.memref_slice %arg3[%dma_wait3A_1573, %dma_wait3A_1574] : memref<65024x4096xf32, #tpu.memory_space<hbm>> -> memref<8x4096xf32, #tpu.memory_space<hbm>>
    %dma_wait3A_1576 = arith.constant 0 : i32
    %dma_wait3A_1577 = arith.constant 0 : i32
    %dma_wait3A_1578 = tpu.memref_slice %arg6[%dma_wait3A_1568, %dma_wait3A_1576, %dma_wait3A_1577] : memref<3x8x4096xf32, #tpu.memory_space<vmem>> -> memref<1x8x4096xf32, #tpu.memory_space<vmem>>
    %dma_wait3A_1579 = tpu.memref_squeeze %dma_wait3A_1578 : memref<1x8x4096xf32, #tpu.memory_space<vmem>> -> memref<8x4096xf32, #tpu.memory_space<vmem>>
    %dma_wait3A_1580 = arith.constant 0 : i32
    %dma_wait3A_1581 = arith.constant 0 : i32
    %dma_wait3A_1582 = tpu.memref_slice %arg3[%dma_wait3A_1580, %dma_wait3A_1581] : memref<65024x4096xf32, #tpu.memory_space<hbm>> -> memref<8x4096xf32, #tpu.memory_space<hbm>>
    tpu.wait_dma2 semaphore(%arg9 : memref<!tpu.dma_semaphore, #tpu.memory_space<semaphore_mem>>) src(%dma_wait3A_1582 : memref<8x4096xf32, #tpu.memory_space<hbm>>) dst(%dma_wait3A_1579 : memref<8x4096xf32, #tpu.memory_space<vmem>>)
    %add3A_1583 = arith.constant 232 : i32
    %add3A_1584 = arith.addi %mul3A_2, %add3A_1583 : i32
    %dma_start3A_1585 = arith.constant 2 : i32
    %dma_start3A_1586 = arith.constant 0 : i32
    %dma_start3A_1587 = arith.constant 0 : i32
    %dma_start3A_1588 = tpu.memref_slice %arg6[%dma_start3A_1585, %dma_start3A_1586, %dma_start3A_1587] : memref<3x8x4096xf32, #tpu.memory_space<vmem>> -> memref<1x8x4096xf32, #tpu.memory_space<vmem>>
    %dma_start3A_1589 = tpu.memref_squeeze %dma_start3A_1588 : memref<1x8x4096xf32, #tpu.memory_space<vmem>> -> memref<8x4096xf32, #tpu.memory_space<vmem>>
    %dma_start3A_1590 = arith.constant 0 : i32
    %dma_start3A_1591 = tpu.memref_slice %arg4[%add3A_1584, %dma_start3A_1590] : memref<8192x4096xf32, #tpu.memory_space<hbm>> -> memref<8x4096xf32, #tpu.memory_space<hbm>>
    %dma_start3A_1592 = arith.constant 0 : i32
    %dma_start3A_1593 = tpu.memref_slice %arg4[%add3A_1584, %dma_start3A_1592] : memref<8192x4096xf32, #tpu.memory_space<hbm>> -> memref<8x4096xf32, #tpu.memory_space<hbm>>
    %dma_start3A_1594 = arith.constant 0 : i32
    %dma_start3A_1595 = arith.constant 0 : i32
    %dma_start3A_1596 = tpu.memref_slice %arg6[%dma_start3A_1585, %dma_start3A_1594, %dma_start3A_1595] : memref<3x8x4096xf32, #tpu.memory_space<vmem>> -> memref<1x8x4096xf32, #tpu.memory_space<vmem>>
    %dma_start3A_1597 = tpu.memref_squeeze %dma_start3A_1596 : memref<1x8x4096xf32, #tpu.memory_space<vmem>> -> memref<8x4096xf32, #tpu.memory_space<vmem>>
    tpu.enqueue_dma source(%dma_start3A_1597 : memref<8x4096xf32, #tpu.memory_space<vmem>>) target(%dma_start3A_1593 : memref<8x4096xf32, #tpu.memory_space<hbm>>) target_semaphore(%arg12 : memref<!tpu.dma_semaphore, #tpu.memory_space<semaphore_mem>>)
    %dma_wait3A_1598 = arith.constant 0 : i32
    %dma_wait3A_1599 = arith.constant 0 : i32
    %dma_wait3A_1600 = arith.constant 0 : i32
    %dma_wait3A_1601 = tpu.memref_slice %arg6[%dma_wait3A_1598, %dma_wait3A_1599, %dma_wait3A_1600] : memref<3x8x4096xf32, #tpu.memory_space<vmem>> -> memref<1x8x4096xf32, #tpu.memory_space<vmem>>
    %dma_wait3A_1602 = tpu.memref_squeeze %dma_wait3A_1601 : memref<1x8x4096xf32, #tpu.memory_space<vmem>> -> memref<8x4096xf32, #tpu.memory_space<vmem>>
    %dma_wait3A_1603 = arith.constant 0 : i32
    %dma_wait3A_1604 = arith.constant 0 : i32
    %dma_wait3A_1605 = tpu.memref_slice %arg3[%dma_wait3A_1603, %dma_wait3A_1604] : memref<65024x4096xf32, #tpu.memory_space<hbm>> -> memref<8x4096xf32, #tpu.memory_space<hbm>>
    %dma_wait3A_1606 = arith.constant 0 : i32
    %dma_wait3A_1607 = arith.constant 0 : i32
    %dma_wait3A_1608 = tpu.memref_slice %arg6[%dma_wait3A_1598, %dma_wait3A_1606, %dma_wait3A_1607] : memref<3x8x4096xf32, #tpu.memory_space<vmem>> -> memref<1x8x4096xf32, #tpu.memory_space<vmem>>
    %dma_wait3A_1609 = tpu.memref_squeeze %dma_wait3A_1608 : memref<1x8x4096xf32, #tpu.memory_space<vmem>> -> memref<8x4096xf32, #tpu.memory_space<vmem>>
    %dma_wait3A_1610 = arith.constant 0 : i32
    %dma_wait3A_1611 = arith.constant 0 : i32
    %dma_wait3A_1612 = tpu.memref_slice %arg3[%dma_wait3A_1610, %dma_wait3A_1611] : memref<65024x4096xf32, #tpu.memory_space<hbm>> -> memref<8x4096xf32, #tpu.memory_space<hbm>>
    tpu.wait_dma2 semaphore(%arg7 : memref<!tpu.dma_semaphore, #tpu.memory_space<semaphore_mem>>) src(%dma_wait3A_1612 : memref<8x4096xf32, #tpu.memory_space<hbm>>) dst(%dma_wait3A_1609 : memref<8x4096xf32, #tpu.memory_space<vmem>>)
    %add3A_1613 = arith.constant 240 : i32
    %add3A_1614 = arith.addi %mul3A_2, %add3A_1613 : i32
    %dma_start3A_1615 = arith.constant 0 : i32
    %dma_start3A_1616 = arith.constant 0 : i32
    %dma_start3A_1617 = arith.constant 0 : i32
    %dma_start3A_1618 = tpu.memref_slice %arg6[%dma_start3A_1615, %dma_start3A_1616, %dma_start3A_1617] : memref<3x8x4096xf32, #tpu.memory_space<vmem>> -> memref<1x8x4096xf32, #tpu.memory_space<vmem>>
    %dma_start3A_1619 = tpu.memref_squeeze %dma_start3A_1618 : memref<1x8x4096xf32, #tpu.memory_space<vmem>> -> memref<8x4096xf32, #tpu.memory_space<vmem>>
    %dma_start3A_1620 = arith.constant 0 : i32
    %dma_start3A_1621 = tpu.memref_slice %arg4[%add3A_1614, %dma_start3A_1620] : memref<8192x4096xf32, #tpu.memory_space<hbm>> -> memref<8x4096xf32, #tpu.memory_space<hbm>>
    %dma_start3A_1622 = arith.constant 0 : i32
    %dma_start3A_1623 = tpu.memref_slice %arg4[%add3A_1614, %dma_start3A_1622] : memref<8192x4096xf32, #tpu.memory_space<hbm>> -> memref<8x4096xf32, #tpu.memory_space<hbm>>
    %dma_start3A_1624 = arith.constant 0 : i32
    %dma_start3A_1625 = arith.constant 0 : i32
    %dma_start3A_1626 = tpu.memref_slice %arg6[%dma_start3A_1615, %dma_start3A_1624, %dma_start3A_1625] : memref<3x8x4096xf32, #tpu.memory_space<vmem>> -> memref<1x8x4096xf32, #tpu.memory_space<vmem>>
    %dma_start3A_1627 = tpu.memref_squeeze %dma_start3A_1626 : memref<1x8x4096xf32, #tpu.memory_space<vmem>> -> memref<8x4096xf32, #tpu.memory_space<vmem>>
    tpu.enqueue_dma source(%dma_start3A_1627 : memref<8x4096xf32, #tpu.memory_space<vmem>>) target(%dma_start3A_1623 : memref<8x4096xf32, #tpu.memory_space<hbm>>) target_semaphore(%arg10 : memref<!tpu.dma_semaphore, #tpu.memory_space<semaphore_mem>>)
    %dma_wait3A_1628 = arith.constant 1 : i32
    %dma_wait3A_1629 = arith.constant 0 : i32
    %dma_wait3A_1630 = arith.constant 0 : i32
    %dma_wait3A_1631 = tpu.memref_slice %arg6[%dma_wait3A_1628, %dma_wait3A_1629, %dma_wait3A_1630] : memref<3x8x4096xf32, #tpu.memory_space<vmem>> -> memref<1x8x4096xf32, #tpu.memory_space<vmem>>
    %dma_wait3A_1632 = tpu.memref_squeeze %dma_wait3A_1631 : memref<1x8x4096xf32, #tpu.memory_space<vmem>> -> memref<8x4096xf32, #tpu.memory_space<vmem>>
    %dma_wait3A_1633 = arith.constant 0 : i32
    %dma_wait3A_1634 = arith.constant 0 : i32
    %dma_wait3A_1635 = tpu.memref_slice %arg3[%dma_wait3A_1633, %dma_wait3A_1634] : memref<65024x4096xf32, #tpu.memory_space<hbm>> -> memref<8x4096xf32, #tpu.memory_space<hbm>>
    %dma_wait3A_1636 = arith.constant 0 : i32
    %dma_wait3A_1637 = arith.constant 0 : i32
    %dma_wait3A_1638 = tpu.memref_slice %arg6[%dma_wait3A_1628, %dma_wait3A_1636, %dma_wait3A_1637] : memref<3x8x4096xf32, #tpu.memory_space<vmem>> -> memref<1x8x4096xf32, #tpu.memory_space<vmem>>
    %dma_wait3A_1639 = tpu.memref_squeeze %dma_wait3A_1638 : memref<1x8x4096xf32, #tpu.memory_space<vmem>> -> memref<8x4096xf32, #tpu.memory_space<vmem>>
    %dma_wait3A_1640 = arith.constant 0 : i32
    %dma_wait3A_1641 = arith.constant 0 : i32
    %dma_wait3A_1642 = tpu.memref_slice %arg3[%dma_wait3A_1640, %dma_wait3A_1641] : memref<65024x4096xf32, #tpu.memory_space<hbm>> -> memref<8x4096xf32, #tpu.memory_space<hbm>>
    tpu.wait_dma2 semaphore(%arg8 : memref<!tpu.dma_semaphore, #tpu.memory_space<semaphore_mem>>) src(%dma_wait3A_1642 : memref<8x4096xf32, #tpu.memory_space<hbm>>) dst(%dma_wait3A_1639 : memref<8x4096xf32, #tpu.memory_space<vmem>>)
    %add3A_1643 = arith.constant 248 : i32
    %add3A_1644 = arith.addi %mul3A_2, %add3A_1643 : i32
    %dma_start3A_1645 = arith.constant 1 : i32
    %dma_start3A_1646 = arith.constant 0 : i32
    %dma_start3A_1647 = arith.constant 0 : i32
    %dma_start3A_1648 = tpu.memref_slice %arg6[%dma_start3A_1645, %dma_start3A_1646, %dma_start3A_1647] : memref<3x8x4096xf32, #tpu.memory_space<vmem>> -> memref<1x8x4096xf32, #tpu.memory_space<vmem>>
    %dma_start3A_1649 = tpu.memref_squeeze %dma_start3A_1648 : memref<1x8x4096xf32, #tpu.memory_space<vmem>> -> memref<8x4096xf32, #tpu.memory_space<vmem>>
    %dma_start3A_1650 = arith.constant 0 : i32
    %dma_start3A_1651 = tpu.memref_slice %arg4[%add3A_1644, %dma_start3A_1650] : memref<8192x4096xf32, #tpu.memory_space<hbm>> -> memref<8x4096xf32, #tpu.memory_space<hbm>>
    %dma_start3A_1652 = arith.constant 0 : i32
    %dma_start3A_1653 = tpu.memref_slice %arg4[%add3A_1644, %dma_start3A_1652] : memref<8192x4096xf32, #tpu.memory_space<hbm>> -> memref<8x4096xf32, #tpu.memory_space<hbm>>
    %dma_start3A_1654 = arith.constant 0 : i32
    %dma_start3A_1655 = arith.constant 0 : i32
    %dma_start3A_1656 = tpu.memref_slice %arg6[%dma_start3A_1645, %dma_start3A_1654, %dma_start3A_1655] : memref<3x8x4096xf32, #tpu.memory_space<vmem>> -> memref<1x8x4096xf32, #tpu.memory_space<vmem>>
    %dma_start3A_1657 = tpu.memref_squeeze %dma_start3A_1656 : memref<1x8x4096xf32, #tpu.memory_space<vmem>> -> memref<8x4096xf32, #tpu.memory_space<vmem>>
    tpu.enqueue_dma source(%dma_start3A_1657 : memref<8x4096xf32, #tpu.memory_space<vmem>>) target(%dma_start3A_1653 : memref<8x4096xf32, #tpu.memory_space<hbm>>) target_semaphore(%arg11 : memref<!tpu.dma_semaphore, #tpu.memory_space<semaphore_mem>>)
    %dma_wait3A_1658 = arith.constant 0 : i32
    %dma_wait3A_1659 = arith.constant 0 : i32
    %dma_wait3A_1660 = arith.constant 0 : i32
    %dma_wait3A_1661 = tpu.memref_slice %arg6[%dma_wait3A_1658, %dma_wait3A_1659, %dma_wait3A_1660] : memref<3x8x4096xf32, #tpu.memory_space<vmem>> -> memref<1x8x4096xf32, #tpu.memory_space<vmem>>
    %dma_wait3A_1662 = tpu.memref_squeeze %dma_wait3A_1661 : memref<1x8x4096xf32, #tpu.memory_space<vmem>> -> memref<8x4096xf32, #tpu.memory_space<vmem>>
    %dma_wait3A_1663 = arith.constant 0 : i32
    %dma_wait3A_1664 = tpu.memref_slice %arg4[%mul3A_2, %dma_wait3A_1663] : memref<8192x4096xf32, #tpu.memory_space<hbm>> -> memref<8x4096xf32, #tpu.memory_space<hbm>>
    %dma_wait3A_1665 = arith.constant 0 : i32
    %dma_wait3A_1666 = tpu.memref_slice %arg4[%mul3A_2, %dma_wait3A_1665] : memref<8192x4096xf32, #tpu.memory_space<hbm>> -> memref<8x4096xf32, #tpu.memory_space<hbm>>
    %dma_wait3A_1667 = arith.constant 0 : i32
    %dma_wait3A_1668 = arith.constant 0 : i32
    %dma_wait3A_1669 = tpu.memref_slice %arg6[%dma_wait3A_1658, %dma_wait3A_1667, %dma_wait3A_1668] : memref<3x8x4096xf32, #tpu.memory_space<vmem>> -> memref<1x8x4096xf32, #tpu.memory_space<vmem>>
    %dma_wait3A_1670 = tpu.memref_squeeze %dma_wait3A_1669 : memref<1x8x4096xf32, #tpu.memory_space<vmem>> -> memref<8x4096xf32, #tpu.memory_space<vmem>>
    tpu.wait_dma2 semaphore(%arg10 : memref<!tpu.dma_semaphore, #tpu.memory_space<semaphore_mem>>) src(%dma_wait3A_1670 : memref<8x4096xf32, #tpu.memory_space<vmem>>) dst(%dma_wait3A_1666 : memref<8x4096xf32, #tpu.memory_space<hbm>>)
    %dma_wait3A_1671 = arith.constant 1 : i32
    %dma_wait3A_1672 = arith.constant 0 : i32
    %dma_wait3A_1673 = arith.constant 0 : i32
    %dma_wait3A_1674 = tpu.memref_slice %arg6[%dma_wait3A_1671, %dma_wait3A_1672, %dma_wait3A_1673] : memref<3x8x4096xf32, #tpu.memory_space<vmem>> -> memref<1x8x4096xf32, #tpu.memory_space<vmem>>
    %dma_wait3A_1675 = tpu.memref_squeeze %dma_wait3A_1674 : memref<1x8x4096xf32, #tpu.memory_space<vmem>> -> memref<8x4096xf32, #tpu.memory_space<vmem>>
    %dma_wait3A_1676 = arith.constant 0 : i32
    %dma_wait3A_1677 = tpu.memref_slice %arg4[%mul3A_2, %dma_wait3A_1676] : memref<8192x4096xf32, #tpu.memory_space<hbm>> -> memref<8x4096xf32, #tpu.memory_space<hbm>>
    %dma_wait3A_1678 = arith.constant 0 : i32
    %dma_wait3A_1679 = tpu.memref_slice %arg4[%mul3A_2, %dma_wait3A_1678] : memref<8192x4096xf32, #tpu.memory_space<hbm>> -> memref<8x4096xf32, #tpu.memory_space<hbm>>
    %dma_wait3A_1680 = arith.constant 0 : i32
    %dma_wait3A_1681 = arith.constant 0 : i32
    %dma_wait3A_1682 = tpu.memref_slice %arg6[%dma_wait3A_1671, %dma_wait3A_1680, %dma_wait3A_1681] : memref<3x8x4096xf32, #tpu.memory_space<vmem>> -> memref<1x8x4096xf32, #tpu.memory_space<vmem>>
    %dma_wait3A_1683 = tpu.memref_squeeze %dma_wait3A_1682 : memref<1x8x4096xf32, #tpu.memory_space<vmem>> -> memref<8x4096xf32, #tpu.memory_space<vmem>>
    tpu.wait_dma2 semaphore(%arg11 : memref<!tpu.dma_semaphore, #tpu.memory_space<semaphore_mem>>) src(%dma_wait3A_1683 : memref<8x4096xf32, #tpu.memory_space<vmem>>) dst(%dma_wait3A_1679 : memref<8x4096xf32, #tpu.memory_space<hbm>>)
    %dma_wait3A_1684 = arith.constant 2 : i32
    %dma_wait3A_1685 = arith.constant 0 : i32
    %dma_wait3A_1686 = arith.constant 0 : i32
    %dma_wait3A_1687 = tpu.memref_slice %arg6[%dma_wait3A_1684, %dma_wait3A_1685, %dma_wait3A_1686] : memref<3x8x4096xf32, #tpu.memory_space<vmem>> -> memref<1x8x4096xf32, #tpu.memory_space<vmem>>
    %dma_wait3A_1688 = tpu.memref_squeeze %dma_wait3A_1687 : memref<1x8x4096xf32, #tpu.memory_space<vmem>> -> memref<8x4096xf32, #tpu.memory_space<vmem>>
    %dma_wait3A_1689 = arith.constant 0 : i32
    %dma_wait3A_1690 = tpu.memref_slice %arg4[%mul3A_2, %dma_wait3A_1689] : memref<8192x4096xf32, #tpu.memory_space<hbm>> -> memref<8x4096xf32, #tpu.memory_space<hbm>>
    %dma_wait3A_1691 = arith.constant 0 : i32
    %dma_wait3A_1692 = tpu.memref_slice %arg4[%mul3A_2, %dma_wait3A_1691] : memref<8192x4096xf32, #tpu.memory_space<hbm>> -> memref<8x4096xf32, #tpu.memory_space<hbm>>
    %dma_wait3A_1693 = arith.constant 0 : i32
    %dma_wait3A_1694 = arith.constant 0 : i32
    %dma_wait3A_1695 = tpu.memref_slice %arg6[%dma_wait3A_1684, %dma_wait3A_1693, %dma_wait3A_1694] : memref<3x8x4096xf32, #tpu.memory_space<vmem>> -> memref<1x8x4096xf32, #tpu.memory_space<vmem>>
    %dma_wait3A_1696 = tpu.memref_squeeze %dma_wait3A_1695 : memref<1x8x4096xf32, #tpu.memory_space<vmem>> -> memref<8x4096xf32, #tpu.memory_space<vmem>>
    tpu.wait_dma2 semaphore(%arg12 : memref<!tpu.dma_semaphore, #tpu.memory_space<semaphore_mem>>) src(%dma_wait3A_1696 : memref<8x4096xf32, #tpu.memory_space<vmem>>) dst(%dma_wait3A_1692 : memref<8x4096xf32, #tpu.memory_space<hbm>>)
    return
  }
}

</mosaic_0001>

<sc_bundles>
// kernel: kernel.3.cloned.1.call-start
scs
__scs_entry_jumppad:
0x0: {  	(pc) =	sbr.rel $0x88, $3  }
0x1: {  	(tag) =	ssettag $0x0;
	lr =	simm.s32 $0x1  }
0x2: {  	[smem:$0x3F9F] =	sst lr;
	_ =	strace $0xD0000000  }
0x3: {  	_ = 	snop  }
0x4: {  	_ = 	snop  }
0x5: {  	_ = 	snop  }
0x6: {  	_ = 	snop  }
0x7: {  	_ = 	snop  }
__scs_overlays_trampoline_lowered:
0x8: {  	[smem:$0x3FAE] =	sst s0  }
0x9: {  	[smem:$0x3FAF] =	sst s1  }
0xa: {  	[smem:$0x3FB0] =	sst s2  }
0xb: {  	[smem:$0x3FB1] =	sst s3  }
0xc: {  	[smem:$0x3FB2] =	sst s4  }
0xd: {  	[smem:$0x3FB3] =	sst s5  }
0xe: {  	[smem:$0x3FB4] =	sst s6  }
0xf: {  	[smem:$0x3FB5] =	sst s7  }
0x10: {  	[smem:$0x3FB6] =	sst s8  }
0x11: {  	[smem:$0x3FB7] =	sst s9;
	s0 =	simm.s32 @!p0 $0x0  }
0x12: {  	s1 =	sld [smem:$0x3F9D];
	s0 =	simm.s32 @p0 $0x1  }
0x13: {  	[smem:$0x3FB8] =	sst s0;
	s0 =	simm.s32 @!p1 $0x0  }
0x14: {  	s2 =	sld [smem:$0x3F9C];
	s0 =	simm.s32 @p1 $0x1  }
0x15: {  	[smem:$0x3FB9] =	sst s0;
	s0 =	simm.s32 @!p2 $0x0  }
0x16: {  	s3 =	sld [smem:$0x3FDB];
	s0 =	simm.s32 @p2 $0x1  }
0x17: {  	s4 =	simm.s32 $0x1BF5;
	[smem:$0x3FBB] =	sst s0  }
0x18: {  	s0 =	sld [smem:$0x3F9E];
	_ =	swait.ge [sflag:s4], $0x0  }
0x19: {  	s7 =	sld [smem:$0x3F9F]  }
0x1a: {  	s8 =	sadd.s32 $0xFFFFE003, lr  }
0x1b: {  	s9 =	sadd.s32 $0xFFFFFEF7, lr;
	s5 =	simm.s32 $0xFFFFFFFF;
	p2 =	slt.u32 s8, $0xFFFFF086  }
0x1c: {  	p1 =	slt.u32 s9, $0xF7A;
	s5 =	simm.s32 @!p2 $0x0  }
0x1d: {  	s5 =	simm.s32 @p1 $0x1;
	p0 =	seq.s32 s7, s2  }
0x1e: {  	s7 =	smul.u32 @!p0 $0xF7A, s2;
	p2 =	seq.s32 @!p0 s5, $0x0  }
0x1f: {  	s9 =	smul.u32 $0xF7A, s1;
	s8 =	simm.s32 @!p0 $0x1BF5;
	p2 =	por !p2, p0  }
0x20: {  	[sflag:s8] =	ssyncset.s32 @!p0 $0xFFFFF086;
	s6 =	sadd.s32 @!p0 s3, s7;
	s7 =	simm.s32 @!p0 $0x108  }
0x21: {  	s3 =	sadd.s32 s3, s9;
	s6 =	sadd.s32 @!p0 $0x88, s6;
	s7 =	simm.s32 @p2 $0x1082  }
0x22: {  	[simem:s7], [sflag:s8] =	dma.local @!p0 [hbm:s6], $0xF7A  }
0x23: {  	s9 =	sor.u32 $0xD0000000, s2;
	s6 =	simm.s32 $0x108;
	_ =	swait.ge @!p0 [sflag:s8], $0x0  }
0x24: {  	s3 =	sadd.s32 $0x88, s3;
	s6 =	simm.s32 @!p1 $0x1082;
	[sflag:s4] =	ssyncset.s32 $0xFFFFF086  }
0x25: {  	[simem:s6], [sflag:s4] =	dma.local [hbm:s3], $0xF7A  }
0x26: {  	[smem:$0x3F9F] =	sst s1;
	(tag) =	ssettag s2;
	_ =	strace s9  }
0x27: {  	s1 =	sld [smem:$0x3FAF]  }
0x28: {  	s2 =	sld [smem:$0x3FB0]  }
0x29: {  	s4 =	sld [smem:$0x3FB2]  }
0x2a: {  	p0 =	seq.s32 s5, $0x0;
	s5 =	sld [smem:$0x3FB3]  }
0x2b: {  	s6 =	sld [smem:$0x3FB4]  }
0x2c: {  	s7 =	sld [smem:$0x3FB5]  }
0x2d: {  	s3 =	simm.s32 $0x108;
	s8 =	sld [smem:$0x3FB6]  }
0x2e: {  	s3 =	simm.s32 @!p0 $0x1082;
	s9 =	sld [smem:$0x3FB7]  }
0x2f: {  	lr =	sadd.s32 s0, s3;
	s0 =	sld [smem:$0x3FAE]  }
0x30: {  	s3 =	sld [smem:$0x3FB1]  }
0x31: {  	[smem:$0x3FBA] =	sst s10  }
0x32: {  	s10 =	sld [smem:$0x3FB8];
	_ =	sdelay $0x3  }
0x33: {  	p0 =	seq.s32 s10, $0x1;
	s10 =	sld [smem:$0x3FBA];
	_ =	sdelay $0x3  }
0x34: {  	[smem:$0x3FBA] =	sst s10  }
0x35: {  	s10 =	sld [smem:$0x3FB9];
	_ =	sdelay $0x3  }
0x36: {  	p1 =	seq.s32 s10, $0x1;
	s10 =	sld [smem:$0x3FBA];
	_ =	sdelay $0x3  }
0x37: {  	[smem:$0x3FBA] =	sst s10  }
0x38: {  	s10 =	sld [smem:$0x3FBB]  }
0x39: {  	_ = 	snop;
	(pc) =	sbr.ind lr, $3  }
0x3a: {  	_ = 	snop  }
0x3b: {  	_ = 	snop  }
0x3c: {  	p2 =	seq.s32 s10, $0x1;
	s10 =	sld [smem:$0x3FBA]  }
0x3d: {  	_ =	shalt  }
0x3e: {  	_ =	shalt  }
0x3f: {  	_ =	shalt  }
0x40: {  	_ =	shalt  }
0x41: {  	_ =	shalt  }
0x42: {  	_ =	shalt  }
0x43: {  	_ =	shalt  }
0x44: {  	_ =	shalt  }
0x45: {  	_ =	shalt  }
0x46: {  	_ =	shalt  }
0x47: {  	_ =	shalt  }
0x48: {  	_ =	shalt  }
0x49: {  	_ =	shalt  }
0x4a: {  	_ =	shalt  }
0x4b: {  	_ =	shalt  }
0x4c: {  	_ =	shalt  }
0x4d: {  	_ =	shalt  }
0x4e: {  	_ =	shalt  }
0x4f: {  	_ =	shalt  }
0x50: {  	_ =	shalt  }
0x51: {  	_ =	shalt  }
0x52: {  	_ =	shalt  }
0x53: {  	_ =	shalt  }
0x54: {  	_ =	shalt  }
0x55: {  	_ =	shalt  }
0x56: {  	_ =	shalt  }
0x57: {  	_ =	shalt  }
0x58: {  	_ =	shalt  }
0x59: {  	_ =	shalt  }
0x5a: {  	_ =	shalt  }
0x5b: {  	_ =	shalt  }
0x5c: {  	_ =	shalt  }
0x5d: {  	_ =	shalt  }
0x5e: {  	_ =	shalt  }
0x5f: {  	_ =	shalt  }
0x60: {  	_ =	shalt  }
0x61: {  	_ =	shalt  }
0x62: {  	_ =	shalt  }
0x63: {  	_ =	shalt  }
0x64: {  	_ =	shalt  }
0x65: {  	_ =	shalt  }
0x66: {  	_ =	shalt  }
0x67: {  	_ =	shalt  }
0x68: {  	_ =	shalt  }
0x69: {  	_ =	shalt  }
0x6a: {  	_ =	shalt  }
0x6b: {  	_ =	shalt  }
0x6c: {  	_ =	shalt  }
0x6d: {  	_ =	shalt  }
0x6e: {  	_ =	shalt  }
0x6f: {  	_ =	shalt  }
0x70: {  	_ =	shalt  }
0x71: {  	_ =	shalt  }
0x72: {  	_ =	shalt  }
0x73: {  	_ =	shalt  }
0x74: {  	_ =	shalt  }
0x75: {  	_ =	shalt  }
0x76: {  	_ =	shalt  }
0x77: {  	_ =	shalt  }
0x78: {  	_ =	shalt  }
0x79: {  	_ =	shalt  }
0x7a: {  	_ =	shalt  }
0x7b: {  	_ =	shalt  }
0x7c: {  	_ =	shalt  }
0x7d: {  	_ =	shalt  }
0x7e: {  	_ =	shalt  }
0x7f: {  	_ =	shalt  }
0x80: {  	_ =	shalt  }
0x81: {  	_ =	shalt  }
0x82: {  	_ =	shalt  }
0x83: {  	_ =	shalt  }
0x84: {  	_ =	shalt  }
0x85: {  	_ =	shalt  }
0x86: {  	_ =	shalt  }
0x87: {  	_ =	shalt  }
.Lfunc_end0:
.L_simem_size_0:
called_computation_lowered:
.L_overlay_start_0:
0x88: {  	s2 =	sld [smem:$0x3FD9]  }
0x89: {  	s3 =	sld [smem:$0x3FFE];
	_ =	sdelay $0x1  }
0x8a: {  	s1 =	srdreg.scid  }
0x8b: {  	s0 =	sand.u32 $0x1, s1  }
0x8c: {  	s17 =	sshll.u32 s0, $0xA;
	s2 =	sadd.s32 s3, s2  }
0x8d: {  	s2 =	sadd.s32 s2, s17  }
0x8e: {  	[smem:$0x3FC6] =	sst s2  }
0x8f: {  	_ = 	snop  }
0x90: {  	s2 =	sld [smem:$0x3FC8]  }
0x91: {  	s18 =	sld [smem:$0x3FD0];
	(tm) =	ssettm $0x1  }
0x92: {  	s4 =	sld [smem:$0x3FFB];
	_ =	sdelay $0x3  }
0x93: {  	_ =	strace s4  }
0x94: {  	s4 =	sld [smem:$0x3FFC];
	_ =	sdelay $0x3  }
0x95: {  	_ =	strace s4  }
0x96: {  	s4 =	sld [smem:$0x3FFD];
	_ =	sdelay $0x3  }
0x97: {  	_ =	strace s4  }
0x98: {  	_ =	strace $0x8FFFFFFF  }
0x99: {  	s19 =	sld [smem:$0x3FDB];
	_ =	sdelay $0x1  }
0x9a: {  	s5 =	simm.s32 $_scs_section_size  }
0x9b: {  	s6 =	simm.s32 $_size__tile_overlayer_lowered;
	s7 =	simm.s32 $_tile_overlayer_lowered  }
0x9c: {  	s22 =	simm.s32 $0x1BFF;
	s21 =	sshll.u32 s7, $0x1;
	s4 =	sadd.s32 s5, s19  }
0x9d: {  	s8 =	simm.s32 $0x0;
	s20 =	sshll.u32 s6, $0x1;
	s6 =	sadd.s32 s21, s4  }
0x9e: {  	[timem:s8], [sflag:s22] =	dma.local [hbm:s6], s20  }
0x9f: {  	_ =	swait.ge [sflag:s22], s20  }
0xa0: {  	s5 =	ssub.s32 $0x0, s20;
	[sflag:s22] =	ssyncset.done $0x0  }
0xa1: {  	[sflag:s22] =	ssyncadd.s32 s5;
	_ =	sdelay $0x1  }
0xa2: {  	s23 =	simm.s32 $0x1B8B  }
0xa3: {  	_ =	swait.ge [sflag:s23], $0x1  }
0xa4: {  	[sflag:s23] =	ssyncset.done $0x0  }
0xa5: {  	s25 =	simm.s32 $0x1B8E;
	s24 =	sld [smem:$0x3FFE];
	[sflag:s23] =	ssyncadd.s32 $0xFFFFFFFF  }
0xa6: {  	s26 =	simm.s32 $execute0_lowered;
	[smem:$0x3FD2] =	sst s25  }
0xa7: {  	s6 =	sshll.u32 s26, $0x1;
	_ =	strace $0x80000046;
	[dreg:$0x1] =	wrdreg $0xFFFFFFFF  }
0xa8: {  	s28 =	simm.s32 $_size_execute0_lowered;
	s4 =	sadd.s32 s4, s6;
	[dreg:$0x0] =	wrdreg $0x0  }
0xa9: {  	s6 =	sshll.u32 s28, $0x1;
	[dreg:$0x2] =	wrdreg s4  }
0xaa: {  	[dreg:$0x3] =	wrdreg s6  }
0xab: {  	[dreg:$0x4] =	wrdreg $0xC0  }
0xac: {  	_ =	task [dreg:s8], $0x5FFFF  }
0xad: {  	[dreg:$0x1] =	wrdreg $0xFFFFFFFF  }
0xae: {  	[dreg:$0x0] =	wrdreg $0x60  }
0xaf: {  	[dreg:$0x2] =	wrdreg s24  }
0xb0: {  	[dreg:$0x3] =	wrdreg s2  }
0xb1: {  	[dreg:$0x4] =	wrdreg s18  }
0xb2: {  	[dreg:$0x5] =	wrdreg $0x9  }
0xb3: {  	_ =	task.clear_ibuf [dreg:s8], $0x6FFFF;
	_ =	strace $0x90000046  }
0xb4: {  	s29 =	simm.s32 $0x9;
	_ =	strace $0x80000048  }
0xb5: {  	_ =	swait.ge [sflag:s29], $0x1  }
0xb6: {  	[sflag:s29] =	ssyncadd.s32 $0xFFFFFFFF  }
0xb7: {  	_ =	strace $0x90000048  }
0xb8: {  	_ =	sfence  }
0xb9: {  	s30 =	sld [smem:$0x0];
	_ =	sdelay $0x2  }
0xba: {  	s31 =	sshll.u32 s1, $0xD;
	s1 =	sshrl.u32 s1, $0x2  }
0xbb: {  	s3 =	sand.u32 $0x4000, s31;
	s1 =	sadd.s32 s1, s30  }
0xbc: {  	s0 =	sor.u32 s3, s0;
	s1 =	sshll.u32 s1, $0x11  }
0xbd: {  	s0 =	sor.u32 s1, s0  }
0xbe: {  	s0 =	sadd.s32 $0x8F2B, s0  }
0xbf: {  	[sflag:s0] =	ssyncadd.remote.s32 $0x1  }
0xc0: {  	_ =	sfence.sel $0xFFFF  }
0xc1: {  	[dreg:$0x0] =	wrdreg $0xFFFFFFFF;
	(pc) =	sbr.abs _section_cstart, $3  }
0xc2: {  	[dreg:$0x1] =	wrdreg $0xFFFFFFFF  }
0xc3: {  	_ =	task.clear_ibuf [dreg:s8], $0x2FFFF;
	_ =	strace $0x9FFFFFFF  }
0xc4: {  	(tm) =	ssettm $0x7FFFFFFF  }
0xc5: {  	_ =	shalt  }
tec
execute0_lowered:
.L_overlay_start_1:
0x0: {  	(tag) =	ssettag $0x1  }
0x1: {  	s0 =	srdreg.scid  }
0x2: {  	s1 =	rddreg [dreg:$0x0];
	s3 =	stileid.u32;
	s0 =	sand.u32 $0x1, s0  }
0x3: {  	s2 =	rddreg [dreg:$0x1];
	s3 =	sshll.u32 s3, $0x9;
	s4 =	sshll.u32 s0, $0x8  }
0x4: {  	s5 =	rddreg [dreg:$0x2];
	s4 =	sor.u32 s4, s3  }
0x5: {  	s3 =	simm.s32 $0x0;
	s6 =	sshrl.u32 s4, $0x3;
	s4 =	sshll.u32 s4, $0x9  }
0x6: {  	[smem:$0x7FF] =	sst s3;
	s1 =	sadd.s32 s6, s1;
	s20 =	sadd.s32 s5, s4  }
0x7: {  	_ =	strace $0x80000047;
	s1 =	sadd.s32 $0x400, s1;
	[smem:$0x7FC] =	sst s20  }
0x8: {  	s25 =	sadd.s32 $0x1000, s20;
	[dreg:$0x4] =	wrdreg s1  }
0x9: {  	s26 =	sadd.s32 $0x2000, s20;
	[dreg:$0x5] =	wrdreg s25  }
0xa: {  	s28 =	sadd.s32 $0x3000, s20;
	[dreg:$0x6] =	wrdreg s26  }
0xb: {  	s29 =	sadd.s32 $0x4000, s20;
	[dreg:$0x7] =	wrdreg s28  }
0xc: {  	s30 =	sadd.s32 $0x5000, s20;
	[dreg:$0x8] =	wrdreg s29  }
0xd: {  	s31 =	sadd.s32 $0x6000, s20;
	[dreg:$0x9] =	wrdreg s30  }
0xe: {  	s4 =	sadd.s32 $0x7000, s20;
	[dreg:$0xa] =	wrdreg s31  }
0xf: {  	s5 =	sadd.s32 $0x8000, s20;
	[dreg:$0xb] =	wrdreg s4  }
0x10: {  	s6 =	sadd.s32 $0x9000, s20;
	[dreg:$0xc] =	wrdreg s5  }
0x11: {  	s7 =	sadd.s32 $0xA000, s20;
	[dreg:$0xd] =	wrdreg s6  }
0x12: {  	s8 =	sadd.s32 $0xB000, s20;
	[dreg:$0xe] =	wrdreg s7  }
0x13: {  	s9 =	sadd.s32 $0xC000, s20;
	[dreg:$0xf] =	wrdreg s8  }
0x14: {  	s10 =	sadd.s32 $0xD000, s20;
	[dreg:$0x10] =	wrdreg s9  }
0x15: {  	s0 =	ssub.s32 $0x2, s0;
	s11 =	sadd.s32 $0xE000, s20;
	[dreg:$0x11] =	wrdreg s10  }
0x16: {  	s12 =	sshrl.u32 s0, $0x1;
	s13 =	sadd.s32 $0xF000, s20;
	[dreg:$0x12] =	wrdreg s11  }
0x17: {  	s0 =	ssub.s32 s0, s12;
	s14 =	sadd.s32 $0x10000, s20;
	[dreg:$0x13] =	wrdreg s13  }
0x18: {  	s12 =	sadd.s32 $0x800, s2;
	s15 =	sadd.s32 $0x11000, s20;
	[dreg:$0x14] =	wrdreg s14  }
0x19: {  	s16 =	sadd.s32 $0x12000, s20;
	s17 =	sadd.s32 $0x13000, s20;
	[dreg:$0x15] =	wrdreg s15  }
0x1a: {  	s18 =	sadd.s32 $0x14000, s20;
	s19 =	sadd.s32 $0x15000, s20;
	[dreg:$0x16] =	wrdreg s16  }
0x1b: {  	s21 =	sadd.s32 $0x16000, s20;
	s22 =	sadd.s32 $0x17000, s20;
	[dreg:$0x17] =	wrdreg s17  }
0x1c: {  	s23 =	sadd.s32 $0x18000, s20;
	s24 =	sadd.s32 $0x19000, s20;
	[dreg:$0x18] =	wrdreg s18  }
0x1d: {  	s5 =	sadd.s32 $0x100, s2;
	s6 =	sadd.s32 $0x200, s2;
	[dreg:$0x19] =	wrdreg s19  }
0x1e: {  	s7 =	sadd.s32 $0x300, s2;
	s8 =	sadd.s32 $0x400, s2;
	[dreg:$0x1a] =	wrdreg s21  }
0x1f: {  	s9 =	sadd.s32 $0x500, s2;
	s10 =	sadd.s32 $0x600, s2;
	[dreg:$0x1b] =	wrdreg s22  }
0x20: {  	s11 =	sadd.s32 $0x700, s2;
	s13 =	sadd.s32 $0x900, s2;
	[dreg:$0x1c] =	wrdreg s23  }
0x21: {  	s14 =	sadd.s32 $0xA00, s2;
	[dreg:$0x1d] =	wrdreg s24;
	s25 =	sadd.s32 $0x1A000, s20  }
0x22: {  	s15 =	sadd.s32 $0xB00, s2;
	s26 =	sadd.s32 $0x1B000, s20;
	s16 =	sadd.s32 $0xC00, s2  }
0x23: {  	s28 =	sadd.s32 $0x1C000, s20;
	s17 =	sadd.s32 $0xD00, s2;
	[dreg:$0x1e] =	wrdreg s25  }
0x24: {  	s29 =	sadd.s32 $0x1D000, s20;
	s18 =	sadd.s32 $0xE00, s2;
	[dreg:$0x1f] =	wrdreg s26  }
0x25: {  	s30 =	sadd.s32 $0x1E000, s20;
	s19 =	sadd.s32 $0xF00, s2;
	[smem:$0x7F9] =	sst s28  }
0x26: {  	v0 =	vlaneseq.u32;
	s31 =	sadd.s32 $0x1F000, s20;
	s20 =	smax.u32 s0, $0x1;
	[smem:$0x7FA] =	sst s29  }
0x27: {  	v1 =	vshrl.u32 v0, $0x3;
	s21 =	simm.s32 $0x1;
	s4 =	simm.s32 $0x4;
	[smem:$0x7FB] =	sst s30  }
0x28: {  	vm0 =	vmmov $0xffff;
	v0 =	vand.u32 $0x7, v0;
	v1 =	vmul.u32 $0x8, v1;
	s23 =	simm.s32 $0x2;
	s24 =	simm.s32 $0x6;
	[smem:$0x7FD] =	sst s31  }
.LBB2_1:
0x29: {  	[smem:$0x7F8] =	sst s20  }
0x2a: {  	s28 =	rddreg [dreg:$0x4];
	s31 =	simm.s32 $0x7  }
0x2b: {  	[tilespmem:s3], [sflag:$0x7] =	stream.linear.gather [hbm4b:s28+s3], $0x100, $0x38;
	[tilespmem:$0x18100] =	vst v63  }
0x2c: {  	_ =	swait.ge [sflag:s31], $0x100  }
0x2d: {  	[sflag:s31] =	ssyncset.done $0x0  }
0x2e: {  	[sflag:s31] =	ssyncadd.s32 $0xFFFFFF00  }
0x2f: {  	v2 =	vld.msk [tilespmem:$0x0], $0xff;
	_ =	sdelay $0x4  }
0x30: {  	v3 =	vshll.u32 v2, $0x5  }
0x31: {  	v2 =	vand.u32 $0x7, v2;
	v3 =	vand.u32 $0xFFFFFF00, v3  }
0x32: {  	v2 =	vor.u32 v2, v3  }
0x33: {  	v2 =	vperm.xlane v2, v0;
	_ =	sdelay $0x1  }
0x34: {  	v2 =	vadd.s32 v1, v2;
	_ =	sdelay $0x3  }
0x35: {  	s1 =	simm.s32 $0x100;
	s29 =	rddreg [dreg:$0x1]  }
0x36: {  	[tilespmem:s1], [sflag:$0x1] =	stream.indirect_vreg.gather [hbm4b:s29+s3], $0x80, v2, vm0, $0xb8;
	[tilespmem:$0x18100] =	vst v63  }
0x37: {  	s0 =	simm.s32 $0x900  }
0x38: {  	[tilespmem:s0], [sflag:$0x1] =	stream.indirect_vreg.gather [hbm4b:s5+s3], $0x80, v2, vm0, $0xb8;
	[tilespmem:$0x18100] =	vst v63  }
0x39: {  	s2 =	simm.s32 $0x1100  }
0x3a: {  	[tilespmem:s2], [sflag:$0x1] =	stream.indirect_vreg.gather [hbm4b:s6+s3], $0x80, v2, vm0, $0xb8;
	[tilespmem:$0x18100] =	vst v63  }
0x3b: {  	s20 =	simm.s32 $0x1900  }
0x3c: {  	[tilespmem:s20], [sflag:$0x1] =	stream.indirect_vreg.gather [hbm4b:s7+s3], $0x80, v2, vm0, $0xb8;
	[tilespmem:$0x18100] =	vst v63  }
0x3d: {  	s22 =	simm.s32 $0x2100  }
0x3e: {  	[tilespmem:s22], [sflag:$0x1] =	stream.indirect_vreg.gather [hbm4b:s8+s3], $0x80, v2, vm0, $0xb8;
	[tilespmem:$0x18100] =	vst v63  }
0x3f: {  	s25 =	simm.s32 $0x2900  }
0x40: {  	[tilespmem:s25], [sflag:$0x1] =	stream.indirect_vreg.gather [hbm4b:s9+s3], $0x80, v2, vm0, $0xb8;
	[tilespmem:$0x18100] =	vst v63  }
0x41: {  	s26 =	simm.s32 $0x3100  }
0x42: {  	[tilespmem:s26], [sflag:$0x1] =	stream.indirect_vreg.gather [hbm4b:s10+s3], $0x80, v2, vm0, $0xb8;
	[tilespmem:$0x18100] =	vst v63  }
0x43: {  	s28 =	simm.s32 $0x3900  }
0x44: {  	[tilespmem:s28], [sflag:$0x1] =	stream.indirect_vreg.gather [hbm4b:s11+s3], $0x80, v2, vm0, $0xb8;
	[tilespmem:$0x18100] =	vst v63  }
0x45: {  	s30 =	simm.s32 $0x4100  }
0x46: {  	[tilespmem:s30], [sflag:$0x1] =	stream.indirect_vreg.gather [hbm4b:s12+s3], $0x80, v2, vm0, $0xb8;
	[tilespmem:$0x18100] =	vst v63  }
0x47: {  	s31 =	simm.s32 $0x4900  }
0x48: {  	[tilespmem:s31], [sflag:$0x1] =	stream.indirect_vreg.gather [hbm4b:s13+s3], $0x80, v2, vm0, $0xb8;
	[tilespmem:$0x18100] =	vst v63  }
0x49: {  	s2 =	simm.s32 $0x5100  }
0x4a: {  	[tilespmem:s2], [sflag:$0x1] =	stream.indirect_vreg.gather [hbm4b:s14+s3], $0x80, v2, vm0, $0xb8;
	[tilespmem:$0x18100] =	vst v63  }
0x4b: {  	s22 =	simm.s32 $0x5900  }
0x4c: {  	[tilespmem:s22], [sflag:$0x1] =	stream.indirect_vreg.gather [hbm4b:s15+s3], $0x80, v2, vm0, $0xb8;
	[tilespmem:$0x18100] =	vst v63  }
0x4d: {  	s25 =	simm.s32 $0x6100  }
0x4e: {  	[tilespmem:s25], [sflag:$0x1] =	stream.indirect_vreg.gather [hbm4b:s16+s3], $0x80, v2, vm0, $0xb8;
	[tilespmem:$0x18100] =	vst v63  }
0x4f: {  	s26 =	simm.s32 $0x6900  }
0x50: {  	[tilespmem:s26], [sflag:$0x1] =	stream.indirect_vreg.gather [hbm4b:s17+s3], $0x80, v2, vm0, $0xb8;
	[tilespmem:$0x18100] =	vst v63  }
0x51: {  	s28 =	simm.s32 $0x7100  }
0x52: {  	[tilespmem:s28], [sflag:$0x1] =	stream.indirect_vreg.gather [hbm4b:s18+s3], $0x80, v2, vm0, $0xb8;
	[tilespmem:$0x18100] =	vst v63  }
0x53: {  	s30 =	simm.s32 $0x7900  }
0x54: {  	[tilespmem:s30], [sflag:$0x1] =	stream.indirect_vreg.gather [hbm4b:s19+s3], $0x80, v2, vm0, $0xb8;
	[tilespmem:$0x18100] =	vst v63  }
0x55: {  	v2 =	vld.msk [tilespmem:$0x8], $0xff;
	_ =	sdelay $0x4  }
0x56: {  	v3 =	vshll.u32 v2, $0x5  }
0x57: {  	v2 =	vand.u32 $0x7, v2;
	v3 =	vand.u32 $0xFFFFFF00, v3  }
0x58: {  	v2 =	vor.u32 v2, v3  }
0x59: {  	v2 =	vperm.xlane v2, v0;
	_ =	sdelay $0x1  }
0x5a: {  	v2 =	vadd.s32 v1, v2;
	_ =	sdelay $0x3  }
0x5b: {  	s31 =	simm.s32 $0x8100  }
0x5c: {  	[tilespmem:s31], [sflag:$0x2] =	stream.indirect_vreg.gather [hbm4b:s29+s3], $0x80, v2, vm0, $0xb8;
	[tilespmem:$0x18100] =	vst v63  }
0x5d: {  	s2 =	simm.s32 $0x8900  }
0x5e: {  	[tilespmem:s2], [sflag:$0x2] =	stream.indirect_vreg.gather [hbm4b:s5+s3], $0x80, v2, vm0, $0xb8;
	[tilespmem:$0x18100] =	vst v63  }
0x5f: {  	s22 =	simm.s32 $0x9100  }
0x60: {  	[tilespmem:s22], [sflag:$0x2] =	stream.indirect_vreg.gather [hbm4b:s6+s3], $0x80, v2, vm0, $0xb8;
	[tilespmem:$0x18100] =	vst v63  }
0x61: {  	s26 =	simm.s32 $0x9900  }
0x62: {  	[tilespmem:s26], [sflag:$0x2] =	stream.indirect_vreg.gather [hbm4b:s7+s3], $0x80, v2, vm0, $0xb8;
	[tilespmem:$0x18100] =	vst v63  }
0x63: {  	s30 =	simm.s32 $0xA100  }
0x64: {  	[tilespmem:s30], [sflag:$0x2] =	stream.indirect_vreg.gather [hbm4b:s8+s3], $0x80, v2, vm0, $0xb8;
	[tilespmem:$0x18100] =	vst v63  }
0x65: {  	s31 =	simm.s32 $0xA900  }
0x66: {  	[tilespmem:s31], [sflag:$0x2] =	stream.indirect_vreg.gather [hbm4b:s9+s3], $0x80, v2, vm0, $0xb8;
	[tilespmem:$0x18100] =	vst v63  }
0x67: {  	s1 =	simm.s32 $0xB100  }
0x68: {  	[tilespmem:s1], [sflag:$0x2] =	stream.indirect_vreg.gather [hbm4b:s10+s3], $0x80, v2, vm0, $0xb8;
	[tilespmem:$0x18100] =	vst v63  }
0x69: {  	s2 =	simm.s32 $0xB900  }
0x6a: {  	[tilespmem:s2], [sflag:$0x2] =	stream.indirect_vreg.gather [hbm4b:s11+s3], $0x80, v2, vm0, $0xb8;
	[tilespmem:$0x18100] =	vst v63  }
0x6b: {  	s22 =	simm.s32 $0xC100  }
0x6c: {  	[tilespmem:s22], [sflag:$0x2] =	stream.indirect_vreg.gather [hbm4b:s12+s3], $0x80, v2, vm0, $0xb8;
	[tilespmem:$0x18100] =	vst v63  }
0x6d: {  	s26 =	simm.s32 $0xC900  }
0x6e: {  	[tilespmem:s26], [sflag:$0x2] =	stream.indirect_vreg.gather [hbm4b:s13+s3], $0x80, v2, vm0, $0xb8;
	[tilespmem:$0x18100] =	vst v63  }
0x6f: {  	s30 =	simm.s32 $0xD100  }
0x70: {  	[tilespmem:s30], [sflag:$0x2] =	stream.indirect_vreg.gather [hbm4b:s14+s3], $0x80, v2, vm0, $0xb8;
	[tilespmem:$0x18100] =	vst v63  }
0x71: {  	s31 =	simm.s32 $0xD900  }
0x72: {  	[tilespmem:s31], [sflag:$0x2] =	stream.indirect_vreg.gather [hbm4b:s15+s3], $0x80, v2, vm0, $0xb8;
	[tilespmem:$0x18100] =	vst v63  }
0x73: {  	s1 =	simm.s32 $0xE100  }
0x74: {  	[tilespmem:s1], [sflag:$0x2] =	stream.indirect_vreg.gather [hbm4b:s16+s3], $0x80, v2, vm0, $0xb8;
	[tilespmem:$0x18100] =	vst v63  }
0x75: {  	s2 =	simm.s32 $0xE900  }
0x76: {  	[tilespmem:s2], [sflag:$0x2] =	stream.indirect_vreg.gather [hbm4b:s17+s3], $0x80, v2, vm0, $0xb8;
	[tilespmem:$0x18100] =	vst v63  }
0x77: {  	s22 =	simm.s32 $0xF100  }
0x78: {  	[tilespmem:s22], [sflag:$0x2] =	stream.indirect_vreg.gather [hbm4b:s18+s3], $0x80, v2, vm0, $0xb8;
	[tilespmem:$0x18100] =	vst v63  }
0x79: {  	s26 =	simm.s32 $0xF900  }
0x7a: {  	[tilespmem:s26], [sflag:$0x2] =	stream.indirect_vreg.gather [hbm4b:s19+s3], $0x80, v2, vm0, $0xb8;
	[tilespmem:$0x18100] =	vst v63  }
0x7b: {  	v2 =	vld.msk [tilespmem:$0x10], $0xff;
	_ =	sdelay $0x4  }
0x7c: {  	v3 =	vshll.u32 v2, $0x5  }
0x7d: {  	v2 =	vand.u32 $0x7, v2;
	v3 =	vand.u32 $0xFFFFFF00, v3  }
0x7e: {  	v2 =	vor.u32 v2, v3  }
0x7f: {  	v2 =	vperm.xlane v2, v0;
	_ =	sdelay $0x1  }
0x80: {  	v2 =	vadd.s32 v1, v2;
	_ =	sdelay $0x3  }
0x81: {  	s22 =	simm.s32 $0x10100  }
0x82: {  	[tilespmem:s22], [sflag:$0x3] =	stream.indirect_vreg.gather [hbm4b:s29+s3], $0x80, v2, vm0, $0xb8;
	[tilespmem:$0x18100] =	vst v63  }
0x83: {  	s30 =	simm.s32 $0x10900  }
0x84: {  	[tilespmem:s30], [sflag:$0x3] =	stream.indirect_vreg.gather [hbm4b:s5+s3], $0x80, v2, vm0, $0xb8;
	[tilespmem:$0x18100] =	vst v63  }
0x85: {  	s31 =	simm.s32 $0x11100  }
0x86: {  	[tilespmem:s31], [sflag:$0x3] =	stream.indirect_vreg.gather [hbm4b:s6+s3], $0x80, v2, vm0, $0xb8;
	[tilespmem:$0x18100] =	vst v63  }
0x87: {  	s2 =	simm.s32 $0x11900  }
0x88: {  	[tilespmem:s2], [sflag:$0x3] =	stream.indirect_vreg.gather [hbm4b:s7+s3], $0x80, v2, vm0, $0xb8;
	[tilespmem:$0x18100] =	vst v63  }
0x89: {  	s22 =	simm.s32 $0x12100  }
0x8a: {  	[tilespmem:s22], [sflag:$0x3] =	stream.indirect_vreg.gather [hbm4b:s8+s3], $0x80, v2, vm0, $0xb8;
	[tilespmem:$0x18100] =	vst v63  }
0x8b: {  	s26 =	simm.s32 $0x12900  }
0x8c: {  	[tilespmem:s26], [sflag:$0x3] =	stream.indirect_vreg.gather [hbm4b:s9+s3], $0x80, v2, vm0, $0xb8;
	[tilespmem:$0x18100] =	vst v63  }
0x8d: {  	s28 =	simm.s32 $0x13100  }
0x8e: {  	[tilespmem:s28], [sflag:$0x3] =	stream.indirect_vreg.gather [hbm4b:s10+s3], $0x80, v2, vm0, $0xb8;
	[tilespmem:$0x18100] =	vst v63  }
0x8f: {  	s30 =	simm.s32 $0x13900  }
0x90: {  	[tilespmem:s30], [sflag:$0x3] =	stream.indirect_vreg.gather [hbm4b:s11+s3], $0x80, v2, vm0, $0xb8;
	[tilespmem:$0x18100] =	vst v63  }
0x91: {  	s31 =	simm.s32 $0x14100  }
0x92: {  	[tilespmem:s31], [sflag:$0x3] =	stream.indirect_vreg.gather [hbm4b:s12+s3], $0x80, v2, vm0, $0xb8;
	[tilespmem:$0x18100] =	vst v63  }
0x93: {  	s2 =	simm.s32 $0x14900  }
0x94: {  	[tilespmem:s2], [sflag:$0x3] =	stream.indirect_vreg.gather [hbm4b:s13+s3], $0x80, v2, vm0, $0xb8;
	[tilespmem:$0x18100] =	vst v63  }
0x95: {  	s22 =	simm.s32 $0x15100  }
0x96: {  	[tilespmem:s22], [sflag:$0x3] =	stream.indirect_vreg.gather [hbm4b:s14+s3], $0x80, v2, vm0, $0xb8;
	[tilespmem:$0x18100] =	vst v63  }
0x97: {  	s26 =	simm.s32 $0x15900  }
0x98: {  	[tilespmem:s26], [sflag:$0x3] =	stream.indirect_vreg.gather [hbm4b:s15+s3], $0x80, v2, vm0, $0xb8;
	[tilespmem:$0x18100] =	vst v63  }
0x99: {  	s28 =	simm.s32 $0x16100  }
0x9a: {  	[tilespmem:s28], [sflag:$0x3] =	stream.indirect_vreg.gather [hbm4b:s16+s3], $0x80, v2, vm0, $0xb8;
	[tilespmem:$0x18100] =	vst v63  }
0x9b: {  	s30 =	simm.s32 $0x16900  }
0x9c: {  	[tilespmem:s30], [sflag:$0x3] =	stream.indirect_vreg.gather [hbm4b:s17+s3], $0x80, v2, vm0, $0xb8;
	[tilespmem:$0x18100] =	vst v63  }
0x9d: {  	s31 =	simm.s32 $0x17100  }
0x9e: {  	[tilespmem:s31], [sflag:$0x3] =	stream.indirect_vreg.gather [hbm4b:s18+s3], $0x80, v2, vm0, $0xb8;
	[tilespmem:$0x18100] =	vst v63  }
0x9f: {  	s2 =	simm.s32 $0x17900  }
0xa0: {  	[tilespmem:s2], [sflag:$0x3] =	stream.indirect_vreg.gather [hbm4b:s19+s3], $0x80, v2, vm0, $0xb8;
	[tilespmem:$0x18100] =	vst v63  }
0xa1: {  	_ =	swait.ge [sflag:s21], $0x8000  }
0xa2: {  	s22 =	sld [smem:$0x7FC]  }
0xa3: {  	[sflag:s21] =	ssyncset.done $0x0  }
0xa4: {  	s26 =	simm.s32 $0x100;
	[sflag:s21] =	ssyncadd.s32 $0xFFFF8000  }
0xa5: {  	[hbm4b:s22+s3] =	stream.linear.scatter [tilespmem:s26], [sflag:$0x4], $0x8000, $0x38;
	[tilespmem:$0x18100] =	vst v63  }
0xa6: {  	_ =	swait.ge [sflag:s4], $0x8000  }
0xa7: {  	[sflag:s4] =	ssyncset.done $0x0  }
0xa8: {  	[sflag:s4] =	ssyncadd.s32 $0xFFFF8000  }
0xa9: {  	v2 =	vld.msk [tilespmem:$0x18], $0xff;
	_ =	sdelay $0x4  }
0xaa: {  	v3 =	vshll.u32 v2, $0x5  }
0xab: {  	v2 =	vand.u32 $0x7, v2;
	v3 =	vand.u32 $0xFFFFFF00, v3  }
0xac: {  	v2 =	vor.u32 v2, v3  }
0xad: {  	v2 =	vperm.xlane v2, v0;
	_ =	sdelay $0x1  }
0xae: {  	v2 =	vadd.s32 v1, v2;
	_ =	sdelay $0x4  }
0xaf: {  	[tilespmem:s26], [sflag:$0x1] =	stream.indirect_vreg.gather [hbm4b:s29+s3], $0x80, v2, vm0, $0xb8;
	[tilespmem:$0x18100] =	vst v63  }
0xb0: {  	s22 =	simm.s32 $0x900  }
0xb1: {  	[tilespmem:s22], [sflag:$0x1] =	stream.indirect_vreg.gather [hbm4b:s5+s3], $0x80, v2, vm0, $0xb8;
	[tilespmem:$0x18100] =	vst v63  }
0xb2: {  	s30 =	simm.s32 $0x1100  }
0xb3: {  	[tilespmem:s30], [sflag:$0x1] =	stream.indirect_vreg.gather [hbm4b:s6+s3], $0x80, v2, vm0, $0xb8;
	[tilespmem:$0x18100] =	vst v63  }
0xb4: {  	s26 =	simm.s32 $0x1900  }
0xb5: {  	[tilespmem:s26], [sflag:$0x1] =	stream.indirect_vreg.gather [hbm4b:s7+s3], $0x80, v2, vm0, $0xb8;
	[tilespmem:$0x18100] =	vst v63  }
0xb6: {  	s31 =	simm.s32 $0x2100  }
0xb7: {  	[tilespmem:s31], [sflag:$0x1] =	stream.indirect_vreg.gather [hbm4b:s8+s3], $0x80, v2, vm0, $0xb8;
	[tilespmem:$0x18100] =	vst v63  }
0xb8: {  	s20 =	simm.s32 $0x2900  }
0xb9: {  	[tilespmem:s20], [sflag:$0x1] =	stream.indirect_vreg.gather [hbm4b:s9+s3], $0x80, v2, vm0, $0xb8;
	[tilespmem:$0x18100] =	vst v63  }
0xba: {  	s0 =	simm.s32 $0x3100  }
0xbb: {  	[tilespmem:s0], [sflag:$0x1] =	stream.indirect_vreg.gather [hbm4b:s10+s3], $0x80, v2, vm0, $0xb8;
	[tilespmem:$0x18100] =	vst v63  }
0xbc: {  	s1 =	simm.s32 $0x3900  }
0xbd: {  	[tilespmem:s1], [sflag:$0x1] =	stream.indirect_vreg.gather [hbm4b:s11+s3], $0x80, v2, vm0, $0xb8;
	[tilespmem:$0x18100] =	vst v63  }
0xbe: {  	s2 =	simm.s32 $0x4100  }
0xbf: {  	[tilespmem:s2], [sflag:$0x1] =	stream.indirect_vreg.gather [hbm4b:s12+s3], $0x80, v2, vm0, $0xb8;
	[tilespmem:$0x18100] =	vst v63  }
0xc0: {  	s28 =	simm.s32 $0x4900  }
0xc1: {  	[tilespmem:s28], [sflag:$0x1] =	stream.indirect_vreg.gather [hbm4b:s13+s3], $0x80, v2, vm0, $0xb8;
	[tilespmem:$0x18100] =	vst v63  }
0xc2: {  	s20 =	simm.s32 $0x5100  }
0xc3: {  	[tilespmem:s20], [sflag:$0x1] =	stream.indirect_vreg.gather [hbm4b:s14+s3], $0x80, v2, vm0, $0xb8;
	[tilespmem:$0x18100] =	vst v63  }
0xc4: {  	s28 =	simm.s32 $0x5900  }
0xc5: {  	[tilespmem:s28], [sflag:$0x1] =	stream.indirect_vreg.gather [hbm4b:s15+s3], $0x80, v2, vm0, $0xb8;
	[tilespmem:$0x18100] =	vst v63  }
0xc6: {  	s20 =	simm.s32 $0x6100  }
0xc7: {  	[tilespmem:s20], [sflag:$0x1] =	stream.indirect_vreg.gather [hbm4b:s16+s3], $0x80, v2, vm0, $0xb8;
	[tilespmem:$0x18100] =	vst v63  }
0xc8: {  	s28 =	simm.s32 $0x6900  }
0xc9: {  	[tilespmem:s28], [sflag:$0x1] =	stream.indirect_vreg.gather [hbm4b:s17+s3], $0x80, v2, vm0, $0xb8;
	[tilespmem:$0x18100] =	vst v63  }
0xca: {  	s20 =	simm.s32 $0x7100  }
0xcb: {  	[tilespmem:s20], [sflag:$0x1] =	stream.indirect_vreg.gather [hbm4b:s18+s3], $0x80, v2, vm0, $0xb8;
	[tilespmem:$0x18100] =	vst v63  }
0xcc: {  	s28 =	simm.s32 $0x7900  }
0xcd: {  	[tilespmem:s28], [sflag:$0x1] =	stream.indirect_vreg.gather [hbm4b:s19+s3], $0x80, v2, vm0, $0xb8;
	[tilespmem:$0x18100] =	vst v63  }
0xce: {  	_ =	swait.ge [sflag:s23], $0x8000  }
0xcf: {  	[sflag:s23] =	ssyncset.done $0x0  }
0xd0: {  	s20 =	simm.s32 $0x8100;
	s0 =	rddreg [dreg:$0x5];
	[sflag:s23] =	ssyncadd.s32 $0xFFFF8000  }
0xd1: {  	[hbm4b:s0+s3] =	stream.linear.scatter [tilespmem:s20], [sflag:$0x5], $0x8000, $0x38;
	[tilespmem:$0x18100] =	vst v63  }
0xd2: {  	s0 =	simm.s32 $0x5  }
0xd3: {  	_ =	swait.ge [sflag:s0], $0x8000  }
0xd4: {  	[sflag:s0] =	ssyncset.done $0x0  }
0xd5: {  	[sflag:s0] =	ssyncadd.s32 $0xFFFF8000  }
0xd6: {  	v2 =	vld.msk [tilespmem:$0x20], $0xff;
	_ =	sdelay $0x4  }
0xd7: {  	v3 =	vshll.u32 v2, $0x5  }
0xd8: {  	v2 =	vand.u32 $0x7, v2;
	v3 =	vand.u32 $0xFFFFFF00, v3  }
0xd9: {  	v2 =	vor.u32 v2, v3  }
0xda: {  	v2 =	vperm.xlane v2, v0;
	_ =	sdelay $0x1  }
0xdb: {  	v2 =	vadd.s32 v1, v2;
	_ =	sdelay $0x4  }
0xdc: {  	[tilespmem:s20], [sflag:$0x2] =	stream.indirect_vreg.gather [hbm4b:s29+s3], $0x80, v2, vm0, $0xb8;
	[tilespmem:$0x18100] =	vst v63  }
0xdd: {  	s25 =	simm.s32 $0x8900  }
0xde: {  	[tilespmem:s25], [sflag:$0x2] =	stream.indirect_vreg.gather [hbm4b:s5+s3], $0x80, v2, vm0, $0xb8;
	[tilespmem:$0x18100] =	vst v63  }
0xdf: {  	s28 =	simm.s32 $0x9100  }
0xe0: {  	[tilespmem:s28], [sflag:$0x2] =	stream.indirect_vreg.gather [hbm4b:s6+s3], $0x80, v2, vm0, $0xb8;
	[tilespmem:$0x18100] =	vst v63  }
0xe1: {  	s25 =	simm.s32 $0x9900  }
0xe2: {  	[tilespmem:s25], [sflag:$0x2] =	stream.indirect_vreg.gather [hbm4b:s7+s3], $0x80, v2, vm0, $0xb8;
	[tilespmem:$0x18100] =	vst v63  }
0xe3: {  	s28 =	simm.s32 $0xA100  }
0xe4: {  	[tilespmem:s28], [sflag:$0x2] =	stream.indirect_vreg.gather [hbm4b:s8+s3], $0x80, v2, vm0, $0xb8;
	[tilespmem:$0x18100] =	vst v63  }
0xe5: {  	s25 =	simm.s32 $0xA900  }
0xe6: {  	[tilespmem:s25], [sflag:$0x2] =	stream.indirect_vreg.gather [hbm4b:s9+s3], $0x80, v2, vm0, $0xb8;
	[tilespmem:$0x18100] =	vst v63  }
0xe7: {  	s28 =	simm.s32 $0xB100  }
0xe8: {  	[tilespmem:s28], [sflag:$0x2] =	stream.indirect_vreg.gather [hbm4b:s10+s3], $0x80, v2, vm0, $0xb8;
	[tilespmem:$0x18100] =	vst v63  }
0xe9: {  	s25 =	simm.s32 $0xB900  }
0xea: {  	[tilespmem:s25], [sflag:$0x2] =	stream.indirect_vreg.gather [hbm4b:s11+s3], $0x80, v2, vm0, $0xb8;
	[tilespmem:$0x18100] =	vst v63  }
0xeb: {  	s28 =	simm.s32 $0xC100  }
0xec: {  	[tilespmem:s28], [sflag:$0x2] =	stream.indirect_vreg.gather [hbm4b:s12+s3], $0x80, v2, vm0, $0xb8;
	[tilespmem:$0x18100] =	vst v63  }
0xed: {  	s25 =	simm.s32 $0xC900  }
0xee: {  	[tilespmem:s25], [sflag:$0x2] =	stream.indirect_vreg.gather [hbm4b:s13+s3], $0x80, v2, vm0, $0xb8;
	[tilespmem:$0x18100] =	vst v63  }
0xef: {  	s28 =	simm.s32 $0xD100  }
0xf0: {  	[tilespmem:s28], [sflag:$0x2] =	stream.indirect_vreg.gather [hbm4b:s14+s3], $0x80, v2, vm0, $0xb8;
	[tilespmem:$0x18100] =	vst v63  }
0xf1: {  	s25 =	simm.s32 $0xD900  }
0xf2: {  	[tilespmem:s25], [sflag:$0x2] =	stream.indirect_vreg.gather [hbm4b:s15+s3], $0x80, v2, vm0, $0xb8;
	[tilespmem:$0x18100] =	vst v63  }
0xf3: {  	s28 =	simm.s32 $0xE100  }
0xf4: {  	[tilespmem:s28], [sflag:$0x2] =	stream.indirect_vreg.gather [hbm4b:s16+s3], $0x80, v2, vm0, $0xb8;
	[tilespmem:$0x18100] =	vst v63  }
0xf5: {  	s25 =	simm.s32 $0xE900  }
0xf6: {  	[tilespmem:s25], [sflag:$0x2] =	stream.indirect_vreg.gather [hbm4b:s17+s3], $0x80, v2, vm0, $0xb8;
	[tilespmem:$0x18100] =	vst v63  }
0xf7: {  	s28 =	simm.s32 $0xF100  }
0xf8: {  	[tilespmem:s28], [sflag:$0x2] =	stream.indirect_vreg.gather [hbm4b:s18+s3], $0x80, v2, vm0, $0xb8;
	[tilespmem:$0x18100] =	vst v63  }
0xf9: {  	s25 =	simm.s32 $0xF900  }
0xfa: {  	[tilespmem:s25], [sflag:$0x2] =	stream.indirect_vreg.gather [hbm4b:s19+s3], $0x80, v2, vm0, $0xb8;
	[tilespmem:$0x18100] =	vst v63  }
0xfb: {  	s25 =	simm.s32 $0x3  }
0xfc: {  	_ =	swait.ge [sflag:s25], $0x8000  }
0xfd: {  	[sflag:s25] =	ssyncset.done $0x0  }
0xfe: {  	s20 =	simm.s32 $0x10100;
	s28 =	rddreg [dreg:$0x6];
	[sflag:s25] =	ssyncadd.s32 $0xFFFF8000  }
0xff: {  	[hbm4b:s28+s3] =	stream.linear.scatter [tilespmem:s20], [sflag:$0x6], $0x8000, $0x38;
	[tilespmem:$0x18100] =	vst v63  }
0x100: {  	_ =	swait.ge [sflag:s24], $0x8000  }
0x101: {  	[sflag:s24] =	ssyncset.done $0x0  }
0x102: {  	[sflag:s24] =	ssyncadd.s32 $0xFFFF8000  }
0x103: {  	v2 =	vld.msk [tilespmem:$0x28], $0xff;
	_ =	sdelay $0x4  }
0x104: {  	v3 =	vshll.u32 v2, $0x5  }
0x105: {  	v2 =	vand.u32 $0x7, v2;
	v3 =	vand.u32 $0xFFFFFF00, v3  }
0x106: {  	v2 =	vor.u32 v2, v3  }
0x107: {  	v2 =	vperm.xlane v2, v0;
	_ =	sdelay $0x1  }
0x108: {  	v2 =	vadd.s32 v1, v2;
	_ =	sdelay $0x4  }
0x109: {  	[tilespmem:s20], [sflag:$0x3] =	stream.indirect_vreg.gather [hbm4b:s29+s3], $0x80, v2, vm0, $0xb8;
	[tilespmem:$0x18100] =	vst v63  }
0x10a: {  	s28 =	simm.s32 $0x10900  }
0x10b: {  	[tilespmem:s28], [sflag:$0x3] =	stream.indirect_vreg.gather [hbm4b:s5+s3], $0x80, v2, vm0, $0xb8;
	[tilespmem:$0x18100] =	vst v63  }
0x10c: {  	s28 =	simm.s32 $0x11100  }
0x10d: {  	[tilespmem:s28], [sflag:$0x3] =	stream.indirect_vreg.gather [hbm4b:s6+s3], $0x80, v2, vm0, $0xb8;
	[tilespmem:$0x18100] =	vst v63  }
0x10e: {  	s28 =	simm.s32 $0x11900  }
0x10f: {  	[tilespmem:s28], [sflag:$0x3] =	stream.indirect_vreg.gather [hbm4b:s7+s3], $0x80, v2, vm0, $0xb8;
	[tilespmem:$0x18100] =	vst v63  }
0x110: {  	s28 =	simm.s32 $0x12100  }
0x111: {  	[tilespmem:s28], [sflag:$0x3] =	stream.indirect_vreg.gather [hbm4b:s8+s3], $0x80, v2, vm0, $0xb8;
	[tilespmem:$0x18100] =	vst v63  }
0x112: {  	s28 =	simm.s32 $0x12900  }
0x113: {  	[tilespmem:s28], [sflag:$0x3] =	stream.indirect_vreg.gather [hbm4b:s9+s3], $0x80, v2, vm0, $0xb8;
	[tilespmem:$0x18100] =	vst v63  }
0x114: {  	s28 =	simm.s32 $0x13100  }
0x115: {  	[tilespmem:s28], [sflag:$0x3] =	stream.indirect_vreg.gather [hbm4b:s10+s3], $0x80, v2, vm0, $0xb8;
	[tilespmem:$0x18100] =	vst v63  }
0x116: {  	s28 =	simm.s32 $0x13900  }
0x117: {  	[tilespmem:s28], [sflag:$0x3] =	stream.indirect_vreg.gather [hbm4b:s11+s3], $0x80, v2, vm0, $0xb8;
	[tilespmem:$0x18100] =	vst v63  }
0x118: {  	s28 =	simm.s32 $0x14100  }
0x119: {  	[tilespmem:s28], [sflag:$0x3] =	stream.indirect_vreg.gather [hbm4b:s12+s3], $0x80, v2, vm0, $0xb8;
	[tilespmem:$0x18100] =	vst v63  }
0x11a: {  	s28 =	simm.s32 $0x14900  }
0x11b: {  	[tilespmem:s28], [sflag:$0x3] =	stream.indirect_vreg.gather [hbm4b:s13+s3], $0x80, v2, vm0, $0xb8;
	[tilespmem:$0x18100] =	vst v63  }
0x11c: {  	s28 =	simm.s32 $0x15100  }
0x11d: {  	[tilespmem:s28], [sflag:$0x3] =	stream.indirect_vreg.gather [hbm4b:s14+s3], $0x80, v2, vm0, $0xb8;
	[tilespmem:$0x18100] =	vst v63  }
0x11e: {  	s28 =	simm.s32 $0x15900  }
0x11f: {  	[tilespmem:s28], [sflag:$0x3] =	stream.indirect_vreg.gather [hbm4b:s15+s3], $0x80, v2, vm0, $0xb8;
	[tilespmem:$0x18100] =	vst v63  }
0x120: {  	s28 =	simm.s32 $0x16100  }
0x121: {  	[tilespmem:s28], [sflag:$0x3] =	stream.indirect_vreg.gather [hbm4b:s16+s3], $0x80, v2, vm0, $0xb8;
	[tilespmem:$0x18100] =	vst v63  }
0x122: {  	s28 =	simm.s32 $0x16900  }
0x123: {  	[tilespmem:s28], [sflag:$0x3] =	stream.indirect_vreg.gather [hbm4b:s17+s3], $0x80, v2, vm0, $0xb8;
	[tilespmem:$0x18100] =	vst v63  }
0x124: {  	s28 =	simm.s32 $0x17100  }
0x125: {  	[tilespmem:s28], [sflag:$0x3] =	stream.indirect_vreg.gather [hbm4b:s18+s3], $0x80, v2, vm0, $0xb8;
	[tilespmem:$0x18100] =	vst v63  }
0x126: {  	s28 =	simm.s32 $0x17900  }
0x127: {  	[tilespmem:s28], [sflag:$0x3] =	stream.indirect_vreg.gather [hbm4b:s19+s3], $0x80, v2, vm0, $0xb8;
	[tilespmem:$0x18100] =	vst v63  }
0x128: {  	_ =	swait.ge [sflag:s21], $0x8000  }
0x129: {  	[sflag:s21] =	ssyncset.done $0x0  }
0x12a: {  	s20 =	simm.s32 $0x100;
	s28 =	rddreg [dreg:$0x7];
	[sflag:s21] =	ssyncadd.s32 $0xFFFF8000  }
0x12b: {  	[hbm4b:s28+s3] =	stream.linear.scatter [tilespmem:s20], [sflag:$0x4], $0x8000, $0x38;
	[tilespmem:$0x18100] =	vst v63  }
0x12c: {  	_ =	swait.ge [sflag:s4], $0x8000  }
0x12d: {  	[sflag:s4] =	ssyncset.done $0x0  }
0x12e: {  	[sflag:s4] =	ssyncadd.s32 $0xFFFF8000  }
0x12f: {  	v2 =	vld.msk [tilespmem:$0x30], $0xff;
	_ =	sdelay $0x4  }
0x130: {  	v3 =	vshll.u32 v2, $0x5  }
0x131: {  	v2 =	vand.u32 $0x7, v2;
	v3 =	vand.u32 $0xFFFFFF00, v3  }
0x132: {  	v2 =	vor.u32 v2, v3  }
0x133: {  	v2 =	vperm.xlane v2, v0;
	_ =	sdelay $0x1  }
0x134: {  	v2 =	vadd.s32 v1, v2;
	_ =	sdelay $0x4  }
0x135: {  	[tilespmem:s20], [sflag:$0x1] =	stream.indirect_vreg.gather [hbm4b:s29+s3], $0x80, v2, vm0, $0xb8;
	[tilespmem:$0x18100] =	vst v63  }
0x136: {  	_ = 	snop  }
0x137: {  	[tilespmem:s22], [sflag:$0x1] =	stream.indirect_vreg.gather [hbm4b:s5+s3], $0x80, v2, vm0, $0xb8;
	[tilespmem:$0x18100] =	vst v63  }
0x138: {  	_ = 	snop  }
0x139: {  	[tilespmem:s30], [sflag:$0x1] =	stream.indirect_vreg.gather [hbm4b:s6+s3], $0x80, v2, vm0, $0xb8;
	[tilespmem:$0x18100] =	vst v63  }
0x13a: {  	_ = 	snop  }
0x13b: {  	[tilespmem:s26], [sflag:$0x1] =	stream.indirect_vreg.gather [hbm4b:s7+s3], $0x80, v2, vm0, $0xb8;
	[tilespmem:$0x18100] =	vst v63  }
0x13c: {  	_ = 	snop  }
0x13d: {  	[tilespmem:s31], [sflag:$0x1] =	stream.indirect_vreg.gather [hbm4b:s8+s3], $0x80, v2, vm0, $0xb8;
	[tilespmem:$0x18100] =	vst v63  }
0x13e: {  	s31 =	simm.s32 $0x2900  }
0x13f: {  	[tilespmem:s31], [sflag:$0x1] =	stream.indirect_vreg.gather [hbm4b:s9+s3], $0x80, v2, vm0, $0xb8;
	[tilespmem:$0x18100] =	vst v63  }
0x140: {  	s20 =	simm.s32 $0x3100  }
0x141: {  	[tilespmem:s20], [sflag:$0x1] =	stream.indirect_vreg.gather [hbm4b:s10+s3], $0x80, v2, vm0, $0xb8;
	[tilespmem:$0x18100] =	vst v63  }
0x142: {  	_ = 	snop  }
0x143: {  	[tilespmem:s1], [sflag:$0x1] =	stream.indirect_vreg.gather [hbm4b:s11+s3], $0x80, v2, vm0, $0xb8;
	[tilespmem:$0x18100] =	vst v63  }
0x144: {  	_ = 	snop  }
0x145: {  	[tilespmem:s2], [sflag:$0x1] =	stream.indirect_vreg.gather [hbm4b:s12+s3], $0x80, v2, vm0, $0xb8;
	[tilespmem:$0x18100] =	vst v63  }
0x146: {  	s28 =	simm.s32 $0x4900  }
0x147: {  	[tilespmem:s28], [sflag:$0x1] =	stream.indirect_vreg.gather [hbm4b:s13+s3], $0x80, v2, vm0, $0xb8;
	[tilespmem:$0x18100] =	vst v63  }
0x148: {  	s30 =	simm.s32 $0x5100  }
0x149: {  	[tilespmem:s30], [sflag:$0x1] =	stream.indirect_vreg.gather [hbm4b:s14+s3], $0x80, v2, vm0, $0xb8;
	[tilespmem:$0x18100] =	vst v63  }
0x14a: {  	s2 =	simm.s32 $0x5900  }
0x14b: {  	[tilespmem:s2], [sflag:$0x1] =	stream.indirect_vreg.gather [hbm4b:s15+s3], $0x80, v2, vm0, $0xb8;
	[tilespmem:$0x18100] =	vst v63  }
0x14c: {  	s22 =	simm.s32 $0x6100  }
0x14d: {  	[tilespmem:s22], [sflag:$0x1] =	stream.indirect_vreg.gather [hbm4b:s16+s3], $0x80, v2, vm0, $0xb8;
	[tilespmem:$0x18100] =	vst v63  }
0x14e: {  	s26 =	simm.s32 $0x6900  }
0x14f: {  	[tilespmem:s26], [sflag:$0x1] =	stream.indirect_vreg.gather [hbm4b:s17+s3], $0x80, v2, vm0, $0xb8;
	[tilespmem:$0x18100] =	vst v63  }
0x150: {  	s28 =	simm.s32 $0x7100  }
0x151: {  	[tilespmem:s28], [sflag:$0x1] =	stream.indirect_vreg.gather [hbm4b:s18+s3], $0x80, v2, vm0, $0xb8;
	[tilespmem:$0x18100] =	vst v63  }
0x152: {  	s30 =	simm.s32 $0x7900  }
0x153: {  	[tilespmem:s30], [sflag:$0x1] =	stream.indirect_vreg.gather [hbm4b:s19+s3], $0x80, v2, vm0, $0xb8;
	[tilespmem:$0x18100] =	vst v63  }
0x154: {  	_ =	swait.ge [sflag:s23], $0x8000  }
0x155: {  	[sflag:s23] =	ssyncset.done $0x0  }
0x156: {  	s22 =	simm.s32 $0x8100;
	s2 =	rddreg [dreg:$0x8];
	[sflag:s23] =	ssyncadd.s32 $0xFFFF8000  }
0x157: {  	[hbm4b:s2+s3] =	stream.linear.scatter [tilespmem:s22], [sflag:$0x5], $0x8000, $0x38;
	[tilespmem:$0x18100] =	vst v63  }
0x158: {  	_ =	swait.ge [sflag:s0], $0x8000  }
0x159: {  	[sflag:s0] =	ssyncset.done $0x0  }
0x15a: {  	[sflag:s0] =	ssyncadd.s32 $0xFFFF8000  }
0x15b: {  	v2 =	vld.msk [tilespmem:$0x38], $0xff;
	_ =	sdelay $0x4  }
0x15c: {  	v3 =	vshll.u32 v2, $0x5  }
0x15d: {  	v2 =	vand.u32 $0x7, v2;
	v3 =	vand.u32 $0xFFFFFF00, v3  }
0x15e: {  	v2 =	vor.u32 v2, v3  }
0x15f: {  	v2 =	vperm.xlane v2, v0;
	_ =	sdelay $0x1  }
0x160: {  	v2 =	vadd.s32 v1, v2;
	_ =	sdelay $0x4  }
0x161: {  	[tilespmem:s22], [sflag:$0x2] =	stream.indirect_vreg.gather [hbm4b:s29+s3], $0x80, v2, vm0, $0xb8;
	[tilespmem:$0x18100] =	vst v63  }
0x162: {  	s22 =	simm.s32 $0x8900  }
0x163: {  	[tilespmem:s22], [sflag:$0x2] =	stream.indirect_vreg.gather [hbm4b:s5+s3], $0x80, v2, vm0, $0xb8;
	[tilespmem:$0x18100] =	vst v63  }
0x164: {  	s26 =	simm.s32 $0x9100  }
0x165: {  	[tilespmem:s26], [sflag:$0x2] =	stream.indirect_vreg.gather [hbm4b:s6+s3], $0x80, v2, vm0, $0xb8;
	[tilespmem:$0x18100] =	vst v63  }
0x166: {  	s26 =	simm.s32 $0x9900  }
0x167: {  	[tilespmem:s26], [sflag:$0x2] =	stream.indirect_vreg.gather [hbm4b:s7+s3], $0x80, v2, vm0, $0xb8;
	[tilespmem:$0x18100] =	vst v63  }
0x168: {  	s30 =	simm.s32 $0xA100  }
0x169: {  	[tilespmem:s30], [sflag:$0x2] =	stream.indirect_vreg.gather [hbm4b:s8+s3], $0x80, v2, vm0, $0xb8;
	[tilespmem:$0x18100] =	vst v63  }
0x16a: {  	s1 =	simm.s32 $0xA900  }
0x16b: {  	[tilespmem:s1], [sflag:$0x2] =	stream.indirect_vreg.gather [hbm4b:s9+s3], $0x80, v2, vm0, $0xb8;
	[tilespmem:$0x18100] =	vst v63  }
0x16c: {  	s28 =	simm.s32 $0xB100  }
0x16d: {  	[tilespmem:s28], [sflag:$0x2] =	stream.indirect_vreg.gather [hbm4b:s10+s3], $0x80, v2, vm0, $0xb8;
	[tilespmem:$0x18100] =	vst v63  }
0x16e: {  	s28 =	simm.s32 $0xB900  }
0x16f: {  	[tilespmem:s28], [sflag:$0x2] =	stream.indirect_vreg.gather [hbm4b:s11+s3], $0x80, v2, vm0, $0xb8;
	[tilespmem:$0x18100] =	vst v63  }
0x170: {  	s28 =	simm.s32 $0xC100  }
0x171: {  	[tilespmem:s28], [sflag:$0x2] =	stream.indirect_vreg.gather [hbm4b:s12+s3], $0x80, v2, vm0, $0xb8;
	[tilespmem:$0x18100] =	vst v63  }
0x172: {  	s28 =	simm.s32 $0xC900  }
0x173: {  	[tilespmem:s28], [sflag:$0x2] =	stream.indirect_vreg.gather [hbm4b:s13+s3], $0x80, v2, vm0, $0xb8;
	[tilespmem:$0x18100] =	vst v63  }
0x174: {  	s28 =	simm.s32 $0xD100  }
0x175: {  	[tilespmem:s28], [sflag:$0x2] =	stream.indirect_vreg.gather [hbm4b:s14+s3], $0x80, v2, vm0, $0xb8;
	[tilespmem:$0x18100] =	vst v63  }
0x176: {  	s28 =	simm.s32 $0xD900  }
0x177: {  	[tilespmem:s28], [sflag:$0x2] =	stream.indirect_vreg.gather [hbm4b:s15+s3], $0x80, v2, vm0, $0xb8;
	[tilespmem:$0x18100] =	vst v63  }
0x178: {  	s28 =	simm.s32 $0xE100  }
0x179: {  	[tilespmem:s28], [sflag:$0x2] =	stream.indirect_vreg.gather [hbm4b:s16+s3], $0x80, v2, vm0, $0xb8;
	[tilespmem:$0x18100] =	vst v63  }
0x17a: {  	s28 =	simm.s32 $0xE900  }
0x17b: {  	[tilespmem:s28], [sflag:$0x2] =	stream.indirect_vreg.gather [hbm4b:s17+s3], $0x80, v2, vm0, $0xb8;
	[tilespmem:$0x18100] =	vst v63  }
0x17c: {  	s28 =	simm.s32 $0xF100  }
0x17d: {  	[tilespmem:s28], [sflag:$0x2] =	stream.indirect_vreg.gather [hbm4b:s18+s3], $0x80, v2, vm0, $0xb8;
	[tilespmem:$0x18100] =	vst v63  }
0x17e: {  	s28 =	simm.s32 $0xF900  }
0x17f: {  	[tilespmem:s28], [sflag:$0x2] =	stream.indirect_vreg.gather [hbm4b:s19+s3], $0x80, v2, vm0, $0xb8;
	[tilespmem:$0x18100] =	vst v63  }
0x180: {  	_ =	swait.ge [sflag:s25], $0x8000  }
0x181: {  	[sflag:s25] =	ssyncset.done $0x0  }
0x182: {  	s2 =	simm.s32 $0x10100;
	s28 =	rddreg [dreg:$0x9];
	[sflag:s25] =	ssyncadd.s32 $0xFFFF8000  }
0x183: {  	[hbm4b:s28+s3] =	stream.linear.scatter [tilespmem:s2], [sflag:$0x6], $0x8000, $0x38;
	[tilespmem:$0x18100] =	vst v63  }
0x184: {  	_ =	swait.ge [sflag:s24], $0x8000  }
0x185: {  	[sflag:s24] =	ssyncset.done $0x0  }
0x186: {  	[sflag:s24] =	ssyncadd.s32 $0xFFFF8000  }
0x187: {  	v2 =	vld.msk [tilespmem:$0x40], $0xff;
	_ =	sdelay $0x4  }
0x188: {  	v3 =	vshll.u32 v2, $0x5  }
0x189: {  	v2 =	vand.u32 $0x7, v2;
	v3 =	vand.u32 $0xFFFFFF00, v3  }
0x18a: {  	v2 =	vor.u32 v2, v3  }
0x18b: {  	v2 =	vperm.xlane v2, v0;
	_ =	sdelay $0x1  }
0x18c: {  	v2 =	vadd.s32 v1, v2;
	_ =	sdelay $0x4  }
0x18d: {  	[tilespmem:s2], [sflag:$0x3] =	stream.indirect_vreg.gather [hbm4b:s29+s3], $0x80, v2, vm0, $0xb8;
	[tilespmem:$0x18100] =	vst v63  }
0x18e: {  	s28 =	simm.s32 $0x10900  }
0x18f: {  	[tilespmem:s28], [sflag:$0x3] =	stream.indirect_vreg.gather [hbm4b:s5+s3], $0x80, v2, vm0, $0xb8;
	[tilespmem:$0x18100] =	vst v63  }
0x190: {  	s28 =	simm.s32 $0x11100  }
0x191: {  	[tilespmem:s28], [sflag:$0x3] =	stream.indirect_vreg.gather [hbm4b:s6+s3], $0x80, v2, vm0, $0xb8;
	[tilespmem:$0x18100] =	vst v63  }
0x192: {  	s28 =	simm.s32 $0x11900  }
0x193: {  	[tilespmem:s28], [sflag:$0x3] =	stream.indirect_vreg.gather [hbm4b:s7+s3], $0x80, v2, vm0, $0xb8;
	[tilespmem:$0x18100] =	vst v63  }
0x194: {  	s28 =	simm.s32 $0x12100  }
0x195: {  	[tilespmem:s28], [sflag:$0x3] =	stream.indirect_vreg.gather [hbm4b:s8+s3], $0x80, v2, vm0, $0xb8;
	[tilespmem:$0x18100] =	vst v63  }
0x196: {  	s28 =	simm.s32 $0x12900  }
0x197: {  	[tilespmem:s28], [sflag:$0x3] =	stream.indirect_vreg.gather [hbm4b:s9+s3], $0x80, v2, vm0, $0xb8;
	[tilespmem:$0x18100] =	vst v63  }
0x198: {  	s28 =	simm.s32 $0x13100  }
0x199: {  	[tilespmem:s28], [sflag:$0x3] =	stream.indirect_vreg.gather [hbm4b:s10+s3], $0x80, v2, vm0, $0xb8;
	[tilespmem:$0x18100] =	vst v63  }
0x19a: {  	s28 =	simm.s32 $0x13900  }
0x19b: {  	[tilespmem:s28], [sflag:$0x3] =	stream.indirect_vreg.gather [hbm4b:s11+s3], $0x80, v2, vm0, $0xb8;
	[tilespmem:$0x18100] =	vst v63  }
0x19c: {  	s28 =	simm.s32 $0x14100  }
0x19d: {  	[tilespmem:s28], [sflag:$0x3] =	stream.indirect_vreg.gather [hbm4b:s12+s3], $0x80, v2, vm0, $0xb8;
	[tilespmem:$0x18100] =	vst v63  }
0x19e: {  	s28 =	simm.s32 $0x14900  }
0x19f: {  	[tilespmem:s28], [sflag:$0x3] =	stream.indirect_vreg.gather [hbm4b:s13+s3], $0x80, v2, vm0, $0xb8;
	[tilespmem:$0x18100] =	vst v63  }
0x1a0: {  	s28 =	simm.s32 $0x15100  }
0x1a1: {  	[tilespmem:s28], [sflag:$0x3] =	stream.indirect_vreg.gather [hbm4b:s14+s3], $0x80, v2, vm0, $0xb8;
	[tilespmem:$0x18100] =	vst v63  }
0x1a2: {  	s28 =	simm.s32 $0x15900  }
0x1a3: {  	[tilespmem:s28], [sflag:$0x3] =	stream.indirect_vreg.gather [hbm4b:s15+s3], $0x80, v2, vm0, $0xb8;
	[tilespmem:$0x18100] =	vst v63  }
0x1a4: {  	s28 =	simm.s32 $0x16100  }
0x1a5: {  	[tilespmem:s28], [sflag:$0x3] =	stream.indirect_vreg.gather [hbm4b:s16+s3], $0x80, v2, vm0, $0xb8;
	[tilespmem:$0x18100] =	vst v63  }
0x1a6: {  	s28 =	simm.s32 $0x16900  }
0x1a7: {  	[tilespmem:s28], [sflag:$0x3] =	stream.indirect_vreg.gather [hbm4b:s17+s3], $0x80, v2, vm0, $0xb8;
	[tilespmem:$0x18100] =	vst v63  }
0x1a8: {  	s28 =	simm.s32 $0x17100  }
0x1a9: {  	[tilespmem:s28], [sflag:$0x3] =	stream.indirect_vreg.gather [hbm4b:s18+s3], $0x80, v2, vm0, $0xb8;
	[tilespmem:$0x18100] =	vst v63  }
0x1aa: {  	s28 =	simm.s32 $0x17900  }
0x1ab: {  	[tilespmem:s28], [sflag:$0x3] =	stream.indirect_vreg.gather [hbm4b:s19+s3], $0x80, v2, vm0, $0xb8;
	[tilespmem:$0x18100] =	vst v63  }
0x1ac: {  	_ =	swait.ge [sflag:s21], $0x8000  }
0x1ad: {  	[sflag:s21] =	ssyncset.done $0x0  }
0x1ae: {  	s2 =	simm.s32 $0x100;
	s28 =	rddreg [dreg:$0xa];
	[sflag:s21] =	ssyncadd.s32 $0xFFFF8000  }
0x1af: {  	[hbm4b:s28+s3] =	stream.linear.scatter [tilespmem:s2], [sflag:$0x4], $0x8000, $0x38;
	[tilespmem:$0x18100] =	vst v63  }
0x1b0: {  	_ =	swait.ge [sflag:s4], $0x8000  }
0x1b1: {  	[sflag:s4] =	ssyncset.done $0x0  }
0x1b2: {  	[sflag:s4] =	ssyncadd.s32 $0xFFFF8000  }
0x1b3: {  	v2 =	vld.msk [tilespmem:$0x48], $0xff;
	_ =	sdelay $0x4  }
0x1b4: {  	v3 =	vshll.u32 v2, $0x5  }
0x1b5: {  	v2 =	vand.u32 $0x7, v2;
	v3 =	vand.u32 $0xFFFFFF00, v3  }
0x1b6: {  	v2 =	vor.u32 v2, v3  }
0x1b7: {  	v2 =	vperm.xlane v2, v0;
	_ =	sdelay $0x1  }
0x1b8: {  	v2 =	vadd.s32 v1, v2;
	_ =	sdelay $0x4  }
0x1b9: {  	[tilespmem:s2], [sflag:$0x1] =	stream.indirect_vreg.gather [hbm4b:s29+s3], $0x80, v2, vm0, $0xb8;
	[tilespmem:$0x18100] =	vst v63  }
0x1ba: {  	s28 =	simm.s32 $0x900  }
0x1bb: {  	[tilespmem:s28], [sflag:$0x1] =	stream.indirect_vreg.gather [hbm4b:s5+s3], $0x80, v2, vm0, $0xb8;
	[tilespmem:$0x18100] =	vst v63  }
0x1bc: {  	s28 =	simm.s32 $0x1100  }
0x1bd: {  	[tilespmem:s28], [sflag:$0x1] =	stream.indirect_vreg.gather [hbm4b:s6+s3], $0x80, v2, vm0, $0xb8;
	[tilespmem:$0x18100] =	vst v63  }
0x1be: {  	s28 =	simm.s32 $0x1900  }
0x1bf: {  	[tilespmem:s28], [sflag:$0x1] =	stream.indirect_vreg.gather [hbm4b:s7+s3], $0x80, v2, vm0, $0xb8;
	[tilespmem:$0x18100] =	vst v63  }
0x1c0: {  	s28 =	simm.s32 $0x2100  }
0x1c1: {  	[tilespmem:s28], [sflag:$0x1] =	stream.indirect_vreg.gather [hbm4b:s8+s3], $0x80, v2, vm0, $0xb8;
	[tilespmem:$0x18100] =	vst v63  }
0x1c2: {  	_ = 	snop  }
0x1c3: {  	[tilespmem:s31], [sflag:$0x1] =	stream.indirect_vreg.gather [hbm4b:s9+s3], $0x80, v2, vm0, $0xb8;
	[tilespmem:$0x18100] =	vst v63  }
0x1c4: {  	_ = 	snop  }
0x1c5: {  	[tilespmem:s20], [sflag:$0x1] =	stream.indirect_vreg.gather [hbm4b:s10+s3], $0x80, v2, vm0, $0xb8;
	[tilespmem:$0x18100] =	vst v63  }
0x1c6: {  	s20 =	simm.s32 $0x3900  }
0x1c7: {  	[tilespmem:s20], [sflag:$0x1] =	stream.indirect_vreg.gather [hbm4b:s11+s3], $0x80, v2, vm0, $0xb8;
	[tilespmem:$0x18100] =	vst v63  }
0x1c8: {  	s28 =	simm.s32 $0x4100  }
0x1c9: {  	[tilespmem:s28], [sflag:$0x1] =	stream.indirect_vreg.gather [hbm4b:s12+s3], $0x80, v2, vm0, $0xb8;
	[tilespmem:$0x18100] =	vst v63  }
0x1ca: {  	s31 =	simm.s32 $0x4900  }
0x1cb: {  	[tilespmem:s31], [sflag:$0x1] =	stream.indirect_vreg.gather [hbm4b:s13+s3], $0x80, v2, vm0, $0xb8;
	[tilespmem:$0x18100] =	vst v63  }
0x1cc: {  	s20 =	simm.s32 $0x5100  }
0x1cd: {  	[tilespmem:s20], [sflag:$0x1] =	stream.indirect_vreg.gather [hbm4b:s14+s3], $0x80, v2, vm0, $0xb8;
	[tilespmem:$0x18100] =	vst v63  }
0x1ce: {  	s28 =	simm.s32 $0x5900  }
0x1cf: {  	[tilespmem:s28], [sflag:$0x1] =	stream.indirect_vreg.gather [hbm4b:s15+s3], $0x80, v2, vm0, $0xb8;
	[tilespmem:$0x18100] =	vst v63  }
0x1d0: {  	s31 =	simm.s32 $0x6100  }
0x1d1: {  	[tilespmem:s31], [sflag:$0x1] =	stream.indirect_vreg.gather [hbm4b:s16+s3], $0x80, v2, vm0, $0xb8;
	[tilespmem:$0x18100] =	vst v63  }
0x1d2: {  	s20 =	simm.s32 $0x6900  }
0x1d3: {  	[tilespmem:s20], [sflag:$0x1] =	stream.indirect_vreg.gather [hbm4b:s17+s3], $0x80, v2, vm0, $0xb8;
	[tilespmem:$0x18100] =	vst v63  }
0x1d4: {  	s28 =	simm.s32 $0x7100  }
0x1d5: {  	[tilespmem:s28], [sflag:$0x1] =	stream.indirect_vreg.gather [hbm4b:s18+s3], $0x80, v2, vm0, $0xb8;
	[tilespmem:$0x18100] =	vst v63  }
0x1d6: {  	s31 =	simm.s32 $0x7900  }
0x1d7: {  	[tilespmem:s31], [sflag:$0x1] =	stream.indirect_vreg.gather [hbm4b:s19+s3], $0x80, v2, vm0, $0xb8;
	[tilespmem:$0x18100] =	vst v63  }
0x1d8: {  	_ =	swait.ge [sflag:s23], $0x8000  }
0x1d9: {  	[sflag:s23] =	ssyncset.done $0x0  }
0x1da: {  	s31 =	simm.s32 $0x8100;
	s20 =	rddreg [dreg:$0xb];
	[sflag:s23] =	ssyncadd.s32 $0xFFFF8000  }
0x1db: {  	[hbm4b:s20+s3] =	stream.linear.scatter [tilespmem:s31], [sflag:$0x5], $0x8000, $0x38;
	[tilespmem:$0x18100] =	vst v63  }
0x1dc: {  	_ =	swait.ge [sflag:s0], $0x8000  }
0x1dd: {  	[sflag:s0] =	ssyncset.done $0x0  }
0x1de: {  	[sflag:s0] =	ssyncadd.s32 $0xFFFF8000  }
0x1df: {  	v2 =	vld.msk [tilespmem:$0x50], $0xff;
	_ =	sdelay $0x4  }
0x1e0: {  	v3 =	vshll.u32 v2, $0x5  }
0x1e1: {  	v2 =	vand.u32 $0x7, v2;
	v3 =	vand.u32 $0xFFFFFF00, v3  }
0x1e2: {  	v2 =	vor.u32 v2, v3  }
0x1e3: {  	v2 =	vperm.xlane v2, v0;
	_ =	sdelay $0x1  }
0x1e4: {  	v2 =	vadd.s32 v1, v2;
	_ =	sdelay $0x4  }
0x1e5: {  	[tilespmem:s31], [sflag:$0x2] =	stream.indirect_vreg.gather [hbm4b:s29+s3], $0x80, v2, vm0, $0xb8;
	[tilespmem:$0x18100] =	vst v63  }
0x1e6: {  	_ = 	snop  }
0x1e7: {  	[tilespmem:s22], [sflag:$0x2] =	stream.indirect_vreg.gather [hbm4b:s5+s3], $0x80, v2, vm0, $0xb8;
	[tilespmem:$0x18100] =	vst v63  }
0x1e8: {  	s20 =	simm.s32 $0x9100  }
0x1e9: {  	[tilespmem:s20], [sflag:$0x2] =	stream.indirect_vreg.gather [hbm4b:s6+s3], $0x80, v2, vm0, $0xb8;
	[tilespmem:$0x18100] =	vst v63  }
0x1ea: {  	_ = 	snop  }
0x1eb: {  	[tilespmem:s26], [sflag:$0x2] =	stream.indirect_vreg.gather [hbm4b:s7+s3], $0x80, v2, vm0, $0xb8;
	[tilespmem:$0x18100] =	vst v63  }
0x1ec: {  	_ = 	snop  }
0x1ed: {  	[tilespmem:s30], [sflag:$0x2] =	stream.indirect_vreg.gather [hbm4b:s8+s3], $0x80, v2, vm0, $0xb8;
	[tilespmem:$0x18100] =	vst v63  }
0x1ee: {  	_ = 	snop  }
0x1ef: {  	[tilespmem:s1], [sflag:$0x2] =	stream.indirect_vreg.gather [hbm4b:s9+s3], $0x80, v2, vm0, $0xb8;
	[tilespmem:$0x18100] =	vst v63  }
0x1f0: {  	s22 =	simm.s32 $0xB100  }
0x1f1: {  	[tilespmem:s22], [sflag:$0x2] =	stream.indirect_vreg.gather [hbm4b:s10+s3], $0x80, v2, vm0, $0xb8;
	[tilespmem:$0x18100] =	vst v63  }
0x1f2: {  	s26 =	simm.s32 $0xB900  }
0x1f3: {  	[tilespmem:s26], [sflag:$0x2] =	stream.indirect_vreg.gather [hbm4b:s11+s3], $0x80, v2, vm0, $0xb8;
	[tilespmem:$0x18100] =	vst v63  }
0x1f4: {  	s28 =	simm.s32 $0xC100  }
0x1f5: {  	[tilespmem:s28], [sflag:$0x2] =	stream.indirect_vreg.gather [hbm4b:s12+s3], $0x80, v2, vm0, $0xb8;
	[tilespmem:$0x18100] =	vst v63  }
0x1f6: {  	s30 =	simm.s32 $0xC900  }
0x1f7: {  	[tilespmem:s30], [sflag:$0x2] =	stream.indirect_vreg.gather [hbm4b:s13+s3], $0x80, v2, vm0, $0xb8;
	[tilespmem:$0x18100] =	vst v63  }
0x1f8: {  	s31 =	simm.s32 $0xD100  }
0x1f9: {  	[tilespmem:s31], [sflag:$0x2] =	stream.indirect_vreg.gather [hbm4b:s14+s3], $0x80, v2, vm0, $0xb8;
	[tilespmem:$0x18100] =	vst v63  }
0x1fa: {  	s2 =	simm.s32 $0xD900  }
0x1fb: {  	[tilespmem:s2], [sflag:$0x2] =	stream.indirect_vreg.gather [hbm4b:s15+s3], $0x80, v2, vm0, $0xb8;
	[tilespmem:$0x18100] =	vst v63  }
0x1fc: {  	s20 =	simm.s32 $0xE100  }
0x1fd: {  	[tilespmem:s20], [sflag:$0x2] =	stream.indirect_vreg.gather [hbm4b:s16+s3], $0x80, v2, vm0, $0xb8;
	[tilespmem:$0x18100] =	vst v63  }
0x1fe: {  	s22 =	simm.s32 $0xE900  }
0x1ff: {  	[tilespmem:s22], [sflag:$0x2] =	stream.indirect_vreg.gather [hbm4b:s17+s3], $0x80, v2, vm0, $0xb8;
	[tilespmem:$0x18100] =	vst v63  }
0x200: {  	s26 =	simm.s32 $0xF100  }
0x201: {  	[tilespmem:s26], [sflag:$0x2] =	stream.indirect_vreg.gather [hbm4b:s18+s3], $0x80, v2, vm0, $0xb8;
	[tilespmem:$0x18100] =	vst v63  }
0x202: {  	s28 =	simm.s32 $0xF900  }
0x203: {  	[tilespmem:s28], [sflag:$0x2] =	stream.indirect_vreg.gather [hbm4b:s19+s3], $0x80, v2, vm0, $0xb8;
	[tilespmem:$0x18100] =	vst v63  }
0x204: {  	_ =	swait.ge [sflag:s25], $0x8000  }
0x205: {  	[sflag:s25] =	ssyncset.done $0x0  }
0x206: {  	[sflag:s25] =	ssyncadd.s32 $0xFFFF8000  }
0x207: {  	s31 =	simm.s32 $0x10100;
	s30 =	rddreg [dreg:$0xc]  }
0x208: {  	[hbm4b:s30+s3] =	stream.linear.scatter [tilespmem:s31], [sflag:$0x6], $0x8000, $0x38;
	[tilespmem:$0x18100] =	vst v63  }
0x209: {  	_ =	swait.ge [sflag:s24], $0x8000  }
0x20a: {  	[sflag:s24] =	ssyncset.done $0x0  }
0x20b: {  	[sflag:s24] =	ssyncadd.s32 $0xFFFF8000  }
0x20c: {  	v2 =	vld.msk [tilespmem:$0x58], $0xff;
	_ =	sdelay $0x4  }
0x20d: {  	v3 =	vshll.u32 v2, $0x5  }
0x20e: {  	v2 =	vand.u32 $0x7, v2;
	v3 =	vand.u32 $0xFFFFFF00, v3  }
0x20f: {  	v2 =	vor.u32 v2, v3  }
0x210: {  	v2 =	vperm.xlane v2, v0;
	_ =	sdelay $0x1  }
0x211: {  	v2 =	vadd.s32 v1, v2;
	_ =	sdelay $0x4  }
0x212: {  	[tilespmem:s31], [sflag:$0x3] =	stream.indirect_vreg.gather [hbm4b:s29+s3], $0x80, v2, vm0, $0xb8;
	[tilespmem:$0x18100] =	vst v63  }
0x213: {  	s2 =	simm.s32 $0x10900  }
0x214: {  	[tilespmem:s2], [sflag:$0x3] =	stream.indirect_vreg.gather [hbm4b:s5+s3], $0x80, v2, vm0, $0xb8;
	[tilespmem:$0x18100] =	vst v63  }
0x215: {  	s20 =	simm.s32 $0x11100  }
0x216: {  	[tilespmem:s20], [sflag:$0x3] =	stream.indirect_vreg.gather [hbm4b:s6+s3], $0x80, v2, vm0, $0xb8;
	[tilespmem:$0x18100] =	vst v63  }
0x217: {  	s22 =	simm.s32 $0x11900  }
0x218: {  	[tilespmem:s22], [sflag:$0x3] =	stream.indirect_vreg.gather [hbm4b:s7+s3], $0x80, v2, vm0, $0xb8;
	[tilespmem:$0x18100] =	vst v63  }
0x219: {  	s26 =	simm.s32 $0x12100  }
0x21a: {  	[tilespmem:s26], [sflag:$0x3] =	stream.indirect_vreg.gather [hbm4b:s8+s3], $0x80, v2, vm0, $0xb8;
	[tilespmem:$0x18100] =	vst v63  }
0x21b: {  	s28 =	simm.s32 $0x12900  }
0x21c: {  	[tilespmem:s28], [sflag:$0x3] =	stream.indirect_vreg.gather [hbm4b:s9+s3], $0x80, v2, vm0, $0xb8;
	[tilespmem:$0x18100] =	vst v63  }
0x21d: {  	s30 =	simm.s32 $0x13100  }
0x21e: {  	[tilespmem:s30], [sflag:$0x3] =	stream.indirect_vreg.gather [hbm4b:s10+s3], $0x80, v2, vm0, $0xb8;
	[tilespmem:$0x18100] =	vst v63  }
0x21f: {  	s31 =	simm.s32 $0x13900  }
0x220: {  	[tilespmem:s31], [sflag:$0x3] =	stream.indirect_vreg.gather [hbm4b:s11+s3], $0x80, v2, vm0, $0xb8;
	[tilespmem:$0x18100] =	vst v63  }
0x221: {  	s2 =	simm.s32 $0x14100  }
0x222: {  	[tilespmem:s2], [sflag:$0x3] =	stream.indirect_vreg.gather [hbm4b:s12+s3], $0x80, v2, vm0, $0xb8;
	[tilespmem:$0x18100] =	vst v63  }
0x223: {  	s20 =	simm.s32 $0x14900  }
0x224: {  	[tilespmem:s20], [sflag:$0x3] =	stream.indirect_vreg.gather [hbm4b:s13+s3], $0x80, v2, vm0, $0xb8;
	[tilespmem:$0x18100] =	vst v63  }
0x225: {  	s22 =	simm.s32 $0x15100  }
0x226: {  	[tilespmem:s22], [sflag:$0x3] =	stream.indirect_vreg.gather [hbm4b:s14+s3], $0x80, v2, vm0, $0xb8;
	[tilespmem:$0x18100] =	vst v63  }
0x227: {  	s26 =	simm.s32 $0x15900  }
0x228: {  	[tilespmem:s26], [sflag:$0x3] =	stream.indirect_vreg.gather [hbm4b:s15+s3], $0x80, v2, vm0, $0xb8;
	[tilespmem:$0x18100] =	vst v63  }
0x229: {  	s28 =	simm.s32 $0x16100  }
0x22a: {  	[tilespmem:s28], [sflag:$0x3] =	stream.indirect_vreg.gather [hbm4b:s16+s3], $0x80, v2, vm0, $0xb8;
	[tilespmem:$0x18100] =	vst v63  }
0x22b: {  	s30 =	simm.s32 $0x16900  }
0x22c: {  	[tilespmem:s30], [sflag:$0x3] =	stream.indirect_vreg.gather [hbm4b:s17+s3], $0x80, v2, vm0, $0xb8;
	[tilespmem:$0x18100] =	vst v63  }
0x22d: {  	s31 =	simm.s32 $0x17100  }
0x22e: {  	[tilespmem:s31], [sflag:$0x3] =	stream.indirect_vreg.gather [hbm4b:s18+s3], $0x80, v2, vm0, $0xb8;
	[tilespmem:$0x18100] =	vst v63  }
0x22f: {  	s2 =	simm.s32 $0x17900  }
0x230: {  	[tilespmem:s2], [sflag:$0x3] =	stream.indirect_vreg.gather [hbm4b:s19+s3], $0x80, v2, vm0, $0xb8;
	[tilespmem:$0x18100] =	vst v63  }
0x231: {  	_ =	swait.ge [sflag:s21], $0x8000  }
0x232: {  	[sflag:s21] =	ssyncset.done $0x0  }
0x233: {  	s22 =	simm.s32 $0x100;
	s20 =	rddreg [dreg:$0xd];
	[sflag:s21] =	ssyncadd.s32 $0xFFFF8000  }
0x234: {  	[hbm4b:s20+s3] =	stream.linear.scatter [tilespmem:s22], [sflag:$0x4], $0x8000, $0x38;
	[tilespmem:$0x18100] =	vst v63  }
0x235: {  	_ =	swait.ge [sflag:s4], $0x8000  }
0x236: {  	[sflag:s4] =	ssyncset.done $0x0  }
0x237: {  	[sflag:s4] =	ssyncadd.s32 $0xFFFF8000  }
0x238: {  	v2 =	vld.msk [tilespmem:$0x60], $0xff;
	_ =	sdelay $0x4  }
0x239: {  	v3 =	vshll.u32 v2, $0x5  }
0x23a: {  	v2 =	vand.u32 $0x7, v2;
	v3 =	vand.u32 $0xFFFFFF00, v3  }
0x23b: {  	v2 =	vor.u32 v2, v3  }
0x23c: {  	v2 =	vperm.xlane v2, v0;
	_ =	sdelay $0x1  }
0x23d: {  	v2 =	vadd.s32 v1, v2;
	_ =	sdelay $0x4  }
0x23e: {  	[tilespmem:s22], [sflag:$0x1] =	stream.indirect_vreg.gather [hbm4b:s29+s3], $0x80, v2, vm0, $0xb8;
	[tilespmem:$0x18100] =	vst v63  }
0x23f: {  	s1 =	simm.s32 $0x900  }
0x240: {  	[tilespmem:s1], [sflag:$0x1] =	stream.indirect_vreg.gather [hbm4b:s5+s3], $0x80, v2, vm0, $0xb8;
	[tilespmem:$0x18100] =	vst v63  }
0x241: {  	s20 =	simm.s32 $0x1100  }
0x242: {  	[tilespmem:s20], [sflag:$0x1] =	stream.indirect_vreg.gather [hbm4b:s6+s3], $0x80, v2, vm0, $0xb8;
	[tilespmem:$0x18100] =	vst v63  }
0x243: {  	s22 =	simm.s32 $0x1900  }
0x244: {  	[tilespmem:s22], [sflag:$0x1] =	stream.indirect_vreg.gather [hbm4b:s7+s3], $0x80, v2, vm0, $0xb8;
	[tilespmem:$0x18100] =	vst v63  }
0x245: {  	s31 =	simm.s32 $0x2100  }
0x246: {  	[tilespmem:s31], [sflag:$0x1] =	stream.indirect_vreg.gather [hbm4b:s8+s3], $0x80, v2, vm0, $0xb8;
	[tilespmem:$0x18100] =	vst v63  }
0x247: {  	s26 =	simm.s32 $0x2900  }
0x248: {  	[tilespmem:s26], [sflag:$0x1] =	stream.indirect_vreg.gather [hbm4b:s9+s3], $0x80, v2, vm0, $0xb8;
	[tilespmem:$0x18100] =	vst v63  }
0x249: {  	s28 =	simm.s32 $0x3100  }
0x24a: {  	[tilespmem:s28], [sflag:$0x1] =	stream.indirect_vreg.gather [hbm4b:s10+s3], $0x80, v2, vm0, $0xb8;
	[tilespmem:$0x18100] =	vst v63  }
0x24b: {  	s30 =	simm.s32 $0x3900  }
0x24c: {  	[tilespmem:s30], [sflag:$0x1] =	stream.indirect_vreg.gather [hbm4b:s11+s3], $0x80, v2, vm0, $0xb8;
	[tilespmem:$0x18100] =	vst v63  }
0x24d: {  	s26 =	simm.s32 $0x4100  }
0x24e: {  	[tilespmem:s26], [sflag:$0x1] =	stream.indirect_vreg.gather [hbm4b:s12+s3], $0x80, v2, vm0, $0xb8;
	[tilespmem:$0x18100] =	vst v63  }
0x24f: {  	s28 =	simm.s32 $0x4900  }
0x250: {  	[tilespmem:s28], [sflag:$0x1] =	stream.indirect_vreg.gather [hbm4b:s13+s3], $0x80, v2, vm0, $0xb8;
	[tilespmem:$0x18100] =	vst v63  }
0x251: {  	s30 =	simm.s32 $0x5100  }
0x252: {  	[tilespmem:s30], [sflag:$0x1] =	stream.indirect_vreg.gather [hbm4b:s14+s3], $0x80, v2, vm0, $0xb8;
	[tilespmem:$0x18100] =	vst v63  }
0x253: {  	s26 =	simm.s32 $0x5900  }
0x254: {  	[tilespmem:s26], [sflag:$0x1] =	stream.indirect_vreg.gather [hbm4b:s15+s3], $0x80, v2, vm0, $0xb8;
	[tilespmem:$0x18100] =	vst v63  }
0x255: {  	s28 =	simm.s32 $0x6100  }
0x256: {  	[tilespmem:s28], [sflag:$0x1] =	stream.indirect_vreg.gather [hbm4b:s16+s3], $0x80, v2, vm0, $0xb8;
	[tilespmem:$0x18100] =	vst v63  }
0x257: {  	s30 =	simm.s32 $0x6900  }
0x258: {  	[tilespmem:s30], [sflag:$0x1] =	stream.indirect_vreg.gather [hbm4b:s17+s3], $0x80, v2, vm0, $0xb8;
	[tilespmem:$0x18100] =	vst v63  }
0x259: {  	s26 =	simm.s32 $0x7100  }
0x25a: {  	[tilespmem:s26], [sflag:$0x1] =	stream.indirect_vreg.gather [hbm4b:s18+s3], $0x80, v2, vm0, $0xb8;
	[tilespmem:$0x18100] =	vst v63  }
0x25b: {  	s28 =	simm.s32 $0x7900  }
0x25c: {  	[tilespmem:s28], [sflag:$0x1] =	stream.indirect_vreg.gather [hbm4b:s19+s3], $0x80, v2, vm0, $0xb8;
	[tilespmem:$0x18100] =	vst v63  }
0x25d: {  	_ =	swait.ge [sflag:s23], $0x8000  }
0x25e: {  	[sflag:s23] =	ssyncset.done $0x0  }
0x25f: {  	s2 =	simm.s32 $0x8100;
	s30 =	rddreg [dreg:$0xe];
	[sflag:s23] =	ssyncadd.s32 $0xFFFF8000  }
0x260: {  	[hbm4b:s30+s3] =	stream.linear.scatter [tilespmem:s2], [sflag:$0x5], $0x8000, $0x38;
	[tilespmem:$0x18100] =	vst v63  }
0x261: {  	_ =	swait.ge [sflag:s0], $0x8000  }
0x262: {  	[sflag:s0] =	ssyncset.done $0x0  }
0x263: {  	[sflag:s0] =	ssyncadd.s32 $0xFFFF8000  }
0x264: {  	v2 =	vld.msk [tilespmem:$0x68], $0xff;
	_ =	sdelay $0x4  }
0x265: {  	v3 =	vshll.u32 v2, $0x5  }
0x266: {  	v2 =	vand.u32 $0x7, v2;
	v3 =	vand.u32 $0xFFFFFF00, v3  }
0x267: {  	v2 =	vor.u32 v2, v3  }
0x268: {  	v2 =	vperm.xlane v2, v0;
	_ =	sdelay $0x1  }
0x269: {  	v2 =	vadd.s32 v1, v2;
	_ =	sdelay $0x4  }
0x26a: {  	[tilespmem:s2], [sflag:$0x2] =	stream.indirect_vreg.gather [hbm4b:s29+s3], $0x80, v2, vm0, $0xb8;
	[tilespmem:$0x18100] =	vst v63  }
0x26b: {  	s2 =	simm.s32 $0x8900  }
0x26c: {  	[tilespmem:s2], [sflag:$0x2] =	stream.indirect_vreg.gather [hbm4b:s5+s3], $0x80, v2, vm0, $0xb8;
	[tilespmem:$0x18100] =	vst v63  }
0x26d: {  	s26 =	smov.u32 s29;
	s29 =	simm.s32 $0x9100  }
0x26e: {  	[tilespmem:s29], [sflag:$0x2] =	stream.indirect_vreg.gather [hbm4b:s6+s3], $0x80, v2, vm0, $0xb8;
	[tilespmem:$0x18100] =	vst v63  }
0x26f: {  	s30 =	simm.s32 $0x9900  }
0x270: {  	[tilespmem:s30], [sflag:$0x2] =	stream.indirect_vreg.gather [hbm4b:s7+s3], $0x80, v2, vm0, $0xb8;
	[tilespmem:$0x18100] =	vst v63  }
0x271: {  	s30 =	simm.s32 $0xA100  }
0x272: {  	[tilespmem:s30], [sflag:$0x2] =	stream.indirect_vreg.gather [hbm4b:s8+s3], $0x80, v2, vm0, $0xb8;
	[tilespmem:$0x18100] =	vst v63  }
0x273: {  	s30 =	simm.s32 $0xA900  }
0x274: {  	[tilespmem:s30], [sflag:$0x2] =	stream.indirect_vreg.gather [hbm4b:s9+s3], $0x80, v2, vm0, $0xb8;
	[tilespmem:$0x18100] =	vst v63  }
0x275: {  	s30 =	simm.s32 $0xB100  }
0x276: {  	[tilespmem:s30], [sflag:$0x2] =	stream.indirect_vreg.gather [hbm4b:s10+s3], $0x80, v2, vm0, $0xb8;
	[tilespmem:$0x18100] =	vst v63  }
0x277: {  	s30 =	simm.s32 $0xB900  }
0x278: {  	[tilespmem:s30], [sflag:$0x2] =	stream.indirect_vreg.gather [hbm4b:s11+s3], $0x80, v2, vm0, $0xb8;
	[tilespmem:$0x18100] =	vst v63  }
0x279: {  	s30 =	simm.s32 $0xC100  }
0x27a: {  	[tilespmem:s30], [sflag:$0x2] =	stream.indirect_vreg.gather [hbm4b:s12+s3], $0x80, v2, vm0, $0xb8;
	[tilespmem:$0x18100] =	vst v63  }
0x27b: {  	s30 =	simm.s32 $0xC900  }
0x27c: {  	[tilespmem:s30], [sflag:$0x2] =	stream.indirect_vreg.gather [hbm4b:s13+s3], $0x80, v2, vm0, $0xb8;
	[tilespmem:$0x18100] =	vst v63  }
0x27d: {  	s30 =	simm.s32 $0xD100  }
0x27e: {  	[tilespmem:s30], [sflag:$0x2] =	stream.indirect_vreg.gather [hbm4b:s14+s3], $0x80, v2, vm0, $0xb8;
	[tilespmem:$0x18100] =	vst v63  }
0x27f: {  	s30 =	simm.s32 $0xD900  }
0x280: {  	[tilespmem:s30], [sflag:$0x2] =	stream.indirect_vreg.gather [hbm4b:s15+s3], $0x80, v2, vm0, $0xb8;
	[tilespmem:$0x18100] =	vst v63  }
0x281: {  	s30 =	simm.s32 $0xE100  }
0x282: {  	[tilespmem:s30], [sflag:$0x2] =	stream.indirect_vreg.gather [hbm4b:s16+s3], $0x80, v2, vm0, $0xb8;
	[tilespmem:$0x18100] =	vst v63  }
0x283: {  	s30 =	simm.s32 $0xE900  }
0x284: {  	[tilespmem:s30], [sflag:$0x2] =	stream.indirect_vreg.gather [hbm4b:s17+s3], $0x80, v2, vm0, $0xb8;
	[tilespmem:$0x18100] =	vst v63  }
0x285: {  	s30 =	simm.s32 $0xF100  }
0x286: {  	[tilespmem:s30], [sflag:$0x2] =	stream.indirect_vreg.gather [hbm4b:s18+s3], $0x80, v2, vm0, $0xb8;
	[tilespmem:$0x18100] =	vst v63  }
0x287: {  	s30 =	simm.s32 $0xF900  }
0x288: {  	[tilespmem:s30], [sflag:$0x2] =	stream.indirect_vreg.gather [hbm4b:s19+s3], $0x80, v2, vm0, $0xb8;
	[tilespmem:$0x18100] =	vst v63  }
0x289: {  	_ =	swait.ge [sflag:s25], $0x8000  }
0x28a: {  	[sflag:s25] =	ssyncset.done $0x0  }
0x28b: {  	s30 =	simm.s32 $0x10100;
	s28 =	rddreg [dreg:$0xf];
	[sflag:s25] =	ssyncadd.s32 $0xFFFF8000  }
0x28c: {  	[hbm4b:s28+s3] =	stream.linear.scatter [tilespmem:s30], [sflag:$0x6], $0x8000, $0x38;
	[tilespmem:$0x18100] =	vst v63  }
0x28d: {  	_ =	swait.ge [sflag:s24], $0x8000  }
0x28e: {  	[sflag:s24] =	ssyncset.done $0x0  }
0x28f: {  	[sflag:s24] =	ssyncadd.s32 $0xFFFF8000  }
0x290: {  	v2 =	vld.msk [tilespmem:$0x70], $0xff;
	_ =	sdelay $0x4  }
0x291: {  	v3 =	vshll.u32 v2, $0x5  }
0x292: {  	v2 =	vand.u32 $0x7, v2;
	v3 =	vand.u32 $0xFFFFFF00, v3  }
0x293: {  	v2 =	vor.u32 v2, v3  }
0x294: {  	v2 =	vperm.xlane v2, v0;
	_ =	sdelay $0x1  }
0x295: {  	v2 =	vadd.s32 v1, v2;
	_ =	sdelay $0x4  }
0x296: {  	[tilespmem:s30], [sflag:$0x3] =	stream.indirect_vreg.gather [hbm4b:s26+s3], $0x80, v2, vm0, $0xb8;
	[tilespmem:$0x18100] =	vst v63  }
0x297: {  	s30 =	simm.s32 $0x10900  }
0x298: {  	[tilespmem:s30], [sflag:$0x3] =	stream.indirect_vreg.gather [hbm4b:s5+s3], $0x80, v2, vm0, $0xb8;
	[tilespmem:$0x18100] =	vst v63  }
0x299: {  	s30 =	simm.s32 $0x11100  }
0x29a: {  	[tilespmem:s30], [sflag:$0x3] =	stream.indirect_vreg.gather [hbm4b:s6+s3], $0x80, v2, vm0, $0xb8;
	[tilespmem:$0x18100] =	vst v63  }
0x29b: {  	s30 =	simm.s32 $0x11900  }
0x29c: {  	[tilespmem:s30], [sflag:$0x3] =	stream.indirect_vreg.gather [hbm4b:s7+s3], $0x80, v2, vm0, $0xb8;
	[tilespmem:$0x18100] =	vst v63  }
0x29d: {  	s30 =	simm.s32 $0x12100  }
0x29e: {  	[tilespmem:s30], [sflag:$0x3] =	stream.indirect_vreg.gather [hbm4b:s8+s3], $0x80, v2, vm0, $0xb8;
	[tilespmem:$0x18100] =	vst v63  }
0x29f: {  	s30 =	simm.s32 $0x12900  }
0x2a0: {  	[tilespmem:s30], [sflag:$0x3] =	stream.indirect_vreg.gather [hbm4b:s9+s3], $0x80, v2, vm0, $0xb8;
	[tilespmem:$0x18100] =	vst v63  }
0x2a1: {  	s30 =	simm.s32 $0x13100  }
0x2a2: {  	[tilespmem:s30], [sflag:$0x3] =	stream.indirect_vreg.gather [hbm4b:s10+s3], $0x80, v2, vm0, $0xb8;
	[tilespmem:$0x18100] =	vst v63  }
0x2a3: {  	s30 =	simm.s32 $0x13900  }
0x2a4: {  	[tilespmem:s30], [sflag:$0x3] =	stream.indirect_vreg.gather [hbm4b:s11+s3], $0x80, v2, vm0, $0xb8;
	[tilespmem:$0x18100] =	vst v63  }
0x2a5: {  	s30 =	simm.s32 $0x14100  }
0x2a6: {  	[tilespmem:s30], [sflag:$0x3] =	stream.indirect_vreg.gather [hbm4b:s12+s3], $0x80, v2, vm0, $0xb8;
	[tilespmem:$0x18100] =	vst v63  }
0x2a7: {  	s30 =	simm.s32 $0x14900  }
0x2a8: {  	[tilespmem:s30], [sflag:$0x3] =	stream.indirect_vreg.gather [hbm4b:s13+s3], $0x80, v2, vm0, $0xb8;
	[tilespmem:$0x18100] =	vst v63  }
0x2a9: {  	s30 =	simm.s32 $0x15100  }
0x2aa: {  	[tilespmem:s30], [sflag:$0x3] =	stream.indirect_vreg.gather [hbm4b:s14+s3], $0x80, v2, vm0, $0xb8;
	[tilespmem:$0x18100] =	vst v63  }
0x2ab: {  	s30 =	simm.s32 $0x15900  }
0x2ac: {  	[tilespmem:s30], [sflag:$0x3] =	stream.indirect_vreg.gather [hbm4b:s15+s3], $0x80, v2, vm0, $0xb8;
	[tilespmem:$0x18100] =	vst v63  }
0x2ad: {  	s30 =	simm.s32 $0x16100  }
0x2ae: {  	[tilespmem:s30], [sflag:$0x3] =	stream.indirect_vreg.gather [hbm4b:s16+s3], $0x80, v2, vm0, $0xb8;
	[tilespmem:$0x18100] =	vst v63  }
0x2af: {  	s30 =	simm.s32 $0x16900  }
0x2b0: {  	[tilespmem:s30], [sflag:$0x3] =	stream.indirect_vreg.gather [hbm4b:s17+s3], $0x80, v2, vm0, $0xb8;
	[tilespmem:$0x18100] =	vst v63  }
0x2b1: {  	s30 =	simm.s32 $0x17100  }
0x2b2: {  	[tilespmem:s30], [sflag:$0x3] =	stream.indirect_vreg.gather [hbm4b:s18+s3], $0x80, v2, vm0, $0xb8;
	[tilespmem:$0x18100] =	vst v63  }
0x2b3: {  	s30 =	simm.s32 $0x17900  }
0x2b4: {  	[tilespmem:s30], [sflag:$0x3] =	stream.indirect_vreg.gather [hbm4b:s19+s3], $0x80, v2, vm0, $0xb8;
	[tilespmem:$0x18100] =	vst v63  }
0x2b5: {  	_ =	swait.ge [sflag:s21], $0x8000  }
0x2b6: {  	[sflag:s21] =	ssyncset.done $0x0  }
0x2b7: {  	s30 =	simm.s32 $0x100;
	s28 =	rddreg [dreg:$0x10];
	[sflag:s21] =	ssyncadd.s32 $0xFFFF8000  }
0x2b8: {  	[hbm4b:s28+s3] =	stream.linear.scatter [tilespmem:s30], [sflag:$0x4], $0x8000, $0x38;
	[tilespmem:$0x18100] =	vst v63  }
0x2b9: {  	_ =	swait.ge [sflag:s4], $0x8000  }
0x2ba: {  	[sflag:s4] =	ssyncset.done $0x0  }
0x2bb: {  	[sflag:s4] =	ssyncadd.s32 $0xFFFF8000  }
0x2bc: {  	v2 =	vld.msk [tilespmem:$0x78], $0xff;
	_ =	sdelay $0x4  }
0x2bd: {  	v3 =	vshll.u32 v2, $0x5  }
0x2be: {  	v2 =	vand.u32 $0x7, v2;
	v3 =	vand.u32 $0xFFFFFF00, v3  }
0x2bf: {  	v2 =	vor.u32 v2, v3  }
0x2c0: {  	v2 =	vperm.xlane v2, v0;
	_ =	sdelay $0x1  }
0x2c1: {  	v2 =	vadd.s32 v1, v2;
	_ =	sdelay $0x4  }
0x2c2: {  	[tilespmem:s30], [sflag:$0x1] =	stream.indirect_vreg.gather [hbm4b:s26+s3], $0x80, v2, vm0, $0xb8;
	[tilespmem:$0x18100] =	vst v63  }
0x2c3: {  	_ = 	snop  }
0x2c4: {  	[tilespmem:s1], [sflag:$0x1] =	stream.indirect_vreg.gather [hbm4b:s5+s3], $0x80, v2, vm0, $0xb8;
	[tilespmem:$0x18100] =	vst v63  }
0x2c5: {  	_ = 	snop  }
0x2c6: {  	[tilespmem:s20], [sflag:$0x1] =	stream.indirect_vreg.gather [hbm4b:s6+s3], $0x80, v2, vm0, $0xb8;
	[tilespmem:$0x18100] =	vst v63  }
0x2c7: {  	_ = 	snop  }
0x2c8: {  	[tilespmem:s22], [sflag:$0x1] =	stream.indirect_vreg.gather [hbm4b:s7+s3], $0x80, v2, vm0, $0xb8;
	[tilespmem:$0x18100] =	vst v63  }
0x2c9: {  	_ = 	snop  }
0x2ca: {  	[tilespmem:s31], [sflag:$0x1] =	stream.indirect_vreg.gather [hbm4b:s8+s3], $0x80, v2, vm0, $0xb8;
	[tilespmem:$0x18100] =	vst v63  }
0x2cb: {  	s1 =	simm.s32 $0x2900  }
0x2cc: {  	[tilespmem:s1], [sflag:$0x1] =	stream.indirect_vreg.gather [hbm4b:s9+s3], $0x80, v2, vm0, $0xb8;
	[tilespmem:$0x18100] =	vst v63  }
0x2cd: {  	s20 =	simm.s32 $0x3100  }
0x2ce: {  	[tilespmem:s20], [sflag:$0x1] =	stream.indirect_vreg.gather [hbm4b:s10+s3], $0x80, v2, vm0, $0xb8;
	[tilespmem:$0x18100] =	vst v63  }
0x2cf: {  	s30 =	simm.s32 $0x3900  }
0x2d0: {  	[tilespmem:s30], [sflag:$0x1] =	stream.indirect_vreg.gather [hbm4b:s11+s3], $0x80, v2, vm0, $0xb8;
	[tilespmem:$0x18100] =	vst v63  }
0x2d1: {  	s31 =	simm.s32 $0x4100  }
0x2d2: {  	[tilespmem:s31], [sflag:$0x1] =	stream.indirect_vreg.gather [hbm4b:s12+s3], $0x80, v2, vm0, $0xb8;
	[tilespmem:$0x18100] =	vst v63  }
0x2d3: {  	s28 =	simm.s32 $0x4900  }
0x2d4: {  	[tilespmem:s28], [sflag:$0x1] =	stream.indirect_vreg.gather [hbm4b:s13+s3], $0x80, v2, vm0, $0xb8;
	[tilespmem:$0x18100] =	vst v63  }
0x2d5: {  	s30 =	simm.s32 $0x5100  }
0x2d6: {  	[tilespmem:s30], [sflag:$0x1] =	stream.indirect_vreg.gather [hbm4b:s14+s3], $0x80, v2, vm0, $0xb8;
	[tilespmem:$0x18100] =	vst v63  }
0x2d7: {  	s31 =	simm.s32 $0x5900  }
0x2d8: {  	[tilespmem:s31], [sflag:$0x1] =	stream.indirect_vreg.gather [hbm4b:s15+s3], $0x80, v2, vm0, $0xb8;
	[tilespmem:$0x18100] =	vst v63  }
0x2d9: {  	s28 =	simm.s32 $0x6100  }
0x2da: {  	[tilespmem:s28], [sflag:$0x1] =	stream.indirect_vreg.gather [hbm4b:s16+s3], $0x80, v2, vm0, $0xb8;
	[tilespmem:$0x18100] =	vst v63  }
0x2db: {  	s30 =	simm.s32 $0x6900  }
0x2dc: {  	[tilespmem:s30], [sflag:$0x1] =	stream.indirect_vreg.gather [hbm4b:s17+s3], $0x80, v2, vm0, $0xb8;
	[tilespmem:$0x18100] =	vst v63  }
0x2dd: {  	s31 =	simm.s32 $0x7100  }
0x2de: {  	[tilespmem:s31], [sflag:$0x1] =	stream.indirect_vreg.gather [hbm4b:s18+s3], $0x80, v2, vm0, $0xb8;
	[tilespmem:$0x18100] =	vst v63  }
0x2df: {  	s28 =	simm.s32 $0x7900  }
0x2e0: {  	[tilespmem:s28], [sflag:$0x1] =	stream.indirect_vreg.gather [hbm4b:s19+s3], $0x80, v2, vm0, $0xb8;
	[tilespmem:$0x18100] =	vst v63  }
0x2e1: {  	_ =	swait.ge [sflag:s23], $0x8000  }
0x2e2: {  	[sflag:s23] =	ssyncset.done $0x0  }
0x2e3: {  	s31 =	simm.s32 $0x8100;
	s30 =	rddreg [dreg:$0x11];
	[sflag:s23] =	ssyncadd.s32 $0xFFFF8000  }
0x2e4: {  	[hbm4b:s30+s3] =	stream.linear.scatter [tilespmem:s31], [sflag:$0x5], $0x8000, $0x38;
	[tilespmem:$0x18100] =	vst v63  }
0x2e5: {  	_ =	swait.ge [sflag:s0], $0x8000  }
0x2e6: {  	[sflag:s0] =	ssyncset.done $0x0  }
0x2e7: {  	[sflag:s0] =	ssyncadd.s32 $0xFFFF8000  }
0x2e8: {  	v2 =	vld.msk [tilespmem:$0x80], $0xff;
	_ =	sdelay $0x4  }
0x2e9: {  	v3 =	vshll.u32 v2, $0x5  }
0x2ea: {  	v2 =	vand.u32 $0x7, v2;
	v3 =	vand.u32 $0xFFFFFF00, v3  }
0x2eb: {  	v2 =	vor.u32 v2, v3  }
0x2ec: {  	v2 =	vperm.xlane v2, v0;
	_ =	sdelay $0x1  }
0x2ed: {  	v2 =	vadd.s32 v1, v2;
	_ =	sdelay $0x4  }
0x2ee: {  	[tilespmem:s31], [sflag:$0x2] =	stream.indirect_vreg.gather [hbm4b:s26+s3], $0x80, v2, vm0, $0xb8;
	[tilespmem:$0x18100] =	vst v63  }
0x2ef: {  	_ = 	snop  }
0x2f0: {  	[tilespmem:s2], [sflag:$0x2] =	stream.indirect_vreg.gather [hbm4b:s5+s3], $0x80, v2, vm0, $0xb8;
	[tilespmem:$0x18100] =	vst v63  }
0x2f1: {  	_ = 	snop  }
0x2f2: {  	[tilespmem:s29], [sflag:$0x2] =	stream.indirect_vreg.gather [hbm4b:s6+s3], $0x80, v2, vm0, $0xb8;
	[tilespmem:$0x18100] =	vst v63  }
0x2f3: {  	s29 =	simm.s32 $0x9900  }
0x2f4: {  	[tilespmem:s29], [sflag:$0x2] =	stream.indirect_vreg.gather [hbm4b:s7+s3], $0x80, v2, vm0, $0xb8;
	[tilespmem:$0x18100] =	vst v63  }
0x2f5: {  	s30 =	simm.s32 $0xA100  }
0x2f6: {  	[tilespmem:s30], [sflag:$0x2] =	stream.indirect_vreg.gather [hbm4b:s8+s3], $0x80, v2, vm0, $0xb8;
	[tilespmem:$0x18100] =	vst v63  }
0x2f7: {  	s31 =	simm.s32 $0xA900  }
0x2f8: {  	[tilespmem:s31], [sflag:$0x2] =	stream.indirect_vreg.gather [hbm4b:s9+s3], $0x80, v2, vm0, $0xb8;
	[tilespmem:$0x18100] =	vst v63  }
0x2f9: {  	s22 =	simm.s32 $0xB100  }
0x2fa: {  	[tilespmem:s22], [sflag:$0x2] =	stream.indirect_vreg.gather [hbm4b:s10+s3], $0x80, v2, vm0, $0xb8;
	[tilespmem:$0x18100] =	vst v63  }
0x2fb: {  	s28 =	simm.s32 $0xB900  }
0x2fc: {  	[tilespmem:s28], [sflag:$0x2] =	stream.indirect_vreg.gather [hbm4b:s11+s3], $0x80, v2, vm0, $0xb8;
	[tilespmem:$0x18100] =	vst v63  }
0x2fd: {  	s29 =	simm.s32 $0xC100  }
0x2fe: {  	[tilespmem:s29], [sflag:$0x2] =	stream.indirect_vreg.gather [hbm4b:s12+s3], $0x80, v2, vm0, $0xb8;
	[tilespmem:$0x18100] =	vst v63  }
0x2ff: {  	s30 =	simm.s32 $0xC900  }
0x300: {  	[tilespmem:s30], [sflag:$0x2] =	stream.indirect_vreg.gather [hbm4b:s13+s3], $0x80, v2, vm0, $0xb8;
	[tilespmem:$0x18100] =	vst v63  }
0x301: {  	s31 =	simm.s32 $0xD100  }
0x302: {  	[tilespmem:s31], [sflag:$0x2] =	stream.indirect_vreg.gather [hbm4b:s14+s3], $0x80, v2, vm0, $0xb8;
	[tilespmem:$0x18100] =	vst v63  }
0x303: {  	s22 =	simm.s32 $0xD900  }
0x304: {  	[tilespmem:s22], [sflag:$0x2] =	stream.indirect_vreg.gather [hbm4b:s15+s3], $0x80, v2, vm0, $0xb8;
	[tilespmem:$0x18100] =	vst v63  }
0x305: {  	s28 =	simm.s32 $0xE100  }
0x306: {  	[tilespmem:s28], [sflag:$0x2] =	stream.indirect_vreg.gather [hbm4b:s16+s3], $0x80, v2, vm0, $0xb8;
	[tilespmem:$0x18100] =	vst v63  }
0x307: {  	s29 =	simm.s32 $0xE900  }
0x308: {  	[tilespmem:s29], [sflag:$0x2] =	stream.indirect_vreg.gather [hbm4b:s17+s3], $0x80, v2, vm0, $0xb8;
	[tilespmem:$0x18100] =	vst v63  }
0x309: {  	s30 =	simm.s32 $0xF100  }
0x30a: {  	[tilespmem:s30], [sflag:$0x2] =	stream.indirect_vreg.gather [hbm4b:s18+s3], $0x80, v2, vm0, $0xb8;
	[tilespmem:$0x18100] =	vst v63  }
0x30b: {  	s31 =	simm.s32 $0xF900  }
0x30c: {  	[tilespmem:s31], [sflag:$0x2] =	stream.indirect_vreg.gather [hbm4b:s19+s3], $0x80, v2, vm0, $0xb8;
	[tilespmem:$0x18100] =	vst v63  }
0x30d: {  	_ =	swait.ge [sflag:s25], $0x8000  }
0x30e: {  	[sflag:s25] =	ssyncset.done $0x0  }
0x30f: {  	s29 =	simm.s32 $0x10100;
	s22 =	rddreg [dreg:$0x12];
	[sflag:s25] =	ssyncadd.s32 $0xFFFF8000  }
0x310: {  	[hbm4b:s22+s3] =	stream.linear.scatter [tilespmem:s29], [sflag:$0x6], $0x8000, $0x38;
	[tilespmem:$0x18100] =	vst v63  }
0x311: {  	_ =	swait.ge [sflag:s24], $0x8000  }
0x312: {  	[sflag:s24] =	ssyncset.done $0x0  }
0x313: {  	[sflag:s24] =	ssyncadd.s32 $0xFFFF8000  }
0x314: {  	v2 =	vld.msk [tilespmem:$0x88], $0xff;
	_ =	sdelay $0x4  }
0x315: {  	v3 =	vshll.u32 v2, $0x5  }
0x316: {  	v2 =	vand.u32 $0x7, v2;
	v3 =	vand.u32 $0xFFFFFF00, v3  }
0x317: {  	v2 =	vor.u32 v2, v3  }
0x318: {  	v2 =	vperm.xlane v2, v0;
	_ =	sdelay $0x1  }
0x319: {  	v2 =	vadd.s32 v1, v2;
	_ =	sdelay $0x4  }
0x31a: {  	[tilespmem:s29], [sflag:$0x3] =	stream.indirect_vreg.gather [hbm4b:s26+s3], $0x80, v2, vm0, $0xb8;
	[tilespmem:$0x18100] =	vst v63  }
0x31b: {  	s30 =	simm.s32 $0x10900  }
0x31c: {  	[tilespmem:s30], [sflag:$0x3] =	stream.indirect_vreg.gather [hbm4b:s5+s3], $0x80, v2, vm0, $0xb8;
	[tilespmem:$0x18100] =	vst v63  }
0x31d: {  	s22 =	simm.s32 $0x11100  }
0x31e: {  	[tilespmem:s22], [sflag:$0x3] =	stream.indirect_vreg.gather [hbm4b:s6+s3], $0x80, v2, vm0, $0xb8;
	[tilespmem:$0x18100] =	vst v63  }
0x31f: {  	s29 =	simm.s32 $0x11900  }
0x320: {  	[tilespmem:s29], [sflag:$0x3] =	stream.indirect_vreg.gather [hbm4b:s7+s3], $0x80, v2, vm0, $0xb8;
	[tilespmem:$0x18100] =	vst v63  }
0x321: {  	s31 =	simm.s32 $0x12100  }
0x322: {  	[tilespmem:s31], [sflag:$0x3] =	stream.indirect_vreg.gather [hbm4b:s8+s3], $0x80, v2, vm0, $0xb8;
	[tilespmem:$0x18100] =	vst v63  }
0x323: {  	s30 =	simm.s32 $0x12900  }
0x324: {  	[tilespmem:s30], [sflag:$0x3] =	stream.indirect_vreg.gather [hbm4b:s9+s3], $0x80, v2, vm0, $0xb8;
	[tilespmem:$0x18100] =	vst v63  }
0x325: {  	s28 =	simm.s32 $0x13100  }
0x326: {  	[tilespmem:s28], [sflag:$0x3] =	stream.indirect_vreg.gather [hbm4b:s10+s3], $0x80, v2, vm0, $0xb8;
	[tilespmem:$0x18100] =	vst v63  }
0x327: {  	s31 =	simm.s32 $0x13900  }
0x328: {  	[tilespmem:s31], [sflag:$0x3] =	stream.indirect_vreg.gather [hbm4b:s11+s3], $0x80, v2, vm0, $0xb8;
	[tilespmem:$0x18100] =	vst v63  }
0x329: {  	s28 =	simm.s32 $0x14100  }
0x32a: {  	[tilespmem:s28], [sflag:$0x3] =	stream.indirect_vreg.gather [hbm4b:s12+s3], $0x80, v2, vm0, $0xb8;
	[tilespmem:$0x18100] =	vst v63  }
0x32b: {  	s31 =	simm.s32 $0x14900  }
0x32c: {  	[tilespmem:s31], [sflag:$0x3] =	stream.indirect_vreg.gather [hbm4b:s13+s3], $0x80, v2, vm0, $0xb8;
	[tilespmem:$0x18100] =	vst v63  }
0x32d: {  	s28 =	simm.s32 $0x15100  }
0x32e: {  	[tilespmem:s28], [sflag:$0x3] =	stream.indirect_vreg.gather [hbm4b:s14+s3], $0x80, v2, vm0, $0xb8;
	[tilespmem:$0x18100] =	vst v63  }
0x32f: {  	s31 =	simm.s32 $0x15900  }
0x330: {  	[tilespmem:s31], [sflag:$0x3] =	stream.indirect_vreg.gather [hbm4b:s15+s3], $0x80, v2, vm0, $0xb8;
	[tilespmem:$0x18100] =	vst v63  }
0x331: {  	s28 =	simm.s32 $0x16100  }
0x332: {  	[tilespmem:s28], [sflag:$0x3] =	stream.indirect_vreg.gather [hbm4b:s16+s3], $0x80, v2, vm0, $0xb8;
	[tilespmem:$0x18100] =	vst v63  }
0x333: {  	s31 =	simm.s32 $0x16900  }
0x334: {  	[tilespmem:s31], [sflag:$0x3] =	stream.indirect_vreg.gather [hbm4b:s17+s3], $0x80, v2, vm0, $0xb8;
	[tilespmem:$0x18100] =	vst v63  }
0x335: {  	s28 =	simm.s32 $0x17100  }
0x336: {  	[tilespmem:s28], [sflag:$0x3] =	stream.indirect_vreg.gather [hbm4b:s18+s3], $0x80, v2, vm0, $0xb8;
	[tilespmem:$0x18100] =	vst v63  }
0x337: {  	s31 =	simm.s32 $0x17900  }
0x338: {  	[tilespmem:s31], [sflag:$0x3] =	stream.indirect_vreg.gather [hbm4b:s19+s3], $0x80, v2, vm0, $0xb8;
	[tilespmem:$0x18100] =	vst v63  }
0x339: {  	_ =	swait.ge [sflag:s21], $0x8000  }
0x33a: {  	[sflag:s21] =	ssyncset.done $0x0  }
0x33b: {  	s2 =	simm.s32 $0x100;
	s28 =	rddreg [dreg:$0x13];
	[sflag:s21] =	ssyncadd.s32 $0xFFFF8000  }
0x33c: {  	[hbm4b:s28+s3] =	stream.linear.scatter [tilespmem:s2], [sflag:$0x4], $0x8000, $0x38;
	[tilespmem:$0x18100] =	vst v63  }
0x33d: {  	_ =	swait.ge [sflag:s4], $0x8000  }
0x33e: {  	[sflag:s4] =	ssyncset.done $0x0  }
0x33f: {  	[sflag:s4] =	ssyncadd.s32 $0xFFFF8000  }
0x340: {  	v2 =	vld.msk [tilespmem:$0x90], $0xff;
	_ =	sdelay $0x4  }
0x341: {  	v3 =	vshll.u32 v2, $0x5  }
0x342: {  	v2 =	vand.u32 $0x7, v2;
	v3 =	vand.u32 $0xFFFFFF00, v3  }
0x343: {  	v2 =	vor.u32 v2, v3  }
0x344: {  	v2 =	vperm.xlane v2, v0;
	_ =	sdelay $0x1  }
0x345: {  	v2 =	vadd.s32 v1, v2;
	_ =	sdelay $0x4  }
0x346: {  	[tilespmem:s2], [sflag:$0x1] =	stream.indirect_vreg.gather [hbm4b:s26+s3], $0x80, v2, vm0, $0xb8;
	[tilespmem:$0x18100] =	vst v63  }
0x347: {  	s2 =	simm.s32 $0x900  }
0x348: {  	[tilespmem:s2], [sflag:$0x1] =	stream.indirect_vreg.gather [hbm4b:s5+s3], $0x80, v2, vm0, $0xb8;
	[tilespmem:$0x18100] =	vst v63  }
0x349: {  	s31 =	simm.s32 $0x1100  }
0x34a: {  	[tilespmem:s31], [sflag:$0x1] =	stream.indirect_vreg.gather [hbm4b:s6+s3], $0x80, v2, vm0, $0xb8;
	[tilespmem:$0x18100] =	vst v63  }
0x34b: {  	s28 =	simm.s32 $0x1900  }
0x34c: {  	[tilespmem:s28], [sflag:$0x1] =	stream.indirect_vreg.gather [hbm4b:s7+s3], $0x80, v2, vm0, $0xb8;
	[tilespmem:$0x18100] =	vst v63  }
0x34d: {  	s28 =	simm.s32 $0x2100  }
0x34e: {  	[tilespmem:s28], [sflag:$0x1] =	stream.indirect_vreg.gather [hbm4b:s8+s3], $0x80, v2, vm0, $0xb8;
	[tilespmem:$0x18100] =	vst v63  }
0x34f: {  	_ = 	snop  }
0x350: {  	[tilespmem:s1], [sflag:$0x1] =	stream.indirect_vreg.gather [hbm4b:s9+s3], $0x80, v2, vm0, $0xb8;
	[tilespmem:$0x18100] =	vst v63  }
0x351: {  	_ = 	snop  }
0x352: {  	[tilespmem:s20], [sflag:$0x1] =	stream.indirect_vreg.gather [hbm4b:s10+s3], $0x80, v2, vm0, $0xb8;
	[tilespmem:$0x18100] =	vst v63  }
0x353: {  	s28 =	simm.s32 $0x3900  }
0x354: {  	[tilespmem:s28], [sflag:$0x1] =	stream.indirect_vreg.gather [hbm4b:s11+s3], $0x80, v2, vm0, $0xb8;
	[tilespmem:$0x18100] =	vst v63  }
0x355: {  	s20 =	simm.s32 $0x4100  }
0x356: {  	[tilespmem:s20], [sflag:$0x1] =	stream.indirect_vreg.gather [hbm4b:s12+s3], $0x80, v2, vm0, $0xb8;
	[tilespmem:$0x18100] =	vst v63  }
0x357: {  	s28 =	simm.s32 $0x4900  }
0x358: {  	[tilespmem:s28], [sflag:$0x1] =	stream.indirect_vreg.gather [hbm4b:s13+s3], $0x80, v2, vm0, $0xb8;
	[tilespmem:$0x18100] =	vst v63  }
0x359: {  	s20 =	simm.s32 $0x5100  }
0x35a: {  	[tilespmem:s20], [sflag:$0x1] =	stream.indirect_vreg.gather [hbm4b:s14+s3], $0x80, v2, vm0, $0xb8;
	[tilespmem:$0x18100] =	vst v63  }
0x35b: {  	s28 =	simm.s32 $0x5900  }
0x35c: {  	[tilespmem:s28], [sflag:$0x1] =	stream.indirect_vreg.gather [hbm4b:s15+s3], $0x80, v2, vm0, $0xb8;
	[tilespmem:$0x18100] =	vst v63  }
0x35d: {  	s20 =	simm.s32 $0x6100  }
0x35e: {  	[tilespmem:s20], [sflag:$0x1] =	stream.indirect_vreg.gather [hbm4b:s16+s3], $0x80, v2, vm0, $0xb8;
	[tilespmem:$0x18100] =	vst v63  }
0x35f: {  	s28 =	simm.s32 $0x6900  }
0x360: {  	[tilespmem:s28], [sflag:$0x1] =	stream.indirect_vreg.gather [hbm4b:s17+s3], $0x80, v2, vm0, $0xb8;
	[tilespmem:$0x18100] =	vst v63  }
0x361: {  	s20 =	simm.s32 $0x7100  }
0x362: {  	[tilespmem:s20], [sflag:$0x1] =	stream.indirect_vreg.gather [hbm4b:s18+s3], $0x80, v2, vm0, $0xb8;
	[tilespmem:$0x18100] =	vst v63  }
0x363: {  	s28 =	simm.s32 $0x7900  }
0x364: {  	[tilespmem:s28], [sflag:$0x1] =	stream.indirect_vreg.gather [hbm4b:s19+s3], $0x80, v2, vm0, $0xb8;
	[tilespmem:$0x18100] =	vst v63  }
0x365: {  	_ =	swait.ge [sflag:s23], $0x8000  }
0x366: {  	[sflag:s23] =	ssyncset.done $0x0  }
0x367: {  	s20 =	simm.s32 $0x8100;
	s1 =	rddreg [dreg:$0x14];
	[sflag:s23] =	ssyncadd.s32 $0xFFFF8000  }
0x368: {  	[hbm4b:s1+s3] =	stream.linear.scatter [tilespmem:s20], [sflag:$0x5], $0x8000, $0x38;
	[tilespmem:$0x18100] =	vst v63  }
0x369: {  	_ =	swait.ge [sflag:s0], $0x8000  }
0x36a: {  	[sflag:s0] =	ssyncset.done $0x0  }
0x36b: {  	[sflag:s0] =	ssyncadd.s32 $0xFFFF8000  }
0x36c: {  	v2 =	vld.msk [tilespmem:$0x98], $0xff;
	_ =	sdelay $0x4  }
0x36d: {  	v3 =	vshll.u32 v2, $0x5  }
0x36e: {  	v2 =	vand.u32 $0x7, v2;
	v3 =	vand.u32 $0xFFFFFF00, v3  }
0x36f: {  	v2 =	vor.u32 v2, v3  }
0x370: {  	v2 =	vperm.xlane v2, v0;
	_ =	sdelay $0x1  }
0x371: {  	v2 =	vadd.s32 v1, v2;
	_ =	sdelay $0x4  }
0x372: {  	[tilespmem:s20], [sflag:$0x2] =	stream.indirect_vreg.gather [hbm4b:s26+s3], $0x80, v2, vm0, $0xb8;
	[tilespmem:$0x18100] =	vst v63  }
0x373: {  	s1 =	simm.s32 $0x8900  }
0x374: {  	[tilespmem:s1], [sflag:$0x2] =	stream.indirect_vreg.gather [hbm4b:s5+s3], $0x80, v2, vm0, $0xb8;
	[tilespmem:$0x18100] =	vst v63  }
0x375: {  	s28 =	simm.s32 $0x9100  }
0x376: {  	[tilespmem:s28], [sflag:$0x2] =	stream.indirect_vreg.gather [hbm4b:s6+s3], $0x80, v2, vm0, $0xb8;
	[tilespmem:$0x18100] =	vst v63  }
0x377: {  	s28 =	simm.s32 $0x9900  }
0x378: {  	[tilespmem:s28], [sflag:$0x2] =	stream.indirect_vreg.gather [hbm4b:s7+s3], $0x80, v2, vm0, $0xb8;
	[tilespmem:$0x18100] =	vst v63  }
0x379: {  	s28 =	simm.s32 $0xA100  }
0x37a: {  	[tilespmem:s28], [sflag:$0x2] =	stream.indirect_vreg.gather [hbm4b:s8+s3], $0x80, v2, vm0, $0xb8;
	[tilespmem:$0x18100] =	vst v63  }
0x37b: {  	s28 =	simm.s32 $0xA900  }
0x37c: {  	[tilespmem:s28], [sflag:$0x2] =	stream.indirect_vreg.gather [hbm4b:s9+s3], $0x80, v2, vm0, $0xb8;
	[tilespmem:$0x18100] =	vst v63  }
0x37d: {  	s28 =	simm.s32 $0xB100  }
0x37e: {  	[tilespmem:s28], [sflag:$0x2] =	stream.indirect_vreg.gather [hbm4b:s10+s3], $0x80, v2, vm0, $0xb8;
	[tilespmem:$0x18100] =	vst v63  }
0x37f: {  	s28 =	simm.s32 $0xB900  }
0x380: {  	[tilespmem:s28], [sflag:$0x2] =	stream.indirect_vreg.gather [hbm4b:s11+s3], $0x80, v2, vm0, $0xb8;
	[tilespmem:$0x18100] =	vst v63  }
0x381: {  	s28 =	simm.s32 $0xC100  }
0x382: {  	[tilespmem:s28], [sflag:$0x2] =	stream.indirect_vreg.gather [hbm4b:s12+s3], $0x80, v2, vm0, $0xb8;
	[tilespmem:$0x18100] =	vst v63  }
0x383: {  	s28 =	simm.s32 $0xC900  }
0x384: {  	[tilespmem:s28], [sflag:$0x2] =	stream.indirect_vreg.gather [hbm4b:s13+s3], $0x80, v2, vm0, $0xb8;
	[tilespmem:$0x18100] =	vst v63  }
0x385: {  	s28 =	simm.s32 $0xD100  }
0x386: {  	[tilespmem:s28], [sflag:$0x2] =	stream.indirect_vreg.gather [hbm4b:s14+s3], $0x80, v2, vm0, $0xb8;
	[tilespmem:$0x18100] =	vst v63  }
0x387: {  	s28 =	simm.s32 $0xD900  }
0x388: {  	[tilespmem:s28], [sflag:$0x2] =	stream.indirect_vreg.gather [hbm4b:s15+s3], $0x80, v2, vm0, $0xb8;
	[tilespmem:$0x18100] =	vst v63  }
0x389: {  	s28 =	simm.s32 $0xE100  }
0x38a: {  	[tilespmem:s28], [sflag:$0x2] =	stream.indirect_vreg.gather [hbm4b:s16+s3], $0x80, v2, vm0, $0xb8;
	[tilespmem:$0x18100] =	vst v63  }
0x38b: {  	s28 =	simm.s32 $0xE900  }
0x38c: {  	[tilespmem:s28], [sflag:$0x2] =	stream.indirect_vreg.gather [hbm4b:s17+s3], $0x80, v2, vm0, $0xb8;
	[tilespmem:$0x18100] =	vst v63  }
0x38d: {  	s28 =	simm.s32 $0xF100  }
0x38e: {  	[tilespmem:s28], [sflag:$0x2] =	stream.indirect_vreg.gather [hbm4b:s18+s3], $0x80, v2, vm0, $0xb8;
	[tilespmem:$0x18100] =	vst v63  }
0x38f: {  	s28 =	simm.s32 $0xF900  }
0x390: {  	[tilespmem:s28], [sflag:$0x2] =	stream.indirect_vreg.gather [hbm4b:s19+s3], $0x80, v2, vm0, $0xb8;
	[tilespmem:$0x18100] =	vst v63  }
0x391: {  	_ =	swait.ge [sflag:s25], $0x8000  }
0x392: {  	[sflag:s25] =	ssyncset.done $0x0  }
0x393: {  	s20 =	simm.s32 $0x10100;
	s28 =	rddreg [dreg:$0x15];
	[sflag:s25] =	ssyncadd.s32 $0xFFFF8000  }
0x394: {  	[hbm4b:s28+s3] =	stream.linear.scatter [tilespmem:s20], [sflag:$0x6], $0x8000, $0x38;
	[tilespmem:$0x18100] =	vst v63  }
0x395: {  	_ =	swait.ge [sflag:s24], $0x8000  }
0x396: {  	[sflag:s24] =	ssyncset.done $0x0  }
0x397: {  	[sflag:s24] =	ssyncadd.s32 $0xFFFF8000  }
0x398: {  	v2 =	vld.msk [tilespmem:$0xA0], $0xff;
	_ =	sdelay $0x4  }
0x399: {  	v3 =	vshll.u32 v2, $0x5  }
0x39a: {  	v2 =	vand.u32 $0x7, v2;
	v3 =	vand.u32 $0xFFFFFF00, v3  }
0x39b: {  	v2 =	vor.u32 v2, v3  }
0x39c: {  	v2 =	vperm.xlane v2, v0;
	_ =	sdelay $0x1  }
0x39d: {  	v2 =	vadd.s32 v1, v2;
	_ =	sdelay $0x4  }
0x39e: {  	[tilespmem:s20], [sflag:$0x3] =	stream.indirect_vreg.gather [hbm4b:s26+s3], $0x80, v2, vm0, $0xb8;
	[tilespmem:$0x18100] =	vst v63  }
0x39f: {  	s28 =	simm.s32 $0x10900  }
0x3a0: {  	[tilespmem:s28], [sflag:$0x3] =	stream.indirect_vreg.gather [hbm4b:s5+s3], $0x80, v2, vm0, $0xb8;
	[tilespmem:$0x18100] =	vst v63  }
0x3a1: {  	_ = 	snop  }
0x3a2: {  	[tilespmem:s22], [sflag:$0x3] =	stream.indirect_vreg.gather [hbm4b:s6+s3], $0x80, v2, vm0, $0xb8;
	[tilespmem:$0x18100] =	vst v63  }
0x3a3: {  	_ = 	snop  }
0x3a4: {  	[tilespmem:s29], [sflag:$0x3] =	stream.indirect_vreg.gather [hbm4b:s7+s3], $0x80, v2, vm0, $0xb8;
	[tilespmem:$0x18100] =	vst v63  }
0x3a5: {  	s29 =	simm.s32 $0x12100  }
0x3a6: {  	[tilespmem:s29], [sflag:$0x3] =	stream.indirect_vreg.gather [hbm4b:s8+s3], $0x80, v2, vm0, $0xb8;
	[tilespmem:$0x18100] =	vst v63  }
0x3a7: {  	_ = 	snop  }
0x3a8: {  	[tilespmem:s30], [sflag:$0x3] =	stream.indirect_vreg.gather [hbm4b:s9+s3], $0x80, v2, vm0, $0xb8;
	[tilespmem:$0x18100] =	vst v63  }
0x3a9: {  	s22 =	simm.s32 $0x13100  }
0x3aa: {  	[tilespmem:s22], [sflag:$0x3] =	stream.indirect_vreg.gather [hbm4b:s10+s3], $0x80, v2, vm0, $0xb8;
	[tilespmem:$0x18100] =	vst v63  }
0x3ab: {  	s28 =	simm.s32 $0x13900  }
0x3ac: {  	[tilespmem:s28], [sflag:$0x3] =	stream.indirect_vreg.gather [hbm4b:s11+s3], $0x80, v2, vm0, $0xb8;
	[tilespmem:$0x18100] =	vst v63  }
0x3ad: {  	s29 =	simm.s32 $0x14100  }
0x3ae: {  	[tilespmem:s29], [sflag:$0x3] =	stream.indirect_vreg.gather [hbm4b:s12+s3], $0x80, v2, vm0, $0xb8;
	[tilespmem:$0x18100] =	vst v63  }
0x3af: {  	s30 =	simm.s32 $0x14900  }
0x3b0: {  	[tilespmem:s30], [sflag:$0x3] =	stream.indirect_vreg.gather [hbm4b:s13+s3], $0x80, v2, vm0, $0xb8;
	[tilespmem:$0x18100] =	vst v63  }
0x3b1: {  	s22 =	simm.s32 $0x15100  }
0x3b2: {  	[tilespmem:s22], [sflag:$0x3] =	stream.indirect_vreg.gather [hbm4b:s14+s3], $0x80, v2, vm0, $0xb8;
	[tilespmem:$0x18100] =	vst v63  }
0x3b3: {  	s28 =	simm.s32 $0x15900  }
0x3b4: {  	[tilespmem:s28], [sflag:$0x3] =	stream.indirect_vreg.gather [hbm4b:s15+s3], $0x80, v2, vm0, $0xb8;
	[tilespmem:$0x18100] =	vst v63  }
0x3b5: {  	s29 =	simm.s32 $0x16100  }
0x3b6: {  	[tilespmem:s29], [sflag:$0x3] =	stream.indirect_vreg.gather [hbm4b:s16+s3], $0x80, v2, vm0, $0xb8;
	[tilespmem:$0x18100] =	vst v63  }
0x3b7: {  	s30 =	simm.s32 $0x16900  }
0x3b8: {  	[tilespmem:s30], [sflag:$0x3] =	stream.indirect_vreg.gather [hbm4b:s17+s3], $0x80, v2, vm0, $0xb8;
	[tilespmem:$0x18100] =	vst v63  }
0x3b9: {  	s22 =	simm.s32 $0x17100  }
0x3ba: {  	[tilespmem:s22], [sflag:$0x3] =	stream.indirect_vreg.gather [hbm4b:s18+s3], $0x80, v2, vm0, $0xb8;
	[tilespmem:$0x18100] =	vst v63  }
0x3bb: {  	s28 =	simm.s32 $0x17900  }
0x3bc: {  	[tilespmem:s28], [sflag:$0x3] =	stream.indirect_vreg.gather [hbm4b:s19+s3], $0x80, v2, vm0, $0xb8;
	[tilespmem:$0x18100] =	vst v63  }
0x3bd: {  	_ =	swait.ge [sflag:s21], $0x8000  }
0x3be: {  	[sflag:s21] =	ssyncset.done $0x0  }
0x3bf: {  	s30 =	simm.s32 $0x100;
	s29 =	rddreg [dreg:$0x16];
	[sflag:s21] =	ssyncadd.s32 $0xFFFF8000  }
0x3c0: {  	[hbm4b:s29+s3] =	stream.linear.scatter [tilespmem:s30], [sflag:$0x4], $0x8000, $0x38;
	[tilespmem:$0x18100] =	vst v63  }
0x3c1: {  	_ =	swait.ge [sflag:s4], $0x8000  }
0x3c2: {  	[sflag:s4] =	ssyncset.done $0x0  }
0x3c3: {  	[sflag:s4] =	ssyncadd.s32 $0xFFFF8000  }
0x3c4: {  	v2 =	vld.msk [tilespmem:$0xA8], $0xff;
	_ =	sdelay $0x4  }
0x3c5: {  	v3 =	vshll.u32 v2, $0x5  }
0x3c6: {  	v2 =	vand.u32 $0x7, v2;
	v3 =	vand.u32 $0xFFFFFF00, v3  }
0x3c7: {  	v2 =	vor.u32 v2, v3  }
0x3c8: {  	v2 =	vperm.xlane v2, v0;
	_ =	sdelay $0x1  }
0x3c9: {  	v2 =	vadd.s32 v1, v2;
	_ =	sdelay $0x4  }
0x3ca: {  	[tilespmem:s30], [sflag:$0x1] =	stream.indirect_vreg.gather [hbm4b:s26+s3], $0x80, v2, vm0, $0xb8;
	[tilespmem:$0x18100] =	vst v63  }
0x3cb: {  	_ = 	snop  }
0x3cc: {  	[tilespmem:s2], [sflag:$0x1] =	stream.indirect_vreg.gather [hbm4b:s5+s3], $0x80, v2, vm0, $0xb8;
	[tilespmem:$0x18100] =	vst v63  }
0x3cd: {  	_ = 	snop  }
0x3ce: {  	[tilespmem:s31], [sflag:$0x1] =	stream.indirect_vreg.gather [hbm4b:s6+s3], $0x80, v2, vm0, $0xb8;
	[tilespmem:$0x18100] =	vst v63  }
0x3cf: {  	s31 =	simm.s32 $0x1900  }
0x3d0: {  	[tilespmem:s31], [sflag:$0x1] =	stream.indirect_vreg.gather [hbm4b:s7+s3], $0x80, v2, vm0, $0xb8;
	[tilespmem:$0x18100] =	vst v63  }
0x3d1: {  	s22 =	simm.s32 $0x2100  }
0x3d2: {  	[tilespmem:s22], [sflag:$0x1] =	stream.indirect_vreg.gather [hbm4b:s8+s3], $0x80, v2, vm0, $0xb8;
	[tilespmem:$0x18100] =	vst v63  }
0x3d3: {  	s28 =	simm.s32 $0x2900  }
0x3d4: {  	[tilespmem:s28], [sflag:$0x1] =	stream.indirect_vreg.gather [hbm4b:s9+s3], $0x80, v2, vm0, $0xb8;
	[tilespmem:$0x18100] =	vst v63  }
0x3d5: {  	s29 =	simm.s32 $0x3100  }
0x3d6: {  	[tilespmem:s29], [sflag:$0x1] =	stream.indirect_vreg.gather [hbm4b:s10+s3], $0x80, v2, vm0, $0xb8;
	[tilespmem:$0x18100] =	vst v63  }
0x3d7: {  	s30 =	simm.s32 $0x3900  }
0x3d8: {  	[tilespmem:s30], [sflag:$0x1] =	stream.indirect_vreg.gather [hbm4b:s11+s3], $0x80, v2, vm0, $0xb8;
	[tilespmem:$0x18100] =	vst v63  }
0x3d9: {  	s22 =	simm.s32 $0x4100  }
0x3da: {  	[tilespmem:s22], [sflag:$0x1] =	stream.indirect_vreg.gather [hbm4b:s12+s3], $0x80, v2, vm0, $0xb8;
	[tilespmem:$0x18100] =	vst v63  }
0x3db: {  	s20 =	simm.s32 $0x4900  }
0x3dc: {  	[tilespmem:s20], [sflag:$0x1] =	stream.indirect_vreg.gather [hbm4b:s13+s3], $0x80, v2, vm0, $0xb8;
	[tilespmem:$0x18100] =	vst v63  }
0x3dd: {  	s28 =	simm.s32 $0x5100  }
0x3de: {  	[tilespmem:s28], [sflag:$0x1] =	stream.indirect_vreg.gather [hbm4b:s14+s3], $0x80, v2, vm0, $0xb8;
	[tilespmem:$0x18100] =	vst v63  }
0x3df: {  	s29 =	simm.s32 $0x5900  }
0x3e0: {  	[tilespmem:s29], [sflag:$0x1] =	stream.indirect_vreg.gather [hbm4b:s15+s3], $0x80, v2, vm0, $0xb8;
	[tilespmem:$0x18100] =	vst v63  }
0x3e1: {  	s30 =	simm.s32 $0x6100  }
0x3e2: {  	[tilespmem:s30], [sflag:$0x1] =	stream.indirect_vreg.gather [hbm4b:s16+s3], $0x80, v2, vm0, $0xb8;
	[tilespmem:$0x18100] =	vst v63  }
0x3e3: {  	s20 =	simm.s32 $0x6900  }
0x3e4: {  	[tilespmem:s20], [sflag:$0x1] =	stream.indirect_vreg.gather [hbm4b:s17+s3], $0x80, v2, vm0, $0xb8;
	[tilespmem:$0x18100] =	vst v63  }
0x3e5: {  	s28 =	simm.s32 $0x7100  }
0x3e6: {  	[tilespmem:s28], [sflag:$0x1] =	stream.indirect_vreg.gather [hbm4b:s18+s3], $0x80, v2, vm0, $0xb8;
	[tilespmem:$0x18100] =	vst v63  }
0x3e7: {  	s29 =	simm.s32 $0x7900  }
0x3e8: {  	[tilespmem:s29], [sflag:$0x1] =	stream.indirect_vreg.gather [hbm4b:s19+s3], $0x80, v2, vm0, $0xb8;
	[tilespmem:$0x18100] =	vst v63  }
0x3e9: {  	_ =	swait.ge [sflag:s23], $0x8000  }
0x3ea: {  	[sflag:s23] =	ssyncset.done $0x0  }
0x3eb: {  	s2 =	simm.s32 $0x8100;
	s30 =	rddreg [dreg:$0x17];
	[sflag:s23] =	ssyncadd.s32 $0xFFFF8000  }
0x3ec: {  	[hbm4b:s30+s3] =	stream.linear.scatter [tilespmem:s2], [sflag:$0x5], $0x8000, $0x38;
	[tilespmem:$0x18100] =	vst v63  }
0x3ed: {  	_ =	swait.ge [sflag:s0], $0x8000  }
0x3ee: {  	[sflag:s0] =	ssyncset.done $0x0  }
0x3ef: {  	[sflag:s0] =	ssyncadd.s32 $0xFFFF8000  }
0x3f0: {  	v2 =	vld.msk [tilespmem:$0xB0], $0xff;
	_ =	sdelay $0x4  }
0x3f1: {  	v3 =	vshll.u32 v2, $0x5  }
0x3f2: {  	v2 =	vand.u32 $0x7, v2;
	v3 =	vand.u32 $0xFFFFFF00, v3  }
0x3f3: {  	v2 =	vor.u32 v2, v3  }
0x3f4: {  	v2 =	vperm.xlane v2, v0;
	_ =	sdelay $0x1  }
0x3f5: {  	v2 =	vadd.s32 v1, v2;
	_ =	sdelay $0x4  }
0x3f6: {  	[tilespmem:s2], [sflag:$0x2] =	stream.indirect_vreg.gather [hbm4b:s26+s3], $0x80, v2, vm0, $0xb8;
	[tilespmem:$0x18100] =	vst v63  }
0x3f7: {  	_ = 	snop  }
0x3f8: {  	[tilespmem:s1], [sflag:$0x2] =	stream.indirect_vreg.gather [hbm4b:s5+s3], $0x80, v2, vm0, $0xb8;
	[tilespmem:$0x18100] =	vst v63  }
0x3f9: {  	s20 =	simm.s32 $0x9100  }
0x3fa: {  	[tilespmem:s20], [sflag:$0x2] =	stream.indirect_vreg.gather [hbm4b:s6+s3], $0x80, v2, vm0, $0xb8;
	[tilespmem:$0x18100] =	vst v63  }
0x3fb: {  	s28 =	simm.s32 $0x9900  }
0x3fc: {  	[tilespmem:s28], [sflag:$0x2] =	stream.indirect_vreg.gather [hbm4b:s7+s3], $0x80, v2, vm0, $0xb8;
	[tilespmem:$0x18100] =	vst v63  }
0x3fd: {  	s29 =	simm.s32 $0xA100  }
0x3fe: {  	[tilespmem:s29], [sflag:$0x2] =	stream.indirect_vreg.gather [hbm4b:s8+s3], $0x80, v2, vm0, $0xb8;
	[tilespmem:$0x18100] =	vst v63  }
0x3ff: {  	s30 =	simm.s32 $0xA900  }
0x400: {  	[tilespmem:s30], [sflag:$0x2] =	stream.indirect_vreg.gather [hbm4b:s9+s3], $0x80, v2, vm0, $0xb8;
	[tilespmem:$0x18100] =	vst v63  }
0x401: {  	s2 =	simm.s32 $0xB100  }
0x402: {  	[tilespmem:s2], [sflag:$0x2] =	stream.indirect_vreg.gather [hbm4b:s10+s3], $0x80, v2, vm0, $0xb8;
	[tilespmem:$0x18100] =	vst v63  }
0x403: {  	s20 =	simm.s32 $0xB900  }
0x404: {  	[tilespmem:s20], [sflag:$0x2] =	stream.indirect_vreg.gather [hbm4b:s11+s3], $0x80, v2, vm0, $0xb8;
	[tilespmem:$0x18100] =	vst v63  }
0x405: {  	s28 =	simm.s32 $0xC100  }
0x406: {  	[tilespmem:s28], [sflag:$0x2] =	stream.indirect_vreg.gather [hbm4b:s12+s3], $0x80, v2, vm0, $0xb8;
	[tilespmem:$0x18100] =	vst v63  }
0x407: {  	s29 =	simm.s32 $0xC900  }
0x408: {  	[tilespmem:s29], [sflag:$0x2] =	stream.indirect_vreg.gather [hbm4b:s13+s3], $0x80, v2, vm0, $0xb8;
	[tilespmem:$0x18100] =	vst v63  }
0x409: {  	s30 =	simm.s32 $0xD100  }
0x40a: {  	[tilespmem:s30], [sflag:$0x2] =	stream.indirect_vreg.gather [hbm4b:s14+s3], $0x80, v2, vm0, $0xb8;
	[tilespmem:$0x18100] =	vst v63  }
0x40b: {  	s2 =	simm.s32 $0xD900  }
0x40c: {  	[tilespmem:s2], [sflag:$0x2] =	stream.indirect_vreg.gather [hbm4b:s15+s3], $0x80, v2, vm0, $0xb8;
	[tilespmem:$0x18100] =	vst v63  }
0x40d: {  	s20 =	simm.s32 $0xE100  }
0x40e: {  	[tilespmem:s20], [sflag:$0x2] =	stream.indirect_vreg.gather [hbm4b:s16+s3], $0x80, v2, vm0, $0xb8;
	[tilespmem:$0x18100] =	vst v63  }
0x40f: {  	s28 =	simm.s32 $0xE900  }
0x410: {  	[tilespmem:s28], [sflag:$0x2] =	stream.indirect_vreg.gather [hbm4b:s17+s3], $0x80, v2, vm0, $0xb8;
	[tilespmem:$0x18100] =	vst v63  }
0x411: {  	s29 =	simm.s32 $0xF100  }
0x412: {  	[tilespmem:s29], [sflag:$0x2] =	stream.indirect_vreg.gather [hbm4b:s18+s3], $0x80, v2, vm0, $0xb8;
	[tilespmem:$0x18100] =	vst v63  }
0x413: {  	s30 =	simm.s32 $0xF900  }
0x414: {  	[tilespmem:s30], [sflag:$0x2] =	stream.indirect_vreg.gather [hbm4b:s19+s3], $0x80, v2, vm0, $0xb8;
	[tilespmem:$0x18100] =	vst v63  }
0x415: {  	_ =	swait.ge [sflag:s25], $0x8000  }
0x416: {  	[sflag:s25] =	ssyncset.done $0x0  }
0x417: {  	s20 =	simm.s32 $0x10100;
	s2 =	rddreg [dreg:$0x18];
	[sflag:s25] =	ssyncadd.s32 $0xFFFF8000  }
0x418: {  	[hbm4b:s2+s3] =	stream.linear.scatter [tilespmem:s20], [sflag:$0x6], $0x8000, $0x38;
	[tilespmem:$0x18100] =	vst v63  }
0x419: {  	_ =	swait.ge [sflag:s24], $0x8000  }
0x41a: {  	[sflag:s24] =	ssyncset.done $0x0  }
0x41b: {  	[sflag:s24] =	ssyncadd.s32 $0xFFFF8000  }
0x41c: {  	v2 =	vld.msk [tilespmem:$0xB8], $0xff;
	_ =	sdelay $0x4  }
0x41d: {  	v3 =	vshll.u32 v2, $0x5  }
0x41e: {  	v2 =	vand.u32 $0x7, v2;
	v3 =	vand.u32 $0xFFFFFF00, v3  }
0x41f: {  	v2 =	vor.u32 v2, v3  }
0x420: {  	v2 =	vperm.xlane v2, v0;
	_ =	sdelay $0x1  }
0x421: {  	v2 =	vadd.s32 v1, v2;
	_ =	sdelay $0x4  }
0x422: {  	[tilespmem:s20], [sflag:$0x3] =	stream.indirect_vreg.gather [hbm4b:s26+s3], $0x80, v2, vm0, $0xb8;
	[tilespmem:$0x18100] =	vst v63  }
0x423: {  	s30 =	simm.s32 $0x10900  }
0x424: {  	[tilespmem:s30], [sflag:$0x3] =	stream.indirect_vreg.gather [hbm4b:s5+s3], $0x80, v2, vm0, $0xb8;
	[tilespmem:$0x18100] =	vst v63  }
0x425: {  	s28 =	simm.s32 $0x11100  }
0x426: {  	[tilespmem:s28], [sflag:$0x3] =	stream.indirect_vreg.gather [hbm4b:s6+s3], $0x80, v2, vm0, $0xb8;
	[tilespmem:$0x18100] =	vst v63  }
0x427: {  	s29 =	simm.s32 $0x11900  }
0x428: {  	[tilespmem:s29], [sflag:$0x3] =	stream.indirect_vreg.gather [hbm4b:s7+s3], $0x80, v2, vm0, $0xb8;
	[tilespmem:$0x18100] =	vst v63  }
0x429: {  	s20 =	simm.s32 $0x12100  }
0x42a: {  	[tilespmem:s20], [sflag:$0x3] =	stream.indirect_vreg.gather [hbm4b:s8+s3], $0x80, v2, vm0, $0xb8;
	[tilespmem:$0x18100] =	vst v63  }
0x42b: {  	s28 =	simm.s32 $0x12900  }
0x42c: {  	[tilespmem:s28], [sflag:$0x3] =	stream.indirect_vreg.gather [hbm4b:s9+s3], $0x80, v2, vm0, $0xb8;
	[tilespmem:$0x18100] =	vst v63  }
0x42d: {  	s29 =	simm.s32 $0x13100  }
0x42e: {  	[tilespmem:s29], [sflag:$0x3] =	stream.indirect_vreg.gather [hbm4b:s10+s3], $0x80, v2, vm0, $0xb8;
	[tilespmem:$0x18100] =	vst v63  }
0x42f: {  	s20 =	simm.s32 $0x13900  }
0x430: {  	[tilespmem:s20], [sflag:$0x3] =	stream.indirect_vreg.gather [hbm4b:s11+s3], $0x80, v2, vm0, $0xb8;
	[tilespmem:$0x18100] =	vst v63  }
0x431: {  	s28 =	simm.s32 $0x14100  }
0x432: {  	[tilespmem:s28], [sflag:$0x3] =	stream.indirect_vreg.gather [hbm4b:s12+s3], $0x80, v2, vm0, $0xb8;
	[tilespmem:$0x18100] =	vst v63  }
0x433: {  	s29 =	simm.s32 $0x14900  }
0x434: {  	[tilespmem:s29], [sflag:$0x3] =	stream.indirect_vreg.gather [hbm4b:s13+s3], $0x80, v2, vm0, $0xb8;
	[tilespmem:$0x18100] =	vst v63  }
0x435: {  	s20 =	simm.s32 $0x15100  }
0x436: {  	[tilespmem:s20], [sflag:$0x3] =	stream.indirect_vreg.gather [hbm4b:s14+s3], $0x80, v2, vm0, $0xb8;
	[tilespmem:$0x18100] =	vst v63  }
0x437: {  	s28 =	simm.s32 $0x15900  }
0x438: {  	[tilespmem:s28], [sflag:$0x3] =	stream.indirect_vreg.gather [hbm4b:s15+s3], $0x80, v2, vm0, $0xb8;
	[tilespmem:$0x18100] =	vst v63  }
0x439: {  	s29 =	simm.s32 $0x16100  }
0x43a: {  	[tilespmem:s29], [sflag:$0x3] =	stream.indirect_vreg.gather [hbm4b:s16+s3], $0x80, v2, vm0, $0xb8;
	[tilespmem:$0x18100] =	vst v63  }
0x43b: {  	s20 =	simm.s32 $0x16900  }
0x43c: {  	[tilespmem:s20], [sflag:$0x3] =	stream.indirect_vreg.gather [hbm4b:s17+s3], $0x80, v2, vm0, $0xb8;
	[tilespmem:$0x18100] =	vst v63  }
0x43d: {  	s28 =	simm.s32 $0x17100  }
0x43e: {  	[tilespmem:s28], [sflag:$0x3] =	stream.indirect_vreg.gather [hbm4b:s18+s3], $0x80, v2, vm0, $0xb8;
	[tilespmem:$0x18100] =	vst v63  }
0x43f: {  	s29 =	simm.s32 $0x17900  }
0x440: {  	[tilespmem:s29], [sflag:$0x3] =	stream.indirect_vreg.gather [hbm4b:s19+s3], $0x80, v2, vm0, $0xb8;
	[tilespmem:$0x18100] =	vst v63  }
0x441: {  	_ =	swait.ge [sflag:s21], $0x8000  }
0x442: {  	[sflag:s21] =	ssyncset.done $0x0  }
0x443: {  	s20 =	simm.s32 $0x100;
	s1 =	rddreg [dreg:$0x19];
	[sflag:s21] =	ssyncadd.s32 $0xFFFF8000  }
0x444: {  	[hbm4b:s1+s3] =	stream.linear.scatter [tilespmem:s20], [sflag:$0x4], $0x8000, $0x38;
	[tilespmem:$0x18100] =	vst v63  }
0x445: {  	_ =	swait.ge [sflag:s4], $0x8000  }
0x446: {  	[sflag:s4] =	ssyncset.done $0x0  }
0x447: {  	[sflag:s4] =	ssyncadd.s32 $0xFFFF8000  }
0x448: {  	v2 =	vld.msk [tilespmem:$0xC0], $0xff;
	_ =	sdelay $0x4  }
0x449: {  	v3 =	vshll.u32 v2, $0x5  }
0x44a: {  	v2 =	vand.u32 $0x7, v2;
	v3 =	vand.u32 $0xFFFFFF00, v3  }
0x44b: {  	v2 =	vor.u32 v2, v3  }
0x44c: {  	v2 =	vperm.xlane v2, v0;
	_ =	sdelay $0x1  }
0x44d: {  	v2 =	vadd.s32 v1, v2;
	_ =	sdelay $0x4  }
0x44e: {  	[tilespmem:s20], [sflag:$0x1] =	stream.indirect_vreg.gather [hbm4b:s26+s3], $0x80, v2, vm0, $0xb8;
	[tilespmem:$0x18100] =	vst v63  }
0x44f: {  	s20 =	simm.s32 $0x900  }
0x450: {  	[tilespmem:s20], [sflag:$0x1] =	stream.indirect_vreg.gather [hbm4b:s5+s3], $0x80, v2, vm0, $0xb8;
	[tilespmem:$0x18100] =	vst v63  }
0x451: {  	s29 =	simm.s32 $0x1100  }
0x452: {  	[tilespmem:s29], [sflag:$0x1] =	stream.indirect_vreg.gather [hbm4b:s6+s3], $0x80, v2, vm0, $0xb8;
	[tilespmem:$0x18100] =	vst v63  }
0x453: {  	_ = 	snop  }
0x454: {  	[tilespmem:s31], [sflag:$0x1] =	stream.indirect_vreg.gather [hbm4b:s7+s3], $0x80, v2, vm0, $0xb8;
	[tilespmem:$0x18100] =	vst v63  }
0x455: {  	s28 =	simm.s32 $0x2100  }
0x456: {  	[tilespmem:s28], [sflag:$0x1] =	stream.indirect_vreg.gather [hbm4b:s8+s3], $0x80, v2, vm0, $0xb8;
	[tilespmem:$0x18100] =	vst v63  }
0x457: {  	s1 =	simm.s32 $0x2900  }
0x458: {  	[tilespmem:s1], [sflag:$0x1] =	stream.indirect_vreg.gather [hbm4b:s9+s3], $0x80, v2, vm0, $0xb8;
	[tilespmem:$0x18100] =	vst v63  }
0x459: {  	s31 =	simm.s32 $0x3100  }
0x45a: {  	[tilespmem:s31], [sflag:$0x1] =	stream.indirect_vreg.gather [hbm4b:s10+s3], $0x80, v2, vm0, $0xb8;
	[tilespmem:$0x18100] =	vst v63  }
0x45b: {  	s29 =	simm.s32 $0x3900  }
0x45c: {  	[tilespmem:s29], [sflag:$0x1] =	stream.indirect_vreg.gather [hbm4b:s11+s3], $0x80, v2, vm0, $0xb8;
	[tilespmem:$0x18100] =	vst v63  }
0x45d: {  	_ = 	snop  }
0x45e: {  	[tilespmem:s22], [sflag:$0x1] =	stream.indirect_vreg.gather [hbm4b:s12+s3], $0x80, v2, vm0, $0xb8;
	[tilespmem:$0x18100] =	vst v63  }
0x45f: {  	s29 =	simm.s32 $0x4900  }
0x460: {  	[tilespmem:s29], [sflag:$0x1] =	stream.indirect_vreg.gather [hbm4b:s13+s3], $0x80, v2, vm0, $0xb8;
	[tilespmem:$0x18100] =	vst v63  }
0x461: {  	s28 =	simm.s32 $0x5100  }
0x462: {  	[tilespmem:s28], [sflag:$0x1] =	stream.indirect_vreg.gather [hbm4b:s14+s3], $0x80, v2, vm0, $0xb8;
	[tilespmem:$0x18100] =	vst v63  }
0x463: {  	s29 =	simm.s32 $0x5900  }
0x464: {  	[tilespmem:s29], [sflag:$0x1] =	stream.indirect_vreg.gather [hbm4b:s15+s3], $0x80, v2, vm0, $0xb8;
	[tilespmem:$0x18100] =	vst v63  }
0x465: {  	s29 =	simm.s32 $0x6100  }
0x466: {  	[tilespmem:s29], [sflag:$0x1] =	stream.indirect_vreg.gather [hbm4b:s16+s3], $0x80, v2, vm0, $0xb8;
	[tilespmem:$0x18100] =	vst v63  }
0x467: {  	s28 =	simm.s32 $0x6900  }
0x468: {  	[tilespmem:s28], [sflag:$0x1] =	stream.indirect_vreg.gather [hbm4b:s17+s3], $0x80, v2, vm0, $0xb8;
	[tilespmem:$0x18100] =	vst v63  }
0x469: {  	s28 =	simm.s32 $0x7100  }
0x46a: {  	[tilespmem:s28], [sflag:$0x1] =	stream.indirect_vreg.gather [hbm4b:s18+s3], $0x80, v2, vm0, $0xb8;
	[tilespmem:$0x18100] =	vst v63  }
0x46b: {  	s28 =	simm.s32 $0x7900  }
0x46c: {  	[tilespmem:s28], [sflag:$0x1] =	stream.indirect_vreg.gather [hbm4b:s19+s3], $0x80, v2, vm0, $0xb8;
	[tilespmem:$0x18100] =	vst v63  }
0x46d: {  	_ =	swait.ge [sflag:s23], $0x8000  }
0x46e: {  	[sflag:s23] =	ssyncset.done $0x0  }
0x46f: {  	s22 =	simm.s32 $0x8100;
	s28 =	rddreg [dreg:$0x1a];
	[sflag:s23] =	ssyncadd.s32 $0xFFFF8000  }
0x470: {  	[hbm4b:s28+s3] =	stream.linear.scatter [tilespmem:s22], [sflag:$0x5], $0x8000, $0x38;
	[tilespmem:$0x18100] =	vst v63  }
0x471: {  	_ =	swait.ge [sflag:s0], $0x8000  }
0x472: {  	[sflag:s0] =	ssyncset.done $0x0  }
0x473: {  	[sflag:s0] =	ssyncadd.s32 $0xFFFF8000  }
0x474: {  	v2 =	vld.msk [tilespmem:$0xC8], $0xff;
	_ =	sdelay $0x4  }
0x475: {  	v3 =	vshll.u32 v2, $0x5  }
0x476: {  	v2 =	vand.u32 $0x7, v2;
	v3 =	vand.u32 $0xFFFFFF00, v3  }
0x477: {  	v2 =	vor.u32 v2, v3  }
0x478: {  	v2 =	vperm.xlane v2, v0;
	_ =	sdelay $0x1  }
0x479: {  	v2 =	vadd.s32 v1, v2;
	_ =	sdelay $0x4  }
0x47a: {  	[tilespmem:s22], [sflag:$0x2] =	stream.indirect_vreg.gather [hbm4b:s26+s3], $0x80, v2, vm0, $0xb8;
	[tilespmem:$0x18100] =	vst v63  }
0x47b: {  	s22 =	simm.s32 $0x8900  }
0x47c: {  	[tilespmem:s22], [sflag:$0x2] =	stream.indirect_vreg.gather [hbm4b:s5+s3], $0x80, v2, vm0, $0xb8;
	[tilespmem:$0x18100] =	vst v63  }
0x47d: {  	s28 =	simm.s32 $0x9100  }
0x47e: {  	[tilespmem:s28], [sflag:$0x2] =	stream.indirect_vreg.gather [hbm4b:s6+s3], $0x80, v2, vm0, $0xb8;
	[tilespmem:$0x18100] =	vst v63  }
0x47f: {  	s28 =	simm.s32 $0x9900  }
0x480: {  	[tilespmem:s28], [sflag:$0x2] =	stream.indirect_vreg.gather [hbm4b:s7+s3], $0x80, v2, vm0, $0xb8;
	[tilespmem:$0x18100] =	vst v63  }
0x481: {  	s28 =	simm.s32 $0xA100  }
0x482: {  	[tilespmem:s28], [sflag:$0x2] =	stream.indirect_vreg.gather [hbm4b:s8+s3], $0x80, v2, vm0, $0xb8;
	[tilespmem:$0x18100] =	vst v63  }
0x483: {  	s28 =	simm.s32 $0xA900  }
0x484: {  	[tilespmem:s28], [sflag:$0x2] =	stream.indirect_vreg.gather [hbm4b:s9+s3], $0x80, v2, vm0, $0xb8;
	[tilespmem:$0x18100] =	vst v63  }
0x485: {  	s28 =	simm.s32 $0xB100  }
0x486: {  	[tilespmem:s28], [sflag:$0x2] =	stream.indirect_vreg.gather [hbm4b:s10+s3], $0x80, v2, vm0, $0xb8;
	[tilespmem:$0x18100] =	vst v63  }
0x487: {  	s28 =	simm.s32 $0xB900  }
0x488: {  	[tilespmem:s28], [sflag:$0x2] =	stream.indirect_vreg.gather [hbm4b:s11+s3], $0x80, v2, vm0, $0xb8;
	[tilespmem:$0x18100] =	vst v63  }
0x489: {  	s28 =	simm.s32 $0xC100  }
0x48a: {  	[tilespmem:s28], [sflag:$0x2] =	stream.indirect_vreg.gather [hbm4b:s12+s3], $0x80, v2, vm0, $0xb8;
	[tilespmem:$0x18100] =	vst v63  }
0x48b: {  	s28 =	simm.s32 $0xC900  }
0x48c: {  	[tilespmem:s28], [sflag:$0x2] =	stream.indirect_vreg.gather [hbm4b:s13+s3], $0x80, v2, vm0, $0xb8;
	[tilespmem:$0x18100] =	vst v63  }
0x48d: {  	s28 =	simm.s32 $0xD100  }
0x48e: {  	[tilespmem:s28], [sflag:$0x2] =	stream.indirect_vreg.gather [hbm4b:s14+s3], $0x80, v2, vm0, $0xb8;
	[tilespmem:$0x18100] =	vst v63  }
0x48f: {  	s28 =	simm.s32 $0xD900  }
0x490: {  	[tilespmem:s28], [sflag:$0x2] =	stream.indirect_vreg.gather [hbm4b:s15+s3], $0x80, v2, vm0, $0xb8;
	[tilespmem:$0x18100] =	vst v63  }
0x491: {  	s28 =	simm.s32 $0xE100  }
0x492: {  	[tilespmem:s28], [sflag:$0x2] =	stream.indirect_vreg.gather [hbm4b:s16+s3], $0x80, v2, vm0, $0xb8;
	[tilespmem:$0x18100] =	vst v63  }
0x493: {  	s28 =	simm.s32 $0xE900  }
0x494: {  	[tilespmem:s28], [sflag:$0x2] =	stream.indirect_vreg.gather [hbm4b:s17+s3], $0x80, v2, vm0, $0xb8;
	[tilespmem:$0x18100] =	vst v63  }
0x495: {  	s28 =	simm.s32 $0xF100  }
0x496: {  	[tilespmem:s28], [sflag:$0x2] =	stream.indirect_vreg.gather [hbm4b:s18+s3], $0x80, v2, vm0, $0xb8;
	[tilespmem:$0x18100] =	vst v63  }
0x497: {  	s28 =	simm.s32 $0xF900  }
0x498: {  	[tilespmem:s28], [sflag:$0x2] =	stream.indirect_vreg.gather [hbm4b:s19+s3], $0x80, v2, vm0, $0xb8;
	[tilespmem:$0x18100] =	vst v63  }
0x499: {  	_ =	swait.ge [sflag:s25], $0x8000  }
0x49a: {  	[sflag:s25] =	ssyncset.done $0x0  }
0x49b: {  	s2 =	simm.s32 $0x10100;
	s28 =	rddreg [dreg:$0x1b];
	[sflag:s25] =	ssyncadd.s32 $0xFFFF8000  }
0x49c: {  	[hbm4b:s28+s3] =	stream.linear.scatter [tilespmem:s2], [sflag:$0x6], $0x8000, $0x38;
	[tilespmem:$0x18100] =	vst v63  }
0x49d: {  	_ =	swait.ge [sflag:s24], $0x8000  }
0x49e: {  	[sflag:s24] =	ssyncset.done $0x0  }
0x49f: {  	[sflag:s24] =	ssyncadd.s32 $0xFFFF8000  }
0x4a0: {  	v2 =	vld.msk [tilespmem:$0xD0], $0xff;
	_ =	sdelay $0x4  }
0x4a1: {  	v3 =	vshll.u32 v2, $0x5  }
0x4a2: {  	v2 =	vand.u32 $0x7, v2;
	v3 =	vand.u32 $0xFFFFFF00, v3  }
0x4a3: {  	v2 =	vor.u32 v2, v3  }
0x4a4: {  	v2 =	vperm.xlane v2, v0;
	_ =	sdelay $0x1  }
0x4a5: {  	v2 =	vadd.s32 v1, v2;
	_ =	sdelay $0x4  }
0x4a6: {  	[tilespmem:s2], [sflag:$0x3] =	stream.indirect_vreg.gather [hbm4b:s26+s3], $0x80, v2, vm0, $0xb8;
	[tilespmem:$0x18100] =	vst v63  }
0x4a7: {  	_ = 	snop  }
0x4a8: {  	[tilespmem:s30], [sflag:$0x3] =	stream.indirect_vreg.gather [hbm4b:s5+s3], $0x80, v2, vm0, $0xb8;
	[tilespmem:$0x18100] =	vst v63  }
0x4a9: {  	s28 =	simm.s32 $0x11100  }
0x4aa: {  	[tilespmem:s28], [sflag:$0x3] =	stream.indirect_vreg.gather [hbm4b:s6+s3], $0x80, v2, vm0, $0xb8;
	[tilespmem:$0x18100] =	vst v63  }
0x4ab: {  	s30 =	simm.s32 $0x11900  }
0x4ac: {  	[tilespmem:s30], [sflag:$0x3] =	stream.indirect_vreg.gather [hbm4b:s7+s3], $0x80, v2, vm0, $0xb8;
	[tilespmem:$0x18100] =	vst v63  }
0x4ad: {  	s28 =	simm.s32 $0x12100  }
0x4ae: {  	[tilespmem:s28], [sflag:$0x3] =	stream.indirect_vreg.gather [hbm4b:s8+s3], $0x80, v2, vm0, $0xb8;
	[tilespmem:$0x18100] =	vst v63  }
0x4af: {  	s30 =	simm.s32 $0x12900  }
0x4b0: {  	[tilespmem:s30], [sflag:$0x3] =	stream.indirect_vreg.gather [hbm4b:s9+s3], $0x80, v2, vm0, $0xb8;
	[tilespmem:$0x18100] =	vst v63  }
0x4b1: {  	s28 =	simm.s32 $0x13100  }
0x4b2: {  	[tilespmem:s28], [sflag:$0x3] =	stream.indirect_vreg.gather [hbm4b:s10+s3], $0x80, v2, vm0, $0xb8;
	[tilespmem:$0x18100] =	vst v63  }
0x4b3: {  	s30 =	simm.s32 $0x13900  }
0x4b4: {  	[tilespmem:s30], [sflag:$0x3] =	stream.indirect_vreg.gather [hbm4b:s11+s3], $0x80, v2, vm0, $0xb8;
	[tilespmem:$0x18100] =	vst v63  }
0x4b5: {  	s28 =	simm.s32 $0x14100  }
0x4b6: {  	[tilespmem:s28], [sflag:$0x3] =	stream.indirect_vreg.gather [hbm4b:s12+s3], $0x80, v2, vm0, $0xb8;
	[tilespmem:$0x18100] =	vst v63  }
0x4b7: {  	s30 =	simm.s32 $0x14900  }
0x4b8: {  	[tilespmem:s30], [sflag:$0x3] =	stream.indirect_vreg.gather [hbm4b:s13+s3], $0x80, v2, vm0, $0xb8;
	[tilespmem:$0x18100] =	vst v63  }
0x4b9: {  	s28 =	simm.s32 $0x15100  }
0x4ba: {  	[tilespmem:s28], [sflag:$0x3] =	stream.indirect_vreg.gather [hbm4b:s14+s3], $0x80, v2, vm0, $0xb8;
	[tilespmem:$0x18100] =	vst v63  }
0x4bb: {  	s30 =	simm.s32 $0x15900  }
0x4bc: {  	[tilespmem:s30], [sflag:$0x3] =	stream.indirect_vreg.gather [hbm4b:s15+s3], $0x80, v2, vm0, $0xb8;
	[tilespmem:$0x18100] =	vst v63  }
0x4bd: {  	s28 =	simm.s32 $0x16100  }
0x4be: {  	[tilespmem:s28], [sflag:$0x3] =	stream.indirect_vreg.gather [hbm4b:s16+s3], $0x80, v2, vm0, $0xb8;
	[tilespmem:$0x18100] =	vst v63  }
0x4bf: {  	s30 =	simm.s32 $0x16900  }
0x4c0: {  	[tilespmem:s30], [sflag:$0x3] =	stream.indirect_vreg.gather [hbm4b:s17+s3], $0x80, v2, vm0, $0xb8;
	[tilespmem:$0x18100] =	vst v63  }
0x4c1: {  	s28 =	simm.s32 $0x17100  }
0x4c2: {  	[tilespmem:s28], [sflag:$0x3] =	stream.indirect_vreg.gather [hbm4b:s18+s3], $0x80, v2, vm0, $0xb8;
	[tilespmem:$0x18100] =	vst v63  }
0x4c3: {  	s30 =	simm.s32 $0x17900  }
0x4c4: {  	[tilespmem:s30], [sflag:$0x3] =	stream.indirect_vreg.gather [hbm4b:s19+s3], $0x80, v2, vm0, $0xb8;
	[tilespmem:$0x18100] =	vst v63  }
0x4c5: {  	_ =	swait.ge [sflag:s21], $0x8000  }
0x4c6: {  	[sflag:s21] =	ssyncset.done $0x0  }
0x4c7: {  	s30 =	simm.s32 $0x100;
	s2 =	rddreg [dreg:$0x1c];
	[sflag:s21] =	ssyncadd.s32 $0xFFFF8000  }
0x4c8: {  	[hbm4b:s2+s3] =	stream.linear.scatter [tilespmem:s30], [sflag:$0x4], $0x8000, $0x38;
	[tilespmem:$0x18100] =	vst v63  }
0x4c9: {  	_ =	swait.ge [sflag:s4], $0x8000  }
0x4ca: {  	[sflag:s4] =	ssyncset.done $0x0  }
0x4cb: {  	[sflag:s4] =	ssyncadd.s32 $0xFFFF8000  }
0x4cc: {  	v2 =	vld.msk [tilespmem:$0xD8], $0xff;
	_ =	sdelay $0x4  }
0x4cd: {  	v3 =	vshll.u32 v2, $0x5  }
0x4ce: {  	v2 =	vand.u32 $0x7, v2;
	v3 =	vand.u32 $0xFFFFFF00, v3  }
0x4cf: {  	v2 =	vor.u32 v2, v3  }
0x4d0: {  	v2 =	vperm.xlane v2, v0;
	_ =	sdelay $0x1  }
0x4d1: {  	v2 =	vadd.s32 v1, v2;
	_ =	sdelay $0x4  }
0x4d2: {  	[tilespmem:s30], [sflag:$0x1] =	stream.indirect_vreg.gather [hbm4b:s26+s3], $0x80, v2, vm0, $0xb8;
	[tilespmem:$0x18100] =	vst v63  }
0x4d3: {  	_ = 	snop  }
0x4d4: {  	[tilespmem:s20], [sflag:$0x1] =	stream.indirect_vreg.gather [hbm4b:s5+s3], $0x80, v2, vm0, $0xb8;
	[tilespmem:$0x18100] =	vst v63  }
0x4d5: {  	s28 =	simm.s32 $0x1100  }
0x4d6: {  	[tilespmem:s28], [sflag:$0x1] =	stream.indirect_vreg.gather [hbm4b:s6+s3], $0x80, v2, vm0, $0xb8;
	[tilespmem:$0x18100] =	vst v63  }
0x4d7: {  	s28 =	simm.s32 $0x1900  }
0x4d8: {  	[tilespmem:s28], [sflag:$0x1] =	stream.indirect_vreg.gather [hbm4b:s7+s3], $0x80, v2, vm0, $0xb8;
	[tilespmem:$0x18100] =	vst v63  }
0x4d9: {  	s28 =	simm.s32 $0x2100  }
0x4da: {  	[tilespmem:s28], [sflag:$0x1] =	stream.indirect_vreg.gather [hbm4b:s8+s3], $0x80, v2, vm0, $0xb8;
	[tilespmem:$0x18100] =	vst v63  }
0x4db: {  	_ = 	snop  }
0x4dc: {  	[tilespmem:s1], [sflag:$0x1] =	stream.indirect_vreg.gather [hbm4b:s9+s3], $0x80, v2, vm0, $0xb8;
	[tilespmem:$0x18100] =	vst v63  }
0x4dd: {  	_ = 	snop  }
0x4de: {  	[tilespmem:s31], [sflag:$0x1] =	stream.indirect_vreg.gather [hbm4b:s10+s3], $0x80, v2, vm0, $0xb8;
	[tilespmem:$0x18100] =	vst v63  }
0x4df: {  	s2 =	simm.s32 $0x3900  }
0x4e0: {  	[tilespmem:s2], [sflag:$0x1] =	stream.indirect_vreg.gather [hbm4b:s11+s3], $0x80, v2, vm0, $0xb8;
	[tilespmem:$0x18100] =	vst v63  }
0x4e1: {  	s28 =	simm.s32 $0x4100  }
0x4e2: {  	[tilespmem:s28], [sflag:$0x1] =	stream.indirect_vreg.gather [hbm4b:s12+s3], $0x80, v2, vm0, $0xb8;
	[tilespmem:$0x18100] =	vst v63  }
0x4e3: {  	s31 =	simm.s32 $0x4900  }
0x4e4: {  	[tilespmem:s31], [sflag:$0x1] =	stream.indirect_vreg.gather [hbm4b:s13+s3], $0x80, v2, vm0, $0xb8;
	[tilespmem:$0x18100] =	vst v63  }
0x4e5: {  	s2 =	simm.s32 $0x5100  }
0x4e6: {  	[tilespmem:s2], [sflag:$0x1] =	stream.indirect_vreg.gather [hbm4b:s14+s3], $0x80, v2, vm0, $0xb8;
	[tilespmem:$0x18100] =	vst v63  }
0x4e7: {  	s28 =	simm.s32 $0x5900  }
0x4e8: {  	[tilespmem:s28], [sflag:$0x1] =	stream.indirect_vreg.gather [hbm4b:s15+s3], $0x80, v2, vm0, $0xb8;
	[tilespmem:$0x18100] =	vst v63  }
0x4e9: {  	_ = 	snop  }
0x4ea: {  	[tilespmem:s29], [sflag:$0x1] =	stream.indirect_vreg.gather [hbm4b:s16+s3], $0x80, v2, vm0, $0xb8;
	[tilespmem:$0x18100] =	vst v63  }
0x4eb: {  	s31 =	simm.s32 $0x6900  }
0x4ec: {  	[tilespmem:s31], [sflag:$0x1] =	stream.indirect_vreg.gather [hbm4b:s17+s3], $0x80, v2, vm0, $0xb8;
	[tilespmem:$0x18100] =	vst v63  }
0x4ed: {  	s1 =	simm.s32 $0x7100  }
0x4ee: {  	[tilespmem:s1], [sflag:$0x1] =	stream.indirect_vreg.gather [hbm4b:s18+s3], $0x80, v2, vm0, $0xb8;
	[tilespmem:$0x18100] =	vst v63  }
0x4ef: {  	s2 =	simm.s32 $0x7900  }
0x4f0: {  	[tilespmem:s2], [sflag:$0x1] =	stream.indirect_vreg.gather [hbm4b:s19+s3], $0x80, v2, vm0, $0xb8;
	[tilespmem:$0x18100] =	vst v63  }
0x4f1: {  	_ =	swait.ge [sflag:s23], $0x8000  }
0x4f2: {  	[sflag:s23] =	ssyncset.done $0x0  }
0x4f3: {  	s2 =	simm.s32 $0x8100;
	s1 =	rddreg [dreg:$0x1d];
	[sflag:s23] =	ssyncadd.s32 $0xFFFF8000  }
0x4f4: {  	[hbm4b:s1+s3] =	stream.linear.scatter [tilespmem:s2], [sflag:$0x5], $0x8000, $0x38;
	[tilespmem:$0x18100] =	vst v63  }
0x4f5: {  	_ =	swait.ge [sflag:s0], $0x8000  }
0x4f6: {  	[sflag:s0] =	ssyncset.done $0x0  }
0x4f7: {  	[sflag:s0] =	ssyncadd.s32 $0xFFFF8000  }
0x4f8: {  	v2 =	vld.msk [tilespmem:$0xE0], $0xff;
	_ =	sdelay $0x4  }
0x4f9: {  	v3 =	vshll.u32 v2, $0x5  }
0x4fa: {  	v2 =	vand.u32 $0x7, v2;
	v3 =	vand.u32 $0xFFFFFF00, v3  }
0x4fb: {  	v2 =	vor.u32 v2, v3  }
0x4fc: {  	v2 =	vperm.xlane v2, v0;
	_ =	sdelay $0x1  }
0x4fd: {  	v2 =	vadd.s32 v1, v2;
	_ =	sdelay $0x4  }
0x4fe: {  	[tilespmem:s2], [sflag:$0x2] =	stream.indirect_vreg.gather [hbm4b:s26+s3], $0x80, v2, vm0, $0xb8;
	[tilespmem:$0x18100] =	vst v63  }
0x4ff: {  	_ = 	snop  }
0x500: {  	[tilespmem:s22], [sflag:$0x2] =	stream.indirect_vreg.gather [hbm4b:s5+s3], $0x80, v2, vm0, $0xb8;
	[tilespmem:$0x18100] =	vst v63  }
0x501: {  	s1 =	simm.s32 $0x9100  }
0x502: {  	[tilespmem:s1], [sflag:$0x2] =	stream.indirect_vreg.gather [hbm4b:s6+s3], $0x80, v2, vm0, $0xb8;
	[tilespmem:$0x18100] =	vst v63  }
0x503: {  	s1 =	simm.s32 $0x9900  }
0x504: {  	[tilespmem:s1], [sflag:$0x2] =	stream.indirect_vreg.gather [hbm4b:s7+s3], $0x80, v2, vm0, $0xb8;
	[tilespmem:$0x18100] =	vst v63  }
0x505: {  	s1 =	simm.s32 $0xA100  }
0x506: {  	[tilespmem:s1], [sflag:$0x2] =	stream.indirect_vreg.gather [hbm4b:s8+s3], $0x80, v2, vm0, $0xb8;
	[tilespmem:$0x18100] =	vst v63  }
0x507: {  	s1 =	simm.s32 $0xA900  }
0x508: {  	[tilespmem:s1], [sflag:$0x2] =	stream.indirect_vreg.gather [hbm4b:s9+s3], $0x80, v2, vm0, $0xb8;
	[tilespmem:$0x18100] =	vst v63  }
0x509: {  	s1 =	simm.s32 $0xB100  }
0x50a: {  	[tilespmem:s1], [sflag:$0x2] =	stream.indirect_vreg.gather [hbm4b:s10+s3], $0x80, v2, vm0, $0xb8;
	[tilespmem:$0x18100] =	vst v63  }
0x50b: {  	s1 =	simm.s32 $0xB900  }
0x50c: {  	[tilespmem:s1], [sflag:$0x2] =	stream.indirect_vreg.gather [hbm4b:s11+s3], $0x80, v2, vm0, $0xb8;
	[tilespmem:$0x18100] =	vst v63  }
0x50d: {  	s1 =	simm.s32 $0xC100  }
0x50e: {  	[tilespmem:s1], [sflag:$0x2] =	stream.indirect_vreg.gather [hbm4b:s12+s3], $0x80, v2, vm0, $0xb8;
	[tilespmem:$0x18100] =	vst v63  }
0x50f: {  	s1 =	simm.s32 $0xC900  }
0x510: {  	[tilespmem:s1], [sflag:$0x2] =	stream.indirect_vreg.gather [hbm4b:s13+s3], $0x80, v2, vm0, $0xb8;
	[tilespmem:$0x18100] =	vst v63  }
0x511: {  	s1 =	simm.s32 $0xD100  }
0x512: {  	[tilespmem:s1], [sflag:$0x2] =	stream.indirect_vreg.gather [hbm4b:s14+s3], $0x80, v2, vm0, $0xb8;
	[tilespmem:$0x18100] =	vst v63  }
0x513: {  	s1 =	simm.s32 $0xD900  }
0x514: {  	[tilespmem:s1], [sflag:$0x2] =	stream.indirect_vreg.gather [hbm4b:s15+s3], $0x80, v2, vm0, $0xb8;
	[tilespmem:$0x18100] =	vst v63  }
0x515: {  	s1 =	simm.s32 $0xE100  }
0x516: {  	[tilespmem:s1], [sflag:$0x2] =	stream.indirect_vreg.gather [hbm4b:s16+s3], $0x80, v2, vm0, $0xb8;
	[tilespmem:$0x18100] =	vst v63  }
0x517: {  	s1 =	simm.s32 $0xE900  }
0x518: {  	[tilespmem:s1], [sflag:$0x2] =	stream.indirect_vreg.gather [hbm4b:s17+s3], $0x80, v2, vm0, $0xb8;
	[tilespmem:$0x18100] =	vst v63  }
0x519: {  	s1 =	simm.s32 $0xF100  }
0x51a: {  	[tilespmem:s1], [sflag:$0x2] =	stream.indirect_vreg.gather [hbm4b:s18+s3], $0x80, v2, vm0, $0xb8;
	[tilespmem:$0x18100] =	vst v63  }
0x51b: {  	s1 =	simm.s32 $0xF900  }
0x51c: {  	[tilespmem:s1], [sflag:$0x2] =	stream.indirect_vreg.gather [hbm4b:s19+s3], $0x80, v2, vm0, $0xb8;
	[tilespmem:$0x18100] =	vst v63  }
0x51d: {  	_ =	swait.ge [sflag:s25], $0x8000  }
0x51e: {  	[sflag:s25] =	ssyncset.done $0x0  }
0x51f: {  	s1 =	simm.s32 $0x10100;
	s28 =	rddreg [dreg:$0x1e];
	[sflag:s25] =	ssyncadd.s32 $0xFFFF8000  }
0x520: {  	[hbm4b:s28+s3] =	stream.linear.scatter [tilespmem:s1], [sflag:$0x6], $0x8000, $0x38;
	[tilespmem:$0x18100] =	vst v63  }
0x521: {  	_ =	swait.ge [sflag:s24], $0x8000  }
0x522: {  	[sflag:s24] =	ssyncset.done $0x0  }
0x523: {  	[sflag:s24] =	ssyncadd.s32 $0xFFFF8000  }
0x524: {  	v2 =	vld.msk [tilespmem:$0xE8], $0xff;
	_ =	sdelay $0x4  }
0x525: {  	v3 =	vshll.u32 v2, $0x5  }
0x526: {  	v2 =	vand.u32 $0x7, v2;
	v3 =	vand.u32 $0xFFFFFF00, v3  }
0x527: {  	v2 =	vor.u32 v2, v3  }
0x528: {  	v2 =	vperm.xlane v2, v0;
	_ =	sdelay $0x1  }
0x529: {  	v2 =	vadd.s32 v1, v2;
	_ =	sdelay $0x4  }
0x52a: {  	[tilespmem:s1], [sflag:$0x3] =	stream.indirect_vreg.gather [hbm4b:s26+s3], $0x80, v2, vm0, $0xb8;
	[tilespmem:$0x18100] =	vst v63  }
0x52b: {  	s28 =	simm.s32 $0x10900  }
0x52c: {  	[tilespmem:s28], [sflag:$0x3] =	stream.indirect_vreg.gather [hbm4b:s5+s3], $0x80, v2, vm0, $0xb8;
	[tilespmem:$0x18100] =	vst v63  }
0x52d: {  	s28 =	simm.s32 $0x11100  }
0x52e: {  	[tilespmem:s28], [sflag:$0x3] =	stream.indirect_vreg.gather [hbm4b:s6+s3], $0x80, v2, vm0, $0xb8;
	[tilespmem:$0x18100] =	vst v63  }
0x52f: {  	s28 =	simm.s32 $0x11900  }
0x530: {  	[tilespmem:s28], [sflag:$0x3] =	stream.indirect_vreg.gather [hbm4b:s7+s3], $0x80, v2, vm0, $0xb8;
	[tilespmem:$0x18100] =	vst v63  }
0x531: {  	s28 =	simm.s32 $0x12100  }
0x532: {  	[tilespmem:s28], [sflag:$0x3] =	stream.indirect_vreg.gather [hbm4b:s8+s3], $0x80, v2, vm0, $0xb8;
	[tilespmem:$0x18100] =	vst v63  }
0x533: {  	s28 =	simm.s32 $0x12900  }
0x534: {  	[tilespmem:s28], [sflag:$0x3] =	stream.indirect_vreg.gather [hbm4b:s9+s3], $0x80, v2, vm0, $0xb8;
	[tilespmem:$0x18100] =	vst v63  }
0x535: {  	s28 =	simm.s32 $0x13100  }
0x536: {  	[tilespmem:s28], [sflag:$0x3] =	stream.indirect_vreg.gather [hbm4b:s10+s3], $0x80, v2, vm0, $0xb8;
	[tilespmem:$0x18100] =	vst v63  }
0x537: {  	s28 =	simm.s32 $0x13900  }
0x538: {  	[tilespmem:s28], [sflag:$0x3] =	stream.indirect_vreg.gather [hbm4b:s11+s3], $0x80, v2, vm0, $0xb8;
	[tilespmem:$0x18100] =	vst v63  }
0x539: {  	s28 =	simm.s32 $0x14100  }
0x53a: {  	[tilespmem:s28], [sflag:$0x3] =	stream.indirect_vreg.gather [hbm4b:s12+s3], $0x80, v2, vm0, $0xb8;
	[tilespmem:$0x18100] =	vst v63  }
0x53b: {  	s28 =	simm.s32 $0x14900  }
0x53c: {  	[tilespmem:s28], [sflag:$0x3] =	stream.indirect_vreg.gather [hbm4b:s13+s3], $0x80, v2, vm0, $0xb8;
	[tilespmem:$0x18100] =	vst v63  }
0x53d: {  	s28 =	simm.s32 $0x15100  }
0x53e: {  	[tilespmem:s28], [sflag:$0x3] =	stream.indirect_vreg.gather [hbm4b:s14+s3], $0x80, v2, vm0, $0xb8;
	[tilespmem:$0x18100] =	vst v63  }
0x53f: {  	s28 =	simm.s32 $0x15900  }
0x540: {  	[tilespmem:s28], [sflag:$0x3] =	stream.indirect_vreg.gather [hbm4b:s15+s3], $0x80, v2, vm0, $0xb8;
	[tilespmem:$0x18100] =	vst v63  }
0x541: {  	s28 =	simm.s32 $0x16100  }
0x542: {  	[tilespmem:s28], [sflag:$0x3] =	stream.indirect_vreg.gather [hbm4b:s16+s3], $0x80, v2, vm0, $0xb8;
	[tilespmem:$0x18100] =	vst v63  }
0x543: {  	s28 =	simm.s32 $0x16900  }
0x544: {  	[tilespmem:s28], [sflag:$0x3] =	stream.indirect_vreg.gather [hbm4b:s17+s3], $0x80, v2, vm0, $0xb8;
	[tilespmem:$0x18100] =	vst v63  }
0x545: {  	s28 =	simm.s32 $0x17100  }
0x546: {  	[tilespmem:s28], [sflag:$0x3] =	stream.indirect_vreg.gather [hbm4b:s18+s3], $0x80, v2, vm0, $0xb8;
	[tilespmem:$0x18100] =	vst v63  }
0x547: {  	s28 =	simm.s32 $0x17900  }
0x548: {  	[tilespmem:s28], [sflag:$0x3] =	stream.indirect_vreg.gather [hbm4b:s19+s3], $0x80, v2, vm0, $0xb8;
	[tilespmem:$0x18100] =	vst v63  }
0x549: {  	_ =	swait.ge [sflag:s21], $0x8000  }
0x54a: {  	[sflag:s21] =	ssyncset.done $0x0  }
0x54b: {  	s30 =	simm.s32 $0x100;
	s28 =	rddreg [dreg:$0x1f];
	[sflag:s21] =	ssyncadd.s32 $0xFFFF8000  }
0x54c: {  	[hbm4b:s28+s3] =	stream.linear.scatter [tilespmem:s30], [sflag:$0x4], $0x8000, $0x38;
	[tilespmem:$0x18100] =	vst v63  }
0x54d: {  	_ =	swait.ge [sflag:s4], $0x8000  }
0x54e: {  	[sflag:s4] =	ssyncset.done $0x0  }
0x54f: {  	[sflag:s4] =	ssyncadd.s32 $0xFFFF8000  }
0x550: {  	v2 =	vld.msk [tilespmem:$0xF0], $0xff;
	_ =	sdelay $0x4  }
0x551: {  	v3 =	vshll.u32 v2, $0x5  }
0x552: {  	v2 =	vand.u32 $0x7, v2;
	v3 =	vand.u32 $0xFFFFFF00, v3  }
0x553: {  	v2 =	vor.u32 v2, v3  }
0x554: {  	v2 =	vperm.xlane v2, v0;
	_ =	sdelay $0x1  }
0x555: {  	v2 =	vadd.s32 v1, v2;
	_ =	sdelay $0x4  }
0x556: {  	[tilespmem:s30], [sflag:$0x1] =	stream.indirect_vreg.gather [hbm4b:s26+s3], $0x80, v2, vm0, $0xb8;
	[tilespmem:$0x18100] =	vst v63  }
0x557: {  	s20 =	simm.s32 $0x900  }
0x558: {  	[tilespmem:s20], [sflag:$0x1] =	stream.indirect_vreg.gather [hbm4b:s5+s3], $0x80, v2, vm0, $0xb8;
	[tilespmem:$0x18100] =	vst v63  }
0x559: {  	s28 =	simm.s32 $0x1100  }
0x55a: {  	[tilespmem:s28], [sflag:$0x1] =	stream.indirect_vreg.gather [hbm4b:s6+s3], $0x80, v2, vm0, $0xb8;
	[tilespmem:$0x18100] =	vst v63  }
0x55b: {  	s28 =	simm.s32 $0x1900  }
0x55c: {  	[tilespmem:s28], [sflag:$0x1] =	stream.indirect_vreg.gather [hbm4b:s7+s3], $0x80, v2, vm0, $0xb8;
	[tilespmem:$0x18100] =	vst v63  }
0x55d: {  	s28 =	simm.s32 $0x2100  }
0x55e: {  	[tilespmem:s28], [sflag:$0x1] =	stream.indirect_vreg.gather [hbm4b:s8+s3], $0x80, v2, vm0, $0xb8;
	[tilespmem:$0x18100] =	vst v63  }
0x55f: {  	s28 =	simm.s32 $0x2900  }
0x560: {  	[tilespmem:s28], [sflag:$0x1] =	stream.indirect_vreg.gather [hbm4b:s9+s3], $0x80, v2, vm0, $0xb8;
	[tilespmem:$0x18100] =	vst v63  }
0x561: {  	s28 =	simm.s32 $0x3100  }
0x562: {  	[tilespmem:s28], [sflag:$0x1] =	stream.indirect_vreg.gather [hbm4b:s10+s3], $0x80, v2, vm0, $0xb8;
	[tilespmem:$0x18100] =	vst v63  }
0x563: {  	s28 =	simm.s32 $0x3900  }
0x564: {  	[tilespmem:s28], [sflag:$0x1] =	stream.indirect_vreg.gather [hbm4b:s11+s3], $0x80, v2, vm0, $0xb8;
	[tilespmem:$0x18100] =	vst v63  }
0x565: {  	s28 =	simm.s32 $0x4100  }
0x566: {  	[tilespmem:s28], [sflag:$0x1] =	stream.indirect_vreg.gather [hbm4b:s12+s3], $0x80, v2, vm0, $0xb8;
	[tilespmem:$0x18100] =	vst v63  }
0x567: {  	s28 =	simm.s32 $0x4900  }
0x568: {  	[tilespmem:s28], [sflag:$0x1] =	stream.indirect_vreg.gather [hbm4b:s13+s3], $0x80, v2, vm0, $0xb8;
	[tilespmem:$0x18100] =	vst v63  }
0x569: {  	s28 =	simm.s32 $0x5100  }
0x56a: {  	[tilespmem:s28], [sflag:$0x1] =	stream.indirect_vreg.gather [hbm4b:s14+s3], $0x80, v2, vm0, $0xb8;
	[tilespmem:$0x18100] =	vst v63  }
0x56b: {  	s28 =	simm.s32 $0x5900  }
0x56c: {  	[tilespmem:s28], [sflag:$0x1] =	stream.indirect_vreg.gather [hbm4b:s15+s3], $0x80, v2, vm0, $0xb8;
	[tilespmem:$0x18100] =	vst v63  }
0x56d: {  	s29 =	simm.s32 $0x6100  }
0x56e: {  	[tilespmem:s29], [sflag:$0x1] =	stream.indirect_vreg.gather [hbm4b:s16+s3], $0x80, v2, vm0, $0xb8;
	[tilespmem:$0x18100] =	vst v63  }
0x56f: {  	s29 =	simm.s32 $0x6900  }
0x570: {  	[tilespmem:s29], [sflag:$0x1] =	stream.indirect_vreg.gather [hbm4b:s17+s3], $0x80, v2, vm0, $0xb8;
	[tilespmem:$0x18100] =	vst v63  }
0x571: {  	s31 =	simm.s32 $0x7100  }
0x572: {  	[tilespmem:s31], [sflag:$0x1] =	stream.indirect_vreg.gather [hbm4b:s18+s3], $0x80, v2, vm0, $0xb8;
	[tilespmem:$0x18100] =	vst v63  }
0x573: {  	s31 =	simm.s32 $0x7900  }
0x574: {  	[tilespmem:s31], [sflag:$0x1] =	stream.indirect_vreg.gather [hbm4b:s19+s3], $0x80, v2, vm0, $0xb8;
	[tilespmem:$0x18100] =	vst v63  }
0x575: {  	_ =	swait.ge [sflag:s23], $0x8000  }
0x576: {  	s20 =	sld [smem:$0x7F9]  }
0x577: {  	[sflag:s23] =	ssyncset.done $0x0  }
0x578: {  	s2 =	simm.s32 $0x8100;
	[sflag:s23] =	ssyncadd.s32 $0xFFFF8000  }
0x579: {  	[hbm4b:s20+s3] =	stream.linear.scatter [tilespmem:s2], [sflag:$0x5], $0x8000, $0x38;
	[tilespmem:$0x18100] =	vst v63  }
0x57a: {  	_ =	swait.ge [sflag:s0], $0x8000  }
0x57b: {  	[sflag:s0] =	ssyncset.done $0x0  }
0x57c: {  	[sflag:s0] =	ssyncadd.s32 $0xFFFF8000  }
0x57d: {  	v2 =	vld.msk [tilespmem:$0xF8], $0xff;
	_ =	sdelay $0x4  }
0x57e: {  	v3 =	vshll.u32 v2, $0x5  }
0x57f: {  	v2 =	vand.u32 $0x7, v2;
	v3 =	vand.u32 $0xFFFFFF00, v3  }
0x580: {  	v2 =	vor.u32 v2, v3  }
0x581: {  	v2 =	vperm.xlane v2, v0;
	_ =	sdelay $0x1  }
0x582: {  	v2 =	vadd.s32 v1, v2;
	_ =	sdelay $0x4  }
0x583: {  	[tilespmem:s2], [sflag:$0x2] =	stream.indirect_vreg.gather [hbm4b:s26+s3], $0x80, v2, vm0, $0xb8;
	[tilespmem:$0x18100] =	vst v63  }
0x584: {  	s22 =	simm.s32 $0x8900  }
0x585: {  	[tilespmem:s22], [sflag:$0x2] =	stream.indirect_vreg.gather [hbm4b:s5+s3], $0x80, v2, vm0, $0xb8;
	[tilespmem:$0x18100] =	vst v63  }
0x586: {  	s29 =	simm.s32 $0x9100  }
0x587: {  	[tilespmem:s29], [sflag:$0x2] =	stream.indirect_vreg.gather [hbm4b:s6+s3], $0x80, v2, vm0, $0xb8;
	[tilespmem:$0x18100] =	vst v63  }
0x588: {  	s31 =	simm.s32 $0x9900  }
0x589: {  	[tilespmem:s31], [sflag:$0x2] =	stream.indirect_vreg.gather [hbm4b:s7+s3], $0x80, v2, vm0, $0xb8;
	[tilespmem:$0x18100] =	vst v63  }
0x58a: {  	s26 =	simm.s32 $0xA100  }
0x58b: {  	[tilespmem:s26], [sflag:$0x2] =	stream.indirect_vreg.gather [hbm4b:s8+s3], $0x80, v2, vm0, $0xb8;
	[tilespmem:$0x18100] =	vst v63  }
0x58c: {  	s28 =	simm.s32 $0xA900  }
0x58d: {  	[tilespmem:s28], [sflag:$0x2] =	stream.indirect_vreg.gather [hbm4b:s9+s3], $0x80, v2, vm0, $0xb8;
	[tilespmem:$0x18100] =	vst v63  }
0x58e: {  	s29 =	simm.s32 $0xB100  }
0x58f: {  	[tilespmem:s29], [sflag:$0x2] =	stream.indirect_vreg.gather [hbm4b:s10+s3], $0x80, v2, vm0, $0xb8;
	[tilespmem:$0x18100] =	vst v63  }
0x590: {  	s31 =	simm.s32 $0xB900  }
0x591: {  	[tilespmem:s31], [sflag:$0x2] =	stream.indirect_vreg.gather [hbm4b:s11+s3], $0x80, v2, vm0, $0xb8;
	[tilespmem:$0x18100] =	vst v63  }
0x592: {  	s26 =	simm.s32 $0xC100  }
0x593: {  	[tilespmem:s26], [sflag:$0x2] =	stream.indirect_vreg.gather [hbm4b:s12+s3], $0x80, v2, vm0, $0xb8;
	[tilespmem:$0x18100] =	vst v63  }
0x594: {  	s28 =	simm.s32 $0xC900  }
0x595: {  	[tilespmem:s28], [sflag:$0x2] =	stream.indirect_vreg.gather [hbm4b:s13+s3], $0x80, v2, vm0, $0xb8;
	[tilespmem:$0x18100] =	vst v63  }
0x596: {  	s29 =	simm.s32 $0xD100  }
0x597: {  	[tilespmem:s29], [sflag:$0x2] =	stream.indirect_vreg.gather [hbm4b:s14+s3], $0x80, v2, vm0, $0xb8;
	[tilespmem:$0x18100] =	vst v63  }
0x598: {  	s31 =	simm.s32 $0xD900  }
0x599: {  	[tilespmem:s31], [sflag:$0x2] =	stream.indirect_vreg.gather [hbm4b:s15+s3], $0x80, v2, vm0, $0xb8;
	[tilespmem:$0x18100] =	vst v63  }
0x59a: {  	s26 =	simm.s32 $0xE100  }
0x59b: {  	[tilespmem:s26], [sflag:$0x2] =	stream.indirect_vreg.gather [hbm4b:s16+s3], $0x80, v2, vm0, $0xb8;
	[tilespmem:$0x18100] =	vst v63  }
0x59c: {  	s28 =	simm.s32 $0xE900  }
0x59d: {  	[tilespmem:s28], [sflag:$0x2] =	stream.indirect_vreg.gather [hbm4b:s17+s3], $0x80, v2, vm0, $0xb8;
	[tilespmem:$0x18100] =	vst v63  }
0x59e: {  	s29 =	simm.s32 $0xF100  }
0x59f: {  	[tilespmem:s29], [sflag:$0x2] =	stream.indirect_vreg.gather [hbm4b:s18+s3], $0x80, v2, vm0, $0xb8;
	[tilespmem:$0x18100] =	vst v63  }
0x5a0: {  	s31 =	simm.s32 $0xF900  }
0x5a1: {  	[tilespmem:s31], [sflag:$0x2] =	stream.indirect_vreg.gather [hbm4b:s19+s3], $0x80, v2, vm0, $0xb8;
	[tilespmem:$0x18100] =	vst v63  }
0x5a2: {  	s20 =	sld [smem:$0x7F8];
	_ =	swait.ge [sflag:s25], $0x8000  }
0x5a3: {  	s26 =	sld [smem:$0x7FA]  }
0x5a4: {  	[sflag:s25] =	ssyncset.done $0x0  }
0x5a5: {  	s1 =	simm.s32 $0x10100;
	[sflag:s25] =	ssyncadd.s32 $0xFFFF8000  }
0x5a6: {  	[hbm4b:s26+s3] =	stream.linear.scatter [tilespmem:s1], [sflag:$0x6], $0x8000, $0x38;
	[tilespmem:$0x18100] =	vst v63  }
0x5a7: {  	_ =	swait.ge [sflag:s21], $0x8000  }
0x5a8: {  	s29 =	sld [smem:$0x7FB]  }
0x5a9: {  	[sflag:s21] =	ssyncset.done $0x0  }
0x5aa: {  	[sflag:s21] =	ssyncadd.s32 $0xFFFF8000  }
0x5ab: {  	[hbm4b:s29+s3] =	stream.linear.scatter [tilespmem:s30], [sflag:$0x4], $0x8000, $0x38;
	[tilespmem:$0x18100] =	vst v63  }
0x5ac: {  	_ =	swait.ge [sflag:s23], $0x8000  }
0x5ad: {  	s31 =	sld [smem:$0x7FD]  }
0x5ae: {  	[sflag:s23] =	ssyncset.done $0x0  }
0x5af: {  	[sflag:s23] =	ssyncadd.s32 $0xFFFF8000  }
0x5b0: {  	[hbm4b:s31+s3] =	stream.linear.scatter [tilespmem:s2], [sflag:$0x5], $0x8000, $0x38;
	[tilespmem:$0x18100] =	vst v63  }
0x5b1: {  	_ =	swait.ge [sflag:s4], $0x8000  }
0x5b2: {  	[sflag:s4] =	ssyncset.done $0x0  }
0x5b3: {  	[sflag:s4] =	ssyncadd.s32 $0xFFFF8000  }
0x5b4: {  	p0 =	sne.s32 s20, $0x1;
	_ =	swait.ge [sflag:s0], $0x8000  }
.Ltmp0:
0x5b5: {  	[sflag:s0] =	ssyncset.done $0x0;
	(pc) =	sbr.rel @p0 .LBB2_1-.Ltmp0, $4  }
0x5b6: {  	[sflag:s0] =	ssyncadd.s32 $0xFFFF8000  }
0x5b7: {  	_ =	swait.ge [sflag:s24], $0x8000  }
0x5b8: {  	[sflag:s24] =	ssyncset.done $0x0  }
0x5b9: {  	s20 =	sadd.s32 $0xFFFFFFFF, s20;
	[sflag:s24] =	ssyncadd.s32 $0xFFFF8000  }
0x5ba: {  	_ =	sfence.sel $0x180000  }
0x5bb: {  	[bflag:$0x0] =	sbarrier.arrive $0xFFFF  }
0x5bc: {  	_ =	strace $0x90000047  }
0x5bd: {  	s0 =	stileid.u32;
	[bflag:$0x2] =	sbarrier.arrive $0xFFFF  }
0x5be: {  	p0 =	sne.s32 s0, $0x0;
	s0 =	rddreg [dreg:$0x3]  }
0x5bf: {  	s0 =	sadd.s32 @!p0 $0x100000, s0  }
0x5c0: {  	[sflag:s0] =	ssyncadd.tile.s32 @!p0 $0x1;
	_ =	shalt  }
.Lfunc_end2:
_tile_overlayer_lowered:
.L_overlay_start_2:
0x5c1: {  	(tag) =	ssettag $0x2  }
0x5c2: {  	s0 =	rddreg [dreg:$0x0];
	s2 =	stileid.u32  }
0x5c3: {  	s1 =	rddreg [dreg:$0x1];
	p0 =	sne.s32 s2, $0x0  }
0x5c4: {  	s3 =	rddreg [dreg:$0x2];
	[bflag:$0x3] =	sbarrier.arrive $0xFFFF;
	s2 =	simm.s32 @!p0 $0x1C07  }
0x5c5: {  	[timem:s3], [sflag:s2] =	dma.local @!p0 [hbm:s0], s1  }
0x5c6: {  	s0 =	simm.s32 @!p0 $0x7  }
0x5c7: {  	_ =	swait.ge @!p0 [sflag:s0], s1  }
0x5c8: {  	s1 =	ssub.s32 @!p0 $0x0, s1;
	[sflag:s0] =	ssyncset.done @!p0 $0x0  }
0x5c9: {  	[sflag:s0] =	ssyncadd.s32 @!p0 s1  }
0x5ca: {  	[bflag:$0x3] =	sbarrier.arrive $0xFFFF  }
0x5cb: {  	_ =	shalt  }

</sc_bundles>
